<compile_context>
chip_gen: v7x
topology: tpu7x:2x2x1
jax: 0.10.2.dev20260603
libtpu: 0.0.44.dev20260713+nightly
codegen_flags: <defaults>
</compile_context>

<pallas_src>
import functools

import jax
import jax.numpy as jnp
from jax import lax
from jax.experimental import pallas as pl
from jax.experimental.pallas import tpu as pltpu
from jax.experimental.pallas import tpu_sc as plsc

N = 10000
E = 320000
D = 128
UNI_SRC = 8000
NT = 2000
DA = 144
L = 16
NC = 2
NS = 16
NW = NC * NS
EW = 10112
EW_LAST = E - (NW - 1) * EW
C = 128
CHUNKS_CAP = (EW + C - 1) // C + 1
ACC_ROWS = 2048
DUMMY = ACC_ROWS - 1
RB = 2000


def _prologue_body(x_ref, xn_ref, emb_ref, out_ref):
    xm = jnp.dot(x_ref[...], emb_ref[...], preferred_element_type=jnp.float32)
    out_ref[...] = xm / xn_ref[...]


def _sc_body(xaug_hbm, edge_hbm, out_hbm, cnt_hbm,
             ed_v, cidx1, csrc1, cidx2,
             rows_a, rows_b, rows_c, cnt_v,
             pos_v, gs0, gs1, gs2, ss0, ss1, ss2, acc):
    cid = lax.axis_index("c")
    sid = lax.axis_index("s")
    wid = sid * NC + cid

    zf = jnp.zeros((L,), jnp.float32)

    def _zero_rows(i, _):
        for k in range(D // L):
            rows_a[i, pl.ds(k * L, L)] = zf
        cnt_v[i >> 3, pl.ds((i & 7) * L, L)] = zf
        return 0

    with jax.named_scope("sc_zero"):
        lax.fori_loop(0, ACC_ROWS // L, _zero_rows, 0)
        pltpu.sync_copy(rows_a, acc.at[pl.ds(sid * C, C)])

    ew = jnp.where(wid == NW - 1, EW_LAST, EW)
    with jax.named_scope("sc_stage"):
        @pl.when(wid < NW - 1)
        def _():
            pltpu.sync_copy(edge_hbm.at[:, pl.ds(wid * EW, EW)], ed_v)

        @pl.when(wid == NW - 1)
        def _():
            pltpu.sync_copy(edge_hbm.at[:, pl.ds((NW - 1) * EW, EW_LAST)],
                            ed_v.at[:, pl.ds(0, EW_LAST)])

    zv = jnp.zeros((L,), jnp.int32)
    pos_v[...] = zv

    def _compact(i, _):
        posv = pos_v[...]
        d = ed_v[1, pl.ds(i * L, L)]
        s = ed_v[0, pl.ds(i * L, L)]
        m = d >= UNI_SRC
        idx = d - UNI_SRC
        pos = plsc.cumsum(m.astype(jnp.int32)) - 1 + posv
        plsc.store_scatter(cidx1, [pos], idx, mask=m)
        plsc.store_scatter(csrc1, [pos], s, mask=m)
        pos_v[...] = posv + plsc.all_reduce_population_count(m)
        return 0

    with jax.named_scope("sc_compact"):
        lax.fori_loop(0, ew // L, _compact, 0)
    posv = pos_v[...]
    nkeep = jnp.max(posv)

    lane = lax.broadcasted_iota(jnp.int32, (L,), 0)
    for k in range(C // L):
        ppos = lane + posv + (k * L)
        plsc.store_scatter(cidx1, [ppos], jnp.full((L,), DUMMY, jnp.int32))
        plsc.store_scatter(csrc1, [ppos], zv)

    nchunks = (nkeep + (C - 1)) // C

    def _restage(j, _):
        for k in range(C // L):
            cidx2[j, pl.ds(k * L, L)] = cidx1[pl.ds(j * C + k * L, L)]
        return 0

    with jax.named_scope("sc_restage"):
        lax.fori_loop(0, nchunks, _restage, 0)

    with jax.named_scope("sc_barrier1"):
        plsc.subcore_barrier()

    NB = 3
    bufs = (rows_a, rows_b, rows_c)
    gsems = (gs0, gs1, gs2)
    ssems = (ss0, ss1, ss2)

    def _gidx(j):
        return csrc1.at[pl.ds(pl.multiple_of(j * C, 8), C)]

    def _sidx(j):
        return cidx2.at[j]

    for jj in range(NB - 1):
        @pl.when(jj < nchunks)
        def _():
            pltpu.async_copy(xaug_hbm.at[_gidx(jj)], bufs[jj], gsems[jj])

    def _count8(j):
        for u in range(C // L):
            dv = cidx1[pl.ds(j * C + u * L, L)]
            srt, _unused = plsc.sort_key_val(dv, dv)
            prev = srt.at[(lane + 15) & 15].get(mode="promise_in_bounds")
            nxt = srt.at[(lane + 1) & 15].get(mode="promise_in_bounds")
            runstart = (lane == 0) | (srt != prev)
            firstpos = plsc.cummax(jnp.where(runstart, lane, 0))
            runlast = ((lane == 15) | (srt != nxt)) & (srt != DUMMY)
            runlen = (lane - firstpos + 1).astype(jnp.float32)
            plsc.addupdate_scatter(cnt_v, [srt & 15, srt >> 4], runlen,
                                   mask=runlast)

    def _ring(g, _):
        for b in range(NB):
            buf, sg, ss = bufs[b], gsems[b], ssems[b]
            nb = (b + NB - 1) % NB
            j = g * NB + b

            @pl.when(j < nchunks)
            def _():
                _count8(j)
                pltpu.make_async_copy(xaug_hbm.at[_gidx(j)], buf, sg).wait()

                @pl.when(j + NB - 1 < nchunks)
                def _():
                    @pl.when(j >= 1)
                    def _():
                        pltpu.make_async_copy(
                            bufs[nb], acc.at[_sidx(0)], ssems[nb]).wait()
                    pltpu.async_copy(
                        xaug_hbm.at[_gidx(j + NB - 1)], bufs[nb], gsems[nb])

                pltpu.async_copy(buf, acc.at[_sidx(j)], ss, add=True)
        return 0

    with jax.named_scope("sc_chunks"):
        lax.fori_loop(0, (nchunks + NB - 1) // NB, _ring, 0)

    for b in range(NB):
        cond = jnp.bool_(False)
        for k in range(1, NB + 1):
            cond = cond | ((nchunks >= k) & ((nchunks - k) % NB == b))

        @pl.when(cond)
        def _():
            pltpu.make_async_copy(bufs[b], acc.at[_sidx(0)], ssems[b]).wait()

    with jax.named_scope("sc_barrier2"):
        plsc.subcore_barrier()

    with jax.named_scope("sc_copyout"):
        pltpu.sync_copy(cnt_v, cnt_hbm.at[wid])

        @pl.when(sid == 0)
        def _():
            pltpu.sync_copy(acc, out_hbm.at[cid])


def _epilogue_body(p_ref, c_ref, w_ref, out_ref):
    sums = p_ref[0, :NT, :] + p_ref[1, :NT, :]
    colsum = jnp.sum(c_ref[...], axis=0)
    inv = 1.0 / jnp.maximum(colsum, 1.0)
    n_row = lax.broadcasted_iota(jnp.int32, (NT, L), 0)
    r_col = lax.broadcasted_iota(jnp.int32, (NT, L), 1)
    sel = jnp.where((n_row & 15) == r_col, 1.0, 0.0).astype(jnp.float32)
    px = jnp.dot(sel, inv, preferred_element_type=jnp.float32,
                 precision=lax.Precision.HIGHEST)
    n_row2 = lax.broadcasted_iota(jnp.int32, (NT, D), 0)
    c_col = lax.broadcasted_iota(jnp.int32, (NT, D), 1)
    q = jnp.where((n_row2 >> 4) == c_col, 1.0, 0.0).astype(jnp.float32)
    inv_col = jnp.sum(px * q, axis=1, keepdims=True)
    aggr = sums * inv_col
    out_ref[...] = jnp.dot(aggr, w_ref[...], preferred_element_type=jnp.float32)


def kernel(source_feat, edge_index, range_list, x_norm, embed, weight):
    del range_list

    x = pl.pallas_call(
        _prologue_body,
        grid=(N // RB,),
        in_specs=[
            pl.BlockSpec((RB, D), lambda i: (i, 0)),
            pl.BlockSpec((RB, 1), lambda i: (i, 0)),
            pl.BlockSpec((D, D), lambda i: (0, 0)),
        ],
        out_specs=pl.BlockSpec((RB, D), lambda i: (i, 0)),
        out_shape=jax.ShapeDtypeStruct((N, D), jnp.float32),
    )(source_feat, x_norm.reshape(N, 1), embed)

    mesh = plsc.VectorSubcoreMesh(core_axis_name="c", subcore_axis_name="s")

    partials, counts = pl.kernel(
        _sc_body,
        out_type=(
            jax.ShapeDtypeStruct((NC, ACC_ROWS, D), jnp.float32),
            jax.ShapeDtypeStruct((NW, ACC_ROWS // C, C), jnp.float32),
        ),
        mesh=mesh,
        scratch_types=[
            pltpu.VMEM((2, EW), jnp.int32),
            pltpu.VMEM((CHUNKS_CAP * C + C,), jnp.int32),
            pltpu.VMEM((CHUNKS_CAP * C + C,), jnp.int32),
            pltpu.VMEM((CHUNKS_CAP, C), jnp.int32),
            pltpu.VMEM((C, D), jnp.float32),
            pltpu.VMEM((C, D), jnp.float32),
            pltpu.VMEM((C, D), jnp.float32),
            pltpu.VMEM((ACC_ROWS // C, C), jnp.float32),
            pltpu.VMEM((L,), jnp.int32),
            pltpu.SemaphoreType.DMA,
            pltpu.SemaphoreType.DMA,
            pltpu.SemaphoreType.DMA,
            pltpu.SemaphoreType.DMA,
            pltpu.SemaphoreType.DMA,
            pltpu.SemaphoreType.DMA,
            pltpu.VMEM_SHARED((ACC_ROWS, D), jnp.float32),
        ],
        compiler_params=pltpu.CompilerParams(needs_layout_passes=False),
    )(x, edge_index)

    out = pl.pallas_call(
        _epilogue_body,
        out_shape=jax.ShapeDtypeStruct((NT, D), jnp.float32),
    )(partials, counts, weight)
    return out

# --- scband reference (transcript-rebuilt; emitter-appended) ---
"""Pipeline reference for scband-hier-encoder-47751446397032 (READ-ONLY COPY).

The authoritative reference and input builder live on the scoring server;
editing this copy changes nothing except your own understanding.
"""

import jax, jax.numpy as jnp
import numpy as np

N = 10000
UNI_SRC = 8000
UNI_TGT = 2000
E = 320000
D = 128


def setup_inputs(seed: int = 0) -> dict:
    key = jax.random.key(seed)
    ks = jax.random.split(key, 6)
    source_feat = jax.random.normal(ks[0], (N, D), dtype=jnp.float32)
    edge_index = jax.random.randint(ks[1], (2, E), 0, N, dtype=jnp.int32)
    range_list = jax.random.randint(ks[2], (UNI_TGT, 2), 0, N, dtype=jnp.int32)
    x_norm = jnp.ones((N,), dtype=jnp.float32)
    # learned params: embed ~ N(0,1) per reset_parameters; hgcn weight ~ N(0, 1/sqrt(in_dim)) (is_after_relu=True)
    embed = jax.random.normal(ks[4], (D, D), dtype=jnp.float32)
    weight = jax.random.normal(ks[5], (D, D), dtype=jnp.float32) * (1.0 / np.sqrt(D))
    return {
        "source_feat": source_feat,
        "edge_index": edge_index,
        "range_list": range_list,
        "x_norm": x_norm,
        "embed": embed,
        "weight": weight,
    }


def reference(source_feat, edge_index, range_list, x_norm, embed, weight):
    # x = source_feat @ embed ; normalize per-node
    x = jnp.matmul(source_feat, embed)
    x = x / x_norm.reshape(-1, 1)
    # MessagePassing with aggr='mean', flow source_to_target:
    # gather messages from src = edge_index[0], scatter-mean to dst = edge_index[1]
    src = edge_index[0]
    dst = edge_index[1]
    msgs = jnp.take(x, src, axis=0)
    summed = jax.ops.segment_sum(msgs, dst, num_segments=N)
    counts = jax.ops.segment_sum(jnp.ones((E,), dtype=jnp.float32), dst, num_segments=N)
    aggr_out = summed / jnp.maximum(counts, 1.0).reshape(-1, 1)
    # update(): take target-node slice and project (range_list is unused by the module)
    out = jnp.matmul(aggr_out[UNI_SRC:, :], weight)
    return out

if __name__ == "__main__":
    import jax
    _d = setup_inputs()
    print(jax.jit(kernel)(*tuple(_d.values())))

</pallas_src>

<mosaic_0001>
#map = affine_map<(d0, d1) -> (0, 0)>
#map1 = affine_map<(d0, d1) -> (0, 0, 0)>
module attributes {stable_mosaic.version = 14 : i64} {
  func.func @_sc_body(%arg0: i32, %arg1: i32, %arg2: memref<10000x128xf32, #tpu.memory_space<hbm>>, %arg3: memref<2x320000xi32, #tpu.memory_space<hbm>>, %arg4: memref<2x2048x128xf32, #tpu.memory_space<hbm>>, %arg5: memref<32x16x128xf32, #tpu.memory_space<hbm>>, %arg6: memref<2x10112xi32, #tpu.memory_space<vmem>>, %arg7: memref<10368xi32, #tpu.memory_space<vmem>>, %arg8: memref<10368xi32, #tpu.memory_space<vmem>>, %arg9: memref<80x128xi32, #tpu.memory_space<vmem>>, %arg10: memref<128x128xf32, #tpu.memory_space<vmem>>, %arg11: memref<128x128xf32, #tpu.memory_space<vmem>>, %arg12: memref<128x128xf32, #tpu.memory_space<vmem>>, %arg13: memref<16x128xf32, #tpu.memory_space<vmem>>, %arg14: memref<16xi32, #tpu.memory_space<vmem>>, %arg15: memref<!tpu.dma_semaphore, #tpu.memory_space<semaphore_mem>>, %arg16: memref<!tpu.dma_semaphore, #tpu.memory_space<semaphore_mem>>, %arg17: memref<!tpu.dma_semaphore, #tpu.memory_space<semaphore_mem>>, %arg18: memref<!tpu.dma_semaphore, #tpu.memory_space<semaphore_mem>>, %arg19: memref<!tpu.dma_semaphore, #tpu.memory_space<semaphore_mem>>, %arg20: memref<!tpu.dma_semaphore, #tpu.memory_space<semaphore_mem>>, %arg21: memref<2048x128xf32, #tpu.memory_space<vmem_shared>>) attributes {dimension_semantics = [#tpu.dimension_semantics<core_parallel>, #tpu.dimension_semantics<subcore_parallel>], iteration_bounds = array<i64: 2, 16>, scalar_prefetch = 0 : i64, scratch_operands = 16 : i64, tpu.core_type = #tpu.core_type<sc_vector_subcore>, window_params = [{transform_indices = #map}, {transform_indices = #map}, {transform_indices = #map1}, {transform_indices = #map1}]} {
    %mul3A = arith.constant 2 : i32
    %mul3A_0 = arith.muli %arg1, %mul3A : i32
    %add3A = arith.addi %mul3A_0, %arg0 : i32
    %broadcast_in_dim3A = arith.constant 0.000000e+00 : f32
    %broadcast_in_dim3A_1 = vector.broadcast %broadcast_in_dim3A : f32 to vector<16xf32>
    "tpu.trace_start"() <{level = 10 : i32, message = "sc_zero"}> : () -> ()
    %scan3A = arith.constant 0 : i32
    %scan3A_2 = arith.constant 0 : i32
    %scan3A_3 = arith.constant 128 : i32
    %scan3A_4 = arith.addi %scan3A_2, %scan3A_3 : i32
    %scan3A_5 = arith.constant 1 : i32
    %scan3A_6 = scf.for %scan3A_426 = %scan3A_2 to %scan3A_4 step %scan3A_5 iter_args(%scan3A_427 = %scan3A) -> (i32)  : i32 {
      %swap3A_428 = arith.index_cast %scan3A_426 : i32 to index
      %swap3A_429 = arith.constant 0 : index
      %swap3A_430 = tpu.vector_load %arg10[%swap3A_428, %swap3A_429] {strides = array<i32>} : memref<128x128xf32, #tpu.memory_space<vmem>>, vector<16xf32>,
      tpu.vector_store %arg10[%swap3A_428, %swap3A_429], %broadcast_in_dim3A_1 {strides = array<i32>} : memref<128x128xf32, #tpu.memory_space<vmem>>, vector<16xf32>,
      %swap3A_431 = arith.index_cast %scan3A_426 : i32 to index
      %swap3A_432 = arith.constant 16 : index
      %swap3A_433 = tpu.vector_load %arg10[%swap3A_431, %swap3A_432] {strides = array<i32>} : memref<128x128xf32, #tpu.memory_space<vmem>>, vector<16xf32>,
      tpu.vector_store %arg10[%swap3A_431, %swap3A_432], %broadcast_in_dim3A_1 {strides = array<i32>} : memref<128x128xf32, #tpu.memory_space<vmem>>, vector<16xf32>,
      %swap3A_434 = arith.index_cast %scan3A_426 : i32 to index
      %swap3A_435 = arith.constant 32 : index
      %swap3A_436 = tpu.vector_load %arg10[%swap3A_434, %swap3A_435] {strides = array<i32>} : memref<128x128xf32, #tpu.memory_space<vmem>>, vector<16xf32>,
      tpu.vector_store %arg10[%swap3A_434, %swap3A_435], %broadcast_in_dim3A_1 {strides = array<i32>} : memref<128x128xf32, #tpu.memory_space<vmem>>, vector<16xf32>,
      %swap3A_437 = arith.index_cast %scan3A_426 : i32 to index
      %swap3A_438 = arith.constant 48 : index
      %swap3A_439 = tpu.vector_load %arg10[%swap3A_437, %swap3A_438] {strides = array<i32>} : memref<128x128xf32, #tpu.memory_space<vmem>>, vector<16xf32>,
      tpu.vector_store %arg10[%swap3A_437, %swap3A_438], %broadcast_in_dim3A_1 {strides = array<i32>} : memref<128x128xf32, #tpu.memory_space<vmem>>, vector<16xf32>,
      %swap3A_440 = arith.index_cast %scan3A_426 : i32 to index
      %swap3A_441 = arith.constant 64 : index
      %swap3A_442 = tpu.vector_load %arg10[%swap3A_440, %swap3A_441] {strides = array<i32>} : memref<128x128xf32, #tpu.memory_space<vmem>>, vector<16xf32>,
      tpu.vector_store %arg10[%swap3A_440, %swap3A_441], %broadcast_in_dim3A_1 {strides = array<i32>} : memref<128x128xf32, #tpu.memory_space<vmem>>, vector<16xf32>,
      %swap3A_443 = arith.index_cast %scan3A_426 : i32 to index
      %swap3A_444 = arith.constant 80 : index
      %swap3A_445 = tpu.vector_load %arg10[%swap3A_443, %swap3A_444] {strides = array<i32>} : memref<128x128xf32, #tpu.memory_space<vmem>>, vector<16xf32>,
      tpu.vector_store %arg10[%swap3A_443, %swap3A_444], %broadcast_in_dim3A_1 {strides = array<i32>} : memref<128x128xf32, #tpu.memory_space<vmem>>, vector<16xf32>,
      %swap3A_446 = arith.index_cast %scan3A_426 : i32 to index
      %swap3A_447 = arith.constant 96 : index
      %swap3A_448 = tpu.vector_load %arg10[%swap3A_446, %swap3A_447] {strides = array<i32>} : memref<128x128xf32, #tpu.memory_space<vmem>>, vector<16xf32>,
      tpu.vector_store %arg10[%swap3A_446, %swap3A_447], %broadcast_in_dim3A_1 {strides = array<i32>} : memref<128x128xf32, #tpu.memory_space<vmem>>, vector<16xf32>,
      %swap3A_449 = arith.index_cast %scan3A_426 : i32 to index
      %swap3A_450 = arith.constant 112 : index
      %swap3A_451 = tpu.vector_load %arg10[%swap3A_449, %swap3A_450] {strides = array<i32>} : memref<128x128xf32, #tpu.memory_space<vmem>>, vector<16xf32>,
      tpu.vector_store %arg10[%swap3A_449, %swap3A_450], %broadcast_in_dim3A_1 {strides = array<i32>} : memref<128x128xf32, #tpu.memory_space<vmem>>, vector<16xf32>,
      %shift_right_arithmetic3A = arith.constant 3 : i32
      %shift_right_arithmetic3A_452 = arith.shrsi %scan3A_426, %shift_right_arithmetic3A : i32
      %and3A_453 = arith.constant 7 : i32
      %and3A_454 = arith.andi %scan3A_426, %and3A_453 : i32
      %mul3A_455 = arith.constant 16 : i32
      %mul3A_456 = arith.muli %and3A_454, %mul3A_455 : i32
      %swap3A_457 = arith.index_cast %shift_right_arithmetic3A_452 : i32 to index
      %swap3A_458 = arith.index_cast %mul3A_456 : i32 to index
      %swap3A_459 = tpu.vector_load %arg13[%swap3A_457, %swap3A_458] {strides = array<i32>} : memref<16x128xf32, #tpu.memory_space<vmem>>, vector<16xf32>,
      tpu.vector_store %arg13[%swap3A_457, %swap3A_458], %broadcast_in_dim3A_1 {strides = array<i32>} : memref<16x128xf32, #tpu.memory_space<vmem>>, vector<16xf32>,
      %scan3A_460 = arith.constant 0 : i32
      scf.yield %scan3A_460 : i32
    }
    %scan3A_7 = arith.constant 128 : i32
    %mul3A_8 = arith.constant 128 : i32
    %mul3A_9 = arith.muli %arg1, %mul3A_8 : i32
    "tpu.region"() ({
      %run_scoped3A = tpu.sem_alloc : memref<!tpu.dma_semaphore, #tpu.memory_space<semaphore_mem>>
      %dma_start3A = arith.constant 0 : i32
      %dma_start3A_426 = tpu.memref_slice %arg21[%mul3A_9, %dma_start3A] : memref<2048x128xf32, #tpu.memory_space<vmem_shared>> -> memref<128x128xf32, #tpu.memory_space<vmem_shared>>
      %dma_start3A_427 = arith.constant 0 : i32
      %dma_start3A_428 = tpu.memref_slice %arg21[%mul3A_9, %dma_start3A_427] : memref<2048x128xf32, #tpu.memory_space<vmem_shared>> -> memref<128x128xf32, #tpu.memory_space<vmem_shared>>
      tpu.enqueue_dma source(%arg10 : memref<128x128xf32, #tpu.memory_space<vmem>>) target(%dma_start3A_428 : memref<128x128xf32, #tpu.memory_space<vmem_shared>>) target_semaphore(%run_scoped3A : memref<!tpu.dma_semaphore, #tpu.memory_space<semaphore_mem>>)
      %dma_wait3A = arith.constant 0 : i32
      %dma_wait3A_429 = tpu.memref_slice %arg21[%mul3A_9, %dma_wait3A] : memref<2048x128xf32, #tpu.memory_space<vmem_shared>> -> memref<128x128xf32, #tpu.memory_space<vmem_shared>>
      %dma_wait3A_430 = arith.constant 0 : i32
      %dma_wait3A_431 = tpu.memref_slice %arg21[%mul3A_9, %dma_wait3A_430] : memref<2048x128xf32, #tpu.memory_space<vmem_shared>> -> memref<128x128xf32, #tpu.memory_space<vmem_shared>>
      tpu.wait_dma2 semaphore(%run_scoped3A : memref<!tpu.dma_semaphore, #tpu.memory_space<semaphore_mem>>) src(%arg10 : memref<128x128xf32, #tpu.memory_space<vmem>>) dst(%dma_wait3A_431 : memref<128x128xf32, #tpu.memory_space<vmem_shared>>)
      tpu.yield
    }) : () -> ()
    %eq3A = arith.constant 31 : i32
    "tpu.trace_stop"() : () -> ()
    %eq3A_10 = arith.cmpi eq, %add3A, %eq3A : i32
    %jit3A = arith.constant 6528 : i32
    %jit3A_11 = arith.constant 10112 : i32
    %select_n3A = arith.select %eq3A_10, %jit3A, %jit3A_11 : i32
    %lt3A = arith.constant 31 : i32
    "tpu.trace_start"() <{level = 10 : i32, message = "sc_stage"}> : () -> ()
    %lt3A_12 = arith.cmpi slt, %add3A, %lt3A : i32
    %convert_element_type3A = arith.extui %lt3A_12 : i1 to i32
    %cond3A = arith.constant 0 : i32
    %cond3A_13 = arith.cmpi ne, %convert_element_type3A, %cond3A : i32
    scf.if %cond3A_13 {
      %mul3A_426 = arith.constant 10112 : i32
      %mul3A_427 = arith.muli %add3A, %mul3A_426 : i32
      "tpu.region"() ({
        %run_scoped3A = tpu.sem_alloc : memref<!tpu.dma_semaphore, #tpu.memory_space<semaphore_mem>>
        %dma_start3A = arith.constant 0 : i32
        %dma_start3A_428 = tpu.memref_slice %arg3[%dma_start3A, %mul3A_427] : memref<2x320000xi32, #tpu.memory_space<hbm>> -> memref<2x10112xi32, #tpu.memory_space<hbm>>
        %dma_start3A_429 = arith.constant 0 : i32
        %dma_start3A_430 = tpu.memref_slice %arg3[%dma_start3A_429, %mul3A_427] : memref<2x320000xi32, #tpu.memory_space<hbm>> -> memref<2x10112xi32, #tpu.memory_space<hbm>>
        tpu.enqueue_dma source(%dma_start3A_430 : memref<2x10112xi32, #tpu.memory_space<hbm>>) target(%arg6 : memref<2x10112xi32, #tpu.memory_space<vmem>>) target_semaphore(%run_scoped3A : memref<!tpu.dma_semaphore, #tpu.memory_space<semaphore_mem>>)
        %dma_wait3A = arith.constant 0 : i32
        %dma_wait3A_431 = tpu.memref_slice %arg3[%dma_wait3A, %mul3A_427] : memref<2x320000xi32, #tpu.memory_space<hbm>> -> memref<2x10112xi32, #tpu.memory_space<hbm>>
        %dma_wait3A_432 = arith.constant 0 : i32
        %dma_wait3A_433 = tpu.memref_slice %arg3[%dma_wait3A_432, %mul3A_427] : memref<2x320000xi32, #tpu.memory_space<hbm>> -> memref<2x10112xi32, #tpu.memory_space<hbm>>
        tpu.wait_dma2 semaphore(%run_scoped3A : memref<!tpu.dma_semaphore, #tpu.memory_space<semaphore_mem>>) src(%dma_wait3A_433 : memref<2x10112xi32, #tpu.memory_space<hbm>>) dst(%arg6 : memref<2x10112xi32, #tpu.memory_space<vmem>>)
        tpu.yield
      }) : () -> ()
    } else {
    }
    %eq3A_14 = arith.constant 31 : i32
    %eq3A_15 = arith.cmpi eq, %add3A, %eq3A_14 : i32
    %convert_element_type3A_16 = arith.extui %eq3A_15 : i1 to i32
    %cond3A_17 = arith.constant 0 : i32
    %cond3A_18 = arith.cmpi ne, %convert_element_type3A_16, %cond3A_17 : i32
    scf.if %cond3A_18 {
      "tpu.region"() ({
        %run_scoped3A = tpu.sem_alloc : memref<!tpu.dma_semaphore, #tpu.memory_space<semaphore_mem>>
        %dma_start3A = arith.constant 0 : i32
        %dma_start3A_426 = arith.constant 0 : i32
        %dma_start3A_427 = tpu.memref_slice %arg6[%dma_start3A, %dma_start3A_426] : memref<2x10112xi32, #tpu.memory_space<vmem>> -> memref<2x6528xi32, #tpu.memory_space<vmem>>
        %dma_start3A_428 = arith.constant 0 : i32
        %dma_start3A_429 = arith.constant 313472 : i32
        %dma_start3A_430 = tpu.memref_slice %arg3[%dma_start3A_428, %dma_start3A_429] : memref<2x320000xi32, #tpu.memory_space<hbm>> -> memref<2x6528xi32, #tpu.memory_space<hbm>>
        %dma_start3A_431 = arith.constant 0 : i32
        %dma_start3A_432 = arith.constant 0 : i32
        %dma_start3A_433 = tpu.memref_slice %arg6[%dma_start3A_431, %dma_start3A_432] : memref<2x10112xi32, #tpu.memory_space<vmem>> -> memref<2x6528xi32, #tpu.memory_space<vmem>>
        %dma_start3A_434 = arith.constant 0 : i32
        %dma_start3A_435 = arith.constant 313472 : i32
        %dma_start3A_436 = tpu.memref_slice %arg3[%dma_start3A_434, %dma_start3A_435] : memref<2x320000xi32, #tpu.memory_space<hbm>> -> memref<2x6528xi32, #tpu.memory_space<hbm>>
        tpu.enqueue_dma source(%dma_start3A_436 : memref<2x6528xi32, #tpu.memory_space<hbm>>) target(%dma_start3A_433 : memref<2x6528xi32, #tpu.memory_space<vmem>>) target_semaphore(%run_scoped3A : memref<!tpu.dma_semaphore, #tpu.memory_space<semaphore_mem>>)
        %dma_wait3A = arith.constant 0 : i32
        %dma_wait3A_437 = arith.constant 0 : i32
        %dma_wait3A_438 = tpu.memref_slice %arg6[%dma_wait3A, %dma_wait3A_437] : memref<2x10112xi32, #tpu.memory_space<vmem>> -> memref<2x6528xi32, #tpu.memory_space<vmem>>
        %dma_wait3A_439 = arith.constant 0 : i32
        %dma_wait3A_440 = arith.constant 313472 : i32
        %dma_wait3A_441 = tpu.memref_slice %arg3[%dma_wait3A_439, %dma_wait3A_440] : memref<2x320000xi32, #tpu.memory_space<hbm>> -> memref<2x6528xi32, #tpu.memory_space<hbm>>
        %dma_wait3A_442 = arith.constant 0 : i32
        %dma_wait3A_443 = arith.constant 0 : i32
        %dma_wait3A_444 = tpu.memref_slice %arg6[%dma_wait3A_442, %dma_wait3A_443] : memref<2x10112xi32, #tpu.memory_space<vmem>> -> memref<2x6528xi32, #tpu.memory_space<vmem>>
        %dma_wait3A_445 = arith.constant 0 : i32
        %dma_wait3A_446 = arith.constant 313472 : i32
        %dma_wait3A_447 = tpu.memref_slice %arg3[%dma_wait3A_445, %dma_wait3A_446] : memref<2x320000xi32, #tpu.memory_space<hbm>> -> memref<2x6528xi32, #tpu.memory_space<hbm>>
        tpu.wait_dma2 semaphore(%run_scoped3A : memref<!tpu.dma_semaphore, #tpu.memory_space<semaphore_mem>>) src(%dma_wait3A_447 : memref<2x6528xi32, #tpu.memory_space<hbm>>) dst(%dma_wait3A_444 : memref<2x6528xi32, #tpu.memory_space<vmem>>)
        tpu.yield
      }) : () -> ()
    } else {
    }
    %broadcast_in_dim3A_19 = arith.constant 0 : i32
    "tpu.trace_stop"() : () -> ()
    %broadcast_in_dim3A_20 = vector.broadcast %broadcast_in_dim3A_19 : i32 to vector<16xi32>
    %swap3A = arith.constant 0 : index
    %swap3A_21 = tpu.vector_load %arg14[%swap3A] {strides = array<i32>} : memref<16xi32, #tpu.memory_space<vmem>>, vector<16xi32>,
    tpu.vector_store %arg14[%swap3A], %broadcast_in_dim3A_20 {strides = array<i32>} : memref<16xi32, #tpu.memory_space<vmem>>, vector<16xi32>,
    %jit3A_22 = arith.constant 16 : i32
    "tpu.trace_start"() <{level = 10 : i32, message = "sc_compact"}> : () -> ()
    %div3A = arith.divsi %select_n3A, %jit3A_22 : i32
    %sign3A = arith.constant 0 : i32
    %sign3A_23 = arith.cmpi sgt, %select_n3A, %sign3A : i32
    %sign3A_24 = arith.extui %sign3A_23 : i1 to i32
    %sign3A_25 = arith.constant 0 : i32
    %sign3A_26 = arith.cmpi slt, %select_n3A, %sign3A_25 : i32
    %sign3A_27 = arith.extui %sign3A_26 : i1 to i32
    %sign3A_28 = arith.subi %sign3A_24, %sign3A_27 : i32
    %sign3A_29 = arith.constant 0 : i32
    %sign3A_30 = arith.cmpi sgt, %jit3A_22, %sign3A_29 : i32
    %sign3A_31 = arith.extui %sign3A_30 : i1 to i32
    %sign3A_32 = arith.constant 0 : i32
    %sign3A_33 = arith.cmpi slt, %jit3A_22, %sign3A_32 : i32
    %sign3A_34 = arith.extui %sign3A_33 : i1 to i32
    %sign3A_35 = arith.subi %sign3A_31, %sign3A_34 : i32
    %ne3A = arith.cmpi ne, %sign3A_28, %sign3A_35 : i32
    %rem3A = arith.remsi %select_n3A, %jit3A_22 : i32
    %ne3A_36 = arith.constant 0 : i32
    %ne3A_37 = arith.cmpi ne, %rem3A, %ne3A_36 : i32
    %and3A = arith.andi %ne3A, %ne3A_37 : i1
    %sub3A = arith.constant 1 : i32
    %sub3A_38 = arith.subi %div3A, %sub3A : i32
    %select_n3A_39 = arith.select %and3A, %sub3A_38, %div3A : i32
    %while3A = arith.constant 0 : i32
    %while3A_40 = arith.constant 0 : i32
    %while3A_41 = arith.subi %select_n3A_39, %while3A : i32
    %while3A_42 = arith.addi %while3A, %while3A_41 : i32
    %while3A_43 = arith.constant 1 : i32
    %while3A_44 = arith.divsi %while3A_41, %while3A_43 : i32
    %while3A_45 = arith.muli %while3A_44, %while3A_43 : i32
    %while3A_46 = arith.addi %while3A, %while3A_45 : i32
    %while3A_47 = arith.constant 1 : i32
    %while3A_48 = scf.for %while3A_426 = %while3A to %while3A_46 step %while3A_47 iter_args(%while3A_427 = %while3A_40) -> (i32)  : i32 {
      %get3A_428 = arith.constant 0 : index
      %get3A_429 = tpu.vector_load %arg14[%get3A_428] {strides = array<i32>} : memref<16xi32, #tpu.memory_space<vmem>>, vector<16xi32>,
      %mul3A_430 = arith.constant 16 : i32
      %mul3A_431 = arith.muli %while3A_426, %mul3A_430 : i32
      %get3A_432 = arith.constant 1 : i32
      %get3A_433 = arith.index_cast %get3A_432 : i32 to index
      %get3A_434 = arith.index_cast %mul3A_431 : i32 to index
      %get3A_435 = tpu.vector_load %arg6[%get3A_433, %get3A_434] {strides = array<i32>} : memref<2x10112xi32, #tpu.memory_space<vmem>>, vector<16xi32>,
      %mul3A_436 = arith.constant 16 : i32
      %mul3A_437 = arith.muli %while3A_426, %mul3A_436 : i32
      %get3A_438 = arith.constant 0 : i32
      %get3A_439 = arith.index_cast %get3A_438 : i32 to index
      %get3A_440 = arith.index_cast %mul3A_437 : i32 to index
      %get3A_441 = tpu.vector_load %arg6[%get3A_439, %get3A_440] {strides = array<i32>} : memref<2x10112xi32, #tpu.memory_space<vmem>>, vector<16xi32>,
      %ge3A_442 = arith.constant 8000 : i32
      %ge3A_443 = vector.broadcast %ge3A_442 : i32 to vector<16xi32>
      %ge3A_444 = arith.cmpi sge, %get3A_435, %ge3A_443 : vector<16xi32>
      %sub3A_445 = arith.constant 8000 : i32
      %sub3A_446 = vector.broadcast %sub3A_445 : i32 to vector<16xi32>
      %sub3A_447 = arith.subi %get3A_435, %sub3A_446 : vector<16xi32>
      %convert_element_type3A_448 = arith.extui %ge3A_444 : vector<16xi1> to vector<16xi32>
      %broadcast_in_dim3A_449 = arith.constant true
      %broadcast_in_dim3A_450 = vector.broadcast %broadcast_in_dim3A_449 : i1 to vector<16xi1>
      %masked_cumsum3A = tpu.scan <sum>, %convert_element_type3A_448 masked %broadcast_in_dim3A_450 : vector<16xi32>, vector<16xi1> -> vector<16xi32>
      %sub3A_451 = arith.constant 1 : i32
      %sub3A_452 = vector.broadcast %sub3A_451 : i32 to vector<16xi32>
      %sub3A_453 = arith.subi %masked_cumsum3A, %sub3A_452 : vector<16xi32>
      %add3A_454 = arith.addi %sub3A_453, %get3A_429 : vector<16xi32>
      tpu.vector_store_idx %arg7[%add3A_454], %sub3A_447 masked %ge3A_444 : memref<10368xi32, #tpu.memory_space<vmem>>[vector<16xi32>], vector<16xi32>, vector<16xi1>
      tpu.vector_store_idx %arg8[%add3A_454], %get3A_441 masked %ge3A_444 : memref<10368xi32, #tpu.memory_space<vmem>>[vector<16xi32>], vector<16xi32>, vector<16xi1>
      %all_reduce_population_count3A = tpu.all_reduce %ge3A_444 {dim = 0 : i64, kind = #tpu.reduction_kind<sum>} : vector<16xi1> -> vector<16xi32>
      %add3A_455 = arith.addi %get3A_429, %all_reduce_population_count3A : vector<16xi32>
      %swap3A_456 = arith.constant 0 : index
      %swap3A_457 = tpu.vector_load %arg14[%swap3A_456] {strides = array<i32>} : memref<16xi32, #tpu.memory_space<vmem>>, vector<16xi32>,
      tpu.vector_store %arg14[%swap3A_456], %add3A_455 {strides = array<i32>} : memref<16xi32, #tpu.memory_space<vmem>>, vector<16xi32>,
      %while3A_458 = arith.constant 0 : i32
      scf.yield %while3A_458 : i32
    }
    %while3A_49 = arith.constant 1 : i32
    %while3A_50 = scf.for %while3A_426 = %while3A_46 to %while3A_42 step %while3A_49 iter_args(%while3A_427 = %while3A_48) -> (i32)  : i32 {
      %get3A_428 = arith.constant 0 : index
      %get3A_429 = tpu.vector_load %arg14[%get3A_428] {strides = array<i32>} : memref<16xi32, #tpu.memory_space<vmem>>, vector<16xi32>,
      %mul3A_430 = arith.constant 16 : i32
      %mul3A_431 = arith.muli %while3A_426, %mul3A_430 : i32
      %get3A_432 = arith.constant 1 : i32
      %get3A_433 = arith.index_cast %get3A_432 : i32 to index
      %get3A_434 = arith.index_cast %mul3A_431 : i32 to index
      %get3A_435 = tpu.vector_load %arg6[%get3A_433, %get3A_434] {strides = array<i32>} : memref<2x10112xi32, #tpu.memory_space<vmem>>, vector<16xi32>,
      %mul3A_436 = arith.constant 16 : i32
      %mul3A_437 = arith.muli %while3A_426, %mul3A_436 : i32
      %get3A_438 = arith.constant 0 : i32
      %get3A_439 = arith.index_cast %get3A_438 : i32 to index
      %get3A_440 = arith.index_cast %mul3A_437 : i32 to index
      %get3A_441 = tpu.vector_load %arg6[%get3A_439, %get3A_440] {strides = array<i32>} : memref<2x10112xi32, #tpu.memory_space<vmem>>, vector<16xi32>,
      %ge3A_442 = arith.constant 8000 : i32
      %ge3A_443 = vector.broadcast %ge3A_442 : i32 to vector<16xi32>
      %ge3A_444 = arith.cmpi sge, %get3A_435, %ge3A_443 : vector<16xi32>
      %sub3A_445 = arith.constant 8000 : i32
      %sub3A_446 = vector.broadcast %sub3A_445 : i32 to vector<16xi32>
      %sub3A_447 = arith.subi %get3A_435, %sub3A_446 : vector<16xi32>
      %convert_element_type3A_448 = arith.extui %ge3A_444 : vector<16xi1> to vector<16xi32>
      %broadcast_in_dim3A_449 = arith.constant true
      %broadcast_in_dim3A_450 = vector.broadcast %broadcast_in_dim3A_449 : i1 to vector<16xi1>
      %masked_cumsum3A = tpu.scan <sum>, %convert_element_type3A_448 masked %broadcast_in_dim3A_450 : vector<16xi32>, vector<16xi1> -> vector<16xi32>
      %sub3A_451 = arith.constant 1 : i32
      %sub3A_452 = vector.broadcast %sub3A_451 : i32 to vector<16xi32>
      %sub3A_453 = arith.subi %masked_cumsum3A, %sub3A_452 : vector<16xi32>
      %add3A_454 = arith.addi %sub3A_453, %get3A_429 : vector<16xi32>
      tpu.vector_store_idx %arg7[%add3A_454], %sub3A_447 masked %ge3A_444 : memref<10368xi32, #tpu.memory_space<vmem>>[vector<16xi32>], vector<16xi32>, vector<16xi1>
      tpu.vector_store_idx %arg8[%add3A_454], %get3A_441 masked %ge3A_444 : memref<10368xi32, #tpu.memory_space<vmem>>[vector<16xi32>], vector<16xi32>, vector<16xi1>
      %all_reduce_population_count3A = tpu.all_reduce %ge3A_444 {dim = 0 : i64, kind = #tpu.reduction_kind<sum>} : vector<16xi1> -> vector<16xi32>
      %add3A_455 = arith.addi %get3A_429, %all_reduce_population_count3A : vector<16xi32>
      %swap3A_456 = arith.constant 0 : index
      %swap3A_457 = tpu.vector_load %arg14[%swap3A_456] {strides = array<i32>} : memref<16xi32, #tpu.memory_space<vmem>>, vector<16xi32>,
      tpu.vector_store %arg14[%swap3A_456], %add3A_455 {strides = array<i32>} : memref<16xi32, #tpu.memory_space<vmem>>, vector<16xi32>,
      %while3A_458 = arith.constant 0 : i32
      scf.yield %while3A_458 : i32
    }
    "tpu.trace_stop"() : () -> ()
    %get3A = arith.constant 0 : index
    %get3A_51 = tpu.vector_load %arg14[%get3A] {strides = array<i32>} : memref<16xi32, #tpu.memory_space<vmem>>, vector<16xi32>,
    %reduce_max3A = arith.constant true
    %reduce_max3A_52 = vector.broadcast %reduce_max3A : i1 to vector<16xi1>
    %reduce_max3A_53 = arith.constant -2147483648 : i32
    %reduce_max3A_54 = vector.broadcast %reduce_max3A_53 : i32 to vector<16xi32>
    %reduce_max3A_55 = arith.xori %get3A_51, %reduce_max3A_54 : vector<16xi32>
    %reduce_max3A_56 = tpu.scan <max>, %reduce_max3A_55 masked %reduce_max3A_52 : vector<16xi32>, vector<16xi1> -> vector<16xi32>
    %reduce_max3A_57 = arith.xori %reduce_max3A_56, %reduce_max3A_54 : vector<16xi32>
    %reduce_max3A_58 = vector.extract %reduce_max3A_57[15] : i32 from vector<16xi32>
    %iota3A = tpu.iota {dimensions = array<i32: 0>} : vector<16xi32>
    %add3A_59 = arith.addi %iota3A, %get3A_51 : vector<16xi32>
    %add3A_60 = arith.constant 0 : i32
    %add3A_61 = vector.broadcast %add3A_60 : i32 to vector<16xi32>
    %add3A_62 = arith.addi %add3A_59, %add3A_61 : vector<16xi32>
    %broadcast_in_dim3A_63 = arith.constant 2047 : i32
    %broadcast_in_dim3A_64 = vector.broadcast %broadcast_in_dim3A_63 : i32 to vector<16xi32>
    tpu.vector_store_idx %arg7[%add3A_62], %broadcast_in_dim3A_64 : memref<10368xi32, #tpu.memory_space<vmem>>[vector<16xi32>], vector<16xi32>,
    tpu.vector_store_idx %arg8[%add3A_62], %broadcast_in_dim3A_20 : memref<10368xi32, #tpu.memory_space<vmem>>[vector<16xi32>], vector<16xi32>,
    %add3A_65 = arith.addi %iota3A, %get3A_51 : vector<16xi32>
    %add3A_66 = arith.constant 16 : i32
    %add3A_67 = vector.broadcast %add3A_66 : i32 to vector<16xi32>
    %add3A_68 = arith.addi %add3A_65, %add3A_67 : vector<16xi32>
    %broadcast_in_dim3A_69 = arith.constant 2047 : i32
    %broadcast_in_dim3A_70 = vector.broadcast %broadcast_in_dim3A_69 : i32 to vector<16xi32>
    tpu.vector_store_idx %arg7[%add3A_68], %broadcast_in_dim3A_70 : memref<10368xi32, #tpu.memory_space<vmem>>[vector<16xi32>], vector<16xi32>,
    tpu.vector_store_idx %arg8[%add3A_68], %broadcast_in_dim3A_20 : memref<10368xi32, #tpu.memory_space<vmem>>[vector<16xi32>], vector<16xi32>,
    %add3A_71 = arith.addi %iota3A, %get3A_51 : vector<16xi32>
    %add3A_72 = arith.constant 32 : i32
    %add3A_73 = vector.broadcast %add3A_72 : i32 to vector<16xi32>
    %add3A_74 = arith.addi %add3A_71, %add3A_73 : vector<16xi32>
    %broadcast_in_dim3A_75 = arith.constant 2047 : i32
    %broadcast_in_dim3A_76 = vector.broadcast %broadcast_in_dim3A_75 : i32 to vector<16xi32>
    tpu.vector_store_idx %arg7[%add3A_74], %broadcast_in_dim3A_76 : memref<10368xi32, #tpu.memory_space<vmem>>[vector<16xi32>], vector<16xi32>,
    tpu.vector_store_idx %arg8[%add3A_74], %broadcast_in_dim3A_20 : memref<10368xi32, #tpu.memory_space<vmem>>[vector<16xi32>], vector<16xi32>,
    %add3A_77 = arith.addi %iota3A, %get3A_51 : vector<16xi32>
    %add3A_78 = arith.constant 48 : i32
    %add3A_79 = vector.broadcast %add3A_78 : i32 to vector<16xi32>
    %add3A_80 = arith.addi %add3A_77, %add3A_79 : vector<16xi32>
    %broadcast_in_dim3A_81 = arith.constant 2047 : i32
    %broadcast_in_dim3A_82 = vector.broadcast %broadcast_in_dim3A_81 : i32 to vector<16xi32>
    tpu.vector_store_idx %arg7[%add3A_80], %broadcast_in_dim3A_82 : memref<10368xi32, #tpu.memory_space<vmem>>[vector<16xi32>], vector<16xi32>,
    tpu.vector_store_idx %arg8[%add3A_80], %broadcast_in_dim3A_20 : memref<10368xi32, #tpu.memory_space<vmem>>[vector<16xi32>], vector<16xi32>,
    %add3A_83 = arith.addi %iota3A, %get3A_51 : vector<16xi32>
    %add3A_84 = arith.constant 64 : i32
    %add3A_85 = vector.broadcast %add3A_84 : i32 to vector<16xi32>
    %add3A_86 = arith.addi %add3A_83, %add3A_85 : vector<16xi32>
    %broadcast_in_dim3A_87 = arith.constant 2047 : i32
    %broadcast_in_dim3A_88 = vector.broadcast %broadcast_in_dim3A_87 : i32 to vector<16xi32>
    tpu.vector_store_idx %arg7[%add3A_86], %broadcast_in_dim3A_88 : memref<10368xi32, #tpu.memory_space<vmem>>[vector<16xi32>], vector<16xi32>,
    tpu.vector_store_idx %arg8[%add3A_86], %broadcast_in_dim3A_20 : memref<10368xi32, #tpu.memory_space<vmem>>[vector<16xi32>], vector<16xi32>,
    %add3A_89 = arith.addi %iota3A, %get3A_51 : vector<16xi32>
    %add3A_90 = arith.constant 80 : i32
    %add3A_91 = vector.broadcast %add3A_90 : i32 to vector<16xi32>
    %add3A_92 = arith.addi %add3A_89, %add3A_91 : vector<16xi32>
    %broadcast_in_dim3A_93 = arith.constant 2047 : i32
    %broadcast_in_dim3A_94 = vector.broadcast %broadcast_in_dim3A_93 : i32 to vector<16xi32>
    tpu.vector_store_idx %arg7[%add3A_92], %broadcast_in_dim3A_94 : memref<10368xi32, #tpu.memory_space<vmem>>[vector<16xi32>], vector<16xi32>,
    tpu.vector_store_idx %arg8[%add3A_92], %broadcast_in_dim3A_20 : memref<10368xi32, #tpu.memory_space<vmem>>[vector<16xi32>], vector<16xi32>,
    %add3A_95 = arith.addi %iota3A, %get3A_51 : vector<16xi32>
    %add3A_96 = arith.constant 96 : i32
    %add3A_97 = vector.broadcast %add3A_96 : i32 to vector<16xi32>
    %add3A_98 = arith.addi %add3A_95, %add3A_97 : vector<16xi32>
    %broadcast_in_dim3A_99 = arith.constant 2047 : i32
    %broadcast_in_dim3A_100 = vector.broadcast %broadcast_in_dim3A_99 : i32 to vector<16xi32>
    tpu.vector_store_idx %arg7[%add3A_98], %broadcast_in_dim3A_100 : memref<10368xi32, #tpu.memory_space<vmem>>[vector<16xi32>], vector<16xi32>,
    tpu.vector_store_idx %arg8[%add3A_98], %broadcast_in_dim3A_20 : memref<10368xi32, #tpu.memory_space<vmem>>[vector<16xi32>], vector<16xi32>,
    %add3A_101 = arith.addi %iota3A, %get3A_51 : vector<16xi32>
    %add3A_102 = arith.constant 112 : i32
    %add3A_103 = vector.broadcast %add3A_102 : i32 to vector<16xi32>
    %add3A_104 = arith.addi %add3A_101, %add3A_103 : vector<16xi32>
    %broadcast_in_dim3A_105 = arith.constant 2047 : i32
    %broadcast_in_dim3A_106 = vector.broadcast %broadcast_in_dim3A_105 : i32 to vector<16xi32>
    tpu.vector_store_idx %arg7[%add3A_104], %broadcast_in_dim3A_106 : memref<10368xi32, #tpu.memory_space<vmem>>[vector<16xi32>], vector<16xi32>,
    tpu.vector_store_idx %arg8[%add3A_104], %broadcast_in_dim3A_20 : memref<10368xi32, #tpu.memory_space<vmem>>[vector<16xi32>], vector<16xi32>,
    %add3A_107 = arith.constant 127 : i32
    %add3A_108 = arith.addi %reduce_max3A_58, %add3A_107 : i32
    %jit3A_109 = arith.constant 128 : i32
    %div3A_110 = arith.divsi %add3A_108, %jit3A_109 : i32
    %sign3A_111 = arith.constant 0 : i32
    %sign3A_112 = arith.cmpi sgt, %add3A_108, %sign3A_111 : i32
    %sign3A_113 = arith.extui %sign3A_112 : i1 to i32
    %sign3A_114 = arith.constant 0 : i32
    %sign3A_115 = arith.cmpi slt, %add3A_108, %sign3A_114 : i32
    %sign3A_116 = arith.extui %sign3A_115 : i1 to i32
    %sign3A_117 = arith.subi %sign3A_113, %sign3A_116 : i32
    %sign3A_118 = arith.constant 0 : i32
    %sign3A_119 = arith.cmpi sgt, %jit3A_109, %sign3A_118 : i32
    %sign3A_120 = arith.extui %sign3A_119 : i1 to i32
    %sign3A_121 = arith.constant 0 : i32
    %sign3A_122 = arith.cmpi slt, %jit3A_109, %sign3A_121 : i32
    %sign3A_123 = arith.extui %sign3A_122 : i1 to i32
    %sign3A_124 = arith.subi %sign3A_120, %sign3A_123 : i32
    %ne3A_125 = arith.cmpi ne, %sign3A_117, %sign3A_124 : i32
    %rem3A_126 = arith.remsi %add3A_108, %jit3A_109 : i32
    %ne3A_127 = arith.constant 0 : i32
    %ne3A_128 = arith.cmpi ne, %rem3A_126, %ne3A_127 : i32
    %and3A_129 = arith.andi %ne3A_125, %ne3A_128 : i1
    %sub3A_130 = arith.constant 1 : i32
    %sub3A_131 = arith.subi %div3A_110, %sub3A_130 : i32
    %select_n3A_132 = arith.select %and3A_129, %sub3A_131, %div3A_110 : i32
    %while3A_133 = arith.constant 0 : i32
    %while3A_134 = arith.constant 0 : i32
    "tpu.trace_start"() <{level = 10 : i32, message = "sc_restage"}> : () -> ()
    %while3A_135 = arith.subi %select_n3A_132, %while3A_133 : i32
    %while3A_136 = arith.addi %while3A_133, %while3A_135 : i32
    %while3A_137 = arith.constant 1 : i32
    %while3A_138 = arith.divsi %while3A_135, %while3A_137 : i32
    %while3A_139 = arith.muli %while3A_138, %while3A_137 : i32
    %while3A_140 = arith.addi %while3A_133, %while3A_139 : i32
    %while3A_141 = arith.constant 1 : i32
    %while3A_142 = scf.for %while3A_426 = %while3A_133 to %while3A_140 step %while3A_141 iter_args(%while3A_427 = %while3A_134) -> (i32)  : i32 {
      %mul3A_428 = arith.constant 128 : i32
      %mul3A_429 = arith.muli %while3A_426, %mul3A_428 : i32
      %add3A_430 = arith.constant 0 : i32
      %add3A_431 = arith.addi %mul3A_429, %add3A_430 : i32
      %get3A_432 = arith.index_cast %add3A_431 : i32 to index
      %get3A_433 = tpu.vector_load %arg7[%get3A_432] {strides = array<i32>} : memref<10368xi32, #tpu.memory_space<vmem>>, vector<16xi32>,
      %swap3A_434 = arith.index_cast %while3A_426 : i32 to index
      %swap3A_435 = arith.constant 0 : index
      %swap3A_436 = tpu.vector_load %arg9[%swap3A_434, %swap3A_435] {strides = array<i32>} : memref<80x128xi32, #tpu.memory_space<vmem>>, vector<16xi32>,
      tpu.vector_store %arg9[%swap3A_434, %swap3A_435], %get3A_433 {strides = array<i32>} : memref<80x128xi32, #tpu.memory_space<vmem>>, vector<16xi32>,
      %mul3A_437 = arith.constant 128 : i32
      %mul3A_438 = arith.muli %while3A_426, %mul3A_437 : i32
      %add3A_439 = arith.constant 16 : i32
      %add3A_440 = arith.addi %mul3A_438, %add3A_439 : i32
      %get3A_441 = arith.index_cast %add3A_440 : i32 to index
      %get3A_442 = tpu.vector_load %arg7[%get3A_441] {strides = array<i32>} : memref<10368xi32, #tpu.memory_space<vmem>>, vector<16xi32>,
      %swap3A_443 = arith.index_cast %while3A_426 : i32 to index
      %swap3A_444 = arith.constant 16 : index
      %swap3A_445 = tpu.vector_load %arg9[%swap3A_443, %swap3A_444] {strides = array<i32>} : memref<80x128xi32, #tpu.memory_space<vmem>>, vector<16xi32>,
      tpu.vector_store %arg9[%swap3A_443, %swap3A_444], %get3A_442 {strides = array<i32>} : memref<80x128xi32, #tpu.memory_space<vmem>>, vector<16xi32>,
      %mul3A_446 = arith.constant 128 : i32
      %mul3A_447 = arith.muli %while3A_426, %mul3A_446 : i32
      %add3A_448 = arith.constant 32 : i32
      %add3A_449 = arith.addi %mul3A_447, %add3A_448 : i32
      %get3A_450 = arith.index_cast %add3A_449 : i32 to index
      %get3A_451 = tpu.vector_load %arg7[%get3A_450] {strides = array<i32>} : memref<10368xi32, #tpu.memory_space<vmem>>, vector<16xi32>,
      %swap3A_452 = arith.index_cast %while3A_426 : i32 to index
      %swap3A_453 = arith.constant 32 : index
      %swap3A_454 = tpu.vector_load %arg9[%swap3A_452, %swap3A_453] {strides = array<i32>} : memref<80x128xi32, #tpu.memory_space<vmem>>, vector<16xi32>,
      tpu.vector_store %arg9[%swap3A_452, %swap3A_453], %get3A_451 {strides = array<i32>} : memref<80x128xi32, #tpu.memory_space<vmem>>, vector<16xi32>,
      %mul3A_455 = arith.constant 128 : i32
      %mul3A_456 = arith.muli %while3A_426, %mul3A_455 : i32
      %add3A_457 = arith.constant 48 : i32
      %add3A_458 = arith.addi %mul3A_456, %add3A_457 : i32
      %get3A_459 = arith.index_cast %add3A_458 : i32 to index
      %get3A_460 = tpu.vector_load %arg7[%get3A_459] {strides = array<i32>} : memref<10368xi32, #tpu.memory_space<vmem>>, vector<16xi32>,
      %swap3A_461 = arith.index_cast %while3A_426 : i32 to index
      %swap3A_462 = arith.constant 48 : index
      %swap3A_463 = tpu.vector_load %arg9[%swap3A_461, %swap3A_462] {strides = array<i32>} : memref<80x128xi32, #tpu.memory_space<vmem>>, vector<16xi32>,
      tpu.vector_store %arg9[%swap3A_461, %swap3A_462], %get3A_460 {strides = array<i32>} : memref<80x128xi32, #tpu.memory_space<vmem>>, vector<16xi32>,
      %mul3A_464 = arith.constant 128 : i32
      %mul3A_465 = arith.muli %while3A_426, %mul3A_464 : i32
      %add3A_466 = arith.constant 64 : i32
      %add3A_467 = arith.addi %mul3A_465, %add3A_466 : i32
      %get3A_468 = arith.index_cast %add3A_467 : i32 to index
      %get3A_469 = tpu.vector_load %arg7[%get3A_468] {strides = array<i32>} : memref<10368xi32, #tpu.memory_space<vmem>>, vector<16xi32>,
      %swap3A_470 = arith.index_cast %while3A_426 : i32 to index
      %swap3A_471 = arith.constant 64 : index
      %swap3A_472 = tpu.vector_load %arg9[%swap3A_470, %swap3A_471] {strides = array<i32>} : memref<80x128xi32, #tpu.memory_space<vmem>>, vector<16xi32>,
      tpu.vector_store %arg9[%swap3A_470, %swap3A_471], %get3A_469 {strides = array<i32>} : memref<80x128xi32, #tpu.memory_space<vmem>>, vector<16xi32>,
      %mul3A_473 = arith.constant 128 : i32
      %mul3A_474 = arith.muli %while3A_426, %mul3A_473 : i32
      %add3A_475 = arith.constant 80 : i32
      %add3A_476 = arith.addi %mul3A_474, %add3A_475 : i32
      %get3A_477 = arith.index_cast %add3A_476 : i32 to index
      %get3A_478 = tpu.vector_load %arg7[%get3A_477] {strides = array<i32>} : memref<10368xi32, #tpu.memory_space<vmem>>, vector<16xi32>,
      %swap3A_479 = arith.index_cast %while3A_426 : i32 to index
      %swap3A_480 = arith.constant 80 : index
      %swap3A_481 = tpu.vector_load %arg9[%swap3A_479, %swap3A_480] {strides = array<i32>} : memref<80x128xi32, #tpu.memory_space<vmem>>, vector<16xi32>,
      tpu.vector_store %arg9[%swap3A_479, %swap3A_480], %get3A_478 {strides = array<i32>} : memref<80x128xi32, #tpu.memory_space<vmem>>, vector<16xi32>,
      %mul3A_482 = arith.constant 128 : i32
      %mul3A_483 = arith.muli %while3A_426, %mul3A_482 : i32
      %add3A_484 = arith.constant 96 : i32
      %add3A_485 = arith.addi %mul3A_483, %add3A_484 : i32
      %get3A_486 = arith.index_cast %add3A_485 : i32 to index
      %get3A_487 = tpu.vector_load %arg7[%get3A_486] {strides = array<i32>} : memref<10368xi32, #tpu.memory_space<vmem>>, vector<16xi32>,
      %swap3A_488 = arith.index_cast %while3A_426 : i32 to index
      %swap3A_489 = arith.constant 96 : index
      %swap3A_490 = tpu.vector_load %arg9[%swap3A_488, %swap3A_489] {strides = array<i32>} : memref<80x128xi32, #tpu.memory_space<vmem>>, vector<16xi32>,
      tpu.vector_store %arg9[%swap3A_488, %swap3A_489], %get3A_487 {strides = array<i32>} : memref<80x128xi32, #tpu.memory_space<vmem>>, vector<16xi32>,
      %mul3A_491 = arith.constant 128 : i32
      %mul3A_492 = arith.muli %while3A_426, %mul3A_491 : i32
      %add3A_493 = arith.constant 112 : i32
      %add3A_494 = arith.addi %mul3A_492, %add3A_493 : i32
      %get3A_495 = arith.index_cast %add3A_494 : i32 to index
      %get3A_496 = tpu.vector_load %arg7[%get3A_495] {strides = array<i32>} : memref<10368xi32, #tpu.memory_space<vmem>>, vector<16xi32>,
      %swap3A_497 = arith.index_cast %while3A_426 : i32 to index
      %swap3A_498 = arith.constant 112 : index
      %swap3A_499 = tpu.vector_load %arg9[%swap3A_497, %swap3A_498] {strides = array<i32>} : memref<80x128xi32, #tpu.memory_space<vmem>>, vector<16xi32>,
      tpu.vector_store %arg9[%swap3A_497, %swap3A_498], %get3A_496 {strides = array<i32>} : memref<80x128xi32, #tpu.memory_space<vmem>>, vector<16xi32>,
      %while3A_500 = arith.constant 0 : i32
      scf.yield %while3A_500 : i32
    }
    %while3A_143 = arith.constant 1 : i32
    %while3A_144 = scf.for %while3A_426 = %while3A_140 to %while3A_136 step %while3A_143 iter_args(%while3A_427 = %while3A_142) -> (i32)  : i32 {
      %mul3A_428 = arith.constant 128 : i32
      %mul3A_429 = arith.muli %while3A_426, %mul3A_428 : i32
      %add3A_430 = arith.constant 0 : i32
      %add3A_431 = arith.addi %mul3A_429, %add3A_430 : i32
      %get3A_432 = arith.index_cast %add3A_431 : i32 to index
      %get3A_433 = tpu.vector_load %arg7[%get3A_432] {strides = array<i32>} : memref<10368xi32, #tpu.memory_space<vmem>>, vector<16xi32>,
      %swap3A_434 = arith.index_cast %while3A_426 : i32 to index
      %swap3A_435 = arith.constant 0 : index
      %swap3A_436 = tpu.vector_load %arg9[%swap3A_434, %swap3A_435] {strides = array<i32>} : memref<80x128xi32, #tpu.memory_space<vmem>>, vector<16xi32>,
      tpu.vector_store %arg9[%swap3A_434, %swap3A_435], %get3A_433 {strides = array<i32>} : memref<80x128xi32, #tpu.memory_space<vmem>>, vector<16xi32>,
      %mul3A_437 = arith.constant 128 : i32
      %mul3A_438 = arith.muli %while3A_426, %mul3A_437 : i32
      %add3A_439 = arith.constant 16 : i32
      %add3A_440 = arith.addi %mul3A_438, %add3A_439 : i32
      %get3A_441 = arith.index_cast %add3A_440 : i32 to index
      %get3A_442 = tpu.vector_load %arg7[%get3A_441] {strides = array<i32>} : memref<10368xi32, #tpu.memory_space<vmem>>, vector<16xi32>,
      %swap3A_443 = arith.index_cast %while3A_426 : i32 to index
      %swap3A_444 = arith.constant 16 : index
      %swap3A_445 = tpu.vector_load %arg9[%swap3A_443, %swap3A_444] {strides = array<i32>} : memref<80x128xi32, #tpu.memory_space<vmem>>, vector<16xi32>,
      tpu.vector_store %arg9[%swap3A_443, %swap3A_444], %get3A_442 {strides = array<i32>} : memref<80x128xi32, #tpu.memory_space<vmem>>, vector<16xi32>,
      %mul3A_446 = arith.constant 128 : i32
      %mul3A_447 = arith.muli %while3A_426, %mul3A_446 : i32
      %add3A_448 = arith.constant 32 : i32
      %add3A_449 = arith.addi %mul3A_447, %add3A_448 : i32
      %get3A_450 = arith.index_cast %add3A_449 : i32 to index
      %get3A_451 = tpu.vector_load %arg7[%get3A_450] {strides = array<i32>} : memref<10368xi32, #tpu.memory_space<vmem>>, vector<16xi32>,
      %swap3A_452 = arith.index_cast %while3A_426 : i32 to index
      %swap3A_453 = arith.constant 32 : index
      %swap3A_454 = tpu.vector_load %arg9[%swap3A_452, %swap3A_453] {strides = array<i32>} : memref<80x128xi32, #tpu.memory_space<vmem>>, vector<16xi32>,
      tpu.vector_store %arg9[%swap3A_452, %swap3A_453], %get3A_451 {strides = array<i32>} : memref<80x128xi32, #tpu.memory_space<vmem>>, vector<16xi32>,
      %mul3A_455 = arith.constant 128 : i32
      %mul3A_456 = arith.muli %while3A_426, %mul3A_455 : i32
      %add3A_457 = arith.constant 48 : i32
      %add3A_458 = arith.addi %mul3A_456, %add3A_457 : i32
      %get3A_459 = arith.index_cast %add3A_458 : i32 to index
      %get3A_460 = tpu.vector_load %arg7[%get3A_459] {strides = array<i32>} : memref<10368xi32, #tpu.memory_space<vmem>>, vector<16xi32>,
      %swap3A_461 = arith.index_cast %while3A_426 : i32 to index
      %swap3A_462 = arith.constant 48 : index
      %swap3A_463 = tpu.vector_load %arg9[%swap3A_461, %swap3A_462] {strides = array<i32>} : memref<80x128xi32, #tpu.memory_space<vmem>>, vector<16xi32>,
      tpu.vector_store %arg9[%swap3A_461, %swap3A_462], %get3A_460 {strides = array<i32>} : memref<80x128xi32, #tpu.memory_space<vmem>>, vector<16xi32>,
      %mul3A_464 = arith.constant 128 : i32
      %mul3A_465 = arith.muli %while3A_426, %mul3A_464 : i32
      %add3A_466 = arith.constant 64 : i32
      %add3A_467 = arith.addi %mul3A_465, %add3A_466 : i32
      %get3A_468 = arith.index_cast %add3A_467 : i32 to index
      %get3A_469 = tpu.vector_load %arg7[%get3A_468] {strides = array<i32>} : memref<10368xi32, #tpu.memory_space<vmem>>, vector<16xi32>,
      %swap3A_470 = arith.index_cast %while3A_426 : i32 to index
      %swap3A_471 = arith.constant 64 : index
      %swap3A_472 = tpu.vector_load %arg9[%swap3A_470, %swap3A_471] {strides = array<i32>} : memref<80x128xi32, #tpu.memory_space<vmem>>, vector<16xi32>,
      tpu.vector_store %arg9[%swap3A_470, %swap3A_471], %get3A_469 {strides = array<i32>} : memref<80x128xi32, #tpu.memory_space<vmem>>, vector<16xi32>,
      %mul3A_473 = arith.constant 128 : i32
      %mul3A_474 = arith.muli %while3A_426, %mul3A_473 : i32
      %add3A_475 = arith.constant 80 : i32
      %add3A_476 = arith.addi %mul3A_474, %add3A_475 : i32
      %get3A_477 = arith.index_cast %add3A_476 : i32 to index
      %get3A_478 = tpu.vector_load %arg7[%get3A_477] {strides = array<i32>} : memref<10368xi32, #tpu.memory_space<vmem>>, vector<16xi32>,
      %swap3A_479 = arith.index_cast %while3A_426 : i32 to index
      %swap3A_480 = arith.constant 80 : index
      %swap3A_481 = tpu.vector_load %arg9[%swap3A_479, %swap3A_480] {strides = array<i32>} : memref<80x128xi32, #tpu.memory_space<vmem>>, vector<16xi32>,
      tpu.vector_store %arg9[%swap3A_479, %swap3A_480], %get3A_478 {strides = array<i32>} : memref<80x128xi32, #tpu.memory_space<vmem>>, vector<16xi32>,
      %mul3A_482 = arith.constant 128 : i32
      %mul3A_483 = arith.muli %while3A_426, %mul3A_482 : i32
      %add3A_484 = arith.constant 96 : i32
      %add3A_485 = arith.addi %mul3A_483, %add3A_484 : i32
      %get3A_486 = arith.index_cast %add3A_485 : i32 to index
      %get3A_487 = tpu.vector_load %arg7[%get3A_486] {strides = array<i32>} : memref<10368xi32, #tpu.memory_space<vmem>>, vector<16xi32>,
      %swap3A_488 = arith.index_cast %while3A_426 : i32 to index
      %swap3A_489 = arith.constant 96 : index
      %swap3A_490 = tpu.vector_load %arg9[%swap3A_488, %swap3A_489] {strides = array<i32>} : memref<80x128xi32, #tpu.memory_space<vmem>>, vector<16xi32>,
      tpu.vector_store %arg9[%swap3A_488, %swap3A_489], %get3A_487 {strides = array<i32>} : memref<80x128xi32, #tpu.memory_space<vmem>>, vector<16xi32>,
      %mul3A_491 = arith.constant 128 : i32
      %mul3A_492 = arith.muli %while3A_426, %mul3A_491 : i32
      %add3A_493 = arith.constant 112 : i32
      %add3A_494 = arith.addi %mul3A_492, %add3A_493 : i32
      %get3A_495 = arith.index_cast %add3A_494 : i32 to index
      %get3A_496 = tpu.vector_load %arg7[%get3A_495] {strides = array<i32>} : memref<10368xi32, #tpu.memory_space<vmem>>, vector<16xi32>,
      %swap3A_497 = arith.index_cast %while3A_426 : i32 to index
      %swap3A_498 = arith.constant 112 : index
      %swap3A_499 = tpu.vector_load %arg9[%swap3A_497, %swap3A_498] {strides = array<i32>} : memref<80x128xi32, #tpu.memory_space<vmem>>, vector<16xi32>,
      tpu.vector_store %arg9[%swap3A_497, %swap3A_498], %get3A_496 {strides = array<i32>} : memref<80x128xi32, #tpu.memory_space<vmem>>, vector<16xi32>,
      %while3A_500 = arith.constant 0 : i32
      scf.yield %while3A_500 : i32
    }
    "tpu.trace_stop"() : () -> ()
    "tpu.trace_start"() <{level = 10 : i32, message = "sc_barrier1"}> : () -> ()
    %barrier3A = arith.constant 0 : index
    tpu.barrier barrier_id(%barrier3A)
    %gt3A = arith.constant 0 : i32
    "tpu.trace_stop"() : () -> ()
    %gt3A_145 = arith.cmpi sgt, %select_n3A_132, %gt3A : i32
    %convert_element_type3A_146 = arith.extui %gt3A_145 : i1 to i32
    %cond3A_147 = arith.constant 0 : i32
    %cond3A_148 = arith.cmpi ne, %convert_element_type3A_146, %cond3A_147 : i32
    scf.if %cond3A_148 {
      %multiple_of3A = arith.constant 0 : i32
      %multiple_of3A_426 = tpu.assume_multiple %multiple_of3A, 8 : i32
      %dma_start3A = tpu.memref_slice %arg8[%multiple_of3A_426] : memref<10368xi32, #tpu.memory_space<vmem>> -> memref<128xi32, #tpu.memory_space<vmem>>
      %dma_start3A_427 = arith.constant 0 : i32
      %dma_start3A_428 = arith.constant 0 : i32
      %dma_start3A_429 = tpu.memref_slice %arg2[%dma_start3A_427, %dma_start3A_428] : memref<10000x128xf32, #tpu.memory_space<hbm>> -> memref<10000x128xf32, #tpu.memory_space<hbm>>
      tpu.enqueue_indirect_dma source(%dma_start3A_429 : memref<10000x128xf32, #tpu.memory_space<hbm>>) target(%arg10 : memref<128x128xf32, #tpu.memory_space<vmem>>) offsets(%dma_start3A : memref<128xi32, #tpu.memory_space<vmem>>) semaphore(%arg15 : memref<!tpu.dma_semaphore, #tpu.memory_space<semaphore_mem>>)
    } else {
    }
    %gt3A_149 = arith.constant 1 : i32
    %gt3A_150 = arith.cmpi sgt, %select_n3A_132, %gt3A_149 : i32
    %convert_element_type3A_151 = arith.extui %gt3A_150 : i1 to i32
    %cond3A_152 = arith.constant 0 : i32
    %cond3A_153 = arith.cmpi ne, %convert_element_type3A_151, %cond3A_152 : i32
    scf.if %cond3A_153 {
      %multiple_of3A = arith.constant 128 : i32
      %multiple_of3A_426 = tpu.assume_multiple %multiple_of3A, 8 : i32
      %dma_start3A = tpu.memref_slice %arg8[%multiple_of3A_426] : memref<10368xi32, #tpu.memory_space<vmem>> -> memref<128xi32, #tpu.memory_space<vmem>>
      %dma_start3A_427 = arith.constant 0 : i32
      %dma_start3A_428 = arith.constant 0 : i32
      %dma_start3A_429 = tpu.memref_slice %arg2[%dma_start3A_427, %dma_start3A_428] : memref<10000x128xf32, #tpu.memory_space<hbm>> -> memref<10000x128xf32, #tpu.memory_space<hbm>>
      tpu.enqueue_indirect_dma source(%dma_start3A_429 : memref<10000x128xf32, #tpu.memory_space<hbm>>) target(%arg11 : memref<128x128xf32, #tpu.memory_space<vmem>>) offsets(%dma_start3A : memref<128xi32, #tpu.memory_space<vmem>>) semaphore(%arg16 : memref<!tpu.dma_semaphore, #tpu.memory_space<semaphore_mem>>)
    } else {
    }
    "tpu.trace_start"() <{level = 10 : i32, message = "sc_chunks"}> : () -> ()
    %add3A_154 = arith.constant 3 : i32
    %add3A_155 = arith.addi %select_n3A_132, %add3A_154 : i32
    %sub3A_156 = arith.constant 1 : i32
    %sub3A_157 = arith.subi %add3A_155, %sub3A_156 : i32
    %jit3A_158 = arith.constant 3 : i32
    %div3A_159 = arith.divsi %sub3A_157, %jit3A_158 : i32
    %sign3A_160 = arith.constant 0 : i32
    %sign3A_161 = arith.cmpi sgt, %sub3A_157, %sign3A_160 : i32
    %sign3A_162 = arith.extui %sign3A_161 : i1 to i32
    %sign3A_163 = arith.constant 0 : i32
    %sign3A_164 = arith.cmpi slt, %sub3A_157, %sign3A_163 : i32
    %sign3A_165 = arith.extui %sign3A_164 : i1 to i32
    %sign3A_166 = arith.subi %sign3A_162, %sign3A_165 : i32
    %sign3A_167 = arith.constant 0 : i32
    %sign3A_168 = arith.cmpi sgt, %jit3A_158, %sign3A_167 : i32
    %sign3A_169 = arith.extui %sign3A_168 : i1 to i32
    %sign3A_170 = arith.constant 0 : i32
    %sign3A_171 = arith.cmpi slt, %jit3A_158, %sign3A_170 : i32
    %sign3A_172 = arith.extui %sign3A_171 : i1 to i32
    %sign3A_173 = arith.subi %sign3A_169, %sign3A_172 : i32
    %ne3A_174 = arith.cmpi ne, %sign3A_166, %sign3A_173 : i32
    %rem3A_175 = arith.remsi %sub3A_157, %jit3A_158 : i32
    %ne3A_176 = arith.constant 0 : i32
    %ne3A_177 = arith.cmpi ne, %rem3A_175, %ne3A_176 : i32
    %and3A_178 = arith.andi %ne3A_174, %ne3A_177 : i1
    %sub3A_179 = arith.constant 1 : i32
    %sub3A_180 = arith.subi %div3A_159, %sub3A_179 : i32
    %select_n3A_181 = arith.select %and3A_178, %sub3A_180, %div3A_159 : i32
    %while3A_182 = arith.constant 0 : i32
    %while3A_183 = arith.constant 0 : i32
    %while3A_184 = arith.subi %select_n3A_181, %while3A_182 : i32
    %while3A_185 = arith.addi %while3A_182, %while3A_184 : i32
    %while3A_186 = arith.constant 1 : i32
    %while3A_187 = arith.divsi %while3A_184, %while3A_186 : i32
    %while3A_188 = arith.muli %while3A_187, %while3A_186 : i32
    %while3A_189 = arith.addi %while3A_182, %while3A_188 : i32
    %while3A_190 = arith.constant 1 : i32
    %while3A_191 = scf.for %while3A_426 = %while3A_182 to %while3A_189 step %while3A_190 iter_args(%while3A_427 = %while3A_183) -> (i32)  : i32 {
      %mul3A_428 = arith.constant 3 : i32
      %mul3A_429 = arith.muli %while3A_426, %mul3A_428 : i32
      %add3A_430 = arith.constant 0 : i32
      %add3A_431 = arith.addi %mul3A_429, %add3A_430 : i32
      %lt3A_432 = arith.cmpi slt, %add3A_431, %select_n3A_132 : i32
      %convert_element_type3A_433 = arith.extui %lt3A_432 : i1 to i32
      %cond3A_434 = arith.constant 0 : i32
      %cond3A_435 = arith.cmpi ne, %convert_element_type3A_433, %cond3A_434 : i32
      scf.if %cond3A_435 {
        %mul3A_453 = arith.constant 128 : i32
        %mul3A_454 = arith.muli %add3A_431, %mul3A_453 : i32
        %add3A_455 = arith.constant 0 : i32
        %add3A_456 = arith.addi %mul3A_454, %add3A_455 : i32
        %get3A_457 = arith.index_cast %add3A_456 : i32 to index
        %get3A_458 = tpu.vector_load %arg7[%get3A_457] {strides = array<i32>} : memref<10368xi32, #tpu.memory_space<vmem>>, vector<16xi32>,
        %masked_sort3A = arith.constant dense<true> : vector<16xi1>
        %masked_sort3A_459 = arith.constant -2147483648 : i32
        %masked_sort3A_460 = vector.broadcast %masked_sort3A_459 : i32 to vector<16xi32>
        %masked_sort3A_461 = arith.xori %get3A_458, %masked_sort3A_460 : vector<16xi32>
        %masked_sort3A_462, %masked_sort3A_463, %masked_sort3A_464 = tpu.sort %masked_sort3A_461, %get3A_458 masked %masked_sort3A : (vector<16xi32>, vector<16xi32>, vector<16xi1>) -> (vector<16xi1>, vector<16xi32>, vector<16xi32>)
        %masked_sort3A_465 = arith.xori %masked_sort3A_463, %masked_sort3A_460 : vector<16xi32>
        %add3A_466 = arith.constant 15 : i32
        %add3A_467 = vector.broadcast %add3A_466 : i32 to vector<16xi32>
        %add3A_468 = arith.addi %iota3A, %add3A_467 : vector<16xi32>
        %and3A_469 = arith.constant 15 : i32
        %and3A_470 = vector.broadcast %and3A_469 : i32 to vector<16xi32>
        %and3A_471 = arith.andi %add3A_468, %and3A_470 : vector<16xi32>
        %lt3A_472 = arith.constant 0 : i32
        %lt3A_473 = vector.broadcast %lt3A_472 : i32 to vector<16xi32>
        %lt3A_474 = arith.cmpi slt, %and3A_471, %lt3A_473 : vector<16xi32>
        %add3A_475 = arith.constant 16 : i32
        %add3A_476 = vector.broadcast %add3A_475 : i32 to vector<16xi32>
        %add3A_477 = arith.addi %and3A_471, %add3A_476 : vector<16xi32>
        %select_n3A_478 = arith.select %lt3A_474, %add3A_477, %and3A_471 : vector<16xi1>, vector<16xi32>
        %broadcast_in_dim3A_479 = vector.shape_cast %select_n3A_478 : vector<16xi32> to vector<16x1xi32>
        %gather3A = vector.shape_cast %broadcast_in_dim3A_479 : vector<16x1xi32> to vector<16xi32>
        %gather3A_480 = tpu.dynamic_gather %masked_sort3A_465[%gather3A] in [0] : vector<16xi32>, vector<16xi32> -> vector<16xi32>
        %add3A_481 = arith.constant 1 : i32
        %add3A_482 = vector.broadcast %add3A_481 : i32 to vector<16xi32>
        %add3A_483 = arith.addi %iota3A, %add3A_482 : vector<16xi32>
        %and3A_484 = arith.constant 15 : i32
        %and3A_485 = vector.broadcast %and3A_484 : i32 to vector<16xi32>
        %and3A_486 = arith.andi %add3A_483, %and3A_485 : vector<16xi32>
        %lt3A_487 = arith.constant 0 : i32
        %lt3A_488 = vector.broadcast %lt3A_487 : i32 to vector<16xi32>
        %lt3A_489 = arith.cmpi slt, %and3A_486, %lt3A_488 : vector<16xi32>
        %add3A_490 = arith.constant 16 : i32
        %add3A_491 = vector.broadcast %add3A_490 : i32 to vector<16xi32>
        %add3A_492 = arith.addi %and3A_486, %add3A_491 : vector<16xi32>
        %select_n3A_493 = arith.select %lt3A_489, %add3A_492, %and3A_486 : vector<16xi1>, vector<16xi32>
        %broadcast_in_dim3A_494 = vector.shape_cast %select_n3A_493 : vector<16xi32> to vector<16x1xi32>
        %gather3A_495 = vector.shape_cast %broadcast_in_dim3A_494 : vector<16x1xi32> to vector<16xi32>
        %gather3A_496 = tpu.dynamic_gather %masked_sort3A_465[%gather3A_495] in [0] : vector<16xi32>, vector<16xi32> -> vector<16xi32>
        %eq3A_497 = arith.constant 0 : i32
        %eq3A_498 = vector.broadcast %eq3A_497 : i32 to vector<16xi32>
        %eq3A_499 = arith.cmpi eq, %iota3A, %eq3A_498 : vector<16xi32>
        %ne3A_500 = arith.cmpi ne, %masked_sort3A_465, %gather3A_480 : vector<16xi32>
        %or3A_501 = arith.ori %eq3A_499, %ne3A_500 : vector<16xi1>
        %jit3A_502 = arith.constant 0 : i32
        %broadcast_in_dim3A_503 = vector.broadcast %jit3A_502 : i32 to vector<16xi32>
        %select_n3A_504 = arith.select %or3A_501, %iota3A, %broadcast_in_dim3A_503 : vector<16xi1>, vector<16xi32>
        %broadcast_in_dim3A_505 = arith.constant true
        %broadcast_in_dim3A_506 = vector.broadcast %broadcast_in_dim3A_505 : i1 to vector<16xi1>
        %masked_cummax3A = arith.constant -2147483648 : i32
        %masked_cummax3A_507 = vector.broadcast %masked_cummax3A : i32 to vector<16xi32>
        %masked_cummax3A_508 = arith.xori %select_n3A_504, %masked_cummax3A_507 : vector<16xi32>
        %masked_cummax3A_509 = tpu.scan <max>, %masked_cummax3A_508 masked %broadcast_in_dim3A_506 : vector<16xi32>, vector<16xi1> -> vector<16xi32>
        %masked_cummax3A_510 = arith.xori %masked_cummax3A_509, %masked_cummax3A_507 : vector<16xi32>
        %eq3A_511 = arith.constant 15 : i32
        %eq3A_512 = vector.broadcast %eq3A_511 : i32 to vector<16xi32>
        %eq3A_513 = arith.cmpi eq, %iota3A, %eq3A_512 : vector<16xi32>
        %ne3A_514 = arith.cmpi ne, %masked_sort3A_465, %gather3A_496 : vector<16xi32>
        %or3A_515 = arith.ori %eq3A_513, %ne3A_514 : vector<16xi1>
        %ne3A_516 = arith.constant 2047 : i32
        %ne3A_517 = vector.broadcast %ne3A_516 : i32 to vector<16xi32>
        %ne3A_518 = arith.cmpi ne, %masked_sort3A_465, %ne3A_517 : vector<16xi32>
        %and3A_519 = arith.andi %or3A_515, %ne3A_518 : vector<16xi1>
        %sub3A_520 = arith.subi %iota3A, %masked_cummax3A_510 : vector<16xi32>
        %add3A_521 = arith.constant 1 : i32
        %add3A_522 = vector.broadcast %add3A_521 : i32 to vector<16xi32>
        %add3A_523 = arith.addi %sub3A_520, %add3A_522 : vector<16xi32>
        %convert_element_type3A_524 = arith.sitofp %add3A_523 : vector<16xi32> to vector<16xf32>
        %and3A_525 = arith.constant 15 : i32
        %and3A_526 = vector.broadcast %and3A_525 : i32 to vector<16xi32>
        %and3A_527 = arith.andi %masked_sort3A_465, %and3A_526 : vector<16xi32>
        %shift_right_arithmetic3A = arith.constant 4 : i32
        %shift_right_arithmetic3A_528 = vector.broadcast %shift_right_arithmetic3A : i32 to vector<16xi32>
        %shift_right_arithmetic3A_529 = arith.shrsi %masked_sort3A_465, %shift_right_arithmetic3A_528 : vector<16xi32>
        tpu.vector_store_idx %arg13[%and3A_527, %shift_right_arithmetic3A_529], %convert_element_type3A_524 masked %and3A_519 {add = true} : memref<16x128xf32, #tpu.memory_space<vmem>>[vector<16xi32>, vector<16xi32>], vector<16xf32>, vector<16xi1>
        %mul3A_530 = arith.constant 128 : i32
        %mul3A_531 = arith.muli %add3A_431, %mul3A_530 : i32
        %add3A_532 = arith.constant 16 : i32
        %add3A_533 = arith.addi %mul3A_531, %add3A_532 : i32
        %get3A_534 = arith.index_cast %add3A_533 : i32 to index
        %get3A_535 = tpu.vector_load %arg7[%get3A_534] {strides = array<i32>} : memref<10368xi32, #tpu.memory_space<vmem>>, vector<16xi32>,
        %masked_sort3A_536 = arith.constant dense<true> : vector<16xi1>
        %masked_sort3A_537 = arith.constant -2147483648 : i32
        %masked_sort3A_538 = vector.broadcast %masked_sort3A_537 : i32 to vector<16xi32>
        %masked_sort3A_539 = arith.xori %get3A_535, %masked_sort3A_538 : vector<16xi32>
        %masked_sort3A_540, %masked_sort3A_541, %masked_sort3A_542 = tpu.sort %masked_sort3A_539, %get3A_535 masked %masked_sort3A_536 : (vector<16xi32>, vector<16xi32>, vector<16xi1>) -> (vector<16xi1>, vector<16xi32>, vector<16xi32>)
        %masked_sort3A_543 = arith.xori %masked_sort3A_541, %masked_sort3A_538 : vector<16xi32>
        %add3A_544 = arith.constant 15 : i32
        %add3A_545 = vector.broadcast %add3A_544 : i32 to vector<16xi32>
        %add3A_546 = arith.addi %iota3A, %add3A_545 : vector<16xi32>
        %and3A_547 = arith.constant 15 : i32
        %and3A_548 = vector.broadcast %and3A_547 : i32 to vector<16xi32>
        %and3A_549 = arith.andi %add3A_546, %and3A_548 : vector<16xi32>
        %lt3A_550 = arith.constant 0 : i32
        %lt3A_551 = vector.broadcast %lt3A_550 : i32 to vector<16xi32>
        %lt3A_552 = arith.cmpi slt, %and3A_549, %lt3A_551 : vector<16xi32>
        %add3A_553 = arith.constant 16 : i32
        %add3A_554 = vector.broadcast %add3A_553 : i32 to vector<16xi32>
        %add3A_555 = arith.addi %and3A_549, %add3A_554 : vector<16xi32>
        %select_n3A_556 = arith.select %lt3A_552, %add3A_555, %and3A_549 : vector<16xi1>, vector<16xi32>
        %broadcast_in_dim3A_557 = vector.shape_cast %select_n3A_556 : vector<16xi32> to vector<16x1xi32>
        %gather3A_558 = vector.shape_cast %broadcast_in_dim3A_557 : vector<16x1xi32> to vector<16xi32>
        %gather3A_559 = tpu.dynamic_gather %masked_sort3A_543[%gather3A_558] in [0] : vector<16xi32>, vector<16xi32> -> vector<16xi32>
        %add3A_560 = arith.constant 1 : i32
        %add3A_561 = vector.broadcast %add3A_560 : i32 to vector<16xi32>
        %add3A_562 = arith.addi %iota3A, %add3A_561 : vector<16xi32>
        %and3A_563 = arith.constant 15 : i32
        %and3A_564 = vector.broadcast %and3A_563 : i32 to vector<16xi32>
        %and3A_565 = arith.andi %add3A_562, %and3A_564 : vector<16xi32>
        %lt3A_566 = arith.constant 0 : i32
        %lt3A_567 = vector.broadcast %lt3A_566 : i32 to vector<16xi32>
        %lt3A_568 = arith.cmpi slt, %and3A_565, %lt3A_567 : vector<16xi32>
        %add3A_569 = arith.constant 16 : i32
        %add3A_570 = vector.broadcast %add3A_569 : i32 to vector<16xi32>
        %add3A_571 = arith.addi %and3A_565, %add3A_570 : vector<16xi32>
        %select_n3A_572 = arith.select %lt3A_568, %add3A_571, %and3A_565 : vector<16xi1>, vector<16xi32>
        %broadcast_in_dim3A_573 = vector.shape_cast %select_n3A_572 : vector<16xi32> to vector<16x1xi32>
        %gather3A_574 = vector.shape_cast %broadcast_in_dim3A_573 : vector<16x1xi32> to vector<16xi32>
        %gather3A_575 = tpu.dynamic_gather %masked_sort3A_543[%gather3A_574] in [0] : vector<16xi32>, vector<16xi32> -> vector<16xi32>
        %eq3A_576 = arith.constant 0 : i32
        %eq3A_577 = vector.broadcast %eq3A_576 : i32 to vector<16xi32>
        %eq3A_578 = arith.cmpi eq, %iota3A, %eq3A_577 : vector<16xi32>
        %ne3A_579 = arith.cmpi ne, %masked_sort3A_543, %gather3A_559 : vector<16xi32>
        %or3A_580 = arith.ori %eq3A_578, %ne3A_579 : vector<16xi1>
        %jit3A_581 = arith.constant 0 : i32
        %broadcast_in_dim3A_582 = vector.broadcast %jit3A_581 : i32 to vector<16xi32>
        %select_n3A_583 = arith.select %or3A_580, %iota3A, %broadcast_in_dim3A_582 : vector<16xi1>, vector<16xi32>
        %broadcast_in_dim3A_584 = arith.constant true
        %broadcast_in_dim3A_585 = vector.broadcast %broadcast_in_dim3A_584 : i1 to vector<16xi1>
        %masked_cummax3A_586 = arith.constant -2147483648 : i32
        %masked_cummax3A_587 = vector.broadcast %masked_cummax3A_586 : i32 to vector<16xi32>
        %masked_cummax3A_588 = arith.xori %select_n3A_583, %masked_cummax3A_587 : vector<16xi32>
        %masked_cummax3A_589 = tpu.scan <max>, %masked_cummax3A_588 masked %broadcast_in_dim3A_585 : vector<16xi32>, vector<16xi1> -> vector<16xi32>
        %masked_cummax3A_590 = arith.xori %masked_cummax3A_589, %masked_cummax3A_587 : vector<16xi32>
        %eq3A_591 = arith.constant 15 : i32
        %eq3A_592 = vector.broadcast %eq3A_591 : i32 to vector<16xi32>
        %eq3A_593 = arith.cmpi eq, %iota3A, %eq3A_592 : vector<16xi32>
        %ne3A_594 = arith.cmpi ne, %masked_sort3A_543, %gather3A_575 : vector<16xi32>
        %or3A_595 = arith.ori %eq3A_593, %ne3A_594 : vector<16xi1>
        %ne3A_596 = arith.constant 2047 : i32
        %ne3A_597 = vector.broadcast %ne3A_596 : i32 to vector<16xi32>
        %ne3A_598 = arith.cmpi ne, %masked_sort3A_543, %ne3A_597 : vector<16xi32>
        %and3A_599 = arith.andi %or3A_595, %ne3A_598 : vector<16xi1>
        %sub3A_600 = arith.subi %iota3A, %masked_cummax3A_590 : vector<16xi32>
        %add3A_601 = arith.constant 1 : i32
        %add3A_602 = vector.broadcast %add3A_601 : i32 to vector<16xi32>
        %add3A_603 = arith.addi %sub3A_600, %add3A_602 : vector<16xi32>
        %convert_element_type3A_604 = arith.sitofp %add3A_603 : vector<16xi32> to vector<16xf32>
        %and3A_605 = arith.constant 15 : i32
        %and3A_606 = vector.broadcast %and3A_605 : i32 to vector<16xi32>
        %and3A_607 = arith.andi %masked_sort3A_543, %and3A_606 : vector<16xi32>
        %shift_right_arithmetic3A_608 = arith.constant 4 : i32
        %shift_right_arithmetic3A_609 = vector.broadcast %shift_right_arithmetic3A_608 : i32 to vector<16xi32>
        %shift_right_arithmetic3A_610 = arith.shrsi %masked_sort3A_543, %shift_right_arithmetic3A_609 : vector<16xi32>
        tpu.vector_store_idx %arg13[%and3A_607, %shift_right_arithmetic3A_610], %convert_element_type3A_604 masked %and3A_599 {add = true} : memref<16x128xf32, #tpu.memory_space<vmem>>[vector<16xi32>, vector<16xi32>], vector<16xf32>, vector<16xi1>
        %mul3A_611 = arith.constant 128 : i32
        %mul3A_612 = arith.muli %add3A_431, %mul3A_611 : i32
        %add3A_613 = arith.constant 32 : i32
        %add3A_614 = arith.addi %mul3A_612, %add3A_613 : i32
        %get3A_615 = arith.index_cast %add3A_614 : i32 to index
        %get3A_616 = tpu.vector_load %arg7[%get3A_615] {strides = array<i32>} : memref<10368xi32, #tpu.memory_space<vmem>>, vector<16xi32>,
        %masked_sort3A_617 = arith.constant dense<true> : vector<16xi1>
        %masked_sort3A_618 = arith.constant -2147483648 : i32
        %masked_sort3A_619 = vector.broadcast %masked_sort3A_618 : i32 to vector<16xi32>
        %masked_sort3A_620 = arith.xori %get3A_616, %masked_sort3A_619 : vector<16xi32>
        %masked_sort3A_621, %masked_sort3A_622, %masked_sort3A_623 = tpu.sort %masked_sort3A_620, %get3A_616 masked %masked_sort3A_617 : (vector<16xi32>, vector<16xi32>, vector<16xi1>) -> (vector<16xi1>, vector<16xi32>, vector<16xi32>)
        %masked_sort3A_624 = arith.xori %masked_sort3A_622, %masked_sort3A_619 : vector<16xi32>
        %add3A_625 = arith.constant 15 : i32
        %add3A_626 = vector.broadcast %add3A_625 : i32 to vector<16xi32>
        %add3A_627 = arith.addi %iota3A, %add3A_626 : vector<16xi32>
        %and3A_628 = arith.constant 15 : i32
        %and3A_629 = vector.broadcast %and3A_628 : i32 to vector<16xi32>
        %and3A_630 = arith.andi %add3A_627, %and3A_629 : vector<16xi32>
        %lt3A_631 = arith.constant 0 : i32
        %lt3A_632 = vector.broadcast %lt3A_631 : i32 to vector<16xi32>
        %lt3A_633 = arith.cmpi slt, %and3A_630, %lt3A_632 : vector<16xi32>
        %add3A_634 = arith.constant 16 : i32
        %add3A_635 = vector.broadcast %add3A_634 : i32 to vector<16xi32>
        %add3A_636 = arith.addi %and3A_630, %add3A_635 : vector<16xi32>
        %select_n3A_637 = arith.select %lt3A_633, %add3A_636, %and3A_630 : vector<16xi1>, vector<16xi32>
        %broadcast_in_dim3A_638 = vector.shape_cast %select_n3A_637 : vector<16xi32> to vector<16x1xi32>
        %gather3A_639 = vector.shape_cast %broadcast_in_dim3A_638 : vector<16x1xi32> to vector<16xi32>
        %gather3A_640 = tpu.dynamic_gather %masked_sort3A_624[%gather3A_639] in [0] : vector<16xi32>, vector<16xi32> -> vector<16xi32>
        %add3A_641 = arith.constant 1 : i32
        %add3A_642 = vector.broadcast %add3A_641 : i32 to vector<16xi32>
        %add3A_643 = arith.addi %iota3A, %add3A_642 : vector<16xi32>
        %and3A_644 = arith.constant 15 : i32
        %and3A_645 = vector.broadcast %and3A_644 : i32 to vector<16xi32>
        %and3A_646 = arith.andi %add3A_643, %and3A_645 : vector<16xi32>
        %lt3A_647 = arith.constant 0 : i32
        %lt3A_648 = vector.broadcast %lt3A_647 : i32 to vector<16xi32>
        %lt3A_649 = arith.cmpi slt, %and3A_646, %lt3A_648 : vector<16xi32>
        %add3A_650 = arith.constant 16 : i32
        %add3A_651 = vector.broadcast %add3A_650 : i32 to vector<16xi32>
        %add3A_652 = arith.addi %and3A_646, %add3A_651 : vector<16xi32>
        %select_n3A_653 = arith.select %lt3A_649, %add3A_652, %and3A_646 : vector<16xi1>, vector<16xi32>
        %broadcast_in_dim3A_654 = vector.shape_cast %select_n3A_653 : vector<16xi32> to vector<16x1xi32>
        %gather3A_655 = vector.shape_cast %broadcast_in_dim3A_654 : vector<16x1xi32> to vector<16xi32>
        %gather3A_656 = tpu.dynamic_gather %masked_sort3A_624[%gather3A_655] in [0] : vector<16xi32>, vector<16xi32> -> vector<16xi32>
        %eq3A_657 = arith.constant 0 : i32
        %eq3A_658 = vector.broadcast %eq3A_657 : i32 to vector<16xi32>
        %eq3A_659 = arith.cmpi eq, %iota3A, %eq3A_658 : vector<16xi32>
        %ne3A_660 = arith.cmpi ne, %masked_sort3A_624, %gather3A_640 : vector<16xi32>
        %or3A_661 = arith.ori %eq3A_659, %ne3A_660 : vector<16xi1>
        %jit3A_662 = arith.constant 0 : i32
        %broadcast_in_dim3A_663 = vector.broadcast %jit3A_662 : i32 to vector<16xi32>
        %select_n3A_664 = arith.select %or3A_661, %iota3A, %broadcast_in_dim3A_663 : vector<16xi1>, vector<16xi32>
        %broadcast_in_dim3A_665 = arith.constant true
        %broadcast_in_dim3A_666 = vector.broadcast %broadcast_in_dim3A_665 : i1 to vector<16xi1>
        %masked_cummax3A_667 = arith.constant -2147483648 : i32
        %masked_cummax3A_668 = vector.broadcast %masked_cummax3A_667 : i32 to vector<16xi32>
        %masked_cummax3A_669 = arith.xori %select_n3A_664, %masked_cummax3A_668 : vector<16xi32>
        %masked_cummax3A_670 = tpu.scan <max>, %masked_cummax3A_669 masked %broadcast_in_dim3A_666 : vector<16xi32>, vector<16xi1> -> vector<16xi32>
        %masked_cummax3A_671 = arith.xori %masked_cummax3A_670, %masked_cummax3A_668 : vector<16xi32>
        %eq3A_672 = arith.constant 15 : i32
        %eq3A_673 = vector.broadcast %eq3A_672 : i32 to vector<16xi32>
        %eq3A_674 = arith.cmpi eq, %iota3A, %eq3A_673 : vector<16xi32>
        %ne3A_675 = arith.cmpi ne, %masked_sort3A_624, %gather3A_656 : vector<16xi32>
        %or3A_676 = arith.ori %eq3A_674, %ne3A_675 : vector<16xi1>
        %ne3A_677 = arith.constant 2047 : i32
        %ne3A_678 = vector.broadcast %ne3A_677 : i32 to vector<16xi32>
        %ne3A_679 = arith.cmpi ne, %masked_sort3A_624, %ne3A_678 : vector<16xi32>
        %and3A_680 = arith.andi %or3A_676, %ne3A_679 : vector<16xi1>
        %sub3A_681 = arith.subi %iota3A, %masked_cummax3A_671 : vector<16xi32>
        %add3A_682 = arith.constant 1 : i32
        %add3A_683 = vector.broadcast %add3A_682 : i32 to vector<16xi32>
        %add3A_684 = arith.addi %sub3A_681, %add3A_683 : vector<16xi32>
        %convert_element_type3A_685 = arith.sitofp %add3A_684 : vector<16xi32> to vector<16xf32>
        %and3A_686 = arith.constant 15 : i32
        %and3A_687 = vector.broadcast %and3A_686 : i32 to vector<16xi32>
        %and3A_688 = arith.andi %masked_sort3A_624, %and3A_687 : vector<16xi32>
        %shift_right_arithmetic3A_689 = arith.constant 4 : i32
        %shift_right_arithmetic3A_690 = vector.broadcast %shift_right_arithmetic3A_689 : i32 to vector<16xi32>
        %shift_right_arithmetic3A_691 = arith.shrsi %masked_sort3A_624, %shift_right_arithmetic3A_690 : vector<16xi32>
        tpu.vector_store_idx %arg13[%and3A_688, %shift_right_arithmetic3A_691], %convert_element_type3A_685 masked %and3A_680 {add = true} : memref<16x128xf32, #tpu.memory_space<vmem>>[vector<16xi32>, vector<16xi32>], vector<16xf32>, vector<16xi1>
        %mul3A_692 = arith.constant 128 : i32
        %mul3A_693 = arith.muli %add3A_431, %mul3A_692 : i32
        %add3A_694 = arith.constant 48 : i32
        %add3A_695 = arith.addi %mul3A_693, %add3A_694 : i32
        %get3A_696 = arith.index_cast %add3A_695 : i32 to index
        %get3A_697 = tpu.vector_load %arg7[%get3A_696] {strides = array<i32>} : memref<10368xi32, #tpu.memory_space<vmem>>, vector<16xi32>,
        %masked_sort3A_698 = arith.constant dense<true> : vector<16xi1>
        %masked_sort3A_699 = arith.constant -2147483648 : i32
        %masked_sort3A_700 = vector.broadcast %masked_sort3A_699 : i32 to vector<16xi32>
        %masked_sort3A_701 = arith.xori %get3A_697, %masked_sort3A_700 : vector<16xi32>
        %masked_sort3A_702, %masked_sort3A_703, %masked_sort3A_704 = tpu.sort %masked_sort3A_701, %get3A_697 masked %masked_sort3A_698 : (vector<16xi32>, vector<16xi32>, vector<16xi1>) -> (vector<16xi1>, vector<16xi32>, vector<16xi32>)
        %masked_sort3A_705 = arith.xori %masked_sort3A_703, %masked_sort3A_700 : vector<16xi32>
        %add3A_706 = arith.constant 15 : i32
        %add3A_707 = vector.broadcast %add3A_706 : i32 to vector<16xi32>
        %add3A_708 = arith.addi %iota3A, %add3A_707 : vector<16xi32>
        %and3A_709 = arith.constant 15 : i32
        %and3A_710 = vector.broadcast %and3A_709 : i32 to vector<16xi32>
        %and3A_711 = arith.andi %add3A_708, %and3A_710 : vector<16xi32>
        %lt3A_712 = arith.constant 0 : i32
        %lt3A_713 = vector.broadcast %lt3A_712 : i32 to vector<16xi32>
        %lt3A_714 = arith.cmpi slt, %and3A_711, %lt3A_713 : vector<16xi32>
        %add3A_715 = arith.constant 16 : i32
        %add3A_716 = vector.broadcast %add3A_715 : i32 to vector<16xi32>
        %add3A_717 = arith.addi %and3A_711, %add3A_716 : vector<16xi32>
        %select_n3A_718 = arith.select %lt3A_714, %add3A_717, %and3A_711 : vector<16xi1>, vector<16xi32>
        %broadcast_in_dim3A_719 = vector.shape_cast %select_n3A_718 : vector<16xi32> to vector<16x1xi32>
        %gather3A_720 = vector.shape_cast %broadcast_in_dim3A_719 : vector<16x1xi32> to vector<16xi32>
        %gather3A_721 = tpu.dynamic_gather %masked_sort3A_705[%gather3A_720] in [0] : vector<16xi32>, vector<16xi32> -> vector<16xi32>
        %add3A_722 = arith.constant 1 : i32
        %add3A_723 = vector.broadcast %add3A_722 : i32 to vector<16xi32>
        %add3A_724 = arith.addi %iota3A, %add3A_723 : vector<16xi32>
        %and3A_725 = arith.constant 15 : i32
        %and3A_726 = vector.broadcast %and3A_725 : i32 to vector<16xi32>
        %and3A_727 = arith.andi %add3A_724, %and3A_726 : vector<16xi32>
        %lt3A_728 = arith.constant 0 : i32
        %lt3A_729 = vector.broadcast %lt3A_728 : i32 to vector<16xi32>
        %lt3A_730 = arith.cmpi slt, %and3A_727, %lt3A_729 : vector<16xi32>
        %add3A_731 = arith.constant 16 : i32
        %add3A_732 = vector.broadcast %add3A_731 : i32 to vector<16xi32>
        %add3A_733 = arith.addi %and3A_727, %add3A_732 : vector<16xi32>
        %select_n3A_734 = arith.select %lt3A_730, %add3A_733, %and3A_727 : vector<16xi1>, vector<16xi32>
        %broadcast_in_dim3A_735 = vector.shape_cast %select_n3A_734 : vector<16xi32> to vector<16x1xi32>
        %gather3A_736 = vector.shape_cast %broadcast_in_dim3A_735 : vector<16x1xi32> to vector<16xi32>
        %gather3A_737 = tpu.dynamic_gather %masked_sort3A_705[%gather3A_736] in [0] : vector<16xi32>, vector<16xi32> -> vector<16xi32>
        %eq3A_738 = arith.constant 0 : i32
        %eq3A_739 = vector.broadcast %eq3A_738 : i32 to vector<16xi32>
        %eq3A_740 = arith.cmpi eq, %iota3A, %eq3A_739 : vector<16xi32>
        %ne3A_741 = arith.cmpi ne, %masked_sort3A_705, %gather3A_721 : vector<16xi32>
        %or3A_742 = arith.ori %eq3A_740, %ne3A_741 : vector<16xi1>
        %jit3A_743 = arith.constant 0 : i32
        %broadcast_in_dim3A_744 = vector.broadcast %jit3A_743 : i32 to vector<16xi32>
        %select_n3A_745 = arith.select %or3A_742, %iota3A, %broadcast_in_dim3A_744 : vector<16xi1>, vector<16xi32>
        %broadcast_in_dim3A_746 = arith.constant true
        %broadcast_in_dim3A_747 = vector.broadcast %broadcast_in_dim3A_746 : i1 to vector<16xi1>
        %masked_cummax3A_748 = arith.constant -2147483648 : i32
        %masked_cummax3A_749 = vector.broadcast %masked_cummax3A_748 : i32 to vector<16xi32>
        %masked_cummax3A_750 = arith.xori %select_n3A_745, %masked_cummax3A_749 : vector<16xi32>
        %masked_cummax3A_751 = tpu.scan <max>, %masked_cummax3A_750 masked %broadcast_in_dim3A_747 : vector<16xi32>, vector<16xi1> -> vector<16xi32>
        %masked_cummax3A_752 = arith.xori %masked_cummax3A_751, %masked_cummax3A_749 : vector<16xi32>
        %eq3A_753 = arith.constant 15 : i32
        %eq3A_754 = vector.broadcast %eq3A_753 : i32 to vector<16xi32>
        %eq3A_755 = arith.cmpi eq, %iota3A, %eq3A_754 : vector<16xi32>
        %ne3A_756 = arith.cmpi ne, %masked_sort3A_705, %gather3A_737 : vector<16xi32>
        %or3A_757 = arith.ori %eq3A_755, %ne3A_756 : vector<16xi1>
        %ne3A_758 = arith.constant 2047 : i32
        %ne3A_759 = vector.broadcast %ne3A_758 : i32 to vector<16xi32>
        %ne3A_760 = arith.cmpi ne, %masked_sort3A_705, %ne3A_759 : vector<16xi32>
        %and3A_761 = arith.andi %or3A_757, %ne3A_760 : vector<16xi1>
        %sub3A_762 = arith.subi %iota3A, %masked_cummax3A_752 : vector<16xi32>
        %add3A_763 = arith.constant 1 : i32
        %add3A_764 = vector.broadcast %add3A_763 : i32 to vector<16xi32>
        %add3A_765 = arith.addi %sub3A_762, %add3A_764 : vector<16xi32>
        %convert_element_type3A_766 = arith.sitofp %add3A_765 : vector<16xi32> to vector<16xf32>
        %and3A_767 = arith.constant 15 : i32
        %and3A_768 = vector.broadcast %and3A_767 : i32 to vector<16xi32>
        %and3A_769 = arith.andi %masked_sort3A_705, %and3A_768 : vector<16xi32>
        %shift_right_arithmetic3A_770 = arith.constant 4 : i32
        %shift_right_arithmetic3A_771 = vector.broadcast %shift_right_arithmetic3A_770 : i32 to vector<16xi32>
        %shift_right_arithmetic3A_772 = arith.shrsi %masked_sort3A_705, %shift_right_arithmetic3A_771 : vector<16xi32>
        tpu.vector_store_idx %arg13[%and3A_769, %shift_right_arithmetic3A_772], %convert_element_type3A_766 masked %and3A_761 {add = true} : memref<16x128xf32, #tpu.memory_space<vmem>>[vector<16xi32>, vector<16xi32>], vector<16xf32>, vector<16xi1>
        %mul3A_773 = arith.constant 128 : i32
        %mul3A_774 = arith.muli %add3A_431, %mul3A_773 : i32
        %add3A_775 = arith.constant 64 : i32
        %add3A_776 = arith.addi %mul3A_774, %add3A_775 : i32
        %get3A_777 = arith.index_cast %add3A_776 : i32 to index
        %get3A_778 = tpu.vector_load %arg7[%get3A_777] {strides = array<i32>} : memref<10368xi32, #tpu.memory_space<vmem>>, vector<16xi32>,
        %masked_sort3A_779 = arith.constant dense<true> : vector<16xi1>
        %masked_sort3A_780 = arith.constant -2147483648 : i32
        %masked_sort3A_781 = vector.broadcast %masked_sort3A_780 : i32 to vector<16xi32>
        %masked_sort3A_782 = arith.xori %get3A_778, %masked_sort3A_781 : vector<16xi32>
        %masked_sort3A_783, %masked_sort3A_784, %masked_sort3A_785 = tpu.sort %masked_sort3A_782, %get3A_778 masked %masked_sort3A_779 : (vector<16xi32>, vector<16xi32>, vector<16xi1>) -> (vector<16xi1>, vector<16xi32>, vector<16xi32>)
        %masked_sort3A_786 = arith.xori %masked_sort3A_784, %masked_sort3A_781 : vector<16xi32>
        %add3A_787 = arith.constant 15 : i32
        %add3A_788 = vector.broadcast %add3A_787 : i32 to vector<16xi32>
        %add3A_789 = arith.addi %iota3A, %add3A_788 : vector<16xi32>
        %and3A_790 = arith.constant 15 : i32
        %and3A_791 = vector.broadcast %and3A_790 : i32 to vector<16xi32>
        %and3A_792 = arith.andi %add3A_789, %and3A_791 : vector<16xi32>
        %lt3A_793 = arith.constant 0 : i32
        %lt3A_794 = vector.broadcast %lt3A_793 : i32 to vector<16xi32>
        %lt3A_795 = arith.cmpi slt, %and3A_792, %lt3A_794 : vector<16xi32>
        %add3A_796 = arith.constant 16 : i32
        %add3A_797 = vector.broadcast %add3A_796 : i32 to vector<16xi32>
        %add3A_798 = arith.addi %and3A_792, %add3A_797 : vector<16xi32>
        %select_n3A_799 = arith.select %lt3A_795, %add3A_798, %and3A_792 : vector<16xi1>, vector<16xi32>
        %broadcast_in_dim3A_800 = vector.shape_cast %select_n3A_799 : vector<16xi32> to vector<16x1xi32>
        %gather3A_801 = vector.shape_cast %broadcast_in_dim3A_800 : vector<16x1xi32> to vector<16xi32>
        %gather3A_802 = tpu.dynamic_gather %masked_sort3A_786[%gather3A_801] in [0] : vector<16xi32>, vector<16xi32> -> vector<16xi32>
        %add3A_803 = arith.constant 1 : i32
        %add3A_804 = vector.broadcast %add3A_803 : i32 to vector<16xi32>
        %add3A_805 = arith.addi %iota3A, %add3A_804 : vector<16xi32>
        %and3A_806 = arith.constant 15 : i32
        %and3A_807 = vector.broadcast %and3A_806 : i32 to vector<16xi32>
        %and3A_808 = arith.andi %add3A_805, %and3A_807 : vector<16xi32>
        %lt3A_809 = arith.constant 0 : i32
        %lt3A_810 = vector.broadcast %lt3A_809 : i32 to vector<16xi32>
        %lt3A_811 = arith.cmpi slt, %and3A_808, %lt3A_810 : vector<16xi32>
        %add3A_812 = arith.constant 16 : i32
        %add3A_813 = vector.broadcast %add3A_812 : i32 to vector<16xi32>
        %add3A_814 = arith.addi %and3A_808, %add3A_813 : vector<16xi32>
        %select_n3A_815 = arith.select %lt3A_811, %add3A_814, %and3A_808 : vector<16xi1>, vector<16xi32>
        %broadcast_in_dim3A_816 = vector.shape_cast %select_n3A_815 : vector<16xi32> to vector<16x1xi32>
        %gather3A_817 = vector.shape_cast %broadcast_in_dim3A_816 : vector<16x1xi32> to vector<16xi32>
        %gather3A_818 = tpu.dynamic_gather %masked_sort3A_786[%gather3A_817] in [0] : vector<16xi32>, vector<16xi32> -> vector<16xi32>
        %eq3A_819 = arith.constant 0 : i32
        %eq3A_820 = vector.broadcast %eq3A_819 : i32 to vector<16xi32>
        %eq3A_821 = arith.cmpi eq, %iota3A, %eq3A_820 : vector<16xi32>
        %ne3A_822 = arith.cmpi ne, %masked_sort3A_786, %gather3A_802 : vector<16xi32>
        %or3A_823 = arith.ori %eq3A_821, %ne3A_822 : vector<16xi1>
        %jit3A_824 = arith.constant 0 : i32
        %broadcast_in_dim3A_825 = vector.broadcast %jit3A_824 : i32 to vector<16xi32>
        %select_n3A_826 = arith.select %or3A_823, %iota3A, %broadcast_in_dim3A_825 : vector<16xi1>, vector<16xi32>
        %broadcast_in_dim3A_827 = arith.constant true
        %broadcast_in_dim3A_828 = vector.broadcast %broadcast_in_dim3A_827 : i1 to vector<16xi1>
        %masked_cummax3A_829 = arith.constant -2147483648 : i32
        %masked_cummax3A_830 = vector.broadcast %masked_cummax3A_829 : i32 to vector<16xi32>
        %masked_cummax3A_831 = arith.xori %select_n3A_826, %masked_cummax3A_830 : vector<16xi32>
        %masked_cummax3A_832 = tpu.scan <max>, %masked_cummax3A_831 masked %broadcast_in_dim3A_828 : vector<16xi32>, vector<16xi1> -> vector<16xi32>
        %masked_cummax3A_833 = arith.xori %masked_cummax3A_832, %masked_cummax3A_830 : vector<16xi32>
        %eq3A_834 = arith.constant 15 : i32
        %eq3A_835 = vector.broadcast %eq3A_834 : i32 to vector<16xi32>
        %eq3A_836 = arith.cmpi eq, %iota3A, %eq3A_835 : vector<16xi32>
        %ne3A_837 = arith.cmpi ne, %masked_sort3A_786, %gather3A_818 : vector<16xi32>
        %or3A_838 = arith.ori %eq3A_836, %ne3A_837 : vector<16xi1>
        %ne3A_839 = arith.constant 2047 : i32
        %ne3A_840 = vector.broadcast %ne3A_839 : i32 to vector<16xi32>
        %ne3A_841 = arith.cmpi ne, %masked_sort3A_786, %ne3A_840 : vector<16xi32>
        %and3A_842 = arith.andi %or3A_838, %ne3A_841 : vector<16xi1>
        %sub3A_843 = arith.subi %iota3A, %masked_cummax3A_833 : vector<16xi32>
        %add3A_844 = arith.constant 1 : i32
        %add3A_845 = vector.broadcast %add3A_844 : i32 to vector<16xi32>
        %add3A_846 = arith.addi %sub3A_843, %add3A_845 : vector<16xi32>
        %convert_element_type3A_847 = arith.sitofp %add3A_846 : vector<16xi32> to vector<16xf32>
        %and3A_848 = arith.constant 15 : i32
        %and3A_849 = vector.broadcast %and3A_848 : i32 to vector<16xi32>
        %and3A_850 = arith.andi %masked_sort3A_786, %and3A_849 : vector<16xi32>
        %shift_right_arithmetic3A_851 = arith.constant 4 : i32
        %shift_right_arithmetic3A_852 = vector.broadcast %shift_right_arithmetic3A_851 : i32 to vector<16xi32>
        %shift_right_arithmetic3A_853 = arith.shrsi %masked_sort3A_786, %shift_right_arithmetic3A_852 : vector<16xi32>
        tpu.vector_store_idx %arg13[%and3A_850, %shift_right_arithmetic3A_853], %convert_element_type3A_847 masked %and3A_842 {add = true} : memref<16x128xf32, #tpu.memory_space<vmem>>[vector<16xi32>, vector<16xi32>], vector<16xf32>, vector<16xi1>
        %mul3A_854 = arith.constant 128 : i32
        %mul3A_855 = arith.muli %add3A_431, %mul3A_854 : i32
        %add3A_856 = arith.constant 80 : i32
        %add3A_857 = arith.addi %mul3A_855, %add3A_856 : i32
        %get3A_858 = arith.index_cast %add3A_857 : i32 to index
        %get3A_859 = tpu.vector_load %arg7[%get3A_858] {strides = array<i32>} : memref<10368xi32, #tpu.memory_space<vmem>>, vector<16xi32>,
        %masked_sort3A_860 = arith.constant dense<true> : vector<16xi1>
        %masked_sort3A_861 = arith.constant -2147483648 : i32
        %masked_sort3A_862 = vector.broadcast %masked_sort3A_861 : i32 to vector<16xi32>
        %masked_sort3A_863 = arith.xori %get3A_859, %masked_sort3A_862 : vector<16xi32>
        %masked_sort3A_864, %masked_sort3A_865, %masked_sort3A_866 = tpu.sort %masked_sort3A_863, %get3A_859 masked %masked_sort3A_860 : (vector<16xi32>, vector<16xi32>, vector<16xi1>) -> (vector<16xi1>, vector<16xi32>, vector<16xi32>)
        %masked_sort3A_867 = arith.xori %masked_sort3A_865, %masked_sort3A_862 : vector<16xi32>
        %add3A_868 = arith.constant 15 : i32
        %add3A_869 = vector.broadcast %add3A_868 : i32 to vector<16xi32>
        %add3A_870 = arith.addi %iota3A, %add3A_869 : vector<16xi32>
        %and3A_871 = arith.constant 15 : i32
        %and3A_872 = vector.broadcast %and3A_871 : i32 to vector<16xi32>
        %and3A_873 = arith.andi %add3A_870, %and3A_872 : vector<16xi32>
        %lt3A_874 = arith.constant 0 : i32
        %lt3A_875 = vector.broadcast %lt3A_874 : i32 to vector<16xi32>
        %lt3A_876 = arith.cmpi slt, %and3A_873, %lt3A_875 : vector<16xi32>
        %add3A_877 = arith.constant 16 : i32
        %add3A_878 = vector.broadcast %add3A_877 : i32 to vector<16xi32>
        %add3A_879 = arith.addi %and3A_873, %add3A_878 : vector<16xi32>
        %select_n3A_880 = arith.select %lt3A_876, %add3A_879, %and3A_873 : vector<16xi1>, vector<16xi32>
        %broadcast_in_dim3A_881 = vector.shape_cast %select_n3A_880 : vector<16xi32> to vector<16x1xi32>
        %gather3A_882 = vector.shape_cast %broadcast_in_dim3A_881 : vector<16x1xi32> to vector<16xi32>
        %gather3A_883 = tpu.dynamic_gather %masked_sort3A_867[%gather3A_882] in [0] : vector<16xi32>, vector<16xi32> -> vector<16xi32>
        %add3A_884 = arith.constant 1 : i32
        %add3A_885 = vector.broadcast %add3A_884 : i32 to vector<16xi32>
        %add3A_886 = arith.addi %iota3A, %add3A_885 : vector<16xi32>
        %and3A_887 = arith.constant 15 : i32
        %and3A_888 = vector.broadcast %and3A_887 : i32 to vector<16xi32>
        %and3A_889 = arith.andi %add3A_886, %and3A_888 : vector<16xi32>
        %lt3A_890 = arith.constant 0 : i32
        %lt3A_891 = vector.broadcast %lt3A_890 : i32 to vector<16xi32>
        %lt3A_892 = arith.cmpi slt, %and3A_889, %lt3A_891 : vector<16xi32>
        %add3A_893 = arith.constant 16 : i32
        %add3A_894 = vector.broadcast %add3A_893 : i32 to vector<16xi32>
        %add3A_895 = arith.addi %and3A_889, %add3A_894 : vector<16xi32>
        %select_n3A_896 = arith.select %lt3A_892, %add3A_895, %and3A_889 : vector<16xi1>, vector<16xi32>
        %broadcast_in_dim3A_897 = vector.shape_cast %select_n3A_896 : vector<16xi32> to vector<16x1xi32>
        %gather3A_898 = vector.shape_cast %broadcast_in_dim3A_897 : vector<16x1xi32> to vector<16xi32>
        %gather3A_899 = tpu.dynamic_gather %masked_sort3A_867[%gather3A_898] in [0] : vector<16xi32>, vector<16xi32> -> vector<16xi32>
        %eq3A_900 = arith.constant 0 : i32
        %eq3A_901 = vector.broadcast %eq3A_900 : i32 to vector<16xi32>
        %eq3A_902 = arith.cmpi eq, %iota3A, %eq3A_901 : vector<16xi32>
        %ne3A_903 = arith.cmpi ne, %masked_sort3A_867, %gather3A_883 : vector<16xi32>
        %or3A_904 = arith.ori %eq3A_902, %ne3A_903 : vector<16xi1>
        %jit3A_905 = arith.constant 0 : i32
        %broadcast_in_dim3A_906 = vector.broadcast %jit3A_905 : i32 to vector<16xi32>
        %select_n3A_907 = arith.select %or3A_904, %iota3A, %broadcast_in_dim3A_906 : vector<16xi1>, vector<16xi32>
        %broadcast_in_dim3A_908 = arith.constant true
        %broadcast_in_dim3A_909 = vector.broadcast %broadcast_in_dim3A_908 : i1 to vector<16xi1>
        %masked_cummax3A_910 = arith.constant -2147483648 : i32
        %masked_cummax3A_911 = vector.broadcast %masked_cummax3A_910 : i32 to vector<16xi32>
        %masked_cummax3A_912 = arith.xori %select_n3A_907, %masked_cummax3A_911 : vector<16xi32>
        %masked_cummax3A_913 = tpu.scan <max>, %masked_cummax3A_912 masked %broadcast_in_dim3A_909 : vector<16xi32>, vector<16xi1> -> vector<16xi32>
        %masked_cummax3A_914 = arith.xori %masked_cummax3A_913, %masked_cummax3A_911 : vector<16xi32>
        %eq3A_915 = arith.constant 15 : i32
        %eq3A_916 = vector.broadcast %eq3A_915 : i32 to vector<16xi32>
        %eq3A_917 = arith.cmpi eq, %iota3A, %eq3A_916 : vector<16xi32>
        %ne3A_918 = arith.cmpi ne, %masked_sort3A_867, %gather3A_899 : vector<16xi32>
        %or3A_919 = arith.ori %eq3A_917, %ne3A_918 : vector<16xi1>
        %ne3A_920 = arith.constant 2047 : i32
        %ne3A_921 = vector.broadcast %ne3A_920 : i32 to vector<16xi32>
        %ne3A_922 = arith.cmpi ne, %masked_sort3A_867, %ne3A_921 : vector<16xi32>
        %and3A_923 = arith.andi %or3A_919, %ne3A_922 : vector<16xi1>
        %sub3A_924 = arith.subi %iota3A, %masked_cummax3A_914 : vector<16xi32>
        %add3A_925 = arith.constant 1 : i32
        %add3A_926 = vector.broadcast %add3A_925 : i32 to vector<16xi32>
        %add3A_927 = arith.addi %sub3A_924, %add3A_926 : vector<16xi32>
        %convert_element_type3A_928 = arith.sitofp %add3A_927 : vector<16xi32> to vector<16xf32>
        %and3A_929 = arith.constant 15 : i32
        %and3A_930 = vector.broadcast %and3A_929 : i32 to vector<16xi32>
        %and3A_931 = arith.andi %masked_sort3A_867, %and3A_930 : vector<16xi32>
        %shift_right_arithmetic3A_932 = arith.constant 4 : i32
        %shift_right_arithmetic3A_933 = vector.broadcast %shift_right_arithmetic3A_932 : i32 to vector<16xi32>
        %shift_right_arithmetic3A_934 = arith.shrsi %masked_sort3A_867, %shift_right_arithmetic3A_933 : vector<16xi32>
        tpu.vector_store_idx %arg13[%and3A_931, %shift_right_arithmetic3A_934], %convert_element_type3A_928 masked %and3A_923 {add = true} : memref<16x128xf32, #tpu.memory_space<vmem>>[vector<16xi32>, vector<16xi32>], vector<16xf32>, vector<16xi1>
        %mul3A_935 = arith.constant 128 : i32
        %mul3A_936 = arith.muli %add3A_431, %mul3A_935 : i32
        %add3A_937 = arith.constant 96 : i32
        %add3A_938 = arith.addi %mul3A_936, %add3A_937 : i32
        %get3A_939 = arith.index_cast %add3A_938 : i32 to index
        %get3A_940 = tpu.vector_load %arg7[%get3A_939] {strides = array<i32>} : memref<10368xi32, #tpu.memory_space<vmem>>, vector<16xi32>,
        %masked_sort3A_941 = arith.constant dense<true> : vector<16xi1>
        %masked_sort3A_942 = arith.constant -2147483648 : i32
        %masked_sort3A_943 = vector.broadcast %masked_sort3A_942 : i32 to vector<16xi32>
        %masked_sort3A_944 = arith.xori %get3A_940, %masked_sort3A_943 : vector<16xi32>
        %masked_sort3A_945, %masked_sort3A_946, %masked_sort3A_947 = tpu.sort %masked_sort3A_944, %get3A_940 masked %masked_sort3A_941 : (vector<16xi32>, vector<16xi32>, vector<16xi1>) -> (vector<16xi1>, vector<16xi32>, vector<16xi32>)
        %masked_sort3A_948 = arith.xori %masked_sort3A_946, %masked_sort3A_943 : vector<16xi32>
        %add3A_949 = arith.constant 15 : i32
        %add3A_950 = vector.broadcast %add3A_949 : i32 to vector<16xi32>
        %add3A_951 = arith.addi %iota3A, %add3A_950 : vector<16xi32>
        %and3A_952 = arith.constant 15 : i32
        %and3A_953 = vector.broadcast %and3A_952 : i32 to vector<16xi32>
        %and3A_954 = arith.andi %add3A_951, %and3A_953 : vector<16xi32>
        %lt3A_955 = arith.constant 0 : i32
        %lt3A_956 = vector.broadcast %lt3A_955 : i32 to vector<16xi32>
        %lt3A_957 = arith.cmpi slt, %and3A_954, %lt3A_956 : vector<16xi32>
        %add3A_958 = arith.constant 16 : i32
        %add3A_959 = vector.broadcast %add3A_958 : i32 to vector<16xi32>
        %add3A_960 = arith.addi %and3A_954, %add3A_959 : vector<16xi32>
        %select_n3A_961 = arith.select %lt3A_957, %add3A_960, %and3A_954 : vector<16xi1>, vector<16xi32>
        %broadcast_in_dim3A_962 = vector.shape_cast %select_n3A_961 : vector<16xi32> to vector<16x1xi32>
        %gather3A_963 = vector.shape_cast %broadcast_in_dim3A_962 : vector<16x1xi32> to vector<16xi32>
        %gather3A_964 = tpu.dynamic_gather %masked_sort3A_948[%gather3A_963] in [0] : vector<16xi32>, vector<16xi32> -> vector<16xi32>
        %add3A_965 = arith.constant 1 : i32
        %add3A_966 = vector.broadcast %add3A_965 : i32 to vector<16xi32>
        %add3A_967 = arith.addi %iota3A, %add3A_966 : vector<16xi32>
        %and3A_968 = arith.constant 15 : i32
        %and3A_969 = vector.broadcast %and3A_968 : i32 to vector<16xi32>
        %and3A_970 = arith.andi %add3A_967, %and3A_969 : vector<16xi32>
        %lt3A_971 = arith.constant 0 : i32
        %lt3A_972 = vector.broadcast %lt3A_971 : i32 to vector<16xi32>
        %lt3A_973 = arith.cmpi slt, %and3A_970, %lt3A_972 : vector<16xi32>
        %add3A_974 = arith.constant 16 : i32
        %add3A_975 = vector.broadcast %add3A_974 : i32 to vector<16xi32>
        %add3A_976 = arith.addi %and3A_970, %add3A_975 : vector<16xi32>
        %select_n3A_977 = arith.select %lt3A_973, %add3A_976, %and3A_970 : vector<16xi1>, vector<16xi32>
        %broadcast_in_dim3A_978 = vector.shape_cast %select_n3A_977 : vector<16xi32> to vector<16x1xi32>
        %gather3A_979 = vector.shape_cast %broadcast_in_dim3A_978 : vector<16x1xi32> to vector<16xi32>
        %gather3A_980 = tpu.dynamic_gather %masked_sort3A_948[%gather3A_979] in [0] : vector<16xi32>, vector<16xi32> -> vector<16xi32>
        %eq3A_981 = arith.constant 0 : i32
        %eq3A_982 = vector.broadcast %eq3A_981 : i32 to vector<16xi32>
        %eq3A_983 = arith.cmpi eq, %iota3A, %eq3A_982 : vector<16xi32>
        %ne3A_984 = arith.cmpi ne, %masked_sort3A_948, %gather3A_964 : vector<16xi32>
        %or3A_985 = arith.ori %eq3A_983, %ne3A_984 : vector<16xi1>
        %jit3A_986 = arith.constant 0 : i32
        %broadcast_in_dim3A_987 = vector.broadcast %jit3A_986 : i32 to vector<16xi32>
        %select_n3A_988 = arith.select %or3A_985, %iota3A, %broadcast_in_dim3A_987 : vector<16xi1>, vector<16xi32>
        %broadcast_in_dim3A_989 = arith.constant true
        %broadcast_in_dim3A_990 = vector.broadcast %broadcast_in_dim3A_989 : i1 to vector<16xi1>
        %masked_cummax3A_991 = arith.constant -2147483648 : i32
        %masked_cummax3A_992 = vector.broadcast %masked_cummax3A_991 : i32 to vector<16xi32>
        %masked_cummax3A_993 = arith.xori %select_n3A_988, %masked_cummax3A_992 : vector<16xi32>
        %masked_cummax3A_994 = tpu.scan <max>, %masked_cummax3A_993 masked %broadcast_in_dim3A_990 : vector<16xi32>, vector<16xi1> -> vector<16xi32>
        %masked_cummax3A_995 = arith.xori %masked_cummax3A_994, %masked_cummax3A_992 : vector<16xi32>
        %eq3A_996 = arith.constant 15 : i32
        %eq3A_997 = vector.broadcast %eq3A_996 : i32 to vector<16xi32>
        %eq3A_998 = arith.cmpi eq, %iota3A, %eq3A_997 : vector<16xi32>
        %ne3A_999 = arith.cmpi ne, %masked_sort3A_948, %gather3A_980 : vector<16xi32>
        %or3A_1000 = arith.ori %eq3A_998, %ne3A_999 : vector<16xi1>
        %ne3A_1001 = arith.constant 2047 : i32
        %ne3A_1002 = vector.broadcast %ne3A_1001 : i32 to vector<16xi32>
        %ne3A_1003 = arith.cmpi ne, %masked_sort3A_948, %ne3A_1002 : vector<16xi32>
        %and3A_1004 = arith.andi %or3A_1000, %ne3A_1003 : vector<16xi1>
        %sub3A_1005 = arith.subi %iota3A, %masked_cummax3A_995 : vector<16xi32>
        %add3A_1006 = arith.constant 1 : i32
        %add3A_1007 = vector.broadcast %add3A_1006 : i32 to vector<16xi32>
        %add3A_1008 = arith.addi %sub3A_1005, %add3A_1007 : vector<16xi32>
        %convert_element_type3A_1009 = arith.sitofp %add3A_1008 : vector<16xi32> to vector<16xf32>
        %and3A_1010 = arith.constant 15 : i32
        %and3A_1011 = vector.broadcast %and3A_1010 : i32 to vector<16xi32>
        %and3A_1012 = arith.andi %masked_sort3A_948, %and3A_1011 : vector<16xi32>
        %shift_right_arithmetic3A_1013 = arith.constant 4 : i32
        %shift_right_arithmetic3A_1014 = vector.broadcast %shift_right_arithmetic3A_1013 : i32 to vector<16xi32>
        %shift_right_arithmetic3A_1015 = arith.shrsi %masked_sort3A_948, %shift_right_arithmetic3A_1014 : vector<16xi32>
        tpu.vector_store_idx %arg13[%and3A_1012, %shift_right_arithmetic3A_1015], %convert_element_type3A_1009 masked %and3A_1004 {add = true} : memref<16x128xf32, #tpu.memory_space<vmem>>[vector<16xi32>, vector<16xi32>], vector<16xf32>, vector<16xi1>
        %mul3A_1016 = arith.constant 128 : i32
        %mul3A_1017 = arith.muli %add3A_431, %mul3A_1016 : i32
        %add3A_1018 = arith.constant 112 : i32
        %add3A_1019 = arith.addi %mul3A_1017, %add3A_1018 : i32
        %get3A_1020 = arith.index_cast %add3A_1019 : i32 to index
        %get3A_1021 = tpu.vector_load %arg7[%get3A_1020] {strides = array<i32>} : memref<10368xi32, #tpu.memory_space<vmem>>, vector<16xi32>,
        %masked_sort3A_1022 = arith.constant dense<true> : vector<16xi1>
        %masked_sort3A_1023 = arith.constant -2147483648 : i32
        %masked_sort3A_1024 = vector.broadcast %masked_sort3A_1023 : i32 to vector<16xi32>
        %masked_sort3A_1025 = arith.xori %get3A_1021, %masked_sort3A_1024 : vector<16xi32>
        %masked_sort3A_1026, %masked_sort3A_1027, %masked_sort3A_1028 = tpu.sort %masked_sort3A_1025, %get3A_1021 masked %masked_sort3A_1022 : (vector<16xi32>, vector<16xi32>, vector<16xi1>) -> (vector<16xi1>, vector<16xi32>, vector<16xi32>)
        %masked_sort3A_1029 = arith.xori %masked_sort3A_1027, %masked_sort3A_1024 : vector<16xi32>
        %add3A_1030 = arith.constant 15 : i32
        %add3A_1031 = vector.broadcast %add3A_1030 : i32 to vector<16xi32>
        %add3A_1032 = arith.addi %iota3A, %add3A_1031 : vector<16xi32>
        %and3A_1033 = arith.constant 15 : i32
        %and3A_1034 = vector.broadcast %and3A_1033 : i32 to vector<16xi32>
        %and3A_1035 = arith.andi %add3A_1032, %and3A_1034 : vector<16xi32>
        %lt3A_1036 = arith.constant 0 : i32
        %lt3A_1037 = vector.broadcast %lt3A_1036 : i32 to vector<16xi32>
        %lt3A_1038 = arith.cmpi slt, %and3A_1035, %lt3A_1037 : vector<16xi32>
        %add3A_1039 = arith.constant 16 : i32
        %add3A_1040 = vector.broadcast %add3A_1039 : i32 to vector<16xi32>
        %add3A_1041 = arith.addi %and3A_1035, %add3A_1040 : vector<16xi32>
        %select_n3A_1042 = arith.select %lt3A_1038, %add3A_1041, %and3A_1035 : vector<16xi1>, vector<16xi32>
        %broadcast_in_dim3A_1043 = vector.shape_cast %select_n3A_1042 : vector<16xi32> to vector<16x1xi32>
        %gather3A_1044 = vector.shape_cast %broadcast_in_dim3A_1043 : vector<16x1xi32> to vector<16xi32>
        %gather3A_1045 = tpu.dynamic_gather %masked_sort3A_1029[%gather3A_1044] in [0] : vector<16xi32>, vector<16xi32> -> vector<16xi32>
        %add3A_1046 = arith.constant 1 : i32
        %add3A_1047 = vector.broadcast %add3A_1046 : i32 to vector<16xi32>
        %add3A_1048 = arith.addi %iota3A, %add3A_1047 : vector<16xi32>
        %and3A_1049 = arith.constant 15 : i32
        %and3A_1050 = vector.broadcast %and3A_1049 : i32 to vector<16xi32>
        %and3A_1051 = arith.andi %add3A_1048, %and3A_1050 : vector<16xi32>
        %lt3A_1052 = arith.constant 0 : i32
        %lt3A_1053 = vector.broadcast %lt3A_1052 : i32 to vector<16xi32>
        %lt3A_1054 = arith.cmpi slt, %and3A_1051, %lt3A_1053 : vector<16xi32>
        %add3A_1055 = arith.constant 16 : i32
        %add3A_1056 = vector.broadcast %add3A_1055 : i32 to vector<16xi32>
        %add3A_1057 = arith.addi %and3A_1051, %add3A_1056 : vector<16xi32>
        %select_n3A_1058 = arith.select %lt3A_1054, %add3A_1057, %and3A_1051 : vector<16xi1>, vector<16xi32>
        %broadcast_in_dim3A_1059 = vector.shape_cast %select_n3A_1058 : vector<16xi32> to vector<16x1xi32>
        %gather3A_1060 = vector.shape_cast %broadcast_in_dim3A_1059 : vector<16x1xi32> to vector<16xi32>
        %gather3A_1061 = tpu.dynamic_gather %masked_sort3A_1029[%gather3A_1060] in [0] : vector<16xi32>, vector<16xi32> -> vector<16xi32>
        %eq3A_1062 = arith.constant 0 : i32
        %eq3A_1063 = vector.broadcast %eq3A_1062 : i32 to vector<16xi32>
        %eq3A_1064 = arith.cmpi eq, %iota3A, %eq3A_1063 : vector<16xi32>
        %ne3A_1065 = arith.cmpi ne, %masked_sort3A_1029, %gather3A_1045 : vector<16xi32>
        %or3A_1066 = arith.ori %eq3A_1064, %ne3A_1065 : vector<16xi1>
        %jit3A_1067 = arith.constant 0 : i32
        %broadcast_in_dim3A_1068 = vector.broadcast %jit3A_1067 : i32 to vector<16xi32>
        %select_n3A_1069 = arith.select %or3A_1066, %iota3A, %broadcast_in_dim3A_1068 : vector<16xi1>, vector<16xi32>
        %broadcast_in_dim3A_1070 = arith.constant true
        %broadcast_in_dim3A_1071 = vector.broadcast %broadcast_in_dim3A_1070 : i1 to vector<16xi1>
        %masked_cummax3A_1072 = arith.constant -2147483648 : i32
        %masked_cummax3A_1073 = vector.broadcast %masked_cummax3A_1072 : i32 to vector<16xi32>
        %masked_cummax3A_1074 = arith.xori %select_n3A_1069, %masked_cummax3A_1073 : vector<16xi32>
        %masked_cummax3A_1075 = tpu.scan <max>, %masked_cummax3A_1074 masked %broadcast_in_dim3A_1071 : vector<16xi32>, vector<16xi1> -> vector<16xi32>
        %masked_cummax3A_1076 = arith.xori %masked_cummax3A_1075, %masked_cummax3A_1073 : vector<16xi32>
        %eq3A_1077 = arith.constant 15 : i32
        %eq3A_1078 = vector.broadcast %eq3A_1077 : i32 to vector<16xi32>
        %eq3A_1079 = arith.cmpi eq, %iota3A, %eq3A_1078 : vector<16xi32>
        %ne3A_1080 = arith.cmpi ne, %masked_sort3A_1029, %gather3A_1061 : vector<16xi32>
        %or3A_1081 = arith.ori %eq3A_1079, %ne3A_1080 : vector<16xi1>
        %ne3A_1082 = arith.constant 2047 : i32
        %ne3A_1083 = vector.broadcast %ne3A_1082 : i32 to vector<16xi32>
        %ne3A_1084 = arith.cmpi ne, %masked_sort3A_1029, %ne3A_1083 : vector<16xi32>
        %and3A_1085 = arith.andi %or3A_1081, %ne3A_1084 : vector<16xi1>
        %sub3A_1086 = arith.subi %iota3A, %masked_cummax3A_1076 : vector<16xi32>
        %add3A_1087 = arith.constant 1 : i32
        %add3A_1088 = vector.broadcast %add3A_1087 : i32 to vector<16xi32>
        %add3A_1089 = arith.addi %sub3A_1086, %add3A_1088 : vector<16xi32>
        %convert_element_type3A_1090 = arith.sitofp %add3A_1089 : vector<16xi32> to vector<16xf32>
        %and3A_1091 = arith.constant 15 : i32
        %and3A_1092 = vector.broadcast %and3A_1091 : i32 to vector<16xi32>
        %and3A_1093 = arith.andi %masked_sort3A_1029, %and3A_1092 : vector<16xi32>
        %shift_right_arithmetic3A_1094 = arith.constant 4 : i32
        %shift_right_arithmetic3A_1095 = vector.broadcast %shift_right_arithmetic3A_1094 : i32 to vector<16xi32>
        %shift_right_arithmetic3A_1096 = arith.shrsi %masked_sort3A_1029, %shift_right_arithmetic3A_1095 : vector<16xi32>
        tpu.vector_store_idx %arg13[%and3A_1093, %shift_right_arithmetic3A_1096], %convert_element_type3A_1090 masked %and3A_1085 {add = true} : memref<16x128xf32, #tpu.memory_space<vmem>>[vector<16xi32>, vector<16xi32>], vector<16xf32>, vector<16xi1>
        %mul3A_1097 = arith.constant 128 : i32
        %mul3A_1098 = arith.muli %add3A_431, %mul3A_1097 : i32
        %multiple_of3A = tpu.assume_multiple %mul3A_1098, 8 : i32
        %dma_wait3A = tpu.memref_slice %arg8[%multiple_of3A] : memref<10368xi32, #tpu.memory_space<vmem>> -> memref<128xi32, #tpu.memory_space<vmem>>
        %dma_wait3A_1099 = arith.constant 0 : i32
        %dma_wait3A_1100 = arith.constant 0 : i32
        %dma_wait3A_1101 = tpu.memref_slice %arg2[%dma_wait3A_1099, %dma_wait3A_1100] : memref<10000x128xf32, #tpu.memory_space<hbm>> -> memref<10000x128xf32, #tpu.memory_space<hbm>>
        tpu.wait_indirect_dma semaphore(%arg15 : memref<!tpu.dma_semaphore, #tpu.memory_space<semaphore_mem>>) src(%dma_wait3A_1101 : memref<10000x128xf32, #tpu.memory_space<hbm>>) dst(%arg10 : memref<128x128xf32, #tpu.memory_space<vmem>>)
        %add3A_1102 = arith.constant 3 : i32
        %add3A_1103 = arith.addi %add3A_431, %add3A_1102 : i32
        %sub3A_1104 = arith.constant 1 : i32
        %sub3A_1105 = arith.subi %add3A_1103, %sub3A_1104 : i32
        %lt3A_1106 = arith.cmpi slt, %sub3A_1105, %select_n3A_132 : i32
        %convert_element_type3A_1107 = arith.extui %lt3A_1106 : i1 to i32
        %cond3A_1108 = arith.constant 0 : i32
        %cond3A_1109 = arith.cmpi ne, %convert_element_type3A_1107, %cond3A_1108 : i32
        scf.if %cond3A_1109 {
          %ge3A_1115 = arith.constant 1 : i32
          %ge3A_1116 = arith.cmpi sge, %add3A_431, %ge3A_1115 : i32
          %convert_element_type3A_1117 = arith.extui %ge3A_1116 : i1 to i32
          %cond3A_1118 = arith.constant 0 : i32
          %cond3A_1119 = arith.cmpi ne, %convert_element_type3A_1117, %cond3A_1118 : i32
          scf.if %cond3A_1119 {
            %dma_wait3A_1131 = arith.constant 0 : i32
            %dma_wait3A_1132 = arith.constant 0 : i32
            %dma_wait3A_1133 = tpu.memref_slice %arg9[%dma_wait3A_1131, %dma_wait3A_1132] : memref<80x128xi32, #tpu.memory_space<vmem>> -> memref<1x128xi32, #tpu.memory_space<vmem>>
            %dma_wait3A_1134 = tpu.memref_squeeze %dma_wait3A_1133 : memref<1x128xi32, #tpu.memory_space<vmem>> -> memref<128xi32, #tpu.memory_space<vmem>>
            %dma_wait3A_1135 = arith.constant 0 : i32
            %dma_wait3A_1136 = arith.constant 0 : i32
            %dma_wait3A_1137 = tpu.memref_slice %arg21[%dma_wait3A_1135, %dma_wait3A_1136] : memref<2048x128xf32, #tpu.memory_space<vmem_shared>> -> memref<2048x128xf32, #tpu.memory_space<vmem_shared>>
            tpu.wait_indirect_dma semaphore(%arg20 : memref<!tpu.dma_semaphore, #tpu.memory_space<semaphore_mem>>) src(%arg12 : memref<128x128xf32, #tpu.memory_space<vmem>>) dst(%dma_wait3A_1137 : memref<2048x128xf32, #tpu.memory_space<vmem_shared>>)
          } else {
          }
          %add3A_1120 = arith.constant 3 : i32
          %add3A_1121 = arith.addi %add3A_431, %add3A_1120 : i32
          %sub3A_1122 = arith.constant 1 : i32
          %sub3A_1123 = arith.subi %add3A_1121, %sub3A_1122 : i32
          %mul3A_1124 = arith.constant 128 : i32
          %mul3A_1125 = arith.muli %sub3A_1123, %mul3A_1124 : i32
          %multiple_of3A_1126 = tpu.assume_multiple %mul3A_1125, 8 : i32
          %dma_start3A_1127 = tpu.memref_slice %arg8[%multiple_of3A_1126] : memref<10368xi32, #tpu.memory_space<vmem>> -> memref<128xi32, #tpu.memory_space<vmem>>
          %dma_start3A_1128 = arith.constant 0 : i32
          %dma_start3A_1129 = arith.constant 0 : i32
          %dma_start3A_1130 = tpu.memref_slice %arg2[%dma_start3A_1128, %dma_start3A_1129] : memref<10000x128xf32, #tpu.memory_space<hbm>> -> memref<10000x128xf32, #tpu.memory_space<hbm>>
          tpu.enqueue_indirect_dma source(%dma_start3A_1130 : memref<10000x128xf32, #tpu.memory_space<hbm>>) target(%arg12 : memref<128x128xf32, #tpu.memory_space<vmem>>) offsets(%dma_start3A_1127 : memref<128xi32, #tpu.memory_space<vmem>>) semaphore(%arg17 : memref<!tpu.dma_semaphore, #tpu.memory_space<semaphore_mem>>)
        } else {
        }
        %dma_start3A = arith.constant 0 : i32
        %dma_start3A_1110 = tpu.memref_slice %arg9[%add3A_431, %dma_start3A] : memref<80x128xi32, #tpu.memory_space<vmem>> -> memref<1x128xi32, #tpu.memory_space<vmem>>
        %dma_start3A_1111 = tpu.memref_squeeze %dma_start3A_1110 : memref<1x128xi32, #tpu.memory_space<vmem>> -> memref<128xi32, #tpu.memory_space<vmem>>
        %dma_start3A_1112 = arith.constant 0 : i32
        %dma_start3A_1113 = arith.constant 0 : i32
        %dma_start3A_1114 = tpu.memref_slice %arg21[%dma_start3A_1112, %dma_start3A_1113] : memref<2048x128xf32, #tpu.memory_space<vmem_shared>> -> memref<2048x128xf32, #tpu.memory_space<vmem_shared>>
        tpu.enqueue_indirect_dma source(%arg10 : memref<128x128xf32, #tpu.memory_space<vmem>>) target(%dma_start3A_1114 : memref<2048x128xf32, #tpu.memory_space<vmem_shared>>) offsets(%dma_start3A_1111 : memref<128xi32, #tpu.memory_space<vmem>>) semaphore(%arg18 : memref<!tpu.dma_semaphore, #tpu.memory_space<semaphore_mem>>) {add = true}
      } else {
      }
      %mul3A_436 = arith.constant 3 : i32
      %mul3A_437 = arith.muli %while3A_426, %mul3A_436 : i32
      %add3A_438 = arith.constant 1 : i32
      %add3A_439 = arith.addi %mul3A_437, %add3A_438 : i32
      %lt3A_440 = arith.cmpi slt, %add3A_439, %select_n3A_132 : i32
      %convert_element_type3A_441 = arith.extui %lt3A_440 : i1 to i32
      %cond3A_442 = arith.constant 0 : i32
      %cond3A_443 = arith.cmpi ne, %convert_element_type3A_441, %cond3A_442 : i32
      scf.if %cond3A_443 {
        %mul3A_453 = arith.constant 128 : i32
        %mul3A_454 = arith.muli %add3A_439, %mul3A_453 : i32
        %add3A_455 = arith.constant 0 : i32
        %add3A_456 = arith.addi %mul3A_454, %add3A_455 : i32
        %get3A_457 = arith.index_cast %add3A_456 : i32 to index
        %get3A_458 = tpu.vector_load %arg7[%get3A_457] {strides = array<i32>} : memref<10368xi32, #tpu.memory_space<vmem>>, vector<16xi32>,
        %masked_sort3A = arith.constant dense<true> : vector<16xi1>
        %masked_sort3A_459 = arith.constant -2147483648 : i32
        %masked_sort3A_460 = vector.broadcast %masked_sort3A_459 : i32 to vector<16xi32>
        %masked_sort3A_461 = arith.xori %get3A_458, %masked_sort3A_460 : vector<16xi32>
        %masked_sort3A_462, %masked_sort3A_463, %masked_sort3A_464 = tpu.sort %masked_sort3A_461, %get3A_458 masked %masked_sort3A : (vector<16xi32>, vector<16xi32>, vector<16xi1>) -> (vector<16xi1>, vector<16xi32>, vector<16xi32>)
        %masked_sort3A_465 = arith.xori %masked_sort3A_463, %masked_sort3A_460 : vector<16xi32>
        %add3A_466 = arith.constant 15 : i32
        %add3A_467 = vector.broadcast %add3A_466 : i32 to vector<16xi32>
        %add3A_468 = arith.addi %iota3A, %add3A_467 : vector<16xi32>
        %and3A_469 = arith.constant 15 : i32
        %and3A_470 = vector.broadcast %and3A_469 : i32 to vector<16xi32>
        %and3A_471 = arith.andi %add3A_468, %and3A_470 : vector<16xi32>
        %lt3A_472 = arith.constant 0 : i32
        %lt3A_473 = vector.broadcast %lt3A_472 : i32 to vector<16xi32>
        %lt3A_474 = arith.cmpi slt, %and3A_471, %lt3A_473 : vector<16xi32>
        %add3A_475 = arith.constant 16 : i32
        %add3A_476 = vector.broadcast %add3A_475 : i32 to vector<16xi32>
        %add3A_477 = arith.addi %and3A_471, %add3A_476 : vector<16xi32>
        %select_n3A_478 = arith.select %lt3A_474, %add3A_477, %and3A_471 : vector<16xi1>, vector<16xi32>
        %broadcast_in_dim3A_479 = vector.shape_cast %select_n3A_478 : vector<16xi32> to vector<16x1xi32>
        %gather3A = vector.shape_cast %broadcast_in_dim3A_479 : vector<16x1xi32> to vector<16xi32>
        %gather3A_480 = tpu.dynamic_gather %masked_sort3A_465[%gather3A] in [0] : vector<16xi32>, vector<16xi32> -> vector<16xi32>
        %add3A_481 = arith.constant 1 : i32
        %add3A_482 = vector.broadcast %add3A_481 : i32 to vector<16xi32>
        %add3A_483 = arith.addi %iota3A, %add3A_482 : vector<16xi32>
        %and3A_484 = arith.constant 15 : i32
        %and3A_485 = vector.broadcast %and3A_484 : i32 to vector<16xi32>
        %and3A_486 = arith.andi %add3A_483, %and3A_485 : vector<16xi32>
        %lt3A_487 = arith.constant 0 : i32
        %lt3A_488 = vector.broadcast %lt3A_487 : i32 to vector<16xi32>
        %lt3A_489 = arith.cmpi slt, %and3A_486, %lt3A_488 : vector<16xi32>
        %add3A_490 = arith.constant 16 : i32
        %add3A_491 = vector.broadcast %add3A_490 : i32 to vector<16xi32>
        %add3A_492 = arith.addi %and3A_486, %add3A_491 : vector<16xi32>
        %select_n3A_493 = arith.select %lt3A_489, %add3A_492, %and3A_486 : vector<16xi1>, vector<16xi32>
        %broadcast_in_dim3A_494 = vector.shape_cast %select_n3A_493 : vector<16xi32> to vector<16x1xi32>
        %gather3A_495 = vector.shape_cast %broadcast_in_dim3A_494 : vector<16x1xi32> to vector<16xi32>
        %gather3A_496 = tpu.dynamic_gather %masked_sort3A_465[%gather3A_495] in [0] : vector<16xi32>, vector<16xi32> -> vector<16xi32>
        %eq3A_497 = arith.constant 0 : i32
        %eq3A_498 = vector.broadcast %eq3A_497 : i32 to vector<16xi32>
        %eq3A_499 = arith.cmpi eq, %iota3A, %eq3A_498 : vector<16xi32>
        %ne3A_500 = arith.cmpi ne, %masked_sort3A_465, %gather3A_480 : vector<16xi32>
        %or3A_501 = arith.ori %eq3A_499, %ne3A_500 : vector<16xi1>
        %jit3A_502 = arith.constant 0 : i32
        %broadcast_in_dim3A_503 = vector.broadcast %jit3A_502 : i32 to vector<16xi32>
        %select_n3A_504 = arith.select %or3A_501, %iota3A, %broadcast_in_dim3A_503 : vector<16xi1>, vector<16xi32>
        %broadcast_in_dim3A_505 = arith.constant true
        %broadcast_in_dim3A_506 = vector.broadcast %broadcast_in_dim3A_505 : i1 to vector<16xi1>
        %masked_cummax3A = arith.constant -2147483648 : i32
        %masked_cummax3A_507 = vector.broadcast %masked_cummax3A : i32 to vector<16xi32>
        %masked_cummax3A_508 = arith.xori %select_n3A_504, %masked_cummax3A_507 : vector<16xi32>
        %masked_cummax3A_509 = tpu.scan <max>, %masked_cummax3A_508 masked %broadcast_in_dim3A_506 : vector<16xi32>, vector<16xi1> -> vector<16xi32>
        %masked_cummax3A_510 = arith.xori %masked_cummax3A_509, %masked_cummax3A_507 : vector<16xi32>
        %eq3A_511 = arith.constant 15 : i32
        %eq3A_512 = vector.broadcast %eq3A_511 : i32 to vector<16xi32>
        %eq3A_513 = arith.cmpi eq, %iota3A, %eq3A_512 : vector<16xi32>
        %ne3A_514 = arith.cmpi ne, %masked_sort3A_465, %gather3A_496 : vector<16xi32>
        %or3A_515 = arith.ori %eq3A_513, %ne3A_514 : vector<16xi1>
        %ne3A_516 = arith.constant 2047 : i32
        %ne3A_517 = vector.broadcast %ne3A_516 : i32 to vector<16xi32>
        %ne3A_518 = arith.cmpi ne, %masked_sort3A_465, %ne3A_517 : vector<16xi32>
        %and3A_519 = arith.andi %or3A_515, %ne3A_518 : vector<16xi1>
        %sub3A_520 = arith.subi %iota3A, %masked_cummax3A_510 : vector<16xi32>
        %add3A_521 = arith.constant 1 : i32
        %add3A_522 = vector.broadcast %add3A_521 : i32 to vector<16xi32>
        %add3A_523 = arith.addi %sub3A_520, %add3A_522 : vector<16xi32>
        %convert_element_type3A_524 = arith.sitofp %add3A_523 : vector<16xi32> to vector<16xf32>
        %and3A_525 = arith.constant 15 : i32
        %and3A_526 = vector.broadcast %and3A_525 : i32 to vector<16xi32>
        %and3A_527 = arith.andi %masked_sort3A_465, %and3A_526 : vector<16xi32>
        %shift_right_arithmetic3A = arith.constant 4 : i32
        %shift_right_arithmetic3A_528 = vector.broadcast %shift_right_arithmetic3A : i32 to vector<16xi32>
        %shift_right_arithmetic3A_529 = arith.shrsi %masked_sort3A_465, %shift_right_arithmetic3A_528 : vector<16xi32>
        tpu.vector_store_idx %arg13[%and3A_527, %shift_right_arithmetic3A_529], %convert_element_type3A_524 masked %and3A_519 {add = true} : memref<16x128xf32, #tpu.memory_space<vmem>>[vector<16xi32>, vector<16xi32>], vector<16xf32>, vector<16xi1>
        %mul3A_530 = arith.constant 128 : i32
        %mul3A_531 = arith.muli %add3A_439, %mul3A_530 : i32
        %add3A_532 = arith.constant 16 : i32
        %add3A_533 = arith.addi %mul3A_531, %add3A_532 : i32
        %get3A_534 = arith.index_cast %add3A_533 : i32 to index
        %get3A_535 = tpu.vector_load %arg7[%get3A_534] {strides = array<i32>} : memref<10368xi32, #tpu.memory_space<vmem>>, vector<16xi32>,
        %masked_sort3A_536 = arith.constant dense<true> : vector<16xi1>
        %masked_sort3A_537 = arith.constant -2147483648 : i32
        %masked_sort3A_538 = vector.broadcast %masked_sort3A_537 : i32 to vector<16xi32>
        %masked_sort3A_539 = arith.xori %get3A_535, %masked_sort3A_538 : vector<16xi32>
        %masked_sort3A_540, %masked_sort3A_541, %masked_sort3A_542 = tpu.sort %masked_sort3A_539, %get3A_535 masked %masked_sort3A_536 : (vector<16xi32>, vector<16xi32>, vector<16xi1>) -> (vector<16xi1>, vector<16xi32>, vector<16xi32>)
        %masked_sort3A_543 = arith.xori %masked_sort3A_541, %masked_sort3A_538 : vector<16xi32>
        %add3A_544 = arith.constant 15 : i32
        %add3A_545 = vector.broadcast %add3A_544 : i32 to vector<16xi32>
        %add3A_546 = arith.addi %iota3A, %add3A_545 : vector<16xi32>
        %and3A_547 = arith.constant 15 : i32
        %and3A_548 = vector.broadcast %and3A_547 : i32 to vector<16xi32>
        %and3A_549 = arith.andi %add3A_546, %and3A_548 : vector<16xi32>
        %lt3A_550 = arith.constant 0 : i32
        %lt3A_551 = vector.broadcast %lt3A_550 : i32 to vector<16xi32>
        %lt3A_552 = arith.cmpi slt, %and3A_549, %lt3A_551 : vector<16xi32>
        %add3A_553 = arith.constant 16 : i32
        %add3A_554 = vector.broadcast %add3A_553 : i32 to vector<16xi32>
        %add3A_555 = arith.addi %and3A_549, %add3A_554 : vector<16xi32>
        %select_n3A_556 = arith.select %lt3A_552, %add3A_555, %and3A_549 : vector<16xi1>, vector<16xi32>
        %broadcast_in_dim3A_557 = vector.shape_cast %select_n3A_556 : vector<16xi32> to vector<16x1xi32>
        %gather3A_558 = vector.shape_cast %broadcast_in_dim3A_557 : vector<16x1xi32> to vector<16xi32>
        %gather3A_559 = tpu.dynamic_gather %masked_sort3A_543[%gather3A_558] in [0] : vector<16xi32>, vector<16xi32> -> vector<16xi32>
        %add3A_560 = arith.constant 1 : i32
        %add3A_561 = vector.broadcast %add3A_560 : i32 to vector<16xi32>
        %add3A_562 = arith.addi %iota3A, %add3A_561 : vector<16xi32>
        %and3A_563 = arith.constant 15 : i32
        %and3A_564 = vector.broadcast %and3A_563 : i32 to vector<16xi32>
        %and3A_565 = arith.andi %add3A_562, %and3A_564 : vector<16xi32>
        %lt3A_566 = arith.constant 0 : i32
        %lt3A_567 = vector.broadcast %lt3A_566 : i32 to vector<16xi32>
        %lt3A_568 = arith.cmpi slt, %and3A_565, %lt3A_567 : vector<16xi32>
        %add3A_569 = arith.constant 16 : i32
        %add3A_570 = vector.broadcast %add3A_569 : i32 to vector<16xi32>
        %add3A_571 = arith.addi %and3A_565, %add3A_570 : vector<16xi32>
        %select_n3A_572 = arith.select %lt3A_568, %add3A_571, %and3A_565 : vector<16xi1>, vector<16xi32>
        %broadcast_in_dim3A_573 = vector.shape_cast %select_n3A_572 : vector<16xi32> to vector<16x1xi32>
        %gather3A_574 = vector.shape_cast %broadcast_in_dim3A_573 : vector<16x1xi32> to vector<16xi32>
        %gather3A_575 = tpu.dynamic_gather %masked_sort3A_543[%gather3A_574] in [0] : vector<16xi32>, vector<16xi32> -> vector<16xi32>
        %eq3A_576 = arith.constant 0 : i32
        %eq3A_577 = vector.broadcast %eq3A_576 : i32 to vector<16xi32>
        %eq3A_578 = arith.cmpi eq, %iota3A, %eq3A_577 : vector<16xi32>
        %ne3A_579 = arith.cmpi ne, %masked_sort3A_543, %gather3A_559 : vector<16xi32>
        %or3A_580 = arith.ori %eq3A_578, %ne3A_579 : vector<16xi1>
        %jit3A_581 = arith.constant 0 : i32
        %broadcast_in_dim3A_582 = vector.broadcast %jit3A_581 : i32 to vector<16xi32>
        %select_n3A_583 = arith.select %or3A_580, %iota3A, %broadcast_in_dim3A_582 : vector<16xi1>, vector<16xi32>
        %broadcast_in_dim3A_584 = arith.constant true
        %broadcast_in_dim3A_585 = vector.broadcast %broadcast_in_dim3A_584 : i1 to vector<16xi1>
        %masked_cummax3A_586 = arith.constant -2147483648 : i32
        %masked_cummax3A_587 = vector.broadcast %masked_cummax3A_586 : i32 to vector<16xi32>
        %masked_cummax3A_588 = arith.xori %select_n3A_583, %masked_cummax3A_587 : vector<16xi32>
        %masked_cummax3A_589 = tpu.scan <max>, %masked_cummax3A_588 masked %broadcast_in_dim3A_585 : vector<16xi32>, vector<16xi1> -> vector<16xi32>
        %masked_cummax3A_590 = arith.xori %masked_cummax3A_589, %masked_cummax3A_587 : vector<16xi32>
        %eq3A_591 = arith.constant 15 : i32
        %eq3A_592 = vector.broadcast %eq3A_591 : i32 to vector<16xi32>
        %eq3A_593 = arith.cmpi eq, %iota3A, %eq3A_592 : vector<16xi32>
        %ne3A_594 = arith.cmpi ne, %masked_sort3A_543, %gather3A_575 : vector<16xi32>
        %or3A_595 = arith.ori %eq3A_593, %ne3A_594 : vector<16xi1>
        %ne3A_596 = arith.constant 2047 : i32
        %ne3A_597 = vector.broadcast %ne3A_596 : i32 to vector<16xi32>
        %ne3A_598 = arith.cmpi ne, %masked_sort3A_543, %ne3A_597 : vector<16xi32>
        %and3A_599 = arith.andi %or3A_595, %ne3A_598 : vector<16xi1>
        %sub3A_600 = arith.subi %iota3A, %masked_cummax3A_590 : vector<16xi32>
        %add3A_601 = arith.constant 1 : i32
        %add3A_602 = vector.broadcast %add3A_601 : i32 to vector<16xi32>
        %add3A_603 = arith.addi %sub3A_600, %add3A_602 : vector<16xi32>
        %convert_element_type3A_604 = arith.sitofp %add3A_603 : vector<16xi32> to vector<16xf32>
        %and3A_605 = arith.constant 15 : i32
        %and3A_606 = vector.broadcast %and3A_605 : i32 to vector<16xi32>
        %and3A_607 = arith.andi %masked_sort3A_543, %and3A_606 : vector<16xi32>
        %shift_right_arithmetic3A_608 = arith.constant 4 : i32
        %shift_right_arithmetic3A_609 = vector.broadcast %shift_right_arithmetic3A_608 : i32 to vector<16xi32>
        %shift_right_arithmetic3A_610 = arith.shrsi %masked_sort3A_543, %shift_right_arithmetic3A_609 : vector<16xi32>
        tpu.vector_store_idx %arg13[%and3A_607, %shift_right_arithmetic3A_610], %convert_element_type3A_604 masked %and3A_599 {add = true} : memref<16x128xf32, #tpu.memory_space<vmem>>[vector<16xi32>, vector<16xi32>], vector<16xf32>, vector<16xi1>
        %mul3A_611 = arith.constant 128 : i32
        %mul3A_612 = arith.muli %add3A_439, %mul3A_611 : i32
        %add3A_613 = arith.constant 32 : i32
        %add3A_614 = arith.addi %mul3A_612, %add3A_613 : i32
        %get3A_615 = arith.index_cast %add3A_614 : i32 to index
        %get3A_616 = tpu.vector_load %arg7[%get3A_615] {strides = array<i32>} : memref<10368xi32, #tpu.memory_space<vmem>>, vector<16xi32>,
        %masked_sort3A_617 = arith.constant dense<true> : vector<16xi1>
        %masked_sort3A_618 = arith.constant -2147483648 : i32
        %masked_sort3A_619 = vector.broadcast %masked_sort3A_618 : i32 to vector<16xi32>
        %masked_sort3A_620 = arith.xori %get3A_616, %masked_sort3A_619 : vector<16xi32>
        %masked_sort3A_621, %masked_sort3A_622, %masked_sort3A_623 = tpu.sort %masked_sort3A_620, %get3A_616 masked %masked_sort3A_617 : (vector<16xi32>, vector<16xi32>, vector<16xi1>) -> (vector<16xi1>, vector<16xi32>, vector<16xi32>)
        %masked_sort3A_624 = arith.xori %masked_sort3A_622, %masked_sort3A_619 : vector<16xi32>
        %add3A_625 = arith.constant 15 : i32
        %add3A_626 = vector.broadcast %add3A_625 : i32 to vector<16xi32>
        %add3A_627 = arith.addi %iota3A, %add3A_626 : vector<16xi32>
        %and3A_628 = arith.constant 15 : i32
        %and3A_629 = vector.broadcast %and3A_628 : i32 to vector<16xi32>
        %and3A_630 = arith.andi %add3A_627, %and3A_629 : vector<16xi32>
        %lt3A_631 = arith.constant 0 : i32
        %lt3A_632 = vector.broadcast %lt3A_631 : i32 to vector<16xi32>
        %lt3A_633 = arith.cmpi slt, %and3A_630, %lt3A_632 : vector<16xi32>
        %add3A_634 = arith.constant 16 : i32
        %add3A_635 = vector.broadcast %add3A_634 : i32 to vector<16xi32>
        %add3A_636 = arith.addi %and3A_630, %add3A_635 : vector<16xi32>
        %select_n3A_637 = arith.select %lt3A_633, %add3A_636, %and3A_630 : vector<16xi1>, vector<16xi32>
        %broadcast_in_dim3A_638 = vector.shape_cast %select_n3A_637 : vector<16xi32> to vector<16x1xi32>
        %gather3A_639 = vector.shape_cast %broadcast_in_dim3A_638 : vector<16x1xi32> to vector<16xi32>
        %gather3A_640 = tpu.dynamic_gather %masked_sort3A_624[%gather3A_639] in [0] : vector<16xi32>, vector<16xi32> -> vector<16xi32>
        %add3A_641 = arith.constant 1 : i32
        %add3A_642 = vector.broadcast %add3A_641 : i32 to vector<16xi32>
        %add3A_643 = arith.addi %iota3A, %add3A_642 : vector<16xi32>
        %and3A_644 = arith.constant 15 : i32
        %and3A_645 = vector.broadcast %and3A_644 : i32 to vector<16xi32>
        %and3A_646 = arith.andi %add3A_643, %and3A_645 : vector<16xi32>
        %lt3A_647 = arith.constant 0 : i32
        %lt3A_648 = vector.broadcast %lt3A_647 : i32 to vector<16xi32>
        %lt3A_649 = arith.cmpi slt, %and3A_646, %lt3A_648 : vector<16xi32>
        %add3A_650 = arith.constant 16 : i32
        %add3A_651 = vector.broadcast %add3A_650 : i32 to vector<16xi32>
        %add3A_652 = arith.addi %and3A_646, %add3A_651 : vector<16xi32>
        %select_n3A_653 = arith.select %lt3A_649, %add3A_652, %and3A_646 : vector<16xi1>, vector<16xi32>
        %broadcast_in_dim3A_654 = vector.shape_cast %select_n3A_653 : vector<16xi32> to vector<16x1xi32>
        %gather3A_655 = vector.shape_cast %broadcast_in_dim3A_654 : vector<16x1xi32> to vector<16xi32>
        %gather3A_656 = tpu.dynamic_gather %masked_sort3A_624[%gather3A_655] in [0] : vector<16xi32>, vector<16xi32> -> vector<16xi32>
        %eq3A_657 = arith.constant 0 : i32
        %eq3A_658 = vector.broadcast %eq3A_657 : i32 to vector<16xi32>
        %eq3A_659 = arith.cmpi eq, %iota3A, %eq3A_658 : vector<16xi32>
        %ne3A_660 = arith.cmpi ne, %masked_sort3A_624, %gather3A_640 : vector<16xi32>
        %or3A_661 = arith.ori %eq3A_659, %ne3A_660 : vector<16xi1>
        %jit3A_662 = arith.constant 0 : i32
        %broadcast_in_dim3A_663 = vector.broadcast %jit3A_662 : i32 to vector<16xi32>
        %select_n3A_664 = arith.select %or3A_661, %iota3A, %broadcast_in_dim3A_663 : vector<16xi1>, vector<16xi32>
        %broadcast_in_dim3A_665 = arith.constant true
        %broadcast_in_dim3A_666 = vector.broadcast %broadcast_in_dim3A_665 : i1 to vector<16xi1>
        %masked_cummax3A_667 = arith.constant -2147483648 : i32
        %masked_cummax3A_668 = vector.broadcast %masked_cummax3A_667 : i32 to vector<16xi32>
        %masked_cummax3A_669 = arith.xori %select_n3A_664, %masked_cummax3A_668 : vector<16xi32>
        %masked_cummax3A_670 = tpu.scan <max>, %masked_cummax3A_669 masked %broadcast_in_dim3A_666 : vector<16xi32>, vector<16xi1> -> vector<16xi32>
        %masked_cummax3A_671 = arith.xori %masked_cummax3A_670, %masked_cummax3A_668 : vector<16xi32>
        %eq3A_672 = arith.constant 15 : i32
        %eq3A_673 = vector.broadcast %eq3A_672 : i32 to vector<16xi32>
        %eq3A_674 = arith.cmpi eq, %iota3A, %eq3A_673 : vector<16xi32>
        %ne3A_675 = arith.cmpi ne, %masked_sort3A_624, %gather3A_656 : vector<16xi32>
        %or3A_676 = arith.ori %eq3A_674, %ne3A_675 : vector<16xi1>
        %ne3A_677 = arith.constant 2047 : i32
        %ne3A_678 = vector.broadcast %ne3A_677 : i32 to vector<16xi32>
        %ne3A_679 = arith.cmpi ne, %masked_sort3A_624, %ne3A_678 : vector<16xi32>
        %and3A_680 = arith.andi %or3A_676, %ne3A_679 : vector<16xi1>
        %sub3A_681 = arith.subi %iota3A, %masked_cummax3A_671 : vector<16xi32>
        %add3A_682 = arith.constant 1 : i32
        %add3A_683 = vector.broadcast %add3A_682 : i32 to vector<16xi32>
        %add3A_684 = arith.addi %sub3A_681, %add3A_683 : vector<16xi32>
        %convert_element_type3A_685 = arith.sitofp %add3A_684 : vector<16xi32> to vector<16xf32>
        %and3A_686 = arith.constant 15 : i32
        %and3A_687 = vector.broadcast %and3A_686 : i32 to vector<16xi32>
        %and3A_688 = arith.andi %masked_sort3A_624, %and3A_687 : vector<16xi32>
        %shift_right_arithmetic3A_689 = arith.constant 4 : i32
        %shift_right_arithmetic3A_690 = vector.broadcast %shift_right_arithmetic3A_689 : i32 to vector<16xi32>
        %shift_right_arithmetic3A_691 = arith.shrsi %masked_sort3A_624, %shift_right_arithmetic3A_690 : vector<16xi32>
        tpu.vector_store_idx %arg13[%and3A_688, %shift_right_arithmetic3A_691], %convert_element_type3A_685 masked %and3A_680 {add = true} : memref<16x128xf32, #tpu.memory_space<vmem>>[vector<16xi32>, vector<16xi32>], vector<16xf32>, vector<16xi1>
        %mul3A_692 = arith.constant 128 : i32
        %mul3A_693 = arith.muli %add3A_439, %mul3A_692 : i32
        %add3A_694 = arith.constant 48 : i32
        %add3A_695 = arith.addi %mul3A_693, %add3A_694 : i32
        %get3A_696 = arith.index_cast %add3A_695 : i32 to index
        %get3A_697 = tpu.vector_load %arg7[%get3A_696] {strides = array<i32>} : memref<10368xi32, #tpu.memory_space<vmem>>, vector<16xi32>,
        %masked_sort3A_698 = arith.constant dense<true> : vector<16xi1>
        %masked_sort3A_699 = arith.constant -2147483648 : i32
        %masked_sort3A_700 = vector.broadcast %masked_sort3A_699 : i32 to vector<16xi32>
        %masked_sort3A_701 = arith.xori %get3A_697, %masked_sort3A_700 : vector<16xi32>
        %masked_sort3A_702, %masked_sort3A_703, %masked_sort3A_704 = tpu.sort %masked_sort3A_701, %get3A_697 masked %masked_sort3A_698 : (vector<16xi32>, vector<16xi32>, vector<16xi1>) -> (vector<16xi1>, vector<16xi32>, vector<16xi32>)
        %masked_sort3A_705 = arith.xori %masked_sort3A_703, %masked_sort3A_700 : vector<16xi32>
        %add3A_706 = arith.constant 15 : i32
        %add3A_707 = vector.broadcast %add3A_706 : i32 to vector<16xi32>
        %add3A_708 = arith.addi %iota3A, %add3A_707 : vector<16xi32>
        %and3A_709 = arith.constant 15 : i32
        %and3A_710 = vector.broadcast %and3A_709 : i32 to vector<16xi32>
        %and3A_711 = arith.andi %add3A_708, %and3A_710 : vector<16xi32>
        %lt3A_712 = arith.constant 0 : i32
        %lt3A_713 = vector.broadcast %lt3A_712 : i32 to vector<16xi32>
        %lt3A_714 = arith.cmpi slt, %and3A_711, %lt3A_713 : vector<16xi32>
        %add3A_715 = arith.constant 16 : i32
        %add3A_716 = vector.broadcast %add3A_715 : i32 to vector<16xi32>
        %add3A_717 = arith.addi %and3A_711, %add3A_716 : vector<16xi32>
        %select_n3A_718 = arith.select %lt3A_714, %add3A_717, %and3A_711 : vector<16xi1>, vector<16xi32>
        %broadcast_in_dim3A_719 = vector.shape_cast %select_n3A_718 : vector<16xi32> to vector<16x1xi32>
        %gather3A_720 = vector.shape_cast %broadcast_in_dim3A_719 : vector<16x1xi32> to vector<16xi32>
        %gather3A_721 = tpu.dynamic_gather %masked_sort3A_705[%gather3A_720] in [0] : vector<16xi32>, vector<16xi32> -> vector<16xi32>
        %add3A_722 = arith.constant 1 : i32
        %add3A_723 = vector.broadcast %add3A_722 : i32 to vector<16xi32>
        %add3A_724 = arith.addi %iota3A, %add3A_723 : vector<16xi32>
        %and3A_725 = arith.constant 15 : i32
        %and3A_726 = vector.broadcast %and3A_725 : i32 to vector<16xi32>
        %and3A_727 = arith.andi %add3A_724, %and3A_726 : vector<16xi32>
        %lt3A_728 = arith.constant 0 : i32
        %lt3A_729 = vector.broadcast %lt3A_728 : i32 to vector<16xi32>
        %lt3A_730 = arith.cmpi slt, %and3A_727, %lt3A_729 : vector<16xi32>
        %add3A_731 = arith.constant 16 : i32
        %add3A_732 = vector.broadcast %add3A_731 : i32 to vector<16xi32>
        %add3A_733 = arith.addi %and3A_727, %add3A_732 : vector<16xi32>
        %select_n3A_734 = arith.select %lt3A_730, %add3A_733, %and3A_727 : vector<16xi1>, vector<16xi32>
        %broadcast_in_dim3A_735 = vector.shape_cast %select_n3A_734 : vector<16xi32> to vector<16x1xi32>
        %gather3A_736 = vector.shape_cast %broadcast_in_dim3A_735 : vector<16x1xi32> to vector<16xi32>
        %gather3A_737 = tpu.dynamic_gather %masked_sort3A_705[%gather3A_736] in [0] : vector<16xi32>, vector<16xi32> -> vector<16xi32>
        %eq3A_738 = arith.constant 0 : i32
        %eq3A_739 = vector.broadcast %eq3A_738 : i32 to vector<16xi32>
        %eq3A_740 = arith.cmpi eq, %iota3A, %eq3A_739 : vector<16xi32>
        %ne3A_741 = arith.cmpi ne, %masked_sort3A_705, %gather3A_721 : vector<16xi32>
        %or3A_742 = arith.ori %eq3A_740, %ne3A_741 : vector<16xi1>
        %jit3A_743 = arith.constant 0 : i32
        %broadcast_in_dim3A_744 = vector.broadcast %jit3A_743 : i32 to vector<16xi32>
        %select_n3A_745 = arith.select %or3A_742, %iota3A, %broadcast_in_dim3A_744 : vector<16xi1>, vector<16xi32>
        %broadcast_in_dim3A_746 = arith.constant true
        %broadcast_in_dim3A_747 = vector.broadcast %broadcast_in_dim3A_746 : i1 to vector<16xi1>
        %masked_cummax3A_748 = arith.constant -2147483648 : i32
        %masked_cummax3A_749 = vector.broadcast %masked_cummax3A_748 : i32 to vector<16xi32>
        %masked_cummax3A_750 = arith.xori %select_n3A_745, %masked_cummax3A_749 : vector<16xi32>
        %masked_cummax3A_751 = tpu.scan <max>, %masked_cummax3A_750 masked %broadcast_in_dim3A_747 : vector<16xi32>, vector<16xi1> -> vector<16xi32>
        %masked_cummax3A_752 = arith.xori %masked_cummax3A_751, %masked_cummax3A_749 : vector<16xi32>
        %eq3A_753 = arith.constant 15 : i32
        %eq3A_754 = vector.broadcast %eq3A_753 : i32 to vector<16xi32>
        %eq3A_755 = arith.cmpi eq, %iota3A, %eq3A_754 : vector<16xi32>
        %ne3A_756 = arith.cmpi ne, %masked_sort3A_705, %gather3A_737 : vector<16xi32>
        %or3A_757 = arith.ori %eq3A_755, %ne3A_756 : vector<16xi1>
        %ne3A_758 = arith.constant 2047 : i32
        %ne3A_759 = vector.broadcast %ne3A_758 : i32 to vector<16xi32>
        %ne3A_760 = arith.cmpi ne, %masked_sort3A_705, %ne3A_759 : vector<16xi32>
        %and3A_761 = arith.andi %or3A_757, %ne3A_760 : vector<16xi1>
        %sub3A_762 = arith.subi %iota3A, %masked_cummax3A_752 : vector<16xi32>
        %add3A_763 = arith.constant 1 : i32
        %add3A_764 = vector.broadcast %add3A_763 : i32 to vector<16xi32>
        %add3A_765 = arith.addi %sub3A_762, %add3A_764 : vector<16xi32>
        %convert_element_type3A_766 = arith.sitofp %add3A_765 : vector<16xi32> to vector<16xf32>
        %and3A_767 = arith.constant 15 : i32
        %and3A_768 = vector.broadcast %and3A_767 : i32 to vector<16xi32>
        %and3A_769 = arith.andi %masked_sort3A_705, %and3A_768 : vector<16xi32>
        %shift_right_arithmetic3A_770 = arith.constant 4 : i32
        %shift_right_arithmetic3A_771 = vector.broadcast %shift_right_arithmetic3A_770 : i32 to vector<16xi32>
        %shift_right_arithmetic3A_772 = arith.shrsi %masked_sort3A_705, %shift_right_arithmetic3A_771 : vector<16xi32>
        tpu.vector_store_idx %arg13[%and3A_769, %shift_right_arithmetic3A_772], %convert_element_type3A_766 masked %and3A_761 {add = true} : memref<16x128xf32, #tpu.memory_space<vmem>>[vector<16xi32>, vector<16xi32>], vector<16xf32>, vector<16xi1>
        %mul3A_773 = arith.constant 128 : i32
        %mul3A_774 = arith.muli %add3A_439, %mul3A_773 : i32
        %add3A_775 = arith.constant 64 : i32
        %add3A_776 = arith.addi %mul3A_774, %add3A_775 : i32
        %get3A_777 = arith.index_cast %add3A_776 : i32 to index
        %get3A_778 = tpu.vector_load %arg7[%get3A_777] {strides = array<i32>} : memref<10368xi32, #tpu.memory_space<vmem>>, vector<16xi32>,
        %masked_sort3A_779 = arith.constant dense<true> : vector<16xi1>
        %masked_sort3A_780 = arith.constant -2147483648 : i32
        %masked_sort3A_781 = vector.broadcast %masked_sort3A_780 : i32 to vector<16xi32>
        %masked_sort3A_782 = arith.xori %get3A_778, %masked_sort3A_781 : vector<16xi32>
        %masked_sort3A_783, %masked_sort3A_784, %masked_sort3A_785 = tpu.sort %masked_sort3A_782, %get3A_778 masked %masked_sort3A_779 : (vector<16xi32>, vector<16xi32>, vector<16xi1>) -> (vector<16xi1>, vector<16xi32>, vector<16xi32>)
        %masked_sort3A_786 = arith.xori %masked_sort3A_784, %masked_sort3A_781 : vector<16xi32>
        %add3A_787 = arith.constant 15 : i32
        %add3A_788 = vector.broadcast %add3A_787 : i32 to vector<16xi32>
        %add3A_789 = arith.addi %iota3A, %add3A_788 : vector<16xi32>
        %and3A_790 = arith.constant 15 : i32
        %and3A_791 = vector.broadcast %and3A_790 : i32 to vector<16xi32>
        %and3A_792 = arith.andi %add3A_789, %and3A_791 : vector<16xi32>
        %lt3A_793 = arith.constant 0 : i32
        %lt3A_794 = vector.broadcast %lt3A_793 : i32 to vector<16xi32>
        %lt3A_795 = arith.cmpi slt, %and3A_792, %lt3A_794 : vector<16xi32>
        %add3A_796 = arith.constant 16 : i32
        %add3A_797 = vector.broadcast %add3A_796 : i32 to vector<16xi32>
        %add3A_798 = arith.addi %and3A_792, %add3A_797 : vector<16xi32>
        %select_n3A_799 = arith.select %lt3A_795, %add3A_798, %and3A_792 : vector<16xi1>, vector<16xi32>
        %broadcast_in_dim3A_800 = vector.shape_cast %select_n3A_799 : vector<16xi32> to vector<16x1xi32>
        %gather3A_801 = vector.shape_cast %broadcast_in_dim3A_800 : vector<16x1xi32> to vector<16xi32>
        %gather3A_802 = tpu.dynamic_gather %masked_sort3A_786[%gather3A_801] in [0] : vector<16xi32>, vector<16xi32> -> vector<16xi32>
        %add3A_803 = arith.constant 1 : i32
        %add3A_804 = vector.broadcast %add3A_803 : i32 to vector<16xi32>
        %add3A_805 = arith.addi %iota3A, %add3A_804 : vector<16xi32>
        %and3A_806 = arith.constant 15 : i32
        %and3A_807 = vector.broadcast %and3A_806 : i32 to vector<16xi32>
        %and3A_808 = arith.andi %add3A_805, %and3A_807 : vector<16xi32>
        %lt3A_809 = arith.constant 0 : i32
        %lt3A_810 = vector.broadcast %lt3A_809 : i32 to vector<16xi32>
        %lt3A_811 = arith.cmpi slt, %and3A_808, %lt3A_810 : vector<16xi32>
        %add3A_812 = arith.constant 16 : i32
        %add3A_813 = vector.broadcast %add3A_812 : i32 to vector<16xi32>
        %add3A_814 = arith.addi %and3A_808, %add3A_813 : vector<16xi32>
        %select_n3A_815 = arith.select %lt3A_811, %add3A_814, %and3A_808 : vector<16xi1>, vector<16xi32>
        %broadcast_in_dim3A_816 = vector.shape_cast %select_n3A_815 : vector<16xi32> to vector<16x1xi32>
        %gather3A_817 = vector.shape_cast %broadcast_in_dim3A_816 : vector<16x1xi32> to vector<16xi32>
        %gather3A_818 = tpu.dynamic_gather %masked_sort3A_786[%gather3A_817] in [0] : vector<16xi32>, vector<16xi32> -> vector<16xi32>
        %eq3A_819 = arith.constant 0 : i32
        %eq3A_820 = vector.broadcast %eq3A_819 : i32 to vector<16xi32>
        %eq3A_821 = arith.cmpi eq, %iota3A, %eq3A_820 : vector<16xi32>
        %ne3A_822 = arith.cmpi ne, %masked_sort3A_786, %gather3A_802 : vector<16xi32>
        %or3A_823 = arith.ori %eq3A_821, %ne3A_822 : vector<16xi1>
        %jit3A_824 = arith.constant 0 : i32
        %broadcast_in_dim3A_825 = vector.broadcast %jit3A_824 : i32 to vector<16xi32>
        %select_n3A_826 = arith.select %or3A_823, %iota3A, %broadcast_in_dim3A_825 : vector<16xi1>, vector<16xi32>
        %broadcast_in_dim3A_827 = arith.constant true
        %broadcast_in_dim3A_828 = vector.broadcast %broadcast_in_dim3A_827 : i1 to vector<16xi1>
        %masked_cummax3A_829 = arith.constant -2147483648 : i32
        %masked_cummax3A_830 = vector.broadcast %masked_cummax3A_829 : i32 to vector<16xi32>
        %masked_cummax3A_831 = arith.xori %select_n3A_826, %masked_cummax3A_830 : vector<16xi32>
        %masked_cummax3A_832 = tpu.scan <max>, %masked_cummax3A_831 masked %broadcast_in_dim3A_828 : vector<16xi32>, vector<16xi1> -> vector<16xi32>
        %masked_cummax3A_833 = arith.xori %masked_cummax3A_832, %masked_cummax3A_830 : vector<16xi32>
        %eq3A_834 = arith.constant 15 : i32
        %eq3A_835 = vector.broadcast %eq3A_834 : i32 to vector<16xi32>
        %eq3A_836 = arith.cmpi eq, %iota3A, %eq3A_835 : vector<16xi32>
        %ne3A_837 = arith.cmpi ne, %masked_sort3A_786, %gather3A_818 : vector<16xi32>
        %or3A_838 = arith.ori %eq3A_836, %ne3A_837 : vector<16xi1>
        %ne3A_839 = arith.constant 2047 : i32
        %ne3A_840 = vector.broadcast %ne3A_839 : i32 to vector<16xi32>
        %ne3A_841 = arith.cmpi ne, %masked_sort3A_786, %ne3A_840 : vector<16xi32>
        %and3A_842 = arith.andi %or3A_838, %ne3A_841 : vector<16xi1>
        %sub3A_843 = arith.subi %iota3A, %masked_cummax3A_833 : vector<16xi32>
        %add3A_844 = arith.constant 1 : i32
        %add3A_845 = vector.broadcast %add3A_844 : i32 to vector<16xi32>
        %add3A_846 = arith.addi %sub3A_843, %add3A_845 : vector<16xi32>
        %convert_element_type3A_847 = arith.sitofp %add3A_846 : vector<16xi32> to vector<16xf32>
        %and3A_848 = arith.constant 15 : i32
        %and3A_849 = vector.broadcast %and3A_848 : i32 to vector<16xi32>
        %and3A_850 = arith.andi %masked_sort3A_786, %and3A_849 : vector<16xi32>
        %shift_right_arithmetic3A_851 = arith.constant 4 : i32
        %shift_right_arithmetic3A_852 = vector.broadcast %shift_right_arithmetic3A_851 : i32 to vector<16xi32>
        %shift_right_arithmetic3A_853 = arith.shrsi %masked_sort3A_786, %shift_right_arithmetic3A_852 : vector<16xi32>
        tpu.vector_store_idx %arg13[%and3A_850, %shift_right_arithmetic3A_853], %convert_element_type3A_847 masked %and3A_842 {add = true} : memref<16x128xf32, #tpu.memory_space<vmem>>[vector<16xi32>, vector<16xi32>], vector<16xf32>, vector<16xi1>
        %mul3A_854 = arith.constant 128 : i32
        %mul3A_855 = arith.muli %add3A_439, %mul3A_854 : i32
        %add3A_856 = arith.constant 80 : i32
        %add3A_857 = arith.addi %mul3A_855, %add3A_856 : i32
        %get3A_858 = arith.index_cast %add3A_857 : i32 to index
        %get3A_859 = tpu.vector_load %arg7[%get3A_858] {strides = array<i32>} : memref<10368xi32, #tpu.memory_space<vmem>>, vector<16xi32>,
        %masked_sort3A_860 = arith.constant dense<true> : vector<16xi1>
        %masked_sort3A_861 = arith.constant -2147483648 : i32
        %masked_sort3A_862 = vector.broadcast %masked_sort3A_861 : i32 to vector<16xi32>
        %masked_sort3A_863 = arith.xori %get3A_859, %masked_sort3A_862 : vector<16xi32>
        %masked_sort3A_864, %masked_sort3A_865, %masked_sort3A_866 = tpu.sort %masked_sort3A_863, %get3A_859 masked %masked_sort3A_860 : (vector<16xi32>, vector<16xi32>, vector<16xi1>) -> (vector<16xi1>, vector<16xi32>, vector<16xi32>)
        %masked_sort3A_867 = arith.xori %masked_sort3A_865, %masked_sort3A_862 : vector<16xi32>
        %add3A_868 = arith.constant 15 : i32
        %add3A_869 = vector.broadcast %add3A_868 : i32 to vector<16xi32>
        %add3A_870 = arith.addi %iota3A, %add3A_869 : vector<16xi32>
        %and3A_871 = arith.constant 15 : i32
        %and3A_872 = vector.broadcast %and3A_871 : i32 to vector<16xi32>
        %and3A_873 = arith.andi %add3A_870, %and3A_872 : vector<16xi32>
        %lt3A_874 = arith.constant 0 : i32
        %lt3A_875 = vector.broadcast %lt3A_874 : i32 to vector<16xi32>
        %lt3A_876 = arith.cmpi slt, %and3A_873, %lt3A_875 : vector<16xi32>
        %add3A_877 = arith.constant 16 : i32
        %add3A_878 = vector.broadcast %add3A_877 : i32 to vector<16xi32>
        %add3A_879 = arith.addi %and3A_873, %add3A_878 : vector<16xi32>
        %select_n3A_880 = arith.select %lt3A_876, %add3A_879, %and3A_873 : vector<16xi1>, vector<16xi32>
        %broadcast_in_dim3A_881 = vector.shape_cast %select_n3A_880 : vector<16xi32> to vector<16x1xi32>
        %gather3A_882 = vector.shape_cast %broadcast_in_dim3A_881 : vector<16x1xi32> to vector<16xi32>
        %gather3A_883 = tpu.dynamic_gather %masked_sort3A_867[%gather3A_882] in [0] : vector<16xi32>, vector<16xi32> -> vector<16xi32>
        %add3A_884 = arith.constant 1 : i32
        %add3A_885 = vector.broadcast %add3A_884 : i32 to vector<16xi32>
        %add3A_886 = arith.addi %iota3A, %add3A_885 : vector<16xi32>
        %and3A_887 = arith.constant 15 : i32
        %and3A_888 = vector.broadcast %and3A_887 : i32 to vector<16xi32>
        %and3A_889 = arith.andi %add3A_886, %and3A_888 : vector<16xi32>
        %lt3A_890 = arith.constant 0 : i32
        %lt3A_891 = vector.broadcast %lt3A_890 : i32 to vector<16xi32>
        %lt3A_892 = arith.cmpi slt, %and3A_889, %lt3A_891 : vector<16xi32>
        %add3A_893 = arith.constant 16 : i32
        %add3A_894 = vector.broadcast %add3A_893 : i32 to vector<16xi32>
        %add3A_895 = arith.addi %and3A_889, %add3A_894 : vector<16xi32>
        %select_n3A_896 = arith.select %lt3A_892, %add3A_895, %and3A_889 : vector<16xi1>, vector<16xi32>
        %broadcast_in_dim3A_897 = vector.shape_cast %select_n3A_896 : vector<16xi32> to vector<16x1xi32>
        %gather3A_898 = vector.shape_cast %broadcast_in_dim3A_897 : vector<16x1xi32> to vector<16xi32>
        %gather3A_899 = tpu.dynamic_gather %masked_sort3A_867[%gather3A_898] in [0] : vector<16xi32>, vector<16xi32> -> vector<16xi32>
        %eq3A_900 = arith.constant 0 : i32
        %eq3A_901 = vector.broadcast %eq3A_900 : i32 to vector<16xi32>
        %eq3A_902 = arith.cmpi eq, %iota3A, %eq3A_901 : vector<16xi32>
        %ne3A_903 = arith.cmpi ne, %masked_sort3A_867, %gather3A_883 : vector<16xi32>
        %or3A_904 = arith.ori %eq3A_902, %ne3A_903 : vector<16xi1>
        %jit3A_905 = arith.constant 0 : i32
        %broadcast_in_dim3A_906 = vector.broadcast %jit3A_905 : i32 to vector<16xi32>
        %select_n3A_907 = arith.select %or3A_904, %iota3A, %broadcast_in_dim3A_906 : vector<16xi1>, vector<16xi32>
        %broadcast_in_dim3A_908 = arith.constant true
        %broadcast_in_dim3A_909 = vector.broadcast %broadcast_in_dim3A_908 : i1 to vector<16xi1>
        %masked_cummax3A_910 = arith.constant -2147483648 : i32
        %masked_cummax3A_911 = vector.broadcast %masked_cummax3A_910 : i32 to vector<16xi32>
        %masked_cummax3A_912 = arith.xori %select_n3A_907, %masked_cummax3A_911 : vector<16xi32>
        %masked_cummax3A_913 = tpu.scan <max>, %masked_cummax3A_912 masked %broadcast_in_dim3A_909 : vector<16xi32>, vector<16xi1> -> vector<16xi32>
        %masked_cummax3A_914 = arith.xori %masked_cummax3A_913, %masked_cummax3A_911 : vector<16xi32>
        %eq3A_915 = arith.constant 15 : i32
        %eq3A_916 = vector.broadcast %eq3A_915 : i32 to vector<16xi32>
        %eq3A_917 = arith.cmpi eq, %iota3A, %eq3A_916 : vector<16xi32>
        %ne3A_918 = arith.cmpi ne, %masked_sort3A_867, %gather3A_899 : vector<16xi32>
        %or3A_919 = arith.ori %eq3A_917, %ne3A_918 : vector<16xi1>
        %ne3A_920 = arith.constant 2047 : i32
        %ne3A_921 = vector.broadcast %ne3A_920 : i32 to vector<16xi32>
        %ne3A_922 = arith.cmpi ne, %masked_sort3A_867, %ne3A_921 : vector<16xi32>
        %and3A_923 = arith.andi %or3A_919, %ne3A_922 : vector<16xi1>
        %sub3A_924 = arith.subi %iota3A, %masked_cummax3A_914 : vector<16xi32>
        %add3A_925 = arith.constant 1 : i32
        %add3A_926 = vector.broadcast %add3A_925 : i32 to vector<16xi32>
        %add3A_927 = arith.addi %sub3A_924, %add3A_926 : vector<16xi32>
        %convert_element_type3A_928 = arith.sitofp %add3A_927 : vector<16xi32> to vector<16xf32>
        %and3A_929 = arith.constant 15 : i32
        %and3A_930 = vector.broadcast %and3A_929 : i32 to vector<16xi32>
        %and3A_931 = arith.andi %masked_sort3A_867, %and3A_930 : vector<16xi32>
        %shift_right_arithmetic3A_932 = arith.constant 4 : i32
        %shift_right_arithmetic3A_933 = vector.broadcast %shift_right_arithmetic3A_932 : i32 to vector<16xi32>
        %shift_right_arithmetic3A_934 = arith.shrsi %masked_sort3A_867, %shift_right_arithmetic3A_933 : vector<16xi32>
        tpu.vector_store_idx %arg13[%and3A_931, %shift_right_arithmetic3A_934], %convert_element_type3A_928 masked %and3A_923 {add = true} : memref<16x128xf32, #tpu.memory_space<vmem>>[vector<16xi32>, vector<16xi32>], vector<16xf32>, vector<16xi1>
        %mul3A_935 = arith.constant 128 : i32
        %mul3A_936 = arith.muli %add3A_439, %mul3A_935 : i32
        %add3A_937 = arith.constant 96 : i32
        %add3A_938 = arith.addi %mul3A_936, %add3A_937 : i32
        %get3A_939 = arith.index_cast %add3A_938 : i32 to index
        %get3A_940 = tpu.vector_load %arg7[%get3A_939] {strides = array<i32>} : memref<10368xi32, #tpu.memory_space<vmem>>, vector<16xi32>,
        %masked_sort3A_941 = arith.constant dense<true> : vector<16xi1>
        %masked_sort3A_942 = arith.constant -2147483648 : i32
        %masked_sort3A_943 = vector.broadcast %masked_sort3A_942 : i32 to vector<16xi32>
        %masked_sort3A_944 = arith.xori %get3A_940, %masked_sort3A_943 : vector<16xi32>
        %masked_sort3A_945, %masked_sort3A_946, %masked_sort3A_947 = tpu.sort %masked_sort3A_944, %get3A_940 masked %masked_sort3A_941 : (vector<16xi32>, vector<16xi32>, vector<16xi1>) -> (vector<16xi1>, vector<16xi32>, vector<16xi32>)
        %masked_sort3A_948 = arith.xori %masked_sort3A_946, %masked_sort3A_943 : vector<16xi32>
        %add3A_949 = arith.constant 15 : i32
        %add3A_950 = vector.broadcast %add3A_949 : i32 to vector<16xi32>
        %add3A_951 = arith.addi %iota3A, %add3A_950 : vector<16xi32>
        %and3A_952 = arith.constant 15 : i32
        %and3A_953 = vector.broadcast %and3A_952 : i32 to vector<16xi32>
        %and3A_954 = arith.andi %add3A_951, %and3A_953 : vector<16xi32>
        %lt3A_955 = arith.constant 0 : i32
        %lt3A_956 = vector.broadcast %lt3A_955 : i32 to vector<16xi32>
        %lt3A_957 = arith.cmpi slt, %and3A_954, %lt3A_956 : vector<16xi32>
        %add3A_958 = arith.constant 16 : i32
        %add3A_959 = vector.broadcast %add3A_958 : i32 to vector<16xi32>
        %add3A_960 = arith.addi %and3A_954, %add3A_959 : vector<16xi32>
        %select_n3A_961 = arith.select %lt3A_957, %add3A_960, %and3A_954 : vector<16xi1>, vector<16xi32>
        %broadcast_in_dim3A_962 = vector.shape_cast %select_n3A_961 : vector<16xi32> to vector<16x1xi32>
        %gather3A_963 = vector.shape_cast %broadcast_in_dim3A_962 : vector<16x1xi32> to vector<16xi32>
        %gather3A_964 = tpu.dynamic_gather %masked_sort3A_948[%gather3A_963] in [0] : vector<16xi32>, vector<16xi32> -> vector<16xi32>
        %add3A_965 = arith.constant 1 : i32
        %add3A_966 = vector.broadcast %add3A_965 : i32 to vector<16xi32>
        %add3A_967 = arith.addi %iota3A, %add3A_966 : vector<16xi32>
        %and3A_968 = arith.constant 15 : i32
        %and3A_969 = vector.broadcast %and3A_968 : i32 to vector<16xi32>
        %and3A_970 = arith.andi %add3A_967, %and3A_969 : vector<16xi32>
        %lt3A_971 = arith.constant 0 : i32
        %lt3A_972 = vector.broadcast %lt3A_971 : i32 to vector<16xi32>
        %lt3A_973 = arith.cmpi slt, %and3A_970, %lt3A_972 : vector<16xi32>
        %add3A_974 = arith.constant 16 : i32
        %add3A_975 = vector.broadcast %add3A_974 : i32 to vector<16xi32>
        %add3A_976 = arith.addi %and3A_970, %add3A_975 : vector<16xi32>
        %select_n3A_977 = arith.select %lt3A_973, %add3A_976, %and3A_970 : vector<16xi1>, vector<16xi32>
        %broadcast_in_dim3A_978 = vector.shape_cast %select_n3A_977 : vector<16xi32> to vector<16x1xi32>
        %gather3A_979 = vector.shape_cast %broadcast_in_dim3A_978 : vector<16x1xi32> to vector<16xi32>
        %gather3A_980 = tpu.dynamic_gather %masked_sort3A_948[%gather3A_979] in [0] : vector<16xi32>, vector<16xi32> -> vector<16xi32>
        %eq3A_981 = arith.constant 0 : i32
        %eq3A_982 = vector.broadcast %eq3A_981 : i32 to vector<16xi32>
        %eq3A_983 = arith.cmpi eq, %iota3A, %eq3A_982 : vector<16xi32>
        %ne3A_984 = arith.cmpi ne, %masked_sort3A_948, %gather3A_964 : vector<16xi32>
        %or3A_985 = arith.ori %eq3A_983, %ne3A_984 : vector<16xi1>
        %jit3A_986 = arith.constant 0 : i32
        %broadcast_in_dim3A_987 = vector.broadcast %jit3A_986 : i32 to vector<16xi32>
        %select_n3A_988 = arith.select %or3A_985, %iota3A, %broadcast_in_dim3A_987 : vector<16xi1>, vector<16xi32>
        %broadcast_in_dim3A_989 = arith.constant true
        %broadcast_in_dim3A_990 = vector.broadcast %broadcast_in_dim3A_989 : i1 to vector<16xi1>
        %masked_cummax3A_991 = arith.constant -2147483648 : i32
        %masked_cummax3A_992 = vector.broadcast %masked_cummax3A_991 : i32 to vector<16xi32>
        %masked_cummax3A_993 = arith.xori %select_n3A_988, %masked_cummax3A_992 : vector<16xi32>
        %masked_cummax3A_994 = tpu.scan <max>, %masked_cummax3A_993 masked %broadcast_in_dim3A_990 : vector<16xi32>, vector<16xi1> -> vector<16xi32>
        %masked_cummax3A_995 = arith.xori %masked_cummax3A_994, %masked_cummax3A_992 : vector<16xi32>
        %eq3A_996 = arith.constant 15 : i32
        %eq3A_997 = vector.broadcast %eq3A_996 : i32 to vector<16xi32>
        %eq3A_998 = arith.cmpi eq, %iota3A, %eq3A_997 : vector<16xi32>
        %ne3A_999 = arith.cmpi ne, %masked_sort3A_948, %gather3A_980 : vector<16xi32>
        %or3A_1000 = arith.ori %eq3A_998, %ne3A_999 : vector<16xi1>
        %ne3A_1001 = arith.constant 2047 : i32
        %ne3A_1002 = vector.broadcast %ne3A_1001 : i32 to vector<16xi32>
        %ne3A_1003 = arith.cmpi ne, %masked_sort3A_948, %ne3A_1002 : vector<16xi32>
        %and3A_1004 = arith.andi %or3A_1000, %ne3A_1003 : vector<16xi1>
        %sub3A_1005 = arith.subi %iota3A, %masked_cummax3A_995 : vector<16xi32>
        %add3A_1006 = arith.constant 1 : i32
        %add3A_1007 = vector.broadcast %add3A_1006 : i32 to vector<16xi32>
        %add3A_1008 = arith.addi %sub3A_1005, %add3A_1007 : vector<16xi32>
        %convert_element_type3A_1009 = arith.sitofp %add3A_1008 : vector<16xi32> to vector<16xf32>
        %and3A_1010 = arith.constant 15 : i32
        %and3A_1011 = vector.broadcast %and3A_1010 : i32 to vector<16xi32>
        %and3A_1012 = arith.andi %masked_sort3A_948, %and3A_1011 : vector<16xi32>
        %shift_right_arithmetic3A_1013 = arith.constant 4 : i32
        %shift_right_arithmetic3A_1014 = vector.broadcast %shift_right_arithmetic3A_1013 : i32 to vector<16xi32>
        %shift_right_arithmetic3A_1015 = arith.shrsi %masked_sort3A_948, %shift_right_arithmetic3A_1014 : vector<16xi32>
        tpu.vector_store_idx %arg13[%and3A_1012, %shift_right_arithmetic3A_1015], %convert_element_type3A_1009 masked %and3A_1004 {add = true} : memref<16x128xf32, #tpu.memory_space<vmem>>[vector<16xi32>, vector<16xi32>], vector<16xf32>, vector<16xi1>
        %mul3A_1016 = arith.constant 128 : i32
        %mul3A_1017 = arith.muli %add3A_439, %mul3A_1016 : i32
        %add3A_1018 = arith.constant 112 : i32
        %add3A_1019 = arith.addi %mul3A_1017, %add3A_1018 : i32
        %get3A_1020 = arith.index_cast %add3A_1019 : i32 to index
        %get3A_1021 = tpu.vector_load %arg7[%get3A_1020] {strides = array<i32>} : memref<10368xi32, #tpu.memory_space<vmem>>, vector<16xi32>,
        %masked_sort3A_1022 = arith.constant dense<true> : vector<16xi1>
        %masked_sort3A_1023 = arith.constant -2147483648 : i32
        %masked_sort3A_1024 = vector.broadcast %masked_sort3A_1023 : i32 to vector<16xi32>
        %masked_sort3A_1025 = arith.xori %get3A_1021, %masked_sort3A_1024 : vector<16xi32>
        %masked_sort3A_1026, %masked_sort3A_1027, %masked_sort3A_1028 = tpu.sort %masked_sort3A_1025, %get3A_1021 masked %masked_sort3A_1022 : (vector<16xi32>, vector<16xi32>, vector<16xi1>) -> (vector<16xi1>, vector<16xi32>, vector<16xi32>)
        %masked_sort3A_1029 = arith.xori %masked_sort3A_1027, %masked_sort3A_1024 : vector<16xi32>
        %add3A_1030 = arith.constant 15 : i32
        %add3A_1031 = vector.broadcast %add3A_1030 : i32 to vector<16xi32>
        %add3A_1032 = arith.addi %iota3A, %add3A_1031 : vector<16xi32>
        %and3A_1033 = arith.constant 15 : i32
        %and3A_1034 = vector.broadcast %and3A_1033 : i32 to vector<16xi32>
        %and3A_1035 = arith.andi %add3A_1032, %and3A_1034 : vector<16xi32>
        %lt3A_1036 = arith.constant 0 : i32
        %lt3A_1037 = vector.broadcast %lt3A_1036 : i32 to vector<16xi32>
        %lt3A_1038 = arith.cmpi slt, %and3A_1035, %lt3A_1037 : vector<16xi32>
        %add3A_1039 = arith.constant 16 : i32
        %add3A_1040 = vector.broadcast %add3A_1039 : i32 to vector<16xi32>
        %add3A_1041 = arith.addi %and3A_1035, %add3A_1040 : vector<16xi32>
        %select_n3A_1042 = arith.select %lt3A_1038, %add3A_1041, %and3A_1035 : vector<16xi1>, vector<16xi32>
        %broadcast_in_dim3A_1043 = vector.shape_cast %select_n3A_1042 : vector<16xi32> to vector<16x1xi32>
        %gather3A_1044 = vector.shape_cast %broadcast_in_dim3A_1043 : vector<16x1xi32> to vector<16xi32>
        %gather3A_1045 = tpu.dynamic_gather %masked_sort3A_1029[%gather3A_1044] in [0] : vector<16xi32>, vector<16xi32> -> vector<16xi32>
        %add3A_1046 = arith.constant 1 : i32
        %add3A_1047 = vector.broadcast %add3A_1046 : i32 to vector<16xi32>
        %add3A_1048 = arith.addi %iota3A, %add3A_1047 : vector<16xi32>
        %and3A_1049 = arith.constant 15 : i32
        %and3A_1050 = vector.broadcast %and3A_1049 : i32 to vector<16xi32>
        %and3A_1051 = arith.andi %add3A_1048, %and3A_1050 : vector<16xi32>
        %lt3A_1052 = arith.constant 0 : i32
        %lt3A_1053 = vector.broadcast %lt3A_1052 : i32 to vector<16xi32>
        %lt3A_1054 = arith.cmpi slt, %and3A_1051, %lt3A_1053 : vector<16xi32>
        %add3A_1055 = arith.constant 16 : i32
        %add3A_1056 = vector.broadcast %add3A_1055 : i32 to vector<16xi32>
        %add3A_1057 = arith.addi %and3A_1051, %add3A_1056 : vector<16xi32>
        %select_n3A_1058 = arith.select %lt3A_1054, %add3A_1057, %and3A_1051 : vector<16xi1>, vector<16xi32>
        %broadcast_in_dim3A_1059 = vector.shape_cast %select_n3A_1058 : vector<16xi32> to vector<16x1xi32>
        %gather3A_1060 = vector.shape_cast %broadcast_in_dim3A_1059 : vector<16x1xi32> to vector<16xi32>
        %gather3A_1061 = tpu.dynamic_gather %masked_sort3A_1029[%gather3A_1060] in [0] : vector<16xi32>, vector<16xi32> -> vector<16xi32>
        %eq3A_1062 = arith.constant 0 : i32
        %eq3A_1063 = vector.broadcast %eq3A_1062 : i32 to vector<16xi32>
        %eq3A_1064 = arith.cmpi eq, %iota3A, %eq3A_1063 : vector<16xi32>
        %ne3A_1065 = arith.cmpi ne, %masked_sort3A_1029, %gather3A_1045 : vector<16xi32>
        %or3A_1066 = arith.ori %eq3A_1064, %ne3A_1065 : vector<16xi1>
        %jit3A_1067 = arith.constant 0 : i32
        %broadcast_in_dim3A_1068 = vector.broadcast %jit3A_1067 : i32 to vector<16xi32>
        %select_n3A_1069 = arith.select %or3A_1066, %iota3A, %broadcast_in_dim3A_1068 : vector<16xi1>, vector<16xi32>
        %broadcast_in_dim3A_1070 = arith.constant true
        %broadcast_in_dim3A_1071 = vector.broadcast %broadcast_in_dim3A_1070 : i1 to vector<16xi1>
        %masked_cummax3A_1072 = arith.constant -2147483648 : i32
        %masked_cummax3A_1073 = vector.broadcast %masked_cummax3A_1072 : i32 to vector<16xi32>
        %masked_cummax3A_1074 = arith.xori %select_n3A_1069, %masked_cummax3A_1073 : vector<16xi32>
        %masked_cummax3A_1075 = tpu.scan <max>, %masked_cummax3A_1074 masked %broadcast_in_dim3A_1071 : vector<16xi32>, vector<16xi1> -> vector<16xi32>
        %masked_cummax3A_1076 = arith.xori %masked_cummax3A_1075, %masked_cummax3A_1073 : vector<16xi32>
        %eq3A_1077 = arith.constant 15 : i32
        %eq3A_1078 = vector.broadcast %eq3A_1077 : i32 to vector<16xi32>
        %eq3A_1079 = arith.cmpi eq, %iota3A, %eq3A_1078 : vector<16xi32>
        %ne3A_1080 = arith.cmpi ne, %masked_sort3A_1029, %gather3A_1061 : vector<16xi32>
        %or3A_1081 = arith.ori %eq3A_1079, %ne3A_1080 : vector<16xi1>
        %ne3A_1082 = arith.constant 2047 : i32
        %ne3A_1083 = vector.broadcast %ne3A_1082 : i32 to vector<16xi32>
        %ne3A_1084 = arith.cmpi ne, %masked_sort3A_1029, %ne3A_1083 : vector<16xi32>
        %and3A_1085 = arith.andi %or3A_1081, %ne3A_1084 : vector<16xi1>
        %sub3A_1086 = arith.subi %iota3A, %masked_cummax3A_1076 : vector<16xi32>
        %add3A_1087 = arith.constant 1 : i32
        %add3A_1088 = vector.broadcast %add3A_1087 : i32 to vector<16xi32>
        %add3A_1089 = arith.addi %sub3A_1086, %add3A_1088 : vector<16xi32>
        %convert_element_type3A_1090 = arith.sitofp %add3A_1089 : vector<16xi32> to vector<16xf32>
        %and3A_1091 = arith.constant 15 : i32
        %and3A_1092 = vector.broadcast %and3A_1091 : i32 to vector<16xi32>
        %and3A_1093 = arith.andi %masked_sort3A_1029, %and3A_1092 : vector<16xi32>
        %shift_right_arithmetic3A_1094 = arith.constant 4 : i32
        %shift_right_arithmetic3A_1095 = vector.broadcast %shift_right_arithmetic3A_1094 : i32 to vector<16xi32>
        %shift_right_arithmetic3A_1096 = arith.shrsi %masked_sort3A_1029, %shift_right_arithmetic3A_1095 : vector<16xi32>
        tpu.vector_store_idx %arg13[%and3A_1093, %shift_right_arithmetic3A_1096], %convert_element_type3A_1090 masked %and3A_1085 {add = true} : memref<16x128xf32, #tpu.memory_space<vmem>>[vector<16xi32>, vector<16xi32>], vector<16xf32>, vector<16xi1>
        %mul3A_1097 = arith.constant 128 : i32
        %mul3A_1098 = arith.muli %add3A_439, %mul3A_1097 : i32
        %multiple_of3A = tpu.assume_multiple %mul3A_1098, 8 : i32
        %dma_wait3A = tpu.memref_slice %arg8[%multiple_of3A] : memref<10368xi32, #tpu.memory_space<vmem>> -> memref<128xi32, #tpu.memory_space<vmem>>
        %dma_wait3A_1099 = arith.constant 0 : i32
        %dma_wait3A_1100 = arith.constant 0 : i32
        %dma_wait3A_1101 = tpu.memref_slice %arg2[%dma_wait3A_1099, %dma_wait3A_1100] : memref<10000x128xf32, #tpu.memory_space<hbm>> -> memref<10000x128xf32, #tpu.memory_space<hbm>>
        tpu.wait_indirect_dma semaphore(%arg16 : memref<!tpu.dma_semaphore, #tpu.memory_space<semaphore_mem>>) src(%dma_wait3A_1101 : memref<10000x128xf32, #tpu.memory_space<hbm>>) dst(%arg11 : memref<128x128xf32, #tpu.memory_space<vmem>>)
        %add3A_1102 = arith.constant 3 : i32
        %add3A_1103 = arith.addi %add3A_439, %add3A_1102 : i32
        %sub3A_1104 = arith.constant 1 : i32
        %sub3A_1105 = arith.subi %add3A_1103, %sub3A_1104 : i32
        %lt3A_1106 = arith.cmpi slt, %sub3A_1105, %select_n3A_132 : i32
        %convert_element_type3A_1107 = arith.extui %lt3A_1106 : i1 to i32
        %cond3A_1108 = arith.constant 0 : i32
        %cond3A_1109 = arith.cmpi ne, %convert_element_type3A_1107, %cond3A_1108 : i32
        scf.if %cond3A_1109 {
          %ge3A_1115 = arith.constant 1 : i32
          %ge3A_1116 = arith.cmpi sge, %add3A_439, %ge3A_1115 : i32
          %convert_element_type3A_1117 = arith.extui %ge3A_1116 : i1 to i32
          %cond3A_1118 = arith.constant 0 : i32
          %cond3A_1119 = arith.cmpi ne, %convert_element_type3A_1117, %cond3A_1118 : i32
          scf.if %cond3A_1119 {
            %dma_wait3A_1131 = arith.constant 0 : i32
            %dma_wait3A_1132 = arith.constant 0 : i32
            %dma_wait3A_1133 = tpu.memref_slice %arg9[%dma_wait3A_1131, %dma_wait3A_1132] : memref<80x128xi32, #tpu.memory_space<vmem>> -> memref<1x128xi32, #tpu.memory_space<vmem>>
            %dma_wait3A_1134 = tpu.memref_squeeze %dma_wait3A_1133 : memref<1x128xi32, #tpu.memory_space<vmem>> -> memref<128xi32, #tpu.memory_space<vmem>>
            %dma_wait3A_1135 = arith.constant 0 : i32
            %dma_wait3A_1136 = arith.constant 0 : i32
            %dma_wait3A_1137 = tpu.memref_slice %arg21[%dma_wait3A_1135, %dma_wait3A_1136] : memref<2048x128xf32, #tpu.memory_space<vmem_shared>> -> memref<2048x128xf32, #tpu.memory_space<vmem_shared>>
            tpu.wait_indirect_dma semaphore(%arg18 : memref<!tpu.dma_semaphore, #tpu.memory_space<semaphore_mem>>) src(%arg10 : memref<128x128xf32, #tpu.memory_space<vmem>>) dst(%dma_wait3A_1137 : memref<2048x128xf32, #tpu.memory_space<vmem_shared>>)
          } else {
          }
          %add3A_1120 = arith.constant 3 : i32
          %add3A_1121 = arith.addi %add3A_439, %add3A_1120 : i32
          %sub3A_1122 = arith.constant 1 : i32
          %sub3A_1123 = arith.subi %add3A_1121, %sub3A_1122 : i32
          %mul3A_1124 = arith.constant 128 : i32
          %mul3A_1125 = arith.muli %sub3A_1123, %mul3A_1124 : i32
          %multiple_of3A_1126 = tpu.assume_multiple %mul3A_1125, 8 : i32
          %dma_start3A_1127 = tpu.memref_slice %arg8[%multiple_of3A_1126] : memref<10368xi32, #tpu.memory_space<vmem>> -> memref<128xi32, #tpu.memory_space<vmem>>
          %dma_start3A_1128 = arith.constant 0 : i32
          %dma_start3A_1129 = arith.constant 0 : i32
          %dma_start3A_1130 = tpu.memref_slice %arg2[%dma_start3A_1128, %dma_start3A_1129] : memref<10000x128xf32, #tpu.memory_space<hbm>> -> memref<10000x128xf32, #tpu.memory_space<hbm>>
          tpu.enqueue_indirect_dma source(%dma_start3A_1130 : memref<10000x128xf32, #tpu.memory_space<hbm>>) target(%arg10 : memref<128x128xf32, #tpu.memory_space<vmem>>) offsets(%dma_start3A_1127 : memref<128xi32, #tpu.memory_space<vmem>>) semaphore(%arg15 : memref<!tpu.dma_semaphore, #tpu.memory_space<semaphore_mem>>)
        } else {
        }
        %dma_start3A = arith.constant 0 : i32
        %dma_start3A_1110 = tpu.memref_slice %arg9[%add3A_439, %dma_start3A] : memref<80x128xi32, #tpu.memory_space<vmem>> -> memref<1x128xi32, #tpu.memory_space<vmem>>
        %dma_start3A_1111 = tpu.memref_squeeze %dma_start3A_1110 : memref<1x128xi32, #tpu.memory_space<vmem>> -> memref<128xi32, #tpu.memory_space<vmem>>
        %dma_start3A_1112 = arith.constant 0 : i32
        %dma_start3A_1113 = arith.constant 0 : i32
        %dma_start3A_1114 = tpu.memref_slice %arg21[%dma_start3A_1112, %dma_start3A_1113] : memref<2048x128xf32, #tpu.memory_space<vmem_shared>> -> memref<2048x128xf32, #tpu.memory_space<vmem_shared>>
        tpu.enqueue_indirect_dma source(%arg11 : memref<128x128xf32, #tpu.memory_space<vmem>>) target(%dma_start3A_1114 : memref<2048x128xf32, #tpu.memory_space<vmem_shared>>) offsets(%dma_start3A_1111 : memref<128xi32, #tpu.memory_space<vmem>>) semaphore(%arg19 : memref<!tpu.dma_semaphore, #tpu.memory_space<semaphore_mem>>) {add = true}
      } else {
      }
      %mul3A_444 = arith.constant 3 : i32
      %mul3A_445 = arith.muli %while3A_426, %mul3A_444 : i32
      %add3A_446 = arith.constant 2 : i32
      %add3A_447 = arith.addi %mul3A_445, %add3A_446 : i32
      %lt3A_448 = arith.cmpi slt, %add3A_447, %select_n3A_132 : i32
      %convert_element_type3A_449 = arith.extui %lt3A_448 : i1 to i32
      %cond3A_450 = arith.constant 0 : i32
      %cond3A_451 = arith.cmpi ne, %convert_element_type3A_449, %cond3A_450 : i32
      scf.if %cond3A_451 {
        %mul3A_453 = arith.constant 128 : i32
        %mul3A_454 = arith.muli %add3A_447, %mul3A_453 : i32
        %add3A_455 = arith.constant 0 : i32
        %add3A_456 = arith.addi %mul3A_454, %add3A_455 : i32
        %get3A_457 = arith.index_cast %add3A_456 : i32 to index
        %get3A_458 = tpu.vector_load %arg7[%get3A_457] {strides = array<i32>} : memref<10368xi32, #tpu.memory_space<vmem>>, vector<16xi32>,
        %masked_sort3A = arith.constant dense<true> : vector<16xi1>
        %masked_sort3A_459 = arith.constant -2147483648 : i32
        %masked_sort3A_460 = vector.broadcast %masked_sort3A_459 : i32 to vector<16xi32>
        %masked_sort3A_461 = arith.xori %get3A_458, %masked_sort3A_460 : vector<16xi32>
        %masked_sort3A_462, %masked_sort3A_463, %masked_sort3A_464 = tpu.sort %masked_sort3A_461, %get3A_458 masked %masked_sort3A : (vector<16xi32>, vector<16xi32>, vector<16xi1>) -> (vector<16xi1>, vector<16xi32>, vector<16xi32>)
        %masked_sort3A_465 = arith.xori %masked_sort3A_463, %masked_sort3A_460 : vector<16xi32>
        %add3A_466 = arith.constant 15 : i32
        %add3A_467 = vector.broadcast %add3A_466 : i32 to vector<16xi32>
        %add3A_468 = arith.addi %iota3A, %add3A_467 : vector<16xi32>
        %and3A_469 = arith.constant 15 : i32
        %and3A_470 = vector.broadcast %and3A_469 : i32 to vector<16xi32>
        %and3A_471 = arith.andi %add3A_468, %and3A_470 : vector<16xi32>
        %lt3A_472 = arith.constant 0 : i32
        %lt3A_473 = vector.broadcast %lt3A_472 : i32 to vector<16xi32>
        %lt3A_474 = arith.cmpi slt, %and3A_471, %lt3A_473 : vector<16xi32>
        %add3A_475 = arith.constant 16 : i32
        %add3A_476 = vector.broadcast %add3A_475 : i32 to vector<16xi32>
        %add3A_477 = arith.addi %and3A_471, %add3A_476 : vector<16xi32>
        %select_n3A_478 = arith.select %lt3A_474, %add3A_477, %and3A_471 : vector<16xi1>, vector<16xi32>
        %broadcast_in_dim3A_479 = vector.shape_cast %select_n3A_478 : vector<16xi32> to vector<16x1xi32>
        %gather3A = vector.shape_cast %broadcast_in_dim3A_479 : vector<16x1xi32> to vector<16xi32>
        %gather3A_480 = tpu.dynamic_gather %masked_sort3A_465[%gather3A] in [0] : vector<16xi32>, vector<16xi32> -> vector<16xi32>
        %add3A_481 = arith.constant 1 : i32
        %add3A_482 = vector.broadcast %add3A_481 : i32 to vector<16xi32>
        %add3A_483 = arith.addi %iota3A, %add3A_482 : vector<16xi32>
        %and3A_484 = arith.constant 15 : i32
        %and3A_485 = vector.broadcast %and3A_484 : i32 to vector<16xi32>
        %and3A_486 = arith.andi %add3A_483, %and3A_485 : vector<16xi32>
        %lt3A_487 = arith.constant 0 : i32
        %lt3A_488 = vector.broadcast %lt3A_487 : i32 to vector<16xi32>
        %lt3A_489 = arith.cmpi slt, %and3A_486, %lt3A_488 : vector<16xi32>
        %add3A_490 = arith.constant 16 : i32
        %add3A_491 = vector.broadcast %add3A_490 : i32 to vector<16xi32>
        %add3A_492 = arith.addi %and3A_486, %add3A_491 : vector<16xi32>
        %select_n3A_493 = arith.select %lt3A_489, %add3A_492, %and3A_486 : vector<16xi1>, vector<16xi32>
        %broadcast_in_dim3A_494 = vector.shape_cast %select_n3A_493 : vector<16xi32> to vector<16x1xi32>
        %gather3A_495 = vector.shape_cast %broadcast_in_dim3A_494 : vector<16x1xi32> to vector<16xi32>
        %gather3A_496 = tpu.dynamic_gather %masked_sort3A_465[%gather3A_495] in [0] : vector<16xi32>, vector<16xi32> -> vector<16xi32>
        %eq3A_497 = arith.constant 0 : i32
        %eq3A_498 = vector.broadcast %eq3A_497 : i32 to vector<16xi32>
        %eq3A_499 = arith.cmpi eq, %iota3A, %eq3A_498 : vector<16xi32>
        %ne3A_500 = arith.cmpi ne, %masked_sort3A_465, %gather3A_480 : vector<16xi32>
        %or3A_501 = arith.ori %eq3A_499, %ne3A_500 : vector<16xi1>
        %jit3A_502 = arith.constant 0 : i32
        %broadcast_in_dim3A_503 = vector.broadcast %jit3A_502 : i32 to vector<16xi32>
        %select_n3A_504 = arith.select %or3A_501, %iota3A, %broadcast_in_dim3A_503 : vector<16xi1>, vector<16xi32>
        %broadcast_in_dim3A_505 = arith.constant true
        %broadcast_in_dim3A_506 = vector.broadcast %broadcast_in_dim3A_505 : i1 to vector<16xi1>
        %masked_cummax3A = arith.constant -2147483648 : i32
        %masked_cummax3A_507 = vector.broadcast %masked_cummax3A : i32 to vector<16xi32>
        %masked_cummax3A_508 = arith.xori %select_n3A_504, %masked_cummax3A_507 : vector<16xi32>
        %masked_cummax3A_509 = tpu.scan <max>, %masked_cummax3A_508 masked %broadcast_in_dim3A_506 : vector<16xi32>, vector<16xi1> -> vector<16xi32>
        %masked_cummax3A_510 = arith.xori %masked_cummax3A_509, %masked_cummax3A_507 : vector<16xi32>
        %eq3A_511 = arith.constant 15 : i32
        %eq3A_512 = vector.broadcast %eq3A_511 : i32 to vector<16xi32>
        %eq3A_513 = arith.cmpi eq, %iota3A, %eq3A_512 : vector<16xi32>
        %ne3A_514 = arith.cmpi ne, %masked_sort3A_465, %gather3A_496 : vector<16xi32>
        %or3A_515 = arith.ori %eq3A_513, %ne3A_514 : vector<16xi1>
        %ne3A_516 = arith.constant 2047 : i32
        %ne3A_517 = vector.broadcast %ne3A_516 : i32 to vector<16xi32>
        %ne3A_518 = arith.cmpi ne, %masked_sort3A_465, %ne3A_517 : vector<16xi32>
        %and3A_519 = arith.andi %or3A_515, %ne3A_518 : vector<16xi1>
        %sub3A_520 = arith.subi %iota3A, %masked_cummax3A_510 : vector<16xi32>
        %add3A_521 = arith.constant 1 : i32
        %add3A_522 = vector.broadcast %add3A_521 : i32 to vector<16xi32>
        %add3A_523 = arith.addi %sub3A_520, %add3A_522 : vector<16xi32>
        %convert_element_type3A_524 = arith.sitofp %add3A_523 : vector<16xi32> to vector<16xf32>
        %and3A_525 = arith.constant 15 : i32
        %and3A_526 = vector.broadcast %and3A_525 : i32 to vector<16xi32>
        %and3A_527 = arith.andi %masked_sort3A_465, %and3A_526 : vector<16xi32>
        %shift_right_arithmetic3A = arith.constant 4 : i32
        %shift_right_arithmetic3A_528 = vector.broadcast %shift_right_arithmetic3A : i32 to vector<16xi32>
        %shift_right_arithmetic3A_529 = arith.shrsi %masked_sort3A_465, %shift_right_arithmetic3A_528 : vector<16xi32>
        tpu.vector_store_idx %arg13[%and3A_527, %shift_right_arithmetic3A_529], %convert_element_type3A_524 masked %and3A_519 {add = true} : memref<16x128xf32, #tpu.memory_space<vmem>>[vector<16xi32>, vector<16xi32>], vector<16xf32>, vector<16xi1>
        %mul3A_530 = arith.constant 128 : i32
        %mul3A_531 = arith.muli %add3A_447, %mul3A_530 : i32
        %add3A_532 = arith.constant 16 : i32
        %add3A_533 = arith.addi %mul3A_531, %add3A_532 : i32
        %get3A_534 = arith.index_cast %add3A_533 : i32 to index
        %get3A_535 = tpu.vector_load %arg7[%get3A_534] {strides = array<i32>} : memref<10368xi32, #tpu.memory_space<vmem>>, vector<16xi32>,
        %masked_sort3A_536 = arith.constant dense<true> : vector<16xi1>
        %masked_sort3A_537 = arith.constant -2147483648 : i32
        %masked_sort3A_538 = vector.broadcast %masked_sort3A_537 : i32 to vector<16xi32>
        %masked_sort3A_539 = arith.xori %get3A_535, %masked_sort3A_538 : vector<16xi32>
        %masked_sort3A_540, %masked_sort3A_541, %masked_sort3A_542 = tpu.sort %masked_sort3A_539, %get3A_535 masked %masked_sort3A_536 : (vector<16xi32>, vector<16xi32>, vector<16xi1>) -> (vector<16xi1>, vector<16xi32>, vector<16xi32>)
        %masked_sort3A_543 = arith.xori %masked_sort3A_541, %masked_sort3A_538 : vector<16xi32>
        %add3A_544 = arith.constant 15 : i32
        %add3A_545 = vector.broadcast %add3A_544 : i32 to vector<16xi32>
        %add3A_546 = arith.addi %iota3A, %add3A_545 : vector<16xi32>
        %and3A_547 = arith.constant 15 : i32
        %and3A_548 = vector.broadcast %and3A_547 : i32 to vector<16xi32>
        %and3A_549 = arith.andi %add3A_546, %and3A_548 : vector<16xi32>
        %lt3A_550 = arith.constant 0 : i32
        %lt3A_551 = vector.broadcast %lt3A_550 : i32 to vector<16xi32>
        %lt3A_552 = arith.cmpi slt, %and3A_549, %lt3A_551 : vector<16xi32>
        %add3A_553 = arith.constant 16 : i32
        %add3A_554 = vector.broadcast %add3A_553 : i32 to vector<16xi32>
        %add3A_555 = arith.addi %and3A_549, %add3A_554 : vector<16xi32>
        %select_n3A_556 = arith.select %lt3A_552, %add3A_555, %and3A_549 : vector<16xi1>, vector<16xi32>
        %broadcast_in_dim3A_557 = vector.shape_cast %select_n3A_556 : vector<16xi32> to vector<16x1xi32>
        %gather3A_558 = vector.shape_cast %broadcast_in_dim3A_557 : vector<16x1xi32> to vector<16xi32>
        %gather3A_559 = tpu.dynamic_gather %masked_sort3A_543[%gather3A_558] in [0] : vector<16xi32>, vector<16xi32> -> vector<16xi32>
        %add3A_560 = arith.constant 1 : i32
        %add3A_561 = vector.broadcast %add3A_560 : i32 to vector<16xi32>
        %add3A_562 = arith.addi %iota3A, %add3A_561 : vector<16xi32>
        %and3A_563 = arith.constant 15 : i32
        %and3A_564 = vector.broadcast %and3A_563 : i32 to vector<16xi32>
        %and3A_565 = arith.andi %add3A_562, %and3A_564 : vector<16xi32>
        %lt3A_566 = arith.constant 0 : i32
        %lt3A_567 = vector.broadcast %lt3A_566 : i32 to vector<16xi32>
        %lt3A_568 = arith.cmpi slt, %and3A_565, %lt3A_567 : vector<16xi32>
        %add3A_569 = arith.constant 16 : i32
        %add3A_570 = vector.broadcast %add3A_569 : i32 to vector<16xi32>
        %add3A_571 = arith.addi %and3A_565, %add3A_570 : vector<16xi32>
        %select_n3A_572 = arith.select %lt3A_568, %add3A_571, %and3A_565 : vector<16xi1>, vector<16xi32>
        %broadcast_in_dim3A_573 = vector.shape_cast %select_n3A_572 : vector<16xi32> to vector<16x1xi32>
        %gather3A_574 = vector.shape_cast %broadcast_in_dim3A_573 : vector<16x1xi32> to vector<16xi32>
        %gather3A_575 = tpu.dynamic_gather %masked_sort3A_543[%gather3A_574] in [0] : vector<16xi32>, vector<16xi32> -> vector<16xi32>
        %eq3A_576 = arith.constant 0 : i32
        %eq3A_577 = vector.broadcast %eq3A_576 : i32 to vector<16xi32>
        %eq3A_578 = arith.cmpi eq, %iota3A, %eq3A_577 : vector<16xi32>
        %ne3A_579 = arith.cmpi ne, %masked_sort3A_543, %gather3A_559 : vector<16xi32>
        %or3A_580 = arith.ori %eq3A_578, %ne3A_579 : vector<16xi1>
        %jit3A_581 = arith.constant 0 : i32
        %broadcast_in_dim3A_582 = vector.broadcast %jit3A_581 : i32 to vector<16xi32>
        %select_n3A_583 = arith.select %or3A_580, %iota3A, %broadcast_in_dim3A_582 : vector<16xi1>, vector<16xi32>
        %broadcast_in_dim3A_584 = arith.constant true
        %broadcast_in_dim3A_585 = vector.broadcast %broadcast_in_dim3A_584 : i1 to vector<16xi1>
        %masked_cummax3A_586 = arith.constant -2147483648 : i32
        %masked_cummax3A_587 = vector.broadcast %masked_cummax3A_586 : i32 to vector<16xi32>
        %masked_cummax3A_588 = arith.xori %select_n3A_583, %masked_cummax3A_587 : vector<16xi32>
        %masked_cummax3A_589 = tpu.scan <max>, %masked_cummax3A_588 masked %broadcast_in_dim3A_585 : vector<16xi32>, vector<16xi1> -> vector<16xi32>
        %masked_cummax3A_590 = arith.xori %masked_cummax3A_589, %masked_cummax3A_587 : vector<16xi32>
        %eq3A_591 = arith.constant 15 : i32
        %eq3A_592 = vector.broadcast %eq3A_591 : i32 to vector<16xi32>
        %eq3A_593 = arith.cmpi eq, %iota3A, %eq3A_592 : vector<16xi32>
        %ne3A_594 = arith.cmpi ne, %masked_sort3A_543, %gather3A_575 : vector<16xi32>
        %or3A_595 = arith.ori %eq3A_593, %ne3A_594 : vector<16xi1>
        %ne3A_596 = arith.constant 2047 : i32
        %ne3A_597 = vector.broadcast %ne3A_596 : i32 to vector<16xi32>
        %ne3A_598 = arith.cmpi ne, %masked_sort3A_543, %ne3A_597 : vector<16xi32>
        %and3A_599 = arith.andi %or3A_595, %ne3A_598 : vector<16xi1>
        %sub3A_600 = arith.subi %iota3A, %masked_cummax3A_590 : vector<16xi32>
        %add3A_601 = arith.constant 1 : i32
        %add3A_602 = vector.broadcast %add3A_601 : i32 to vector<16xi32>
        %add3A_603 = arith.addi %sub3A_600, %add3A_602 : vector<16xi32>
        %convert_element_type3A_604 = arith.sitofp %add3A_603 : vector<16xi32> to vector<16xf32>
        %and3A_605 = arith.constant 15 : i32
        %and3A_606 = vector.broadcast %and3A_605 : i32 to vector<16xi32>
        %and3A_607 = arith.andi %masked_sort3A_543, %and3A_606 : vector<16xi32>
        %shift_right_arithmetic3A_608 = arith.constant 4 : i32
        %shift_right_arithmetic3A_609 = vector.broadcast %shift_right_arithmetic3A_608 : i32 to vector<16xi32>
        %shift_right_arithmetic3A_610 = arith.shrsi %masked_sort3A_543, %shift_right_arithmetic3A_609 : vector<16xi32>
        tpu.vector_store_idx %arg13[%and3A_607, %shift_right_arithmetic3A_610], %convert_element_type3A_604 masked %and3A_599 {add = true} : memref<16x128xf32, #tpu.memory_space<vmem>>[vector<16xi32>, vector<16xi32>], vector<16xf32>, vector<16xi1>
        %mul3A_611 = arith.constant 128 : i32
        %mul3A_612 = arith.muli %add3A_447, %mul3A_611 : i32
        %add3A_613 = arith.constant 32 : i32
        %add3A_614 = arith.addi %mul3A_612, %add3A_613 : i32
        %get3A_615 = arith.index_cast %add3A_614 : i32 to index
        %get3A_616 = tpu.vector_load %arg7[%get3A_615] {strides = array<i32>} : memref<10368xi32, #tpu.memory_space<vmem>>, vector<16xi32>,
        %masked_sort3A_617 = arith.constant dense<true> : vector<16xi1>
        %masked_sort3A_618 = arith.constant -2147483648 : i32
        %masked_sort3A_619 = vector.broadcast %masked_sort3A_618 : i32 to vector<16xi32>
        %masked_sort3A_620 = arith.xori %get3A_616, %masked_sort3A_619 : vector<16xi32>
        %masked_sort3A_621, %masked_sort3A_622, %masked_sort3A_623 = tpu.sort %masked_sort3A_620, %get3A_616 masked %masked_sort3A_617 : (vector<16xi32>, vector<16xi32>, vector<16xi1>) -> (vector<16xi1>, vector<16xi32>, vector<16xi32>)
        %masked_sort3A_624 = arith.xori %masked_sort3A_622, %masked_sort3A_619 : vector<16xi32>
        %add3A_625 = arith.constant 15 : i32
        %add3A_626 = vector.broadcast %add3A_625 : i32 to vector<16xi32>
        %add3A_627 = arith.addi %iota3A, %add3A_626 : vector<16xi32>
        %and3A_628 = arith.constant 15 : i32
        %and3A_629 = vector.broadcast %and3A_628 : i32 to vector<16xi32>
        %and3A_630 = arith.andi %add3A_627, %and3A_629 : vector<16xi32>
        %lt3A_631 = arith.constant 0 : i32
        %lt3A_632 = vector.broadcast %lt3A_631 : i32 to vector<16xi32>
        %lt3A_633 = arith.cmpi slt, %and3A_630, %lt3A_632 : vector<16xi32>
        %add3A_634 = arith.constant 16 : i32
        %add3A_635 = vector.broadcast %add3A_634 : i32 to vector<16xi32>
        %add3A_636 = arith.addi %and3A_630, %add3A_635 : vector<16xi32>
        %select_n3A_637 = arith.select %lt3A_633, %add3A_636, %and3A_630 : vector<16xi1>, vector<16xi32>
        %broadcast_in_dim3A_638 = vector.shape_cast %select_n3A_637 : vector<16xi32> to vector<16x1xi32>
        %gather3A_639 = vector.shape_cast %broadcast_in_dim3A_638 : vector<16x1xi32> to vector<16xi32>
        %gather3A_640 = tpu.dynamic_gather %masked_sort3A_624[%gather3A_639] in [0] : vector<16xi32>, vector<16xi32> -> vector<16xi32>
        %add3A_641 = arith.constant 1 : i32
        %add3A_642 = vector.broadcast %add3A_641 : i32 to vector<16xi32>
        %add3A_643 = arith.addi %iota3A, %add3A_642 : vector<16xi32>
        %and3A_644 = arith.constant 15 : i32
        %and3A_645 = vector.broadcast %and3A_644 : i32 to vector<16xi32>
        %and3A_646 = arith.andi %add3A_643, %and3A_645 : vector<16xi32>
        %lt3A_647 = arith.constant 0 : i32
        %lt3A_648 = vector.broadcast %lt3A_647 : i32 to vector<16xi32>
        %lt3A_649 = arith.cmpi slt, %and3A_646, %lt3A_648 : vector<16xi32>
        %add3A_650 = arith.constant 16 : i32
        %add3A_651 = vector.broadcast %add3A_650 : i32 to vector<16xi32>
        %add3A_652 = arith.addi %and3A_646, %add3A_651 : vector<16xi32>
        %select_n3A_653 = arith.select %lt3A_649, %add3A_652, %and3A_646 : vector<16xi1>, vector<16xi32>
        %broadcast_in_dim3A_654 = vector.shape_cast %select_n3A_653 : vector<16xi32> to vector<16x1xi32>
        %gather3A_655 = vector.shape_cast %broadcast_in_dim3A_654 : vector<16x1xi32> to vector<16xi32>
        %gather3A_656 = tpu.dynamic_gather %masked_sort3A_624[%gather3A_655] in [0] : vector<16xi32>, vector<16xi32> -> vector<16xi32>
        %eq3A_657 = arith.constant 0 : i32
        %eq3A_658 = vector.broadcast %eq3A_657 : i32 to vector<16xi32>
        %eq3A_659 = arith.cmpi eq, %iota3A, %eq3A_658 : vector<16xi32>
        %ne3A_660 = arith.cmpi ne, %masked_sort3A_624, %gather3A_640 : vector<16xi32>
        %or3A_661 = arith.ori %eq3A_659, %ne3A_660 : vector<16xi1>
        %jit3A_662 = arith.constant 0 : i32
        %broadcast_in_dim3A_663 = vector.broadcast %jit3A_662 : i32 to vector<16xi32>
        %select_n3A_664 = arith.select %or3A_661, %iota3A, %broadcast_in_dim3A_663 : vector<16xi1>, vector<16xi32>
        %broadcast_in_dim3A_665 = arith.constant true
        %broadcast_in_dim3A_666 = vector.broadcast %broadcast_in_dim3A_665 : i1 to vector<16xi1>
        %masked_cummax3A_667 = arith.constant -2147483648 : i32
        %masked_cummax3A_668 = vector.broadcast %masked_cummax3A_667 : i32 to vector<16xi32>
        %masked_cummax3A_669 = arith.xori %select_n3A_664, %masked_cummax3A_668 : vector<16xi32>
        %masked_cummax3A_670 = tpu.scan <max>, %masked_cummax3A_669 masked %broadcast_in_dim3A_666 : vector<16xi32>, vector<16xi1> -> vector<16xi32>
        %masked_cummax3A_671 = arith.xori %masked_cummax3A_670, %masked_cummax3A_668 : vector<16xi32>
        %eq3A_672 = arith.constant 15 : i32
        %eq3A_673 = vector.broadcast %eq3A_672 : i32 to vector<16xi32>
        %eq3A_674 = arith.cmpi eq, %iota3A, %eq3A_673 : vector<16xi32>
        %ne3A_675 = arith.cmpi ne, %masked_sort3A_624, %gather3A_656 : vector<16xi32>
        %or3A_676 = arith.ori %eq3A_674, %ne3A_675 : vector<16xi1>
        %ne3A_677 = arith.constant 2047 : i32
        %ne3A_678 = vector.broadcast %ne3A_677 : i32 to vector<16xi32>
        %ne3A_679 = arith.cmpi ne, %masked_sort3A_624, %ne3A_678 : vector<16xi32>
        %and3A_680 = arith.andi %or3A_676, %ne3A_679 : vector<16xi1>
        %sub3A_681 = arith.subi %iota3A, %masked_cummax3A_671 : vector<16xi32>
        %add3A_682 = arith.constant 1 : i32
        %add3A_683 = vector.broadcast %add3A_682 : i32 to vector<16xi32>
        %add3A_684 = arith.addi %sub3A_681, %add3A_683 : vector<16xi32>
        %convert_element_type3A_685 = arith.sitofp %add3A_684 : vector<16xi32> to vector<16xf32>
        %and3A_686 = arith.constant 15 : i32
        %and3A_687 = vector.broadcast %and3A_686 : i32 to vector<16xi32>
        %and3A_688 = arith.andi %masked_sort3A_624, %and3A_687 : vector<16xi32>
        %shift_right_arithmetic3A_689 = arith.constant 4 : i32
        %shift_right_arithmetic3A_690 = vector.broadcast %shift_right_arithmetic3A_689 : i32 to vector<16xi32>
        %shift_right_arithmetic3A_691 = arith.shrsi %masked_sort3A_624, %shift_right_arithmetic3A_690 : vector<16xi32>
        tpu.vector_store_idx %arg13[%and3A_688, %shift_right_arithmetic3A_691], %convert_element_type3A_685 masked %and3A_680 {add = true} : memref<16x128xf32, #tpu.memory_space<vmem>>[vector<16xi32>, vector<16xi32>], vector<16xf32>, vector<16xi1>
        %mul3A_692 = arith.constant 128 : i32
        %mul3A_693 = arith.muli %add3A_447, %mul3A_692 : i32
        %add3A_694 = arith.constant 48 : i32
        %add3A_695 = arith.addi %mul3A_693, %add3A_694 : i32
        %get3A_696 = arith.index_cast %add3A_695 : i32 to index
        %get3A_697 = tpu.vector_load %arg7[%get3A_696] {strides = array<i32>} : memref<10368xi32, #tpu.memory_space<vmem>>, vector<16xi32>,
        %masked_sort3A_698 = arith.constant dense<true> : vector<16xi1>
        %masked_sort3A_699 = arith.constant -2147483648 : i32
        %masked_sort3A_700 = vector.broadcast %masked_sort3A_699 : i32 to vector<16xi32>
        %masked_sort3A_701 = arith.xori %get3A_697, %masked_sort3A_700 : vector<16xi32>
        %masked_sort3A_702, %masked_sort3A_703, %masked_sort3A_704 = tpu.sort %masked_sort3A_701, %get3A_697 masked %masked_sort3A_698 : (vector<16xi32>, vector<16xi32>, vector<16xi1>) -> (vector<16xi1>, vector<16xi32>, vector<16xi32>)
        %masked_sort3A_705 = arith.xori %masked_sort3A_703, %masked_sort3A_700 : vector<16xi32>
        %add3A_706 = arith.constant 15 : i32
        %add3A_707 = vector.broadcast %add3A_706 : i32 to vector<16xi32>
        %add3A_708 = arith.addi %iota3A, %add3A_707 : vector<16xi32>
        %and3A_709 = arith.constant 15 : i32
        %and3A_710 = vector.broadcast %and3A_709 : i32 to vector<16xi32>
        %and3A_711 = arith.andi %add3A_708, %and3A_710 : vector<16xi32>
        %lt3A_712 = arith.constant 0 : i32
        %lt3A_713 = vector.broadcast %lt3A_712 : i32 to vector<16xi32>
        %lt3A_714 = arith.cmpi slt, %and3A_711, %lt3A_713 : vector<16xi32>
        %add3A_715 = arith.constant 16 : i32
        %add3A_716 = vector.broadcast %add3A_715 : i32 to vector<16xi32>
        %add3A_717 = arith.addi %and3A_711, %add3A_716 : vector<16xi32>
        %select_n3A_718 = arith.select %lt3A_714, %add3A_717, %and3A_711 : vector<16xi1>, vector<16xi32>
        %broadcast_in_dim3A_719 = vector.shape_cast %select_n3A_718 : vector<16xi32> to vector<16x1xi32>
        %gather3A_720 = vector.shape_cast %broadcast_in_dim3A_719 : vector<16x1xi32> to vector<16xi32>
        %gather3A_721 = tpu.dynamic_gather %masked_sort3A_705[%gather3A_720] in [0] : vector<16xi32>, vector<16xi32> -> vector<16xi32>
        %add3A_722 = arith.constant 1 : i32
        %add3A_723 = vector.broadcast %add3A_722 : i32 to vector<16xi32>
        %add3A_724 = arith.addi %iota3A, %add3A_723 : vector<16xi32>
        %and3A_725 = arith.constant 15 : i32
        %and3A_726 = vector.broadcast %and3A_725 : i32 to vector<16xi32>
        %and3A_727 = arith.andi %add3A_724, %and3A_726 : vector<16xi32>
        %lt3A_728 = arith.constant 0 : i32
        %lt3A_729 = vector.broadcast %lt3A_728 : i32 to vector<16xi32>
        %lt3A_730 = arith.cmpi slt, %and3A_727, %lt3A_729 : vector<16xi32>
        %add3A_731 = arith.constant 16 : i32
        %add3A_732 = vector.broadcast %add3A_731 : i32 to vector<16xi32>
        %add3A_733 = arith.addi %and3A_727, %add3A_732 : vector<16xi32>
        %select_n3A_734 = arith.select %lt3A_730, %add3A_733, %and3A_727 : vector<16xi1>, vector<16xi32>
        %broadcast_in_dim3A_735 = vector.shape_cast %select_n3A_734 : vector<16xi32> to vector<16x1xi32>
        %gather3A_736 = vector.shape_cast %broadcast_in_dim3A_735 : vector<16x1xi32> to vector<16xi32>
        %gather3A_737 = tpu.dynamic_gather %masked_sort3A_705[%gather3A_736] in [0] : vector<16xi32>, vector<16xi32> -> vector<16xi32>
        %eq3A_738 = arith.constant 0 : i32
        %eq3A_739 = vector.broadcast %eq3A_738 : i32 to vector<16xi32>
        %eq3A_740 = arith.cmpi eq, %iota3A, %eq3A_739 : vector<16xi32>
        %ne3A_741 = arith.cmpi ne, %masked_sort3A_705, %gather3A_721 : vector<16xi32>
        %or3A_742 = arith.ori %eq3A_740, %ne3A_741 : vector<16xi1>
        %jit3A_743 = arith.constant 0 : i32
        %broadcast_in_dim3A_744 = vector.broadcast %jit3A_743 : i32 to vector<16xi32>
        %select_n3A_745 = arith.select %or3A_742, %iota3A, %broadcast_in_dim3A_744 : vector<16xi1>, vector<16xi32>
        %broadcast_in_dim3A_746 = arith.constant true
        %broadcast_in_dim3A_747 = vector.broadcast %broadcast_in_dim3A_746 : i1 to vector<16xi1>
        %masked_cummax3A_748 = arith.constant -2147483648 : i32
        %masked_cummax3A_749 = vector.broadcast %masked_cummax3A_748 : i32 to vector<16xi32>
        %masked_cummax3A_750 = arith.xori %select_n3A_745, %masked_cummax3A_749 : vector<16xi32>
        %masked_cummax3A_751 = tpu.scan <max>, %masked_cummax3A_750 masked %broadcast_in_dim3A_747 : vector<16xi32>, vector<16xi1> -> vector<16xi32>
        %masked_cummax3A_752 = arith.xori %masked_cummax3A_751, %masked_cummax3A_749 : vector<16xi32>
        %eq3A_753 = arith.constant 15 : i32
        %eq3A_754 = vector.broadcast %eq3A_753 : i32 to vector<16xi32>
        %eq3A_755 = arith.cmpi eq, %iota3A, %eq3A_754 : vector<16xi32>
        %ne3A_756 = arith.cmpi ne, %masked_sort3A_705, %gather3A_737 : vector<16xi32>
        %or3A_757 = arith.ori %eq3A_755, %ne3A_756 : vector<16xi1>
        %ne3A_758 = arith.constant 2047 : i32
        %ne3A_759 = vector.broadcast %ne3A_758 : i32 to vector<16xi32>
        %ne3A_760 = arith.cmpi ne, %masked_sort3A_705, %ne3A_759 : vector<16xi32>
        %and3A_761 = arith.andi %or3A_757, %ne3A_760 : vector<16xi1>
        %sub3A_762 = arith.subi %iota3A, %masked_cummax3A_752 : vector<16xi32>
        %add3A_763 = arith.constant 1 : i32
        %add3A_764 = vector.broadcast %add3A_763 : i32 to vector<16xi32>
        %add3A_765 = arith.addi %sub3A_762, %add3A_764 : vector<16xi32>
        %convert_element_type3A_766 = arith.sitofp %add3A_765 : vector<16xi32> to vector<16xf32>
        %and3A_767 = arith.constant 15 : i32
        %and3A_768 = vector.broadcast %and3A_767 : i32 to vector<16xi32>
        %and3A_769 = arith.andi %masked_sort3A_705, %and3A_768 : vector<16xi32>
        %shift_right_arithmetic3A_770 = arith.constant 4 : i32
        %shift_right_arithmetic3A_771 = vector.broadcast %shift_right_arithmetic3A_770 : i32 to vector<16xi32>
        %shift_right_arithmetic3A_772 = arith.shrsi %masked_sort3A_705, %shift_right_arithmetic3A_771 : vector<16xi32>
        tpu.vector_store_idx %arg13[%and3A_769, %shift_right_arithmetic3A_772], %convert_element_type3A_766 masked %and3A_761 {add = true} : memref<16x128xf32, #tpu.memory_space<vmem>>[vector<16xi32>, vector<16xi32>], vector<16xf32>, vector<16xi1>
        %mul3A_773 = arith.constant 128 : i32
        %mul3A_774 = arith.muli %add3A_447, %mul3A_773 : i32
        %add3A_775 = arith.constant 64 : i32
        %add3A_776 = arith.addi %mul3A_774, %add3A_775 : i32
        %get3A_777 = arith.index_cast %add3A_776 : i32 to index
        %get3A_778 = tpu.vector_load %arg7[%get3A_777] {strides = array<i32>} : memref<10368xi32, #tpu.memory_space<vmem>>, vector<16xi32>,
        %masked_sort3A_779 = arith.constant dense<true> : vector<16xi1>
        %masked_sort3A_780 = arith.constant -2147483648 : i32
        %masked_sort3A_781 = vector.broadcast %masked_sort3A_780 : i32 to vector<16xi32>
        %masked_sort3A_782 = arith.xori %get3A_778, %masked_sort3A_781 : vector<16xi32>
        %masked_sort3A_783, %masked_sort3A_784, %masked_sort3A_785 = tpu.sort %masked_sort3A_782, %get3A_778 masked %masked_sort3A_779 : (vector<16xi32>, vector<16xi32>, vector<16xi1>) -> (vector<16xi1>, vector<16xi32>, vector<16xi32>)
        %masked_sort3A_786 = arith.xori %masked_sort3A_784, %masked_sort3A_781 : vector<16xi32>
        %add3A_787 = arith.constant 15 : i32
        %add3A_788 = vector.broadcast %add3A_787 : i32 to vector<16xi32>
        %add3A_789 = arith.addi %iota3A, %add3A_788 : vector<16xi32>
        %and3A_790 = arith.constant 15 : i32
        %and3A_791 = vector.broadcast %and3A_790 : i32 to vector<16xi32>
        %and3A_792 = arith.andi %add3A_789, %and3A_791 : vector<16xi32>
        %lt3A_793 = arith.constant 0 : i32
        %lt3A_794 = vector.broadcast %lt3A_793 : i32 to vector<16xi32>
        %lt3A_795 = arith.cmpi slt, %and3A_792, %lt3A_794 : vector<16xi32>
        %add3A_796 = arith.constant 16 : i32
        %add3A_797 = vector.broadcast %add3A_796 : i32 to vector<16xi32>
        %add3A_798 = arith.addi %and3A_792, %add3A_797 : vector<16xi32>
        %select_n3A_799 = arith.select %lt3A_795, %add3A_798, %and3A_792 : vector<16xi1>, vector<16xi32>
        %broadcast_in_dim3A_800 = vector.shape_cast %select_n3A_799 : vector<16xi32> to vector<16x1xi32>
        %gather3A_801 = vector.shape_cast %broadcast_in_dim3A_800 : vector<16x1xi32> to vector<16xi32>
        %gather3A_802 = tpu.dynamic_gather %masked_sort3A_786[%gather3A_801] in [0] : vector<16xi32>, vector<16xi32> -> vector<16xi32>
        %add3A_803 = arith.constant 1 : i32
        %add3A_804 = vector.broadcast %add3A_803 : i32 to vector<16xi32>
        %add3A_805 = arith.addi %iota3A, %add3A_804 : vector<16xi32>
        %and3A_806 = arith.constant 15 : i32
        %and3A_807 = vector.broadcast %and3A_806 : i32 to vector<16xi32>
        %and3A_808 = arith.andi %add3A_805, %and3A_807 : vector<16xi32>
        %lt3A_809 = arith.constant 0 : i32
        %lt3A_810 = vector.broadcast %lt3A_809 : i32 to vector<16xi32>
        %lt3A_811 = arith.cmpi slt, %and3A_808, %lt3A_810 : vector<16xi32>
        %add3A_812 = arith.constant 16 : i32
        %add3A_813 = vector.broadcast %add3A_812 : i32 to vector<16xi32>
        %add3A_814 = arith.addi %and3A_808, %add3A_813 : vector<16xi32>
        %select_n3A_815 = arith.select %lt3A_811, %add3A_814, %and3A_808 : vector<16xi1>, vector<16xi32>
        %broadcast_in_dim3A_816 = vector.shape_cast %select_n3A_815 : vector<16xi32> to vector<16x1xi32>
        %gather3A_817 = vector.shape_cast %broadcast_in_dim3A_816 : vector<16x1xi32> to vector<16xi32>
        %gather3A_818 = tpu.dynamic_gather %masked_sort3A_786[%gather3A_817] in [0] : vector<16xi32>, vector<16xi32> -> vector<16xi32>
        %eq3A_819 = arith.constant 0 : i32
        %eq3A_820 = vector.broadcast %eq3A_819 : i32 to vector<16xi32>
        %eq3A_821 = arith.cmpi eq, %iota3A, %eq3A_820 : vector<16xi32>
        %ne3A_822 = arith.cmpi ne, %masked_sort3A_786, %gather3A_802 : vector<16xi32>
        %or3A_823 = arith.ori %eq3A_821, %ne3A_822 : vector<16xi1>
        %jit3A_824 = arith.constant 0 : i32
        %broadcast_in_dim3A_825 = vector.broadcast %jit3A_824 : i32 to vector<16xi32>
        %select_n3A_826 = arith.select %or3A_823, %iota3A, %broadcast_in_dim3A_825 : vector<16xi1>, vector<16xi32>
        %broadcast_in_dim3A_827 = arith.constant true
        %broadcast_in_dim3A_828 = vector.broadcast %broadcast_in_dim3A_827 : i1 to vector<16xi1>
        %masked_cummax3A_829 = arith.constant -2147483648 : i32
        %masked_cummax3A_830 = vector.broadcast %masked_cummax3A_829 : i32 to vector<16xi32>
        %masked_cummax3A_831 = arith.xori %select_n3A_826, %masked_cummax3A_830 : vector<16xi32>
        %masked_cummax3A_832 = tpu.scan <max>, %masked_cummax3A_831 masked %broadcast_in_dim3A_828 : vector<16xi32>, vector<16xi1> -> vector<16xi32>
        %masked_cummax3A_833 = arith.xori %masked_cummax3A_832, %masked_cummax3A_830 : vector<16xi32>
        %eq3A_834 = arith.constant 15 : i32
        %eq3A_835 = vector.broadcast %eq3A_834 : i32 to vector<16xi32>
        %eq3A_836 = arith.cmpi eq, %iota3A, %eq3A_835 : vector<16xi32>
        %ne3A_837 = arith.cmpi ne, %masked_sort3A_786, %gather3A_818 : vector<16xi32>
        %or3A_838 = arith.ori %eq3A_836, %ne3A_837 : vector<16xi1>
        %ne3A_839 = arith.constant 2047 : i32
        %ne3A_840 = vector.broadcast %ne3A_839 : i32 to vector<16xi32>
        %ne3A_841 = arith.cmpi ne, %masked_sort3A_786, %ne3A_840 : vector<16xi32>
        %and3A_842 = arith.andi %or3A_838, %ne3A_841 : vector<16xi1>
        %sub3A_843 = arith.subi %iota3A, %masked_cummax3A_833 : vector<16xi32>
        %add3A_844 = arith.constant 1 : i32
        %add3A_845 = vector.broadcast %add3A_844 : i32 to vector<16xi32>
        %add3A_846 = arith.addi %sub3A_843, %add3A_845 : vector<16xi32>
        %convert_element_type3A_847 = arith.sitofp %add3A_846 : vector<16xi32> to vector<16xf32>
        %and3A_848 = arith.constant 15 : i32
        %and3A_849 = vector.broadcast %and3A_848 : i32 to vector<16xi32>
        %and3A_850 = arith.andi %masked_sort3A_786, %and3A_849 : vector<16xi32>
        %shift_right_arithmetic3A_851 = arith.constant 4 : i32
        %shift_right_arithmetic3A_852 = vector.broadcast %shift_right_arithmetic3A_851 : i32 to vector<16xi32>
        %shift_right_arithmetic3A_853 = arith.shrsi %masked_sort3A_786, %shift_right_arithmetic3A_852 : vector<16xi32>
        tpu.vector_store_idx %arg13[%and3A_850, %shift_right_arithmetic3A_853], %convert_element_type3A_847 masked %and3A_842 {add = true} : memref<16x128xf32, #tpu.memory_space<vmem>>[vector<16xi32>, vector<16xi32>], vector<16xf32>, vector<16xi1>
        %mul3A_854 = arith.constant 128 : i32
        %mul3A_855 = arith.muli %add3A_447, %mul3A_854 : i32
        %add3A_856 = arith.constant 80 : i32
        %add3A_857 = arith.addi %mul3A_855, %add3A_856 : i32
        %get3A_858 = arith.index_cast %add3A_857 : i32 to index
        %get3A_859 = tpu.vector_load %arg7[%get3A_858] {strides = array<i32>} : memref<10368xi32, #tpu.memory_space<vmem>>, vector<16xi32>,
        %masked_sort3A_860 = arith.constant dense<true> : vector<16xi1>
        %masked_sort3A_861 = arith.constant -2147483648 : i32
        %masked_sort3A_862 = vector.broadcast %masked_sort3A_861 : i32 to vector<16xi32>
        %masked_sort3A_863 = arith.xori %get3A_859, %masked_sort3A_862 : vector<16xi32>
        %masked_sort3A_864, %masked_sort3A_865, %masked_sort3A_866 = tpu.sort %masked_sort3A_863, %get3A_859 masked %masked_sort3A_860 : (vector<16xi32>, vector<16xi32>, vector<16xi1>) -> (vector<16xi1>, vector<16xi32>, vector<16xi32>)
        %masked_sort3A_867 = arith.xori %masked_sort3A_865, %masked_sort3A_862 : vector<16xi32>
        %add3A_868 = arith.constant 15 : i32
        %add3A_869 = vector.broadcast %add3A_868 : i32 to vector<16xi32>
        %add3A_870 = arith.addi %iota3A, %add3A_869 : vector<16xi32>
        %and3A_871 = arith.constant 15 : i32
        %and3A_872 = vector.broadcast %and3A_871 : i32 to vector<16xi32>
        %and3A_873 = arith.andi %add3A_870, %and3A_872 : vector<16xi32>
        %lt3A_874 = arith.constant 0 : i32
        %lt3A_875 = vector.broadcast %lt3A_874 : i32 to vector<16xi32>
        %lt3A_876 = arith.cmpi slt, %and3A_873, %lt3A_875 : vector<16xi32>
        %add3A_877 = arith.constant 16 : i32
        %add3A_878 = vector.broadcast %add3A_877 : i32 to vector<16xi32>
        %add3A_879 = arith.addi %and3A_873, %add3A_878 : vector<16xi32>
        %select_n3A_880 = arith.select %lt3A_876, %add3A_879, %and3A_873 : vector<16xi1>, vector<16xi32>
        %broadcast_in_dim3A_881 = vector.shape_cast %select_n3A_880 : vector<16xi32> to vector<16x1xi32>
        %gather3A_882 = vector.shape_cast %broadcast_in_dim3A_881 : vector<16x1xi32> to vector<16xi32>
        %gather3A_883 = tpu.dynamic_gather %masked_sort3A_867[%gather3A_882] in [0] : vector<16xi32>, vector<16xi32> -> vector<16xi32>
        %add3A_884 = arith.constant 1 : i32
        %add3A_885 = vector.broadcast %add3A_884 : i32 to vector<16xi32>
        %add3A_886 = arith.addi %iota3A, %add3A_885 : vector<16xi32>
        %and3A_887 = arith.constant 15 : i32
        %and3A_888 = vector.broadcast %and3A_887 : i32 to vector<16xi32>
        %and3A_889 = arith.andi %add3A_886, %and3A_888 : vector<16xi32>
        %lt3A_890 = arith.constant 0 : i32
        %lt3A_891 = vector.broadcast %lt3A_890 : i32 to vector<16xi32>
        %lt3A_892 = arith.cmpi slt, %and3A_889, %lt3A_891 : vector<16xi32>
        %add3A_893 = arith.constant 16 : i32
        %add3A_894 = vector.broadcast %add3A_893 : i32 to vector<16xi32>
        %add3A_895 = arith.addi %and3A_889, %add3A_894 : vector<16xi32>
        %select_n3A_896 = arith.select %lt3A_892, %add3A_895, %and3A_889 : vector<16xi1>, vector<16xi32>
        %broadcast_in_dim3A_897 = vector.shape_cast %select_n3A_896 : vector<16xi32> to vector<16x1xi32>
        %gather3A_898 = vector.shape_cast %broadcast_in_dim3A_897 : vector<16x1xi32> to vector<16xi32>
        %gather3A_899 = tpu.dynamic_gather %masked_sort3A_867[%gather3A_898] in [0] : vector<16xi32>, vector<16xi32> -> vector<16xi32>
        %eq3A_900 = arith.constant 0 : i32
        %eq3A_901 = vector.broadcast %eq3A_900 : i32 to vector<16xi32>
        %eq3A_902 = arith.cmpi eq, %iota3A, %eq3A_901 : vector<16xi32>
        %ne3A_903 = arith.cmpi ne, %masked_sort3A_867, %gather3A_883 : vector<16xi32>
        %or3A_904 = arith.ori %eq3A_902, %ne3A_903 : vector<16xi1>
        %jit3A_905 = arith.constant 0 : i32
        %broadcast_in_dim3A_906 = vector.broadcast %jit3A_905 : i32 to vector<16xi32>
        %select_n3A_907 = arith.select %or3A_904, %iota3A, %broadcast_in_dim3A_906 : vector<16xi1>, vector<16xi32>
        %broadcast_in_dim3A_908 = arith.constant true
        %broadcast_in_dim3A_909 = vector.broadcast %broadcast_in_dim3A_908 : i1 to vector<16xi1>
        %masked_cummax3A_910 = arith.constant -2147483648 : i32
        %masked_cummax3A_911 = vector.broadcast %masked_cummax3A_910 : i32 to vector<16xi32>
        %masked_cummax3A_912 = arith.xori %select_n3A_907, %masked_cummax3A_911 : vector<16xi32>
        %masked_cummax3A_913 = tpu.scan <max>, %masked_cummax3A_912 masked %broadcast_in_dim3A_909 : vector<16xi32>, vector<16xi1> -> vector<16xi32>
        %masked_cummax3A_914 = arith.xori %masked_cummax3A_913, %masked_cummax3A_911 : vector<16xi32>
        %eq3A_915 = arith.constant 15 : i32
        %eq3A_916 = vector.broadcast %eq3A_915 : i32 to vector<16xi32>
        %eq3A_917 = arith.cmpi eq, %iota3A, %eq3A_916 : vector<16xi32>
        %ne3A_918 = arith.cmpi ne, %masked_sort3A_867, %gather3A_899 : vector<16xi32>
        %or3A_919 = arith.ori %eq3A_917, %ne3A_918 : vector<16xi1>
        %ne3A_920 = arith.constant 2047 : i32
        %ne3A_921 = vector.broadcast %ne3A_920 : i32 to vector<16xi32>
        %ne3A_922 = arith.cmpi ne, %masked_sort3A_867, %ne3A_921 : vector<16xi32>
        %and3A_923 = arith.andi %or3A_919, %ne3A_922 : vector<16xi1>
        %sub3A_924 = arith.subi %iota3A, %masked_cummax3A_914 : vector<16xi32>
        %add3A_925 = arith.constant 1 : i32
        %add3A_926 = vector.broadcast %add3A_925 : i32 to vector<16xi32>
        %add3A_927 = arith.addi %sub3A_924, %add3A_926 : vector<16xi32>
        %convert_element_type3A_928 = arith.sitofp %add3A_927 : vector<16xi32> to vector<16xf32>
        %and3A_929 = arith.constant 15 : i32
        %and3A_930 = vector.broadcast %and3A_929 : i32 to vector<16xi32>
        %and3A_931 = arith.andi %masked_sort3A_867, %and3A_930 : vector<16xi32>
        %shift_right_arithmetic3A_932 = arith.constant 4 : i32
        %shift_right_arithmetic3A_933 = vector.broadcast %shift_right_arithmetic3A_932 : i32 to vector<16xi32>
        %shift_right_arithmetic3A_934 = arith.shrsi %masked_sort3A_867, %shift_right_arithmetic3A_933 : vector<16xi32>
        tpu.vector_store_idx %arg13[%and3A_931, %shift_right_arithmetic3A_934], %convert_element_type3A_928 masked %and3A_923 {add = true} : memref<16x128xf32, #tpu.memory_space<vmem>>[vector<16xi32>, vector<16xi32>], vector<16xf32>, vector<16xi1>
        %mul3A_935 = arith.constant 128 : i32
        %mul3A_936 = arith.muli %add3A_447, %mul3A_935 : i32
        %add3A_937 = arith.constant 96 : i32
        %add3A_938 = arith.addi %mul3A_936, %add3A_937 : i32
        %get3A_939 = arith.index_cast %add3A_938 : i32 to index
        %get3A_940 = tpu.vector_load %arg7[%get3A_939] {strides = array<i32>} : memref<10368xi32, #tpu.memory_space<vmem>>, vector<16xi32>,
        %masked_sort3A_941 = arith.constant dense<true> : vector<16xi1>
        %masked_sort3A_942 = arith.constant -2147483648 : i32
        %masked_sort3A_943 = vector.broadcast %masked_sort3A_942 : i32 to vector<16xi32>
        %masked_sort3A_944 = arith.xori %get3A_940, %masked_sort3A_943 : vector<16xi32>
        %masked_sort3A_945, %masked_sort3A_946, %masked_sort3A_947 = tpu.sort %masked_sort3A_944, %get3A_940 masked %masked_sort3A_941 : (vector<16xi32>, vector<16xi32>, vector<16xi1>) -> (vector<16xi1>, vector<16xi32>, vector<16xi32>)
        %masked_sort3A_948 = arith.xori %masked_sort3A_946, %masked_sort3A_943 : vector<16xi32>
        %add3A_949 = arith.constant 15 : i32
        %add3A_950 = vector.broadcast %add3A_949 : i32 to vector<16xi32>
        %add3A_951 = arith.addi %iota3A, %add3A_950 : vector<16xi32>
        %and3A_952 = arith.constant 15 : i32
        %and3A_953 = vector.broadcast %and3A_952 : i32 to vector<16xi32>
        %and3A_954 = arith.andi %add3A_951, %and3A_953 : vector<16xi32>
        %lt3A_955 = arith.constant 0 : i32
        %lt3A_956 = vector.broadcast %lt3A_955 : i32 to vector<16xi32>
        %lt3A_957 = arith.cmpi slt, %and3A_954, %lt3A_956 : vector<16xi32>
        %add3A_958 = arith.constant 16 : i32
        %add3A_959 = vector.broadcast %add3A_958 : i32 to vector<16xi32>
        %add3A_960 = arith.addi %and3A_954, %add3A_959 : vector<16xi32>
        %select_n3A_961 = arith.select %lt3A_957, %add3A_960, %and3A_954 : vector<16xi1>, vector<16xi32>
        %broadcast_in_dim3A_962 = vector.shape_cast %select_n3A_961 : vector<16xi32> to vector<16x1xi32>
        %gather3A_963 = vector.shape_cast %broadcast_in_dim3A_962 : vector<16x1xi32> to vector<16xi32>
        %gather3A_964 = tpu.dynamic_gather %masked_sort3A_948[%gather3A_963] in [0] : vector<16xi32>, vector<16xi32> -> vector<16xi32>
        %add3A_965 = arith.constant 1 : i32
        %add3A_966 = vector.broadcast %add3A_965 : i32 to vector<16xi32>
        %add3A_967 = arith.addi %iota3A, %add3A_966 : vector<16xi32>
        %and3A_968 = arith.constant 15 : i32
        %and3A_969 = vector.broadcast %and3A_968 : i32 to vector<16xi32>
        %and3A_970 = arith.andi %add3A_967, %and3A_969 : vector<16xi32>
        %lt3A_971 = arith.constant 0 : i32
        %lt3A_972 = vector.broadcast %lt3A_971 : i32 to vector<16xi32>
        %lt3A_973 = arith.cmpi slt, %and3A_970, %lt3A_972 : vector<16xi32>
        %add3A_974 = arith.constant 16 : i32
        %add3A_975 = vector.broadcast %add3A_974 : i32 to vector<16xi32>
        %add3A_976 = arith.addi %and3A_970, %add3A_975 : vector<16xi32>
        %select_n3A_977 = arith.select %lt3A_973, %add3A_976, %and3A_970 : vector<16xi1>, vector<16xi32>
        %broadcast_in_dim3A_978 = vector.shape_cast %select_n3A_977 : vector<16xi32> to vector<16x1xi32>
        %gather3A_979 = vector.shape_cast %broadcast_in_dim3A_978 : vector<16x1xi32> to vector<16xi32>
        %gather3A_980 = tpu.dynamic_gather %masked_sort3A_948[%gather3A_979] in [0] : vector<16xi32>, vector<16xi32> -> vector<16xi32>
        %eq3A_981 = arith.constant 0 : i32
        %eq3A_982 = vector.broadcast %eq3A_981 : i32 to vector<16xi32>
        %eq3A_983 = arith.cmpi eq, %iota3A, %eq3A_982 : vector<16xi32>
        %ne3A_984 = arith.cmpi ne, %masked_sort3A_948, %gather3A_964 : vector<16xi32>
        %or3A_985 = arith.ori %eq3A_983, %ne3A_984 : vector<16xi1>
        %jit3A_986 = arith.constant 0 : i32
        %broadcast_in_dim3A_987 = vector.broadcast %jit3A_986 : i32 to vector<16xi32>
        %select_n3A_988 = arith.select %or3A_985, %iota3A, %broadcast_in_dim3A_987 : vector<16xi1>, vector<16xi32>
        %broadcast_in_dim3A_989 = arith.constant true
        %broadcast_in_dim3A_990 = vector.broadcast %broadcast_in_dim3A_989 : i1 to vector<16xi1>
        %masked_cummax3A_991 = arith.constant -2147483648 : i32
        %masked_cummax3A_992 = vector.broadcast %masked_cummax3A_991 : i32 to vector<16xi32>
        %masked_cummax3A_993 = arith.xori %select_n3A_988, %masked_cummax3A_992 : vector<16xi32>
        %masked_cummax3A_994 = tpu.scan <max>, %masked_cummax3A_993 masked %broadcast_in_dim3A_990 : vector<16xi32>, vector<16xi1> -> vector<16xi32>
        %masked_cummax3A_995 = arith.xori %masked_cummax3A_994, %masked_cummax3A_992 : vector<16xi32>
        %eq3A_996 = arith.constant 15 : i32
        %eq3A_997 = vector.broadcast %eq3A_996 : i32 to vector<16xi32>
        %eq3A_998 = arith.cmpi eq, %iota3A, %eq3A_997 : vector<16xi32>
        %ne3A_999 = arith.cmpi ne, %masked_sort3A_948, %gather3A_980 : vector<16xi32>
        %or3A_1000 = arith.ori %eq3A_998, %ne3A_999 : vector<16xi1>
        %ne3A_1001 = arith.constant 2047 : i32
        %ne3A_1002 = vector.broadcast %ne3A_1001 : i32 to vector<16xi32>
        %ne3A_1003 = arith.cmpi ne, %masked_sort3A_948, %ne3A_1002 : vector<16xi32>
        %and3A_1004 = arith.andi %or3A_1000, %ne3A_1003 : vector<16xi1>
        %sub3A_1005 = arith.subi %iota3A, %masked_cummax3A_995 : vector<16xi32>
        %add3A_1006 = arith.constant 1 : i32
        %add3A_1007 = vector.broadcast %add3A_1006 : i32 to vector<16xi32>
        %add3A_1008 = arith.addi %sub3A_1005, %add3A_1007 : vector<16xi32>
        %convert_element_type3A_1009 = arith.sitofp %add3A_1008 : vector<16xi32> to vector<16xf32>
        %and3A_1010 = arith.constant 15 : i32
        %and3A_1011 = vector.broadcast %and3A_1010 : i32 to vector<16xi32>
        %and3A_1012 = arith.andi %masked_sort3A_948, %and3A_1011 : vector<16xi32>
        %shift_right_arithmetic3A_1013 = arith.constant 4 : i32
        %shift_right_arithmetic3A_1014 = vector.broadcast %shift_right_arithmetic3A_1013 : i32 to vector<16xi32>
        %shift_right_arithmetic3A_1015 = arith.shrsi %masked_sort3A_948, %shift_right_arithmetic3A_1014 : vector<16xi32>
        tpu.vector_store_idx %arg13[%and3A_1012, %shift_right_arithmetic3A_1015], %convert_element_type3A_1009 masked %and3A_1004 {add = true} : memref<16x128xf32, #tpu.memory_space<vmem>>[vector<16xi32>, vector<16xi32>], vector<16xf32>, vector<16xi1>
        %mul3A_1016 = arith.constant 128 : i32
        %mul3A_1017 = arith.muli %add3A_447, %mul3A_1016 : i32
        %add3A_1018 = arith.constant 112 : i32
        %add3A_1019 = arith.addi %mul3A_1017, %add3A_1018 : i32
        %get3A_1020 = arith.index_cast %add3A_1019 : i32 to index
        %get3A_1021 = tpu.vector_load %arg7[%get3A_1020] {strides = array<i32>} : memref<10368xi32, #tpu.memory_space<vmem>>, vector<16xi32>,
        %masked_sort3A_1022 = arith.constant dense<true> : vector<16xi1>
        %masked_sort3A_1023 = arith.constant -2147483648 : i32
        %masked_sort3A_1024 = vector.broadcast %masked_sort3A_1023 : i32 to vector<16xi32>
        %masked_sort3A_1025 = arith.xori %get3A_1021, %masked_sort3A_1024 : vector<16xi32>
        %masked_sort3A_1026, %masked_sort3A_1027, %masked_sort3A_1028 = tpu.sort %masked_sort3A_1025, %get3A_1021 masked %masked_sort3A_1022 : (vector<16xi32>, vector<16xi32>, vector<16xi1>) -> (vector<16xi1>, vector<16xi32>, vector<16xi32>)
        %masked_sort3A_1029 = arith.xori %masked_sort3A_1027, %masked_sort3A_1024 : vector<16xi32>
        %add3A_1030 = arith.constant 15 : i32
        %add3A_1031 = vector.broadcast %add3A_1030 : i32 to vector<16xi32>
        %add3A_1032 = arith.addi %iota3A, %add3A_1031 : vector<16xi32>
        %and3A_1033 = arith.constant 15 : i32
        %and3A_1034 = vector.broadcast %and3A_1033 : i32 to vector<16xi32>
        %and3A_1035 = arith.andi %add3A_1032, %and3A_1034 : vector<16xi32>
        %lt3A_1036 = arith.constant 0 : i32
        %lt3A_1037 = vector.broadcast %lt3A_1036 : i32 to vector<16xi32>
        %lt3A_1038 = arith.cmpi slt, %and3A_1035, %lt3A_1037 : vector<16xi32>
        %add3A_1039 = arith.constant 16 : i32
        %add3A_1040 = vector.broadcast %add3A_1039 : i32 to vector<16xi32>
        %add3A_1041 = arith.addi %and3A_1035, %add3A_1040 : vector<16xi32>
        %select_n3A_1042 = arith.select %lt3A_1038, %add3A_1041, %and3A_1035 : vector<16xi1>, vector<16xi32>
        %broadcast_in_dim3A_1043 = vector.shape_cast %select_n3A_1042 : vector<16xi32> to vector<16x1xi32>
        %gather3A_1044 = vector.shape_cast %broadcast_in_dim3A_1043 : vector<16x1xi32> to vector<16xi32>
        %gather3A_1045 = tpu.dynamic_gather %masked_sort3A_1029[%gather3A_1044] in [0] : vector<16xi32>, vector<16xi32> -> vector<16xi32>
        %add3A_1046 = arith.constant 1 : i32
        %add3A_1047 = vector.broadcast %add3A_1046 : i32 to vector<16xi32>
        %add3A_1048 = arith.addi %iota3A, %add3A_1047 : vector<16xi32>
        %and3A_1049 = arith.constant 15 : i32
        %and3A_1050 = vector.broadcast %and3A_1049 : i32 to vector<16xi32>
        %and3A_1051 = arith.andi %add3A_1048, %and3A_1050 : vector<16xi32>
        %lt3A_1052 = arith.constant 0 : i32
        %lt3A_1053 = vector.broadcast %lt3A_1052 : i32 to vector<16xi32>
        %lt3A_1054 = arith.cmpi slt, %and3A_1051, %lt3A_1053 : vector<16xi32>
        %add3A_1055 = arith.constant 16 : i32
        %add3A_1056 = vector.broadcast %add3A_1055 : i32 to vector<16xi32>
        %add3A_1057 = arith.addi %and3A_1051, %add3A_1056 : vector<16xi32>
        %select_n3A_1058 = arith.select %lt3A_1054, %add3A_1057, %and3A_1051 : vector<16xi1>, vector<16xi32>
        %broadcast_in_dim3A_1059 = vector.shape_cast %select_n3A_1058 : vector<16xi32> to vector<16x1xi32>
        %gather3A_1060 = vector.shape_cast %broadcast_in_dim3A_1059 : vector<16x1xi32> to vector<16xi32>
        %gather3A_1061 = tpu.dynamic_gather %masked_sort3A_1029[%gather3A_1060] in [0] : vector<16xi32>, vector<16xi32> -> vector<16xi32>
        %eq3A_1062 = arith.constant 0 : i32
        %eq3A_1063 = vector.broadcast %eq3A_1062 : i32 to vector<16xi32>
        %eq3A_1064 = arith.cmpi eq, %iota3A, %eq3A_1063 : vector<16xi32>
        %ne3A_1065 = arith.cmpi ne, %masked_sort3A_1029, %gather3A_1045 : vector<16xi32>
        %or3A_1066 = arith.ori %eq3A_1064, %ne3A_1065 : vector<16xi1>
        %jit3A_1067 = arith.constant 0 : i32
        %broadcast_in_dim3A_1068 = vector.broadcast %jit3A_1067 : i32 to vector<16xi32>
        %select_n3A_1069 = arith.select %or3A_1066, %iota3A, %broadcast_in_dim3A_1068 : vector<16xi1>, vector<16xi32>
        %broadcast_in_dim3A_1070 = arith.constant true
        %broadcast_in_dim3A_1071 = vector.broadcast %broadcast_in_dim3A_1070 : i1 to vector<16xi1>
        %masked_cummax3A_1072 = arith.constant -2147483648 : i32
        %masked_cummax3A_1073 = vector.broadcast %masked_cummax3A_1072 : i32 to vector<16xi32>
        %masked_cummax3A_1074 = arith.xori %select_n3A_1069, %masked_cummax3A_1073 : vector<16xi32>
        %masked_cummax3A_1075 = tpu.scan <max>, %masked_cummax3A_1074 masked %broadcast_in_dim3A_1071 : vector<16xi32>, vector<16xi1> -> vector<16xi32>
        %masked_cummax3A_1076 = arith.xori %masked_cummax3A_1075, %masked_cummax3A_1073 : vector<16xi32>
        %eq3A_1077 = arith.constant 15 : i32
        %eq3A_1078 = vector.broadcast %eq3A_1077 : i32 to vector<16xi32>
        %eq3A_1079 = arith.cmpi eq, %iota3A, %eq3A_1078 : vector<16xi32>
        %ne3A_1080 = arith.cmpi ne, %masked_sort3A_1029, %gather3A_1061 : vector<16xi32>
        %or3A_1081 = arith.ori %eq3A_1079, %ne3A_1080 : vector<16xi1>
        %ne3A_1082 = arith.constant 2047 : i32
        %ne3A_1083 = vector.broadcast %ne3A_1082 : i32 to vector<16xi32>
        %ne3A_1084 = arith.cmpi ne, %masked_sort3A_1029, %ne3A_1083 : vector<16xi32>
        %and3A_1085 = arith.andi %or3A_1081, %ne3A_1084 : vector<16xi1>
        %sub3A_1086 = arith.subi %iota3A, %masked_cummax3A_1076 : vector<16xi32>
        %add3A_1087 = arith.constant 1 : i32
        %add3A_1088 = vector.broadcast %add3A_1087 : i32 to vector<16xi32>
        %add3A_1089 = arith.addi %sub3A_1086, %add3A_1088 : vector<16xi32>
        %convert_element_type3A_1090 = arith.sitofp %add3A_1089 : vector<16xi32> to vector<16xf32>
        %and3A_1091 = arith.constant 15 : i32
        %and3A_1092 = vector.broadcast %and3A_1091 : i32 to vector<16xi32>
        %and3A_1093 = arith.andi %masked_sort3A_1029, %and3A_1092 : vector<16xi32>
        %shift_right_arithmetic3A_1094 = arith.constant 4 : i32
        %shift_right_arithmetic3A_1095 = vector.broadcast %shift_right_arithmetic3A_1094 : i32 to vector<16xi32>
        %shift_right_arithmetic3A_1096 = arith.shrsi %masked_sort3A_1029, %shift_right_arithmetic3A_1095 : vector<16xi32>
        tpu.vector_store_idx %arg13[%and3A_1093, %shift_right_arithmetic3A_1096], %convert_element_type3A_1090 masked %and3A_1085 {add = true} : memref<16x128xf32, #tpu.memory_space<vmem>>[vector<16xi32>, vector<16xi32>], vector<16xf32>, vector<16xi1>
        %mul3A_1097 = arith.constant 128 : i32
        %mul3A_1098 = arith.muli %add3A_447, %mul3A_1097 : i32
        %multiple_of3A = tpu.assume_multiple %mul3A_1098, 8 : i32
        %dma_wait3A = tpu.memref_slice %arg8[%multiple_of3A] : memref<10368xi32, #tpu.memory_space<vmem>> -> memref<128xi32, #tpu.memory_space<vmem>>
        %dma_wait3A_1099 = arith.constant 0 : i32
        %dma_wait3A_1100 = arith.constant 0 : i32
        %dma_wait3A_1101 = tpu.memref_slice %arg2[%dma_wait3A_1099, %dma_wait3A_1100] : memref<10000x128xf32, #tpu.memory_space<hbm>> -> memref<10000x128xf32, #tpu.memory_space<hbm>>
        tpu.wait_indirect_dma semaphore(%arg17 : memref<!tpu.dma_semaphore, #tpu.memory_space<semaphore_mem>>) src(%dma_wait3A_1101 : memref<10000x128xf32, #tpu.memory_space<hbm>>) dst(%arg12 : memref<128x128xf32, #tpu.memory_space<vmem>>)
        %add3A_1102 = arith.constant 3 : i32
        %add3A_1103 = arith.addi %add3A_447, %add3A_1102 : i32
        %sub3A_1104 = arith.constant 1 : i32
        %sub3A_1105 = arith.subi %add3A_1103, %sub3A_1104 : i32
        %lt3A_1106 = arith.cmpi slt, %sub3A_1105, %select_n3A_132 : i32
        %convert_element_type3A_1107 = arith.extui %lt3A_1106 : i1 to i32
        %cond3A_1108 = arith.constant 0 : i32
        %cond3A_1109 = arith.cmpi ne, %convert_element_type3A_1107, %cond3A_1108 : i32
        scf.if %cond3A_1109 {
          %ge3A_1115 = arith.constant 1 : i32
          %ge3A_1116 = arith.cmpi sge, %add3A_447, %ge3A_1115 : i32
          %convert_element_type3A_1117 = arith.extui %ge3A_1116 : i1 to i32
          %cond3A_1118 = arith.constant 0 : i32
          %cond3A_1119 = arith.cmpi ne, %convert_element_type3A_1117, %cond3A_1118 : i32
          scf.if %cond3A_1119 {
            %dma_wait3A_1131 = arith.constant 0 : i32
            %dma_wait3A_1132 = arith.constant 0 : i32
            %dma_wait3A_1133 = tpu.memref_slice %arg9[%dma_wait3A_1131, %dma_wait3A_1132] : memref<80x128xi32, #tpu.memory_space<vmem>> -> memref<1x128xi32, #tpu.memory_space<vmem>>
            %dma_wait3A_1134 = tpu.memref_squeeze %dma_wait3A_1133 : memref<1x128xi32, #tpu.memory_space<vmem>> -> memref<128xi32, #tpu.memory_space<vmem>>
            %dma_wait3A_1135 = arith.constant 0 : i32
            %dma_wait3A_1136 = arith.constant 0 : i32
            %dma_wait3A_1137 = tpu.memref_slice %arg21[%dma_wait3A_1135, %dma_wait3A_1136] : memref<2048x128xf32, #tpu.memory_space<vmem_shared>> -> memref<2048x128xf32, #tpu.memory_space<vmem_shared>>
            tpu.wait_indirect_dma semaphore(%arg19 : memref<!tpu.dma_semaphore, #tpu.memory_space<semaphore_mem>>) src(%arg11 : memref<128x128xf32, #tpu.memory_space<vmem>>) dst(%dma_wait3A_1137 : memref<2048x128xf32, #tpu.memory_space<vmem_shared>>)
          } else {
          }
          %add3A_1120 = arith.constant 3 : i32
          %add3A_1121 = arith.addi %add3A_447, %add3A_1120 : i32
          %sub3A_1122 = arith.constant 1 : i32
          %sub3A_1123 = arith.subi %add3A_1121, %sub3A_1122 : i32
          %mul3A_1124 = arith.constant 128 : i32
          %mul3A_1125 = arith.muli %sub3A_1123, %mul3A_1124 : i32
          %multiple_of3A_1126 = tpu.assume_multiple %mul3A_1125, 8 : i32
          %dma_start3A_1127 = tpu.memref_slice %arg8[%multiple_of3A_1126] : memref<10368xi32, #tpu.memory_space<vmem>> -> memref<128xi32, #tpu.memory_space<vmem>>
          %dma_start3A_1128 = arith.constant 0 : i32
          %dma_start3A_1129 = arith.constant 0 : i32
          %dma_start3A_1130 = tpu.memref_slice %arg2[%dma_start3A_1128, %dma_start3A_1129] : memref<10000x128xf32, #tpu.memory_space<hbm>> -> memref<10000x128xf32, #tpu.memory_space<hbm>>
          tpu.enqueue_indirect_dma source(%dma_start3A_1130 : memref<10000x128xf32, #tpu.memory_space<hbm>>) target(%arg11 : memref<128x128xf32, #tpu.memory_space<vmem>>) offsets(%dma_start3A_1127 : memref<128xi32, #tpu.memory_space<vmem>>) semaphore(%arg16 : memref<!tpu.dma_semaphore, #tpu.memory_space<semaphore_mem>>)
        } else {
        }
        %dma_start3A = arith.constant 0 : i32
        %dma_start3A_1110 = tpu.memref_slice %arg9[%add3A_447, %dma_start3A] : memref<80x128xi32, #tpu.memory_space<vmem>> -> memref<1x128xi32, #tpu.memory_space<vmem>>
        %dma_start3A_1111 = tpu.memref_squeeze %dma_start3A_1110 : memref<1x128xi32, #tpu.memory_space<vmem>> -> memref<128xi32, #tpu.memory_space<vmem>>
        %dma_start3A_1112 = arith.constant 0 : i32
        %dma_start3A_1113 = arith.constant 0 : i32
        %dma_start3A_1114 = tpu.memref_slice %arg21[%dma_start3A_1112, %dma_start3A_1113] : memref<2048x128xf32, #tpu.memory_space<vmem_shared>> -> memref<2048x128xf32, #tpu.memory_space<vmem_shared>>
        tpu.enqueue_indirect_dma source(%arg12 : memref<128x128xf32, #tpu.memory_space<vmem>>) target(%dma_start3A_1114 : memref<2048x128xf32, #tpu.memory_space<vmem_shared>>) offsets(%dma_start3A_1111 : memref<128xi32, #tpu.memory_space<vmem>>) semaphore(%arg20 : memref<!tpu.dma_semaphore, #tpu.memory_space<semaphore_mem>>) {add = true}
      } else {
      }
      %while3A_452 = arith.constant 0 : i32
      scf.yield %while3A_452 : i32
    }
    %while3A_192 = arith.constant 1 : i32
    %while3A_193 = scf.for %while3A_426 = %while3A_189 to %while3A_185 step %while3A_192 iter_args(%while3A_427 = %while3A_191) -> (i32)  : i32 {
      %mul3A_428 = arith.constant 3 : i32
      %mul3A_429 = arith.muli %while3A_426, %mul3A_428 : i32
      %add3A_430 = arith.constant 0 : i32
      %add3A_431 = arith.addi %mul3A_429, %add3A_430 : i32
      %lt3A_432 = arith.cmpi slt, %add3A_431, %select_n3A_132 : i32
      %convert_element_type3A_433 = arith.extui %lt3A_432 : i1 to i32
      %cond3A_434 = arith.constant 0 : i32
      %cond3A_435 = arith.cmpi ne, %convert_element_type3A_433, %cond3A_434 : i32
      scf.if %cond3A_435 {
        %mul3A_453 = arith.constant 128 : i32
        %mul3A_454 = arith.muli %add3A_431, %mul3A_453 : i32
        %add3A_455 = arith.constant 0 : i32
        %add3A_456 = arith.addi %mul3A_454, %add3A_455 : i32
        %get3A_457 = arith.index_cast %add3A_456 : i32 to index
        %get3A_458 = tpu.vector_load %arg7[%get3A_457] {strides = array<i32>} : memref<10368xi32, #tpu.memory_space<vmem>>, vector<16xi32>,
        %masked_sort3A = arith.constant dense<true> : vector<16xi1>
        %masked_sort3A_459 = arith.constant -2147483648 : i32
        %masked_sort3A_460 = vector.broadcast %masked_sort3A_459 : i32 to vector<16xi32>
        %masked_sort3A_461 = arith.xori %get3A_458, %masked_sort3A_460 : vector<16xi32>
        %masked_sort3A_462, %masked_sort3A_463, %masked_sort3A_464 = tpu.sort %masked_sort3A_461, %get3A_458 masked %masked_sort3A : (vector<16xi32>, vector<16xi32>, vector<16xi1>) -> (vector<16xi1>, vector<16xi32>, vector<16xi32>)
        %masked_sort3A_465 = arith.xori %masked_sort3A_463, %masked_sort3A_460 : vector<16xi32>
        %add3A_466 = arith.constant 15 : i32
        %add3A_467 = vector.broadcast %add3A_466 : i32 to vector<16xi32>
        %add3A_468 = arith.addi %iota3A, %add3A_467 : vector<16xi32>
        %and3A_469 = arith.constant 15 : i32
        %and3A_470 = vector.broadcast %and3A_469 : i32 to vector<16xi32>
        %and3A_471 = arith.andi %add3A_468, %and3A_470 : vector<16xi32>
        %lt3A_472 = arith.constant 0 : i32
        %lt3A_473 = vector.broadcast %lt3A_472 : i32 to vector<16xi32>
        %lt3A_474 = arith.cmpi slt, %and3A_471, %lt3A_473 : vector<16xi32>
        %add3A_475 = arith.constant 16 : i32
        %add3A_476 = vector.broadcast %add3A_475 : i32 to vector<16xi32>
        %add3A_477 = arith.addi %and3A_471, %add3A_476 : vector<16xi32>
        %select_n3A_478 = arith.select %lt3A_474, %add3A_477, %and3A_471 : vector<16xi1>, vector<16xi32>
        %broadcast_in_dim3A_479 = vector.shape_cast %select_n3A_478 : vector<16xi32> to vector<16x1xi32>
        %gather3A = vector.shape_cast %broadcast_in_dim3A_479 : vector<16x1xi32> to vector<16xi32>
        %gather3A_480 = tpu.dynamic_gather %masked_sort3A_465[%gather3A] in [0] : vector<16xi32>, vector<16xi32> -> vector<16xi32>
        %add3A_481 = arith.constant 1 : i32
        %add3A_482 = vector.broadcast %add3A_481 : i32 to vector<16xi32>
        %add3A_483 = arith.addi %iota3A, %add3A_482 : vector<16xi32>
        %and3A_484 = arith.constant 15 : i32
        %and3A_485 = vector.broadcast %and3A_484 : i32 to vector<16xi32>
        %and3A_486 = arith.andi %add3A_483, %and3A_485 : vector<16xi32>
        %lt3A_487 = arith.constant 0 : i32
        %lt3A_488 = vector.broadcast %lt3A_487 : i32 to vector<16xi32>
        %lt3A_489 = arith.cmpi slt, %and3A_486, %lt3A_488 : vector<16xi32>
        %add3A_490 = arith.constant 16 : i32
        %add3A_491 = vector.broadcast %add3A_490 : i32 to vector<16xi32>
        %add3A_492 = arith.addi %and3A_486, %add3A_491 : vector<16xi32>
        %select_n3A_493 = arith.select %lt3A_489, %add3A_492, %and3A_486 : vector<16xi1>, vector<16xi32>
        %broadcast_in_dim3A_494 = vector.shape_cast %select_n3A_493 : vector<16xi32> to vector<16x1xi32>
        %gather3A_495 = vector.shape_cast %broadcast_in_dim3A_494 : vector<16x1xi32> to vector<16xi32>
        %gather3A_496 = tpu.dynamic_gather %masked_sort3A_465[%gather3A_495] in [0] : vector<16xi32>, vector<16xi32> -> vector<16xi32>
        %eq3A_497 = arith.constant 0 : i32
        %eq3A_498 = vector.broadcast %eq3A_497 : i32 to vector<16xi32>
        %eq3A_499 = arith.cmpi eq, %iota3A, %eq3A_498 : vector<16xi32>
        %ne3A_500 = arith.cmpi ne, %masked_sort3A_465, %gather3A_480 : vector<16xi32>
        %or3A_501 = arith.ori %eq3A_499, %ne3A_500 : vector<16xi1>
        %jit3A_502 = arith.constant 0 : i32
        %broadcast_in_dim3A_503 = vector.broadcast %jit3A_502 : i32 to vector<16xi32>
        %select_n3A_504 = arith.select %or3A_501, %iota3A, %broadcast_in_dim3A_503 : vector<16xi1>, vector<16xi32>
        %broadcast_in_dim3A_505 = arith.constant true
        %broadcast_in_dim3A_506 = vector.broadcast %broadcast_in_dim3A_505 : i1 to vector<16xi1>
        %masked_cummax3A = arith.constant -2147483648 : i32
        %masked_cummax3A_507 = vector.broadcast %masked_cummax3A : i32 to vector<16xi32>
        %masked_cummax3A_508 = arith.xori %select_n3A_504, %masked_cummax3A_507 : vector<16xi32>
        %masked_cummax3A_509 = tpu.scan <max>, %masked_cummax3A_508 masked %broadcast_in_dim3A_506 : vector<16xi32>, vector<16xi1> -> vector<16xi32>
        %masked_cummax3A_510 = arith.xori %masked_cummax3A_509, %masked_cummax3A_507 : vector<16xi32>
        %eq3A_511 = arith.constant 15 : i32
        %eq3A_512 = vector.broadcast %eq3A_511 : i32 to vector<16xi32>
        %eq3A_513 = arith.cmpi eq, %iota3A, %eq3A_512 : vector<16xi32>
        %ne3A_514 = arith.cmpi ne, %masked_sort3A_465, %gather3A_496 : vector<16xi32>
        %or3A_515 = arith.ori %eq3A_513, %ne3A_514 : vector<16xi1>
        %ne3A_516 = arith.constant 2047 : i32
        %ne3A_517 = vector.broadcast %ne3A_516 : i32 to vector<16xi32>
        %ne3A_518 = arith.cmpi ne, %masked_sort3A_465, %ne3A_517 : vector<16xi32>
        %and3A_519 = arith.andi %or3A_515, %ne3A_518 : vector<16xi1>
        %sub3A_520 = arith.subi %iota3A, %masked_cummax3A_510 : vector<16xi32>
        %add3A_521 = arith.constant 1 : i32
        %add3A_522 = vector.broadcast %add3A_521 : i32 to vector<16xi32>
        %add3A_523 = arith.addi %sub3A_520, %add3A_522 : vector<16xi32>
        %convert_element_type3A_524 = arith.sitofp %add3A_523 : vector<16xi32> to vector<16xf32>
        %and3A_525 = arith.constant 15 : i32
        %and3A_526 = vector.broadcast %and3A_525 : i32 to vector<16xi32>
        %and3A_527 = arith.andi %masked_sort3A_465, %and3A_526 : vector<16xi32>
        %shift_right_arithmetic3A = arith.constant 4 : i32
        %shift_right_arithmetic3A_528 = vector.broadcast %shift_right_arithmetic3A : i32 to vector<16xi32>
        %shift_right_arithmetic3A_529 = arith.shrsi %masked_sort3A_465, %shift_right_arithmetic3A_528 : vector<16xi32>
        tpu.vector_store_idx %arg13[%and3A_527, %shift_right_arithmetic3A_529], %convert_element_type3A_524 masked %and3A_519 {add = true} : memref<16x128xf32, #tpu.memory_space<vmem>>[vector<16xi32>, vector<16xi32>], vector<16xf32>, vector<16xi1>
        %mul3A_530 = arith.constant 128 : i32
        %mul3A_531 = arith.muli %add3A_431, %mul3A_530 : i32
        %add3A_532 = arith.constant 16 : i32
        %add3A_533 = arith.addi %mul3A_531, %add3A_532 : i32
        %get3A_534 = arith.index_cast %add3A_533 : i32 to index
        %get3A_535 = tpu.vector_load %arg7[%get3A_534] {strides = array<i32>} : memref<10368xi32, #tpu.memory_space<vmem>>, vector<16xi32>,
        %masked_sort3A_536 = arith.constant dense<true> : vector<16xi1>
        %masked_sort3A_537 = arith.constant -2147483648 : i32
        %masked_sort3A_538 = vector.broadcast %masked_sort3A_537 : i32 to vector<16xi32>
        %masked_sort3A_539 = arith.xori %get3A_535, %masked_sort3A_538 : vector<16xi32>
        %masked_sort3A_540, %masked_sort3A_541, %masked_sort3A_542 = tpu.sort %masked_sort3A_539, %get3A_535 masked %masked_sort3A_536 : (vector<16xi32>, vector<16xi32>, vector<16xi1>) -> (vector<16xi1>, vector<16xi32>, vector<16xi32>)
        %masked_sort3A_543 = arith.xori %masked_sort3A_541, %masked_sort3A_538 : vector<16xi32>
        %add3A_544 = arith.constant 15 : i32
        %add3A_545 = vector.broadcast %add3A_544 : i32 to vector<16xi32>
        %add3A_546 = arith.addi %iota3A, %add3A_545 : vector<16xi32>
        %and3A_547 = arith.constant 15 : i32
        %and3A_548 = vector.broadcast %and3A_547 : i32 to vector<16xi32>
        %and3A_549 = arith.andi %add3A_546, %and3A_548 : vector<16xi32>
        %lt3A_550 = arith.constant 0 : i32
        %lt3A_551 = vector.broadcast %lt3A_550 : i32 to vector<16xi32>
        %lt3A_552 = arith.cmpi slt, %and3A_549, %lt3A_551 : vector<16xi32>
        %add3A_553 = arith.constant 16 : i32
        %add3A_554 = vector.broadcast %add3A_553 : i32 to vector<16xi32>
        %add3A_555 = arith.addi %and3A_549, %add3A_554 : vector<16xi32>
        %select_n3A_556 = arith.select %lt3A_552, %add3A_555, %and3A_549 : vector<16xi1>, vector<16xi32>
        %broadcast_in_dim3A_557 = vector.shape_cast %select_n3A_556 : vector<16xi32> to vector<16x1xi32>
        %gather3A_558 = vector.shape_cast %broadcast_in_dim3A_557 : vector<16x1xi32> to vector<16xi32>
        %gather3A_559 = tpu.dynamic_gather %masked_sort3A_543[%gather3A_558] in [0] : vector<16xi32>, vector<16xi32> -> vector<16xi32>
        %add3A_560 = arith.constant 1 : i32
        %add3A_561 = vector.broadcast %add3A_560 : i32 to vector<16xi32>
        %add3A_562 = arith.addi %iota3A, %add3A_561 : vector<16xi32>
        %and3A_563 = arith.constant 15 : i32
        %and3A_564 = vector.broadcast %and3A_563 : i32 to vector<16xi32>
        %and3A_565 = arith.andi %add3A_562, %and3A_564 : vector<16xi32>
        %lt3A_566 = arith.constant 0 : i32
        %lt3A_567 = vector.broadcast %lt3A_566 : i32 to vector<16xi32>
        %lt3A_568 = arith.cmpi slt, %and3A_565, %lt3A_567 : vector<16xi32>
        %add3A_569 = arith.constant 16 : i32
        %add3A_570 = vector.broadcast %add3A_569 : i32 to vector<16xi32>
        %add3A_571 = arith.addi %and3A_565, %add3A_570 : vector<16xi32>
        %select_n3A_572 = arith.select %lt3A_568, %add3A_571, %and3A_565 : vector<16xi1>, vector<16xi32>
        %broadcast_in_dim3A_573 = vector.shape_cast %select_n3A_572 : vector<16xi32> to vector<16x1xi32>
        %gather3A_574 = vector.shape_cast %broadcast_in_dim3A_573 : vector<16x1xi32> to vector<16xi32>
        %gather3A_575 = tpu.dynamic_gather %masked_sort3A_543[%gather3A_574] in [0] : vector<16xi32>, vector<16xi32> -> vector<16xi32>
        %eq3A_576 = arith.constant 0 : i32
        %eq3A_577 = vector.broadcast %eq3A_576 : i32 to vector<16xi32>
        %eq3A_578 = arith.cmpi eq, %iota3A, %eq3A_577 : vector<16xi32>
        %ne3A_579 = arith.cmpi ne, %masked_sort3A_543, %gather3A_559 : vector<16xi32>
        %or3A_580 = arith.ori %eq3A_578, %ne3A_579 : vector<16xi1>
        %jit3A_581 = arith.constant 0 : i32
        %broadcast_in_dim3A_582 = vector.broadcast %jit3A_581 : i32 to vector<16xi32>
        %select_n3A_583 = arith.select %or3A_580, %iota3A, %broadcast_in_dim3A_582 : vector<16xi1>, vector<16xi32>
        %broadcast_in_dim3A_584 = arith.constant true
        %broadcast_in_dim3A_585 = vector.broadcast %broadcast_in_dim3A_584 : i1 to vector<16xi1>
        %masked_cummax3A_586 = arith.constant -2147483648 : i32
        %masked_cummax3A_587 = vector.broadcast %masked_cummax3A_586 : i32 to vector<16xi32>
        %masked_cummax3A_588 = arith.xori %select_n3A_583, %masked_cummax3A_587 : vector<16xi32>
        %masked_cummax3A_589 = tpu.scan <max>, %masked_cummax3A_588 masked %broadcast_in_dim3A_585 : vector<16xi32>, vector<16xi1> -> vector<16xi32>
        %masked_cummax3A_590 = arith.xori %masked_cummax3A_589, %masked_cummax3A_587 : vector<16xi32>
        %eq3A_591 = arith.constant 15 : i32
        %eq3A_592 = vector.broadcast %eq3A_591 : i32 to vector<16xi32>
        %eq3A_593 = arith.cmpi eq, %iota3A, %eq3A_592 : vector<16xi32>
        %ne3A_594 = arith.cmpi ne, %masked_sort3A_543, %gather3A_575 : vector<16xi32>
        %or3A_595 = arith.ori %eq3A_593, %ne3A_594 : vector<16xi1>
        %ne3A_596 = arith.constant 2047 : i32
        %ne3A_597 = vector.broadcast %ne3A_596 : i32 to vector<16xi32>
        %ne3A_598 = arith.cmpi ne, %masked_sort3A_543, %ne3A_597 : vector<16xi32>
        %and3A_599 = arith.andi %or3A_595, %ne3A_598 : vector<16xi1>
        %sub3A_600 = arith.subi %iota3A, %masked_cummax3A_590 : vector<16xi32>
        %add3A_601 = arith.constant 1 : i32
        %add3A_602 = vector.broadcast %add3A_601 : i32 to vector<16xi32>
        %add3A_603 = arith.addi %sub3A_600, %add3A_602 : vector<16xi32>
        %convert_element_type3A_604 = arith.sitofp %add3A_603 : vector<16xi32> to vector<16xf32>
        %and3A_605 = arith.constant 15 : i32
        %and3A_606 = vector.broadcast %and3A_605 : i32 to vector<16xi32>
        %and3A_607 = arith.andi %masked_sort3A_543, %and3A_606 : vector<16xi32>
        %shift_right_arithmetic3A_608 = arith.constant 4 : i32
        %shift_right_arithmetic3A_609 = vector.broadcast %shift_right_arithmetic3A_608 : i32 to vector<16xi32>
        %shift_right_arithmetic3A_610 = arith.shrsi %masked_sort3A_543, %shift_right_arithmetic3A_609 : vector<16xi32>
        tpu.vector_store_idx %arg13[%and3A_607, %shift_right_arithmetic3A_610], %convert_element_type3A_604 masked %and3A_599 {add = true} : memref<16x128xf32, #tpu.memory_space<vmem>>[vector<16xi32>, vector<16xi32>], vector<16xf32>, vector<16xi1>
        %mul3A_611 = arith.constant 128 : i32
        %mul3A_612 = arith.muli %add3A_431, %mul3A_611 : i32
        %add3A_613 = arith.constant 32 : i32
        %add3A_614 = arith.addi %mul3A_612, %add3A_613 : i32
        %get3A_615 = arith.index_cast %add3A_614 : i32 to index
        %get3A_616 = tpu.vector_load %arg7[%get3A_615] {strides = array<i32>} : memref<10368xi32, #tpu.memory_space<vmem>>, vector<16xi32>,
        %masked_sort3A_617 = arith.constant dense<true> : vector<16xi1>
        %masked_sort3A_618 = arith.constant -2147483648 : i32
        %masked_sort3A_619 = vector.broadcast %masked_sort3A_618 : i32 to vector<16xi32>
        %masked_sort3A_620 = arith.xori %get3A_616, %masked_sort3A_619 : vector<16xi32>
        %masked_sort3A_621, %masked_sort3A_622, %masked_sort3A_623 = tpu.sort %masked_sort3A_620, %get3A_616 masked %masked_sort3A_617 : (vector<16xi32>, vector<16xi32>, vector<16xi1>) -> (vector<16xi1>, vector<16xi32>, vector<16xi32>)
        %masked_sort3A_624 = arith.xori %masked_sort3A_622, %masked_sort3A_619 : vector<16xi32>
        %add3A_625 = arith.constant 15 : i32
        %add3A_626 = vector.broadcast %add3A_625 : i32 to vector<16xi32>
        %add3A_627 = arith.addi %iota3A, %add3A_626 : vector<16xi32>
        %and3A_628 = arith.constant 15 : i32
        %and3A_629 = vector.broadcast %and3A_628 : i32 to vector<16xi32>
        %and3A_630 = arith.andi %add3A_627, %and3A_629 : vector<16xi32>
        %lt3A_631 = arith.constant 0 : i32
        %lt3A_632 = vector.broadcast %lt3A_631 : i32 to vector<16xi32>
        %lt3A_633 = arith.cmpi slt, %and3A_630, %lt3A_632 : vector<16xi32>
        %add3A_634 = arith.constant 16 : i32
        %add3A_635 = vector.broadcast %add3A_634 : i32 to vector<16xi32>
        %add3A_636 = arith.addi %and3A_630, %add3A_635 : vector<16xi32>
        %select_n3A_637 = arith.select %lt3A_633, %add3A_636, %and3A_630 : vector<16xi1>, vector<16xi32>
        %broadcast_in_dim3A_638 = vector.shape_cast %select_n3A_637 : vector<16xi32> to vector<16x1xi32>
        %gather3A_639 = vector.shape_cast %broadcast_in_dim3A_638 : vector<16x1xi32> to vector<16xi32>
        %gather3A_640 = tpu.dynamic_gather %masked_sort3A_624[%gather3A_639] in [0] : vector<16xi32>, vector<16xi32> -> vector<16xi32>
        %add3A_641 = arith.constant 1 : i32
        %add3A_642 = vector.broadcast %add3A_641 : i32 to vector<16xi32>
        %add3A_643 = arith.addi %iota3A, %add3A_642 : vector<16xi32>
        %and3A_644 = arith.constant 15 : i32
        %and3A_645 = vector.broadcast %and3A_644 : i32 to vector<16xi32>
        %and3A_646 = arith.andi %add3A_643, %and3A_645 : vector<16xi32>
        %lt3A_647 = arith.constant 0 : i32
        %lt3A_648 = vector.broadcast %lt3A_647 : i32 to vector<16xi32>
        %lt3A_649 = arith.cmpi slt, %and3A_646, %lt3A_648 : vector<16xi32>
        %add3A_650 = arith.constant 16 : i32
        %add3A_651 = vector.broadcast %add3A_650 : i32 to vector<16xi32>
        %add3A_652 = arith.addi %and3A_646, %add3A_651 : vector<16xi32>
        %select_n3A_653 = arith.select %lt3A_649, %add3A_652, %and3A_646 : vector<16xi1>, vector<16xi32>
        %broadcast_in_dim3A_654 = vector.shape_cast %select_n3A_653 : vector<16xi32> to vector<16x1xi32>
        %gather3A_655 = vector.shape_cast %broadcast_in_dim3A_654 : vector<16x1xi32> to vector<16xi32>
        %gather3A_656 = tpu.dynamic_gather %masked_sort3A_624[%gather3A_655] in [0] : vector<16xi32>, vector<16xi32> -> vector<16xi32>
        %eq3A_657 = arith.constant 0 : i32
        %eq3A_658 = vector.broadcast %eq3A_657 : i32 to vector<16xi32>
        %eq3A_659 = arith.cmpi eq, %iota3A, %eq3A_658 : vector<16xi32>
        %ne3A_660 = arith.cmpi ne, %masked_sort3A_624, %gather3A_640 : vector<16xi32>
        %or3A_661 = arith.ori %eq3A_659, %ne3A_660 : vector<16xi1>
        %jit3A_662 = arith.constant 0 : i32
        %broadcast_in_dim3A_663 = vector.broadcast %jit3A_662 : i32 to vector<16xi32>
        %select_n3A_664 = arith.select %or3A_661, %iota3A, %broadcast_in_dim3A_663 : vector<16xi1>, vector<16xi32>
        %broadcast_in_dim3A_665 = arith.constant true
        %broadcast_in_dim3A_666 = vector.broadcast %broadcast_in_dim3A_665 : i1 to vector<16xi1>
        %masked_cummax3A_667 = arith.constant -2147483648 : i32
        %masked_cummax3A_668 = vector.broadcast %masked_cummax3A_667 : i32 to vector<16xi32>
        %masked_cummax3A_669 = arith.xori %select_n3A_664, %masked_cummax3A_668 : vector<16xi32>
        %masked_cummax3A_670 = tpu.scan <max>, %masked_cummax3A_669 masked %broadcast_in_dim3A_666 : vector<16xi32>, vector<16xi1> -> vector<16xi32>
        %masked_cummax3A_671 = arith.xori %masked_cummax3A_670, %masked_cummax3A_668 : vector<16xi32>
        %eq3A_672 = arith.constant 15 : i32
        %eq3A_673 = vector.broadcast %eq3A_672 : i32 to vector<16xi32>
        %eq3A_674 = arith.cmpi eq, %iota3A, %eq3A_673 : vector<16xi32>
        %ne3A_675 = arith.cmpi ne, %masked_sort3A_624, %gather3A_656 : vector<16xi32>
        %or3A_676 = arith.ori %eq3A_674, %ne3A_675 : vector<16xi1>
        %ne3A_677 = arith.constant 2047 : i32
        %ne3A_678 = vector.broadcast %ne3A_677 : i32 to vector<16xi32>
        %ne3A_679 = arith.cmpi ne, %masked_sort3A_624, %ne3A_678 : vector<16xi32>
        %and3A_680 = arith.andi %or3A_676, %ne3A_679 : vector<16xi1>
        %sub3A_681 = arith.subi %iota3A, %masked_cummax3A_671 : vector<16xi32>
        %add3A_682 = arith.constant 1 : i32
        %add3A_683 = vector.broadcast %add3A_682 : i32 to vector<16xi32>
        %add3A_684 = arith.addi %sub3A_681, %add3A_683 : vector<16xi32>
        %convert_element_type3A_685 = arith.sitofp %add3A_684 : vector<16xi32> to vector<16xf32>
        %and3A_686 = arith.constant 15 : i32
        %and3A_687 = vector.broadcast %and3A_686 : i32 to vector<16xi32>
        %and3A_688 = arith.andi %masked_sort3A_624, %and3A_687 : vector<16xi32>
        %shift_right_arithmetic3A_689 = arith.constant 4 : i32
        %shift_right_arithmetic3A_690 = vector.broadcast %shift_right_arithmetic3A_689 : i32 to vector<16xi32>
        %shift_right_arithmetic3A_691 = arith.shrsi %masked_sort3A_624, %shift_right_arithmetic3A_690 : vector<16xi32>
        tpu.vector_store_idx %arg13[%and3A_688, %shift_right_arithmetic3A_691], %convert_element_type3A_685 masked %and3A_680 {add = true} : memref<16x128xf32, #tpu.memory_space<vmem>>[vector<16xi32>, vector<16xi32>], vector<16xf32>, vector<16xi1>
        %mul3A_692 = arith.constant 128 : i32
        %mul3A_693 = arith.muli %add3A_431, %mul3A_692 : i32
        %add3A_694 = arith.constant 48 : i32
        %add3A_695 = arith.addi %mul3A_693, %add3A_694 : i32
        %get3A_696 = arith.index_cast %add3A_695 : i32 to index
        %get3A_697 = tpu.vector_load %arg7[%get3A_696] {strides = array<i32>} : memref<10368xi32, #tpu.memory_space<vmem>>, vector<16xi32>,
        %masked_sort3A_698 = arith.constant dense<true> : vector<16xi1>
        %masked_sort3A_699 = arith.constant -2147483648 : i32
        %masked_sort3A_700 = vector.broadcast %masked_sort3A_699 : i32 to vector<16xi32>
        %masked_sort3A_701 = arith.xori %get3A_697, %masked_sort3A_700 : vector<16xi32>
        %masked_sort3A_702, %masked_sort3A_703, %masked_sort3A_704 = tpu.sort %masked_sort3A_701, %get3A_697 masked %masked_sort3A_698 : (vector<16xi32>, vector<16xi32>, vector<16xi1>) -> (vector<16xi1>, vector<16xi32>, vector<16xi32>)
        %masked_sort3A_705 = arith.xori %masked_sort3A_703, %masked_sort3A_700 : vector<16xi32>
        %add3A_706 = arith.constant 15 : i32
        %add3A_707 = vector.broadcast %add3A_706 : i32 to vector<16xi32>
        %add3A_708 = arith.addi %iota3A, %add3A_707 : vector<16xi32>
        %and3A_709 = arith.constant 15 : i32
        %and3A_710 = vector.broadcast %and3A_709 : i32 to vector<16xi32>
        %and3A_711 = arith.andi %add3A_708, %and3A_710 : vector<16xi32>
        %lt3A_712 = arith.constant 0 : i32
        %lt3A_713 = vector.broadcast %lt3A_712 : i32 to vector<16xi32>
        %lt3A_714 = arith.cmpi slt, %and3A_711, %lt3A_713 : vector<16xi32>
        %add3A_715 = arith.constant 16 : i32
        %add3A_716 = vector.broadcast %add3A_715 : i32 to vector<16xi32>
        %add3A_717 = arith.addi %and3A_711, %add3A_716 : vector<16xi32>
        %select_n3A_718 = arith.select %lt3A_714, %add3A_717, %and3A_711 : vector<16xi1>, vector<16xi32>
        %broadcast_in_dim3A_719 = vector.shape_cast %select_n3A_718 : vector<16xi32> to vector<16x1xi32>
        %gather3A_720 = vector.shape_cast %broadcast_in_dim3A_719 : vector<16x1xi32> to vector<16xi32>
        %gather3A_721 = tpu.dynamic_gather %masked_sort3A_705[%gather3A_720] in [0] : vector<16xi32>, vector<16xi32> -> vector<16xi32>
        %add3A_722 = arith.constant 1 : i32
        %add3A_723 = vector.broadcast %add3A_722 : i32 to vector<16xi32>
        %add3A_724 = arith.addi %iota3A, %add3A_723 : vector<16xi32>
        %and3A_725 = arith.constant 15 : i32
        %and3A_726 = vector.broadcast %and3A_725 : i32 to vector<16xi32>
        %and3A_727 = arith.andi %add3A_724, %and3A_726 : vector<16xi32>
        %lt3A_728 = arith.constant 0 : i32
        %lt3A_729 = vector.broadcast %lt3A_728 : i32 to vector<16xi32>
        %lt3A_730 = arith.cmpi slt, %and3A_727, %lt3A_729 : vector<16xi32>
        %add3A_731 = arith.constant 16 : i32
        %add3A_732 = vector.broadcast %add3A_731 : i32 to vector<16xi32>
        %add3A_733 = arith.addi %and3A_727, %add3A_732 : vector<16xi32>
        %select_n3A_734 = arith.select %lt3A_730, %add3A_733, %and3A_727 : vector<16xi1>, vector<16xi32>
        %broadcast_in_dim3A_735 = vector.shape_cast %select_n3A_734 : vector<16xi32> to vector<16x1xi32>
        %gather3A_736 = vector.shape_cast %broadcast_in_dim3A_735 : vector<16x1xi32> to vector<16xi32>
        %gather3A_737 = tpu.dynamic_gather %masked_sort3A_705[%gather3A_736] in [0] : vector<16xi32>, vector<16xi32> -> vector<16xi32>
        %eq3A_738 = arith.constant 0 : i32
        %eq3A_739 = vector.broadcast %eq3A_738 : i32 to vector<16xi32>
        %eq3A_740 = arith.cmpi eq, %iota3A, %eq3A_739 : vector<16xi32>
        %ne3A_741 = arith.cmpi ne, %masked_sort3A_705, %gather3A_721 : vector<16xi32>
        %or3A_742 = arith.ori %eq3A_740, %ne3A_741 : vector<16xi1>
        %jit3A_743 = arith.constant 0 : i32
        %broadcast_in_dim3A_744 = vector.broadcast %jit3A_743 : i32 to vector<16xi32>
        %select_n3A_745 = arith.select %or3A_742, %iota3A, %broadcast_in_dim3A_744 : vector<16xi1>, vector<16xi32>
        %broadcast_in_dim3A_746 = arith.constant true
        %broadcast_in_dim3A_747 = vector.broadcast %broadcast_in_dim3A_746 : i1 to vector<16xi1>
        %masked_cummax3A_748 = arith.constant -2147483648 : i32
        %masked_cummax3A_749 = vector.broadcast %masked_cummax3A_748 : i32 to vector<16xi32>
        %masked_cummax3A_750 = arith.xori %select_n3A_745, %masked_cummax3A_749 : vector<16xi32>
        %masked_cummax3A_751 = tpu.scan <max>, %masked_cummax3A_750 masked %broadcast_in_dim3A_747 : vector<16xi32>, vector<16xi1> -> vector<16xi32>
        %masked_cummax3A_752 = arith.xori %masked_cummax3A_751, %masked_cummax3A_749 : vector<16xi32>
        %eq3A_753 = arith.constant 15 : i32
        %eq3A_754 = vector.broadcast %eq3A_753 : i32 to vector<16xi32>
        %eq3A_755 = arith.cmpi eq, %iota3A, %eq3A_754 : vector<16xi32>
        %ne3A_756 = arith.cmpi ne, %masked_sort3A_705, %gather3A_737 : vector<16xi32>
        %or3A_757 = arith.ori %eq3A_755, %ne3A_756 : vector<16xi1>
        %ne3A_758 = arith.constant 2047 : i32
        %ne3A_759 = vector.broadcast %ne3A_758 : i32 to vector<16xi32>
        %ne3A_760 = arith.cmpi ne, %masked_sort3A_705, %ne3A_759 : vector<16xi32>
        %and3A_761 = arith.andi %or3A_757, %ne3A_760 : vector<16xi1>
        %sub3A_762 = arith.subi %iota3A, %masked_cummax3A_752 : vector<16xi32>
        %add3A_763 = arith.constant 1 : i32
        %add3A_764 = vector.broadcast %add3A_763 : i32 to vector<16xi32>
        %add3A_765 = arith.addi %sub3A_762, %add3A_764 : vector<16xi32>
        %convert_element_type3A_766 = arith.sitofp %add3A_765 : vector<16xi32> to vector<16xf32>
        %and3A_767 = arith.constant 15 : i32
        %and3A_768 = vector.broadcast %and3A_767 : i32 to vector<16xi32>
        %and3A_769 = arith.andi %masked_sort3A_705, %and3A_768 : vector<16xi32>
        %shift_right_arithmetic3A_770 = arith.constant 4 : i32
        %shift_right_arithmetic3A_771 = vector.broadcast %shift_right_arithmetic3A_770 : i32 to vector<16xi32>
        %shift_right_arithmetic3A_772 = arith.shrsi %masked_sort3A_705, %shift_right_arithmetic3A_771 : vector<16xi32>
        tpu.vector_store_idx %arg13[%and3A_769, %shift_right_arithmetic3A_772], %convert_element_type3A_766 masked %and3A_761 {add = true} : memref<16x128xf32, #tpu.memory_space<vmem>>[vector<16xi32>, vector<16xi32>], vector<16xf32>, vector<16xi1>
        %mul3A_773 = arith.constant 128 : i32
        %mul3A_774 = arith.muli %add3A_431, %mul3A_773 : i32
        %add3A_775 = arith.constant 64 : i32
        %add3A_776 = arith.addi %mul3A_774, %add3A_775 : i32
        %get3A_777 = arith.index_cast %add3A_776 : i32 to index
        %get3A_778 = tpu.vector_load %arg7[%get3A_777] {strides = array<i32>} : memref<10368xi32, #tpu.memory_space<vmem>>, vector<16xi32>,
        %masked_sort3A_779 = arith.constant dense<true> : vector<16xi1>
        %masked_sort3A_780 = arith.constant -2147483648 : i32
        %masked_sort3A_781 = vector.broadcast %masked_sort3A_780 : i32 to vector<16xi32>
        %masked_sort3A_782 = arith.xori %get3A_778, %masked_sort3A_781 : vector<16xi32>
        %masked_sort3A_783, %masked_sort3A_784, %masked_sort3A_785 = tpu.sort %masked_sort3A_782, %get3A_778 masked %masked_sort3A_779 : (vector<16xi32>, vector<16xi32>, vector<16xi1>) -> (vector<16xi1>, vector<16xi32>, vector<16xi32>)
        %masked_sort3A_786 = arith.xori %masked_sort3A_784, %masked_sort3A_781 : vector<16xi32>
        %add3A_787 = arith.constant 15 : i32
        %add3A_788 = vector.broadcast %add3A_787 : i32 to vector<16xi32>
        %add3A_789 = arith.addi %iota3A, %add3A_788 : vector<16xi32>
        %and3A_790 = arith.constant 15 : i32
        %and3A_791 = vector.broadcast %and3A_790 : i32 to vector<16xi32>
        %and3A_792 = arith.andi %add3A_789, %and3A_791 : vector<16xi32>
        %lt3A_793 = arith.constant 0 : i32
        %lt3A_794 = vector.broadcast %lt3A_793 : i32 to vector<16xi32>
        %lt3A_795 = arith.cmpi slt, %and3A_792, %lt3A_794 : vector<16xi32>
        %add3A_796 = arith.constant 16 : i32
        %add3A_797 = vector.broadcast %add3A_796 : i32 to vector<16xi32>
        %add3A_798 = arith.addi %and3A_792, %add3A_797 : vector<16xi32>
        %select_n3A_799 = arith.select %lt3A_795, %add3A_798, %and3A_792 : vector<16xi1>, vector<16xi32>
        %broadcast_in_dim3A_800 = vector.shape_cast %select_n3A_799 : vector<16xi32> to vector<16x1xi32>
        %gather3A_801 = vector.shape_cast %broadcast_in_dim3A_800 : vector<16x1xi32> to vector<16xi32>
        %gather3A_802 = tpu.dynamic_gather %masked_sort3A_786[%gather3A_801] in [0] : vector<16xi32>, vector<16xi32> -> vector<16xi32>
        %add3A_803 = arith.constant 1 : i32
        %add3A_804 = vector.broadcast %add3A_803 : i32 to vector<16xi32>
        %add3A_805 = arith.addi %iota3A, %add3A_804 : vector<16xi32>
        %and3A_806 = arith.constant 15 : i32
        %and3A_807 = vector.broadcast %and3A_806 : i32 to vector<16xi32>
        %and3A_808 = arith.andi %add3A_805, %and3A_807 : vector<16xi32>
        %lt3A_809 = arith.constant 0 : i32
        %lt3A_810 = vector.broadcast %lt3A_809 : i32 to vector<16xi32>
        %lt3A_811 = arith.cmpi slt, %and3A_808, %lt3A_810 : vector<16xi32>
        %add3A_812 = arith.constant 16 : i32
        %add3A_813 = vector.broadcast %add3A_812 : i32 to vector<16xi32>
        %add3A_814 = arith.addi %and3A_808, %add3A_813 : vector<16xi32>
        %select_n3A_815 = arith.select %lt3A_811, %add3A_814, %and3A_808 : vector<16xi1>, vector<16xi32>
        %broadcast_in_dim3A_816 = vector.shape_cast %select_n3A_815 : vector<16xi32> to vector<16x1xi32>
        %gather3A_817 = vector.shape_cast %broadcast_in_dim3A_816 : vector<16x1xi32> to vector<16xi32>
        %gather3A_818 = tpu.dynamic_gather %masked_sort3A_786[%gather3A_817] in [0] : vector<16xi32>, vector<16xi32> -> vector<16xi32>
        %eq3A_819 = arith.constant 0 : i32
        %eq3A_820 = vector.broadcast %eq3A_819 : i32 to vector<16xi32>
        %eq3A_821 = arith.cmpi eq, %iota3A, %eq3A_820 : vector<16xi32>
        %ne3A_822 = arith.cmpi ne, %masked_sort3A_786, %gather3A_802 : vector<16xi32>
        %or3A_823 = arith.ori %eq3A_821, %ne3A_822 : vector<16xi1>
        %jit3A_824 = arith.constant 0 : i32
        %broadcast_in_dim3A_825 = vector.broadcast %jit3A_824 : i32 to vector<16xi32>
        %select_n3A_826 = arith.select %or3A_823, %iota3A, %broadcast_in_dim3A_825 : vector<16xi1>, vector<16xi32>
        %broadcast_in_dim3A_827 = arith.constant true
        %broadcast_in_dim3A_828 = vector.broadcast %broadcast_in_dim3A_827 : i1 to vector<16xi1>
        %masked_cummax3A_829 = arith.constant -2147483648 : i32
        %masked_cummax3A_830 = vector.broadcast %masked_cummax3A_829 : i32 to vector<16xi32>
        %masked_cummax3A_831 = arith.xori %select_n3A_826, %masked_cummax3A_830 : vector<16xi32>
        %masked_cummax3A_832 = tpu.scan <max>, %masked_cummax3A_831 masked %broadcast_in_dim3A_828 : vector<16xi32>, vector<16xi1> -> vector<16xi32>
        %masked_cummax3A_833 = arith.xori %masked_cummax3A_832, %masked_cummax3A_830 : vector<16xi32>
        %eq3A_834 = arith.constant 15 : i32
        %eq3A_835 = vector.broadcast %eq3A_834 : i32 to vector<16xi32>
        %eq3A_836 = arith.cmpi eq, %iota3A, %eq3A_835 : vector<16xi32>
        %ne3A_837 = arith.cmpi ne, %masked_sort3A_786, %gather3A_818 : vector<16xi32>
        %or3A_838 = arith.ori %eq3A_836, %ne3A_837 : vector<16xi1>
        %ne3A_839 = arith.constant 2047 : i32
        %ne3A_840 = vector.broadcast %ne3A_839 : i32 to vector<16xi32>
        %ne3A_841 = arith.cmpi ne, %masked_sort3A_786, %ne3A_840 : vector<16xi32>
        %and3A_842 = arith.andi %or3A_838, %ne3A_841 : vector<16xi1>
        %sub3A_843 = arith.subi %iota3A, %masked_cummax3A_833 : vector<16xi32>
        %add3A_844 = arith.constant 1 : i32
        %add3A_845 = vector.broadcast %add3A_844 : i32 to vector<16xi32>
        %add3A_846 = arith.addi %sub3A_843, %add3A_845 : vector<16xi32>
        %convert_element_type3A_847 = arith.sitofp %add3A_846 : vector<16xi32> to vector<16xf32>
        %and3A_848 = arith.constant 15 : i32
        %and3A_849 = vector.broadcast %and3A_848 : i32 to vector<16xi32>
        %and3A_850 = arith.andi %masked_sort3A_786, %and3A_849 : vector<16xi32>
        %shift_right_arithmetic3A_851 = arith.constant 4 : i32
        %shift_right_arithmetic3A_852 = vector.broadcast %shift_right_arithmetic3A_851 : i32 to vector<16xi32>
        %shift_right_arithmetic3A_853 = arith.shrsi %masked_sort3A_786, %shift_right_arithmetic3A_852 : vector<16xi32>
        tpu.vector_store_idx %arg13[%and3A_850, %shift_right_arithmetic3A_853], %convert_element_type3A_847 masked %and3A_842 {add = true} : memref<16x128xf32, #tpu.memory_space<vmem>>[vector<16xi32>, vector<16xi32>], vector<16xf32>, vector<16xi1>
        %mul3A_854 = arith.constant 128 : i32
        %mul3A_855 = arith.muli %add3A_431, %mul3A_854 : i32
        %add3A_856 = arith.constant 80 : i32
        %add3A_857 = arith.addi %mul3A_855, %add3A_856 : i32
        %get3A_858 = arith.index_cast %add3A_857 : i32 to index
        %get3A_859 = tpu.vector_load %arg7[%get3A_858] {strides = array<i32>} : memref<10368xi32, #tpu.memory_space<vmem>>, vector<16xi32>,
        %masked_sort3A_860 = arith.constant dense<true> : vector<16xi1>
        %masked_sort3A_861 = arith.constant -2147483648 : i32
        %masked_sort3A_862 = vector.broadcast %masked_sort3A_861 : i32 to vector<16xi32>
        %masked_sort3A_863 = arith.xori %get3A_859, %masked_sort3A_862 : vector<16xi32>
        %masked_sort3A_864, %masked_sort3A_865, %masked_sort3A_866 = tpu.sort %masked_sort3A_863, %get3A_859 masked %masked_sort3A_860 : (vector<16xi32>, vector<16xi32>, vector<16xi1>) -> (vector<16xi1>, vector<16xi32>, vector<16xi32>)
        %masked_sort3A_867 = arith.xori %masked_sort3A_865, %masked_sort3A_862 : vector<16xi32>
        %add3A_868 = arith.constant 15 : i32
        %add3A_869 = vector.broadcast %add3A_868 : i32 to vector<16xi32>
        %add3A_870 = arith.addi %iota3A, %add3A_869 : vector<16xi32>
        %and3A_871 = arith.constant 15 : i32
        %and3A_872 = vector.broadcast %and3A_871 : i32 to vector<16xi32>
        %and3A_873 = arith.andi %add3A_870, %and3A_872 : vector<16xi32>
        %lt3A_874 = arith.constant 0 : i32
        %lt3A_875 = vector.broadcast %lt3A_874 : i32 to vector<16xi32>
        %lt3A_876 = arith.cmpi slt, %and3A_873, %lt3A_875 : vector<16xi32>
        %add3A_877 = arith.constant 16 : i32
        %add3A_878 = vector.broadcast %add3A_877 : i32 to vector<16xi32>
        %add3A_879 = arith.addi %and3A_873, %add3A_878 : vector<16xi32>
        %select_n3A_880 = arith.select %lt3A_876, %add3A_879, %and3A_873 : vector<16xi1>, vector<16xi32>
        %broadcast_in_dim3A_881 = vector.shape_cast %select_n3A_880 : vector<16xi32> to vector<16x1xi32>
        %gather3A_882 = vector.shape_cast %broadcast_in_dim3A_881 : vector<16x1xi32> to vector<16xi32>
        %gather3A_883 = tpu.dynamic_gather %masked_sort3A_867[%gather3A_882] in [0] : vector<16xi32>, vector<16xi32> -> vector<16xi32>
        %add3A_884 = arith.constant 1 : i32
        %add3A_885 = vector.broadcast %add3A_884 : i32 to vector<16xi32>
        %add3A_886 = arith.addi %iota3A, %add3A_885 : vector<16xi32>
        %and3A_887 = arith.constant 15 : i32
        %and3A_888 = vector.broadcast %and3A_887 : i32 to vector<16xi32>
        %and3A_889 = arith.andi %add3A_886, %and3A_888 : vector<16xi32>
        %lt3A_890 = arith.constant 0 : i32
        %lt3A_891 = vector.broadcast %lt3A_890 : i32 to vector<16xi32>
        %lt3A_892 = arith.cmpi slt, %and3A_889, %lt3A_891 : vector<16xi32>
        %add3A_893 = arith.constant 16 : i32
        %add3A_894 = vector.broadcast %add3A_893 : i32 to vector<16xi32>
        %add3A_895 = arith.addi %and3A_889, %add3A_894 : vector<16xi32>
        %select_n3A_896 = arith.select %lt3A_892, %add3A_895, %and3A_889 : vector<16xi1>, vector<16xi32>
        %broadcast_in_dim3A_897 = vector.shape_cast %select_n3A_896 : vector<16xi32> to vector<16x1xi32>
        %gather3A_898 = vector.shape_cast %broadcast_in_dim3A_897 : vector<16x1xi32> to vector<16xi32>
        %gather3A_899 = tpu.dynamic_gather %masked_sort3A_867[%gather3A_898] in [0] : vector<16xi32>, vector<16xi32> -> vector<16xi32>
        %eq3A_900 = arith.constant 0 : i32
        %eq3A_901 = vector.broadcast %eq3A_900 : i32 to vector<16xi32>
        %eq3A_902 = arith.cmpi eq, %iota3A, %eq3A_901 : vector<16xi32>
        %ne3A_903 = arith.cmpi ne, %masked_sort3A_867, %gather3A_883 : vector<16xi32>
        %or3A_904 = arith.ori %eq3A_902, %ne3A_903 : vector<16xi1>
        %jit3A_905 = arith.constant 0 : i32
        %broadcast_in_dim3A_906 = vector.broadcast %jit3A_905 : i32 to vector<16xi32>
        %select_n3A_907 = arith.select %or3A_904, %iota3A, %broadcast_in_dim3A_906 : vector<16xi1>, vector<16xi32>
        %broadcast_in_dim3A_908 = arith.constant true
        %broadcast_in_dim3A_909 = vector.broadcast %broadcast_in_dim3A_908 : i1 to vector<16xi1>
        %masked_cummax3A_910 = arith.constant -2147483648 : i32
        %masked_cummax3A_911 = vector.broadcast %masked_cummax3A_910 : i32 to vector<16xi32>
        %masked_cummax3A_912 = arith.xori %select_n3A_907, %masked_cummax3A_911 : vector<16xi32>
        %masked_cummax3A_913 = tpu.scan <max>, %masked_cummax3A_912 masked %broadcast_in_dim3A_909 : vector<16xi32>, vector<16xi1> -> vector<16xi32>
        %masked_cummax3A_914 = arith.xori %masked_cummax3A_913, %masked_cummax3A_911 : vector<16xi32>
        %eq3A_915 = arith.constant 15 : i32
        %eq3A_916 = vector.broadcast %eq3A_915 : i32 to vector<16xi32>
        %eq3A_917 = arith.cmpi eq, %iota3A, %eq3A_916 : vector<16xi32>
        %ne3A_918 = arith.cmpi ne, %masked_sort3A_867, %gather3A_899 : vector<16xi32>
        %or3A_919 = arith.ori %eq3A_917, %ne3A_918 : vector<16xi1>
        %ne3A_920 = arith.constant 2047 : i32
        %ne3A_921 = vector.broadcast %ne3A_920 : i32 to vector<16xi32>
        %ne3A_922 = arith.cmpi ne, %masked_sort3A_867, %ne3A_921 : vector<16xi32>
        %and3A_923 = arith.andi %or3A_919, %ne3A_922 : vector<16xi1>
        %sub3A_924 = arith.subi %iota3A, %masked_cummax3A_914 : vector<16xi32>
        %add3A_925 = arith.constant 1 : i32
        %add3A_926 = vector.broadcast %add3A_925 : i32 to vector<16xi32>
        %add3A_927 = arith.addi %sub3A_924, %add3A_926 : vector<16xi32>
        %convert_element_type3A_928 = arith.sitofp %add3A_927 : vector<16xi32> to vector<16xf32>
        %and3A_929 = arith.constant 15 : i32
        %and3A_930 = vector.broadcast %and3A_929 : i32 to vector<16xi32>
        %and3A_931 = arith.andi %masked_sort3A_867, %and3A_930 : vector<16xi32>
        %shift_right_arithmetic3A_932 = arith.constant 4 : i32
        %shift_right_arithmetic3A_933 = vector.broadcast %shift_right_arithmetic3A_932 : i32 to vector<16xi32>
        %shift_right_arithmetic3A_934 = arith.shrsi %masked_sort3A_867, %shift_right_arithmetic3A_933 : vector<16xi32>
        tpu.vector_store_idx %arg13[%and3A_931, %shift_right_arithmetic3A_934], %convert_element_type3A_928 masked %and3A_923 {add = true} : memref<16x128xf32, #tpu.memory_space<vmem>>[vector<16xi32>, vector<16xi32>], vector<16xf32>, vector<16xi1>
        %mul3A_935 = arith.constant 128 : i32
        %mul3A_936 = arith.muli %add3A_431, %mul3A_935 : i32
        %add3A_937 = arith.constant 96 : i32
        %add3A_938 = arith.addi %mul3A_936, %add3A_937 : i32
        %get3A_939 = arith.index_cast %add3A_938 : i32 to index
        %get3A_940 = tpu.vector_load %arg7[%get3A_939] {strides = array<i32>} : memref<10368xi32, #tpu.memory_space<vmem>>, vector<16xi32>,
        %masked_sort3A_941 = arith.constant dense<true> : vector<16xi1>
        %masked_sort3A_942 = arith.constant -2147483648 : i32
        %masked_sort3A_943 = vector.broadcast %masked_sort3A_942 : i32 to vector<16xi32>
        %masked_sort3A_944 = arith.xori %get3A_940, %masked_sort3A_943 : vector<16xi32>
        %masked_sort3A_945, %masked_sort3A_946, %masked_sort3A_947 = tpu.sort %masked_sort3A_944, %get3A_940 masked %masked_sort3A_941 : (vector<16xi32>, vector<16xi32>, vector<16xi1>) -> (vector<16xi1>, vector<16xi32>, vector<16xi32>)
        %masked_sort3A_948 = arith.xori %masked_sort3A_946, %masked_sort3A_943 : vector<16xi32>
        %add3A_949 = arith.constant 15 : i32
        %add3A_950 = vector.broadcast %add3A_949 : i32 to vector<16xi32>
        %add3A_951 = arith.addi %iota3A, %add3A_950 : vector<16xi32>
        %and3A_952 = arith.constant 15 : i32
        %and3A_953 = vector.broadcast %and3A_952 : i32 to vector<16xi32>
        %and3A_954 = arith.andi %add3A_951, %and3A_953 : vector<16xi32>
        %lt3A_955 = arith.constant 0 : i32
        %lt3A_956 = vector.broadcast %lt3A_955 : i32 to vector<16xi32>
        %lt3A_957 = arith.cmpi slt, %and3A_954, %lt3A_956 : vector<16xi32>
        %add3A_958 = arith.constant 16 : i32
        %add3A_959 = vector.broadcast %add3A_958 : i32 to vector<16xi32>
        %add3A_960 = arith.addi %and3A_954, %add3A_959 : vector<16xi32>
        %select_n3A_961 = arith.select %lt3A_957, %add3A_960, %and3A_954 : vector<16xi1>, vector<16xi32>
        %broadcast_in_dim3A_962 = vector.shape_cast %select_n3A_961 : vector<16xi32> to vector<16x1xi32>
        %gather3A_963 = vector.shape_cast %broadcast_in_dim3A_962 : vector<16x1xi32> to vector<16xi32>
        %gather3A_964 = tpu.dynamic_gather %masked_sort3A_948[%gather3A_963] in [0] : vector<16xi32>, vector<16xi32> -> vector<16xi32>
        %add3A_965 = arith.constant 1 : i32
        %add3A_966 = vector.broadcast %add3A_965 : i32 to vector<16xi32>
        %add3A_967 = arith.addi %iota3A, %add3A_966 : vector<16xi32>
        %and3A_968 = arith.constant 15 : i32
        %and3A_969 = vector.broadcast %and3A_968 : i32 to vector<16xi32>
        %and3A_970 = arith.andi %add3A_967, %and3A_969 : vector<16xi32>
        %lt3A_971 = arith.constant 0 : i32
        %lt3A_972 = vector.broadcast %lt3A_971 : i32 to vector<16xi32>
        %lt3A_973 = arith.cmpi slt, %and3A_970, %lt3A_972 : vector<16xi32>
        %add3A_974 = arith.constant 16 : i32
        %add3A_975 = vector.broadcast %add3A_974 : i32 to vector<16xi32>
        %add3A_976 = arith.addi %and3A_970, %add3A_975 : vector<16xi32>
        %select_n3A_977 = arith.select %lt3A_973, %add3A_976, %and3A_970 : vector<16xi1>, vector<16xi32>
        %broadcast_in_dim3A_978 = vector.shape_cast %select_n3A_977 : vector<16xi32> to vector<16x1xi32>
        %gather3A_979 = vector.shape_cast %broadcast_in_dim3A_978 : vector<16x1xi32> to vector<16xi32>
        %gather3A_980 = tpu.dynamic_gather %masked_sort3A_948[%gather3A_979] in [0] : vector<16xi32>, vector<16xi32> -> vector<16xi32>
        %eq3A_981 = arith.constant 0 : i32
        %eq3A_982 = vector.broadcast %eq3A_981 : i32 to vector<16xi32>
        %eq3A_983 = arith.cmpi eq, %iota3A, %eq3A_982 : vector<16xi32>
        %ne3A_984 = arith.cmpi ne, %masked_sort3A_948, %gather3A_964 : vector<16xi32>
        %or3A_985 = arith.ori %eq3A_983, %ne3A_984 : vector<16xi1>
        %jit3A_986 = arith.constant 0 : i32
        %broadcast_in_dim3A_987 = vector.broadcast %jit3A_986 : i32 to vector<16xi32>
        %select_n3A_988 = arith.select %or3A_985, %iota3A, %broadcast_in_dim3A_987 : vector<16xi1>, vector<16xi32>
        %broadcast_in_dim3A_989 = arith.constant true
        %broadcast_in_dim3A_990 = vector.broadcast %broadcast_in_dim3A_989 : i1 to vector<16xi1>
        %masked_cummax3A_991 = arith.constant -2147483648 : i32
        %masked_cummax3A_992 = vector.broadcast %masked_cummax3A_991 : i32 to vector<16xi32>
        %masked_cummax3A_993 = arith.xori %select_n3A_988, %masked_cummax3A_992 : vector<16xi32>
        %masked_cummax3A_994 = tpu.scan <max>, %masked_cummax3A_993 masked %broadcast_in_dim3A_990 : vector<16xi32>, vector<16xi1> -> vector<16xi32>
        %masked_cummax3A_995 = arith.xori %masked_cummax3A_994, %masked_cummax3A_992 : vector<16xi32>
        %eq3A_996 = arith.constant 15 : i32
        %eq3A_997 = vector.broadcast %eq3A_996 : i32 to vector<16xi32>
        %eq3A_998 = arith.cmpi eq, %iota3A, %eq3A_997 : vector<16xi32>
        %ne3A_999 = arith.cmpi ne, %masked_sort3A_948, %gather3A_980 : vector<16xi32>
        %or3A_1000 = arith.ori %eq3A_998, %ne3A_999 : vector<16xi1>
        %ne3A_1001 = arith.constant 2047 : i32
        %ne3A_1002 = vector.broadcast %ne3A_1001 : i32 to vector<16xi32>
        %ne3A_1003 = arith.cmpi ne, %masked_sort3A_948, %ne3A_1002 : vector<16xi32>
        %and3A_1004 = arith.andi %or3A_1000, %ne3A_1003 : vector<16xi1>
        %sub3A_1005 = arith.subi %iota3A, %masked_cummax3A_995 : vector<16xi32>
        %add3A_1006 = arith.constant 1 : i32
        %add3A_1007 = vector.broadcast %add3A_1006 : i32 to vector<16xi32>
        %add3A_1008 = arith.addi %sub3A_1005, %add3A_1007 : vector<16xi32>
        %convert_element_type3A_1009 = arith.sitofp %add3A_1008 : vector<16xi32> to vector<16xf32>
        %and3A_1010 = arith.constant 15 : i32
        %and3A_1011 = vector.broadcast %and3A_1010 : i32 to vector<16xi32>
        %and3A_1012 = arith.andi %masked_sort3A_948, %and3A_1011 : vector<16xi32>
        %shift_right_arithmetic3A_1013 = arith.constant 4 : i32
        %shift_right_arithmetic3A_1014 = vector.broadcast %shift_right_arithmetic3A_1013 : i32 to vector<16xi32>
        %shift_right_arithmetic3A_1015 = arith.shrsi %masked_sort3A_948, %shift_right_arithmetic3A_1014 : vector<16xi32>
        tpu.vector_store_idx %arg13[%and3A_1012, %shift_right_arithmetic3A_1015], %convert_element_type3A_1009 masked %and3A_1004 {add = true} : memref<16x128xf32, #tpu.memory_space<vmem>>[vector<16xi32>, vector<16xi32>], vector<16xf32>, vector<16xi1>
        %mul3A_1016 = arith.constant 128 : i32
        %mul3A_1017 = arith.muli %add3A_431, %mul3A_1016 : i32
        %add3A_1018 = arith.constant 112 : i32
        %add3A_1019 = arith.addi %mul3A_1017, %add3A_1018 : i32
        %get3A_1020 = arith.index_cast %add3A_1019 : i32 to index
        %get3A_1021 = tpu.vector_load %arg7[%get3A_1020] {strides = array<i32>} : memref<10368xi32, #tpu.memory_space<vmem>>, vector<16xi32>,
        %masked_sort3A_1022 = arith.constant dense<true> : vector<16xi1>
        %masked_sort3A_1023 = arith.constant -2147483648 : i32
        %masked_sort3A_1024 = vector.broadcast %masked_sort3A_1023 : i32 to vector<16xi32>
        %masked_sort3A_1025 = arith.xori %get3A_1021, %masked_sort3A_1024 : vector<16xi32>
        %masked_sort3A_1026, %masked_sort3A_1027, %masked_sort3A_1028 = tpu.sort %masked_sort3A_1025, %get3A_1021 masked %masked_sort3A_1022 : (vector<16xi32>, vector<16xi32>, vector<16xi1>) -> (vector<16xi1>, vector<16xi32>, vector<16xi32>)
        %masked_sort3A_1029 = arith.xori %masked_sort3A_1027, %masked_sort3A_1024 : vector<16xi32>
        %add3A_1030 = arith.constant 15 : i32
        %add3A_1031 = vector.broadcast %add3A_1030 : i32 to vector<16xi32>
        %add3A_1032 = arith.addi %iota3A, %add3A_1031 : vector<16xi32>
        %and3A_1033 = arith.constant 15 : i32
        %and3A_1034 = vector.broadcast %and3A_1033 : i32 to vector<16xi32>
        %and3A_1035 = arith.andi %add3A_1032, %and3A_1034 : vector<16xi32>
        %lt3A_1036 = arith.constant 0 : i32
        %lt3A_1037 = vector.broadcast %lt3A_1036 : i32 to vector<16xi32>
        %lt3A_1038 = arith.cmpi slt, %and3A_1035, %lt3A_1037 : vector<16xi32>
        %add3A_1039 = arith.constant 16 : i32
        %add3A_1040 = vector.broadcast %add3A_1039 : i32 to vector<16xi32>
        %add3A_1041 = arith.addi %and3A_1035, %add3A_1040 : vector<16xi32>
        %select_n3A_1042 = arith.select %lt3A_1038, %add3A_1041, %and3A_1035 : vector<16xi1>, vector<16xi32>
        %broadcast_in_dim3A_1043 = vector.shape_cast %select_n3A_1042 : vector<16xi32> to vector<16x1xi32>
        %gather3A_1044 = vector.shape_cast %broadcast_in_dim3A_1043 : vector<16x1xi32> to vector<16xi32>
        %gather3A_1045 = tpu.dynamic_gather %masked_sort3A_1029[%gather3A_1044] in [0] : vector<16xi32>, vector<16xi32> -> vector<16xi32>
        %add3A_1046 = arith.constant 1 : i32
        %add3A_1047 = vector.broadcast %add3A_1046 : i32 to vector<16xi32>
        %add3A_1048 = arith.addi %iota3A, %add3A_1047 : vector<16xi32>
        %and3A_1049 = arith.constant 15 : i32
        %and3A_1050 = vector.broadcast %and3A_1049 : i32 to vector<16xi32>
        %and3A_1051 = arith.andi %add3A_1048, %and3A_1050 : vector<16xi32>
        %lt3A_1052 = arith.constant 0 : i32
        %lt3A_1053 = vector.broadcast %lt3A_1052 : i32 to vector<16xi32>
        %lt3A_1054 = arith.cmpi slt, %and3A_1051, %lt3A_1053 : vector<16xi32>
        %add3A_1055 = arith.constant 16 : i32
        %add3A_1056 = vector.broadcast %add3A_1055 : i32 to vector<16xi32>
        %add3A_1057 = arith.addi %and3A_1051, %add3A_1056 : vector<16xi32>
        %select_n3A_1058 = arith.select %lt3A_1054, %add3A_1057, %and3A_1051 : vector<16xi1>, vector<16xi32>
        %broadcast_in_dim3A_1059 = vector.shape_cast %select_n3A_1058 : vector<16xi32> to vector<16x1xi32>
        %gather3A_1060 = vector.shape_cast %broadcast_in_dim3A_1059 : vector<16x1xi32> to vector<16xi32>
        %gather3A_1061 = tpu.dynamic_gather %masked_sort3A_1029[%gather3A_1060] in [0] : vector<16xi32>, vector<16xi32> -> vector<16xi32>
        %eq3A_1062 = arith.constant 0 : i32
        %eq3A_1063 = vector.broadcast %eq3A_1062 : i32 to vector<16xi32>
        %eq3A_1064 = arith.cmpi eq, %iota3A, %eq3A_1063 : vector<16xi32>
        %ne3A_1065 = arith.cmpi ne, %masked_sort3A_1029, %gather3A_1045 : vector<16xi32>
        %or3A_1066 = arith.ori %eq3A_1064, %ne3A_1065 : vector<16xi1>
        %jit3A_1067 = arith.constant 0 : i32
        %broadcast_in_dim3A_1068 = vector.broadcast %jit3A_1067 : i32 to vector<16xi32>
        %select_n3A_1069 = arith.select %or3A_1066, %iota3A, %broadcast_in_dim3A_1068 : vector<16xi1>, vector<16xi32>
        %broadcast_in_dim3A_1070 = arith.constant true
        %broadcast_in_dim3A_1071 = vector.broadcast %broadcast_in_dim3A_1070 : i1 to vector<16xi1>
        %masked_cummax3A_1072 = arith.constant -2147483648 : i32
        %masked_cummax3A_1073 = vector.broadcast %masked_cummax3A_1072 : i32 to vector<16xi32>
        %masked_cummax3A_1074 = arith.xori %select_n3A_1069, %masked_cummax3A_1073 : vector<16xi32>
        %masked_cummax3A_1075 = tpu.scan <max>, %masked_cummax3A_1074 masked %broadcast_in_dim3A_1071 : vector<16xi32>, vector<16xi1> -> vector<16xi32>
        %masked_cummax3A_1076 = arith.xori %masked_cummax3A_1075, %masked_cummax3A_1073 : vector<16xi32>
        %eq3A_1077 = arith.constant 15 : i32
        %eq3A_1078 = vector.broadcast %eq3A_1077 : i32 to vector<16xi32>
        %eq3A_1079 = arith.cmpi eq, %iota3A, %eq3A_1078 : vector<16xi32>
        %ne3A_1080 = arith.cmpi ne, %masked_sort3A_1029, %gather3A_1061 : vector<16xi32>
        %or3A_1081 = arith.ori %eq3A_1079, %ne3A_1080 : vector<16xi1>
        %ne3A_1082 = arith.constant 2047 : i32
        %ne3A_1083 = vector.broadcast %ne3A_1082 : i32 to vector<16xi32>
        %ne3A_1084 = arith.cmpi ne, %masked_sort3A_1029, %ne3A_1083 : vector<16xi32>
        %and3A_1085 = arith.andi %or3A_1081, %ne3A_1084 : vector<16xi1>
        %sub3A_1086 = arith.subi %iota3A, %masked_cummax3A_1076 : vector<16xi32>
        %add3A_1087 = arith.constant 1 : i32
        %add3A_1088 = vector.broadcast %add3A_1087 : i32 to vector<16xi32>
        %add3A_1089 = arith.addi %sub3A_1086, %add3A_1088 : vector<16xi32>
        %convert_element_type3A_1090 = arith.sitofp %add3A_1089 : vector<16xi32> to vector<16xf32>
        %and3A_1091 = arith.constant 15 : i32
        %and3A_1092 = vector.broadcast %and3A_1091 : i32 to vector<16xi32>
        %and3A_1093 = arith.andi %masked_sort3A_1029, %and3A_1092 : vector<16xi32>
        %shift_right_arithmetic3A_1094 = arith.constant 4 : i32
        %shift_right_arithmetic3A_1095 = vector.broadcast %shift_right_arithmetic3A_1094 : i32 to vector<16xi32>
        %shift_right_arithmetic3A_1096 = arith.shrsi %masked_sort3A_1029, %shift_right_arithmetic3A_1095 : vector<16xi32>
        tpu.vector_store_idx %arg13[%and3A_1093, %shift_right_arithmetic3A_1096], %convert_element_type3A_1090 masked %and3A_1085 {add = true} : memref<16x128xf32, #tpu.memory_space<vmem>>[vector<16xi32>, vector<16xi32>], vector<16xf32>, vector<16xi1>
        %mul3A_1097 = arith.constant 128 : i32
        %mul3A_1098 = arith.muli %add3A_431, %mul3A_1097 : i32
        %multiple_of3A = tpu.assume_multiple %mul3A_1098, 8 : i32
        %dma_wait3A = tpu.memref_slice %arg8[%multiple_of3A] : memref<10368xi32, #tpu.memory_space<vmem>> -> memref<128xi32, #tpu.memory_space<vmem>>
        %dma_wait3A_1099 = arith.constant 0 : i32
        %dma_wait3A_1100 = arith.constant 0 : i32
        %dma_wait3A_1101 = tpu.memref_slice %arg2[%dma_wait3A_1099, %dma_wait3A_1100] : memref<10000x128xf32, #tpu.memory_space<hbm>> -> memref<10000x128xf32, #tpu.memory_space<hbm>>
        tpu.wait_indirect_dma semaphore(%arg15 : memref<!tpu.dma_semaphore, #tpu.memory_space<semaphore_mem>>) src(%dma_wait3A_1101 : memref<10000x128xf32, #tpu.memory_space<hbm>>) dst(%arg10 : memref<128x128xf32, #tpu.memory_space<vmem>>)
        %add3A_1102 = arith.constant 3 : i32
        %add3A_1103 = arith.addi %add3A_431, %add3A_1102 : i32
        %sub3A_1104 = arith.constant 1 : i32
        %sub3A_1105 = arith.subi %add3A_1103, %sub3A_1104 : i32
        %lt3A_1106 = arith.cmpi slt, %sub3A_1105, %select_n3A_132 : i32
        %convert_element_type3A_1107 = arith.extui %lt3A_1106 : i1 to i32
        %cond3A_1108 = arith.constant 0 : i32
        %cond3A_1109 = arith.cmpi ne, %convert_element_type3A_1107, %cond3A_1108 : i32
        scf.if %cond3A_1109 {
          %ge3A_1115 = arith.constant 1 : i32
          %ge3A_1116 = arith.cmpi sge, %add3A_431, %ge3A_1115 : i32
          %convert_element_type3A_1117 = arith.extui %ge3A_1116 : i1 to i32
          %cond3A_1118 = arith.constant 0 : i32
          %cond3A_1119 = arith.cmpi ne, %convert_element_type3A_1117, %cond3A_1118 : i32
          scf.if %cond3A_1119 {
            %dma_wait3A_1131 = arith.constant 0 : i32
            %dma_wait3A_1132 = arith.constant 0 : i32
            %dma_wait3A_1133 = tpu.memref_slice %arg9[%dma_wait3A_1131, %dma_wait3A_1132] : memref<80x128xi32, #tpu.memory_space<vmem>> -> memref<1x128xi32, #tpu.memory_space<vmem>>
            %dma_wait3A_1134 = tpu.memref_squeeze %dma_wait3A_1133 : memref<1x128xi32, #tpu.memory_space<vmem>> -> memref<128xi32, #tpu.memory_space<vmem>>
            %dma_wait3A_1135 = arith.constant 0 : i32
            %dma_wait3A_1136 = arith.constant 0 : i32
            %dma_wait3A_1137 = tpu.memref_slice %arg21[%dma_wait3A_1135, %dma_wait3A_1136] : memref<2048x128xf32, #tpu.memory_space<vmem_shared>> -> memref<2048x128xf32, #tpu.memory_space<vmem_shared>>
            tpu.wait_indirect_dma semaphore(%arg20 : memref<!tpu.dma_semaphore, #tpu.memory_space<semaphore_mem>>) src(%arg12 : memref<128x128xf32, #tpu.memory_space<vmem>>) dst(%dma_wait3A_1137 : memref<2048x128xf32, #tpu.memory_space<vmem_shared>>)
          } else {
          }
          %add3A_1120 = arith.constant 3 : i32
          %add3A_1121 = arith.addi %add3A_431, %add3A_1120 : i32
          %sub3A_1122 = arith.constant 1 : i32
          %sub3A_1123 = arith.subi %add3A_1121, %sub3A_1122 : i32
          %mul3A_1124 = arith.constant 128 : i32
          %mul3A_1125 = arith.muli %sub3A_1123, %mul3A_1124 : i32
          %multiple_of3A_1126 = tpu.assume_multiple %mul3A_1125, 8 : i32
          %dma_start3A_1127 = tpu.memref_slice %arg8[%multiple_of3A_1126] : memref<10368xi32, #tpu.memory_space<vmem>> -> memref<128xi32, #tpu.memory_space<vmem>>
          %dma_start3A_1128 = arith.constant 0 : i32
          %dma_start3A_1129 = arith.constant 0 : i32
          %dma_start3A_1130 = tpu.memref_slice %arg2[%dma_start3A_1128, %dma_start3A_1129] : memref<10000x128xf32, #tpu.memory_space<hbm>> -> memref<10000x128xf32, #tpu.memory_space<hbm>>
          tpu.enqueue_indirect_dma source(%dma_start3A_1130 : memref<10000x128xf32, #tpu.memory_space<hbm>>) target(%arg12 : memref<128x128xf32, #tpu.memory_space<vmem>>) offsets(%dma_start3A_1127 : memref<128xi32, #tpu.memory_space<vmem>>) semaphore(%arg17 : memref<!tpu.dma_semaphore, #tpu.memory_space<semaphore_mem>>)
        } else {
        }
        %dma_start3A = arith.constant 0 : i32
        %dma_start3A_1110 = tpu.memref_slice %arg9[%add3A_431, %dma_start3A] : memref<80x128xi32, #tpu.memory_space<vmem>> -> memref<1x128xi32, #tpu.memory_space<vmem>>
        %dma_start3A_1111 = tpu.memref_squeeze %dma_start3A_1110 : memref<1x128xi32, #tpu.memory_space<vmem>> -> memref<128xi32, #tpu.memory_space<vmem>>
        %dma_start3A_1112 = arith.constant 0 : i32
        %dma_start3A_1113 = arith.constant 0 : i32
        %dma_start3A_1114 = tpu.memref_slice %arg21[%dma_start3A_1112, %dma_start3A_1113] : memref<2048x128xf32, #tpu.memory_space<vmem_shared>> -> memref<2048x128xf32, #tpu.memory_space<vmem_shared>>
        tpu.enqueue_indirect_dma source(%arg10 : memref<128x128xf32, #tpu.memory_space<vmem>>) target(%dma_start3A_1114 : memref<2048x128xf32, #tpu.memory_space<vmem_shared>>) offsets(%dma_start3A_1111 : memref<128xi32, #tpu.memory_space<vmem>>) semaphore(%arg18 : memref<!tpu.dma_semaphore, #tpu.memory_space<semaphore_mem>>) {add = true}
      } else {
      }
      %mul3A_436 = arith.constant 3 : i32
      %mul3A_437 = arith.muli %while3A_426, %mul3A_436 : i32
      %add3A_438 = arith.constant 1 : i32
      %add3A_439 = arith.addi %mul3A_437, %add3A_438 : i32
      %lt3A_440 = arith.cmpi slt, %add3A_439, %select_n3A_132 : i32
      %convert_element_type3A_441 = arith.extui %lt3A_440 : i1 to i32
      %cond3A_442 = arith.constant 0 : i32
      %cond3A_443 = arith.cmpi ne, %convert_element_type3A_441, %cond3A_442 : i32
      scf.if %cond3A_443 {
        %mul3A_453 = arith.constant 128 : i32
        %mul3A_454 = arith.muli %add3A_439, %mul3A_453 : i32
        %add3A_455 = arith.constant 0 : i32
        %add3A_456 = arith.addi %mul3A_454, %add3A_455 : i32
        %get3A_457 = arith.index_cast %add3A_456 : i32 to index
        %get3A_458 = tpu.vector_load %arg7[%get3A_457] {strides = array<i32>} : memref<10368xi32, #tpu.memory_space<vmem>>, vector<16xi32>,
        %masked_sort3A = arith.constant dense<true> : vector<16xi1>
        %masked_sort3A_459 = arith.constant -2147483648 : i32
        %masked_sort3A_460 = vector.broadcast %masked_sort3A_459 : i32 to vector<16xi32>
        %masked_sort3A_461 = arith.xori %get3A_458, %masked_sort3A_460 : vector<16xi32>
        %masked_sort3A_462, %masked_sort3A_463, %masked_sort3A_464 = tpu.sort %masked_sort3A_461, %get3A_458 masked %masked_sort3A : (vector<16xi32>, vector<16xi32>, vector<16xi1>) -> (vector<16xi1>, vector<16xi32>, vector<16xi32>)
        %masked_sort3A_465 = arith.xori %masked_sort3A_463, %masked_sort3A_460 : vector<16xi32>
        %add3A_466 = arith.constant 15 : i32
        %add3A_467 = vector.broadcast %add3A_466 : i32 to vector<16xi32>
        %add3A_468 = arith.addi %iota3A, %add3A_467 : vector<16xi32>
        %and3A_469 = arith.constant 15 : i32
        %and3A_470 = vector.broadcast %and3A_469 : i32 to vector<16xi32>
        %and3A_471 = arith.andi %add3A_468, %and3A_470 : vector<16xi32>
        %lt3A_472 = arith.constant 0 : i32
        %lt3A_473 = vector.broadcast %lt3A_472 : i32 to vector<16xi32>
        %lt3A_474 = arith.cmpi slt, %and3A_471, %lt3A_473 : vector<16xi32>
        %add3A_475 = arith.constant 16 : i32
        %add3A_476 = vector.broadcast %add3A_475 : i32 to vector<16xi32>
        %add3A_477 = arith.addi %and3A_471, %add3A_476 : vector<16xi32>
        %select_n3A_478 = arith.select %lt3A_474, %add3A_477, %and3A_471 : vector<16xi1>, vector<16xi32>
        %broadcast_in_dim3A_479 = vector.shape_cast %select_n3A_478 : vector<16xi32> to vector<16x1xi32>
        %gather3A = vector.shape_cast %broadcast_in_dim3A_479 : vector<16x1xi32> to vector<16xi32>
        %gather3A_480 = tpu.dynamic_gather %masked_sort3A_465[%gather3A] in [0] : vector<16xi32>, vector<16xi32> -> vector<16xi32>
        %add3A_481 = arith.constant 1 : i32
        %add3A_482 = vector.broadcast %add3A_481 : i32 to vector<16xi32>
        %add3A_483 = arith.addi %iota3A, %add3A_482 : vector<16xi32>
        %and3A_484 = arith.constant 15 : i32
        %and3A_485 = vector.broadcast %and3A_484 : i32 to vector<16xi32>
        %and3A_486 = arith.andi %add3A_483, %and3A_485 : vector<16xi32>
        %lt3A_487 = arith.constant 0 : i32
        %lt3A_488 = vector.broadcast %lt3A_487 : i32 to vector<16xi32>
        %lt3A_489 = arith.cmpi slt, %and3A_486, %lt3A_488 : vector<16xi32>
        %add3A_490 = arith.constant 16 : i32
        %add3A_491 = vector.broadcast %add3A_490 : i32 to vector<16xi32>
        %add3A_492 = arith.addi %and3A_486, %add3A_491 : vector<16xi32>
        %select_n3A_493 = arith.select %lt3A_489, %add3A_492, %and3A_486 : vector<16xi1>, vector<16xi32>
        %broadcast_in_dim3A_494 = vector.shape_cast %select_n3A_493 : vector<16xi32> to vector<16x1xi32>
        %gather3A_495 = vector.shape_cast %broadcast_in_dim3A_494 : vector<16x1xi32> to vector<16xi32>
        %gather3A_496 = tpu.dynamic_gather %masked_sort3A_465[%gather3A_495] in [0] : vector<16xi32>, vector<16xi32> -> vector<16xi32>
        %eq3A_497 = arith.constant 0 : i32
        %eq3A_498 = vector.broadcast %eq3A_497 : i32 to vector<16xi32>
        %eq3A_499 = arith.cmpi eq, %iota3A, %eq3A_498 : vector<16xi32>
        %ne3A_500 = arith.cmpi ne, %masked_sort3A_465, %gather3A_480 : vector<16xi32>
        %or3A_501 = arith.ori %eq3A_499, %ne3A_500 : vector<16xi1>
        %jit3A_502 = arith.constant 0 : i32
        %broadcast_in_dim3A_503 = vector.broadcast %jit3A_502 : i32 to vector<16xi32>
        %select_n3A_504 = arith.select %or3A_501, %iota3A, %broadcast_in_dim3A_503 : vector<16xi1>, vector<16xi32>
        %broadcast_in_dim3A_505 = arith.constant true
        %broadcast_in_dim3A_506 = vector.broadcast %broadcast_in_dim3A_505 : i1 to vector<16xi1>
        %masked_cummax3A = arith.constant -2147483648 : i32
        %masked_cummax3A_507 = vector.broadcast %masked_cummax3A : i32 to vector<16xi32>
        %masked_cummax3A_508 = arith.xori %select_n3A_504, %masked_cummax3A_507 : vector<16xi32>
        %masked_cummax3A_509 = tpu.scan <max>, %masked_cummax3A_508 masked %broadcast_in_dim3A_506 : vector<16xi32>, vector<16xi1> -> vector<16xi32>
        %masked_cummax3A_510 = arith.xori %masked_cummax3A_509, %masked_cummax3A_507 : vector<16xi32>
        %eq3A_511 = arith.constant 15 : i32
        %eq3A_512 = vector.broadcast %eq3A_511 : i32 to vector<16xi32>
        %eq3A_513 = arith.cmpi eq, %iota3A, %eq3A_512 : vector<16xi32>
        %ne3A_514 = arith.cmpi ne, %masked_sort3A_465, %gather3A_496 : vector<16xi32>
        %or3A_515 = arith.ori %eq3A_513, %ne3A_514 : vector<16xi1>
        %ne3A_516 = arith.constant 2047 : i32
        %ne3A_517 = vector.broadcast %ne3A_516 : i32 to vector<16xi32>
        %ne3A_518 = arith.cmpi ne, %masked_sort3A_465, %ne3A_517 : vector<16xi32>
        %and3A_519 = arith.andi %or3A_515, %ne3A_518 : vector<16xi1>
        %sub3A_520 = arith.subi %iota3A, %masked_cummax3A_510 : vector<16xi32>
        %add3A_521 = arith.constant 1 : i32
        %add3A_522 = vector.broadcast %add3A_521 : i32 to vector<16xi32>
        %add3A_523 = arith.addi %sub3A_520, %add3A_522 : vector<16xi32>
        %convert_element_type3A_524 = arith.sitofp %add3A_523 : vector<16xi32> to vector<16xf32>
        %and3A_525 = arith.constant 15 : i32
        %and3A_526 = vector.broadcast %and3A_525 : i32 to vector<16xi32>
        %and3A_527 = arith.andi %masked_sort3A_465, %and3A_526 : vector<16xi32>
        %shift_right_arithmetic3A = arith.constant 4 : i32
        %shift_right_arithmetic3A_528 = vector.broadcast %shift_right_arithmetic3A : i32 to vector<16xi32>
        %shift_right_arithmetic3A_529 = arith.shrsi %masked_sort3A_465, %shift_right_arithmetic3A_528 : vector<16xi32>
        tpu.vector_store_idx %arg13[%and3A_527, %shift_right_arithmetic3A_529], %convert_element_type3A_524 masked %and3A_519 {add = true} : memref<16x128xf32, #tpu.memory_space<vmem>>[vector<16xi32>, vector<16xi32>], vector<16xf32>, vector<16xi1>
        %mul3A_530 = arith.constant 128 : i32
        %mul3A_531 = arith.muli %add3A_439, %mul3A_530 : i32
        %add3A_532 = arith.constant 16 : i32
        %add3A_533 = arith.addi %mul3A_531, %add3A_532 : i32
        %get3A_534 = arith.index_cast %add3A_533 : i32 to index
        %get3A_535 = tpu.vector_load %arg7[%get3A_534] {strides = array<i32>} : memref<10368xi32, #tpu.memory_space<vmem>>, vector<16xi32>,
        %masked_sort3A_536 = arith.constant dense<true> : vector<16xi1>
        %masked_sort3A_537 = arith.constant -2147483648 : i32
        %masked_sort3A_538 = vector.broadcast %masked_sort3A_537 : i32 to vector<16xi32>
        %masked_sort3A_539 = arith.xori %get3A_535, %masked_sort3A_538 : vector<16xi32>
        %masked_sort3A_540, %masked_sort3A_541, %masked_sort3A_542 = tpu.sort %masked_sort3A_539, %get3A_535 masked %masked_sort3A_536 : (vector<16xi32>, vector<16xi32>, vector<16xi1>) -> (vector<16xi1>, vector<16xi32>, vector<16xi32>)
        %masked_sort3A_543 = arith.xori %masked_sort3A_541, %masked_sort3A_538 : vector<16xi32>
        %add3A_544 = arith.constant 15 : i32
        %add3A_545 = vector.broadcast %add3A_544 : i32 to vector<16xi32>
        %add3A_546 = arith.addi %iota3A, %add3A_545 : vector<16xi32>
        %and3A_547 = arith.constant 15 : i32
        %and3A_548 = vector.broadcast %and3A_547 : i32 to vector<16xi32>
        %and3A_549 = arith.andi %add3A_546, %and3A_548 : vector<16xi32>
        %lt3A_550 = arith.constant 0 : i32
        %lt3A_551 = vector.broadcast %lt3A_550 : i32 to vector<16xi32>
        %lt3A_552 = arith.cmpi slt, %and3A_549, %lt3A_551 : vector<16xi32>
        %add3A_553 = arith.constant 16 : i32
        %add3A_554 = vector.broadcast %add3A_553 : i32 to vector<16xi32>
        %add3A_555 = arith.addi %and3A_549, %add3A_554 : vector<16xi32>
        %select_n3A_556 = arith.select %lt3A_552, %add3A_555, %and3A_549 : vector<16xi1>, vector<16xi32>
        %broadcast_in_dim3A_557 = vector.shape_cast %select_n3A_556 : vector<16xi32> to vector<16x1xi32>
        %gather3A_558 = vector.shape_cast %broadcast_in_dim3A_557 : vector<16x1xi32> to vector<16xi32>
        %gather3A_559 = tpu.dynamic_gather %masked_sort3A_543[%gather3A_558] in [0] : vector<16xi32>, vector<16xi32> -> vector<16xi32>
        %add3A_560 = arith.constant 1 : i32
        %add3A_561 = vector.broadcast %add3A_560 : i32 to vector<16xi32>
        %add3A_562 = arith.addi %iota3A, %add3A_561 : vector<16xi32>
        %and3A_563 = arith.constant 15 : i32
        %and3A_564 = vector.broadcast %and3A_563 : i32 to vector<16xi32>
        %and3A_565 = arith.andi %add3A_562, %and3A_564 : vector<16xi32>
        %lt3A_566 = arith.constant 0 : i32
        %lt3A_567 = vector.broadcast %lt3A_566 : i32 to vector<16xi32>
        %lt3A_568 = arith.cmpi slt, %and3A_565, %lt3A_567 : vector<16xi32>
        %add3A_569 = arith.constant 16 : i32
        %add3A_570 = vector.broadcast %add3A_569 : i32 to vector<16xi32>
        %add3A_571 = arith.addi %and3A_565, %add3A_570 : vector<16xi32>
        %select_n3A_572 = arith.select %lt3A_568, %add3A_571, %and3A_565 : vector<16xi1>, vector<16xi32>
        %broadcast_in_dim3A_573 = vector.shape_cast %select_n3A_572 : vector<16xi32> to vector<16x1xi32>
        %gather3A_574 = vector.shape_cast %broadcast_in_dim3A_573 : vector<16x1xi32> to vector<16xi32>
        %gather3A_575 = tpu.dynamic_gather %masked_sort3A_543[%gather3A_574] in [0] : vector<16xi32>, vector<16xi32> -> vector<16xi32>
        %eq3A_576 = arith.constant 0 : i32
        %eq3A_577 = vector.broadcast %eq3A_576 : i32 to vector<16xi32>
        %eq3A_578 = arith.cmpi eq, %iota3A, %eq3A_577 : vector<16xi32>
        %ne3A_579 = arith.cmpi ne, %masked_sort3A_543, %gather3A_559 : vector<16xi32>
        %or3A_580 = arith.ori %eq3A_578, %ne3A_579 : vector<16xi1>
        %jit3A_581 = arith.constant 0 : i32
        %broadcast_in_dim3A_582 = vector.broadcast %jit3A_581 : i32 to vector<16xi32>
        %select_n3A_583 = arith.select %or3A_580, %iota3A, %broadcast_in_dim3A_582 : vector<16xi1>, vector<16xi32>
        %broadcast_in_dim3A_584 = arith.constant true
        %broadcast_in_dim3A_585 = vector.broadcast %broadcast_in_dim3A_584 : i1 to vector<16xi1>
        %masked_cummax3A_586 = arith.constant -2147483648 : i32
        %masked_cummax3A_587 = vector.broadcast %masked_cummax3A_586 : i32 to vector<16xi32>
        %masked_cummax3A_588 = arith.xori %select_n3A_583, %masked_cummax3A_587 : vector<16xi32>
        %masked_cummax3A_589 = tpu.scan <max>, %masked_cummax3A_588 masked %broadcast_in_dim3A_585 : vector<16xi32>, vector<16xi1> -> vector<16xi32>
        %masked_cummax3A_590 = arith.xori %masked_cummax3A_589, %masked_cummax3A_587 : vector<16xi32>
        %eq3A_591 = arith.constant 15 : i32
        %eq3A_592 = vector.broadcast %eq3A_591 : i32 to vector<16xi32>
        %eq3A_593 = arith.cmpi eq, %iota3A, %eq3A_592 : vector<16xi32>
        %ne3A_594 = arith.cmpi ne, %masked_sort3A_543, %gather3A_575 : vector<16xi32>
        %or3A_595 = arith.ori %eq3A_593, %ne3A_594 : vector<16xi1>
        %ne3A_596 = arith.constant 2047 : i32
        %ne3A_597 = vector.broadcast %ne3A_596 : i32 to vector<16xi32>
        %ne3A_598 = arith.cmpi ne, %masked_sort3A_543, %ne3A_597 : vector<16xi32>
        %and3A_599 = arith.andi %or3A_595, %ne3A_598 : vector<16xi1>
        %sub3A_600 = arith.subi %iota3A, %masked_cummax3A_590 : vector<16xi32>
        %add3A_601 = arith.constant 1 : i32
        %add3A_602 = vector.broadcast %add3A_601 : i32 to vector<16xi32>
        %add3A_603 = arith.addi %sub3A_600, %add3A_602 : vector<16xi32>
        %convert_element_type3A_604 = arith.sitofp %add3A_603 : vector<16xi32> to vector<16xf32>
        %and3A_605 = arith.constant 15 : i32
        %and3A_606 = vector.broadcast %and3A_605 : i32 to vector<16xi32>
        %and3A_607 = arith.andi %masked_sort3A_543, %and3A_606 : vector<16xi32>
        %shift_right_arithmetic3A_608 = arith.constant 4 : i32
        %shift_right_arithmetic3A_609 = vector.broadcast %shift_right_arithmetic3A_608 : i32 to vector<16xi32>
        %shift_right_arithmetic3A_610 = arith.shrsi %masked_sort3A_543, %shift_right_arithmetic3A_609 : vector<16xi32>
        tpu.vector_store_idx %arg13[%and3A_607, %shift_right_arithmetic3A_610], %convert_element_type3A_604 masked %and3A_599 {add = true} : memref<16x128xf32, #tpu.memory_space<vmem>>[vector<16xi32>, vector<16xi32>], vector<16xf32>, vector<16xi1>
        %mul3A_611 = arith.constant 128 : i32
        %mul3A_612 = arith.muli %add3A_439, %mul3A_611 : i32
        %add3A_613 = arith.constant 32 : i32
        %add3A_614 = arith.addi %mul3A_612, %add3A_613 : i32
        %get3A_615 = arith.index_cast %add3A_614 : i32 to index
        %get3A_616 = tpu.vector_load %arg7[%get3A_615] {strides = array<i32>} : memref<10368xi32, #tpu.memory_space<vmem>>, vector<16xi32>,
        %masked_sort3A_617 = arith.constant dense<true> : vector<16xi1>
        %masked_sort3A_618 = arith.constant -2147483648 : i32
        %masked_sort3A_619 = vector.broadcast %masked_sort3A_618 : i32 to vector<16xi32>
        %masked_sort3A_620 = arith.xori %get3A_616, %masked_sort3A_619 : vector<16xi32>
        %masked_sort3A_621, %masked_sort3A_622, %masked_sort3A_623 = tpu.sort %masked_sort3A_620, %get3A_616 masked %masked_sort3A_617 : (vector<16xi32>, vector<16xi32>, vector<16xi1>) -> (vector<16xi1>, vector<16xi32>, vector<16xi32>)
        %masked_sort3A_624 = arith.xori %masked_sort3A_622, %masked_sort3A_619 : vector<16xi32>
        %add3A_625 = arith.constant 15 : i32
        %add3A_626 = vector.broadcast %add3A_625 : i32 to vector<16xi32>
        %add3A_627 = arith.addi %iota3A, %add3A_626 : vector<16xi32>
        %and3A_628 = arith.constant 15 : i32
        %and3A_629 = vector.broadcast %and3A_628 : i32 to vector<16xi32>
        %and3A_630 = arith.andi %add3A_627, %and3A_629 : vector<16xi32>
        %lt3A_631 = arith.constant 0 : i32
        %lt3A_632 = vector.broadcast %lt3A_631 : i32 to vector<16xi32>
        %lt3A_633 = arith.cmpi slt, %and3A_630, %lt3A_632 : vector<16xi32>
        %add3A_634 = arith.constant 16 : i32
        %add3A_635 = vector.broadcast %add3A_634 : i32 to vector<16xi32>
        %add3A_636 = arith.addi %and3A_630, %add3A_635 : vector<16xi32>
        %select_n3A_637 = arith.select %lt3A_633, %add3A_636, %and3A_630 : vector<16xi1>, vector<16xi32>
        %broadcast_in_dim3A_638 = vector.shape_cast %select_n3A_637 : vector<16xi32> to vector<16x1xi32>
        %gather3A_639 = vector.shape_cast %broadcast_in_dim3A_638 : vector<16x1xi32> to vector<16xi32>
        %gather3A_640 = tpu.dynamic_gather %masked_sort3A_624[%gather3A_639] in [0] : vector<16xi32>, vector<16xi32> -> vector<16xi32>
        %add3A_641 = arith.constant 1 : i32
        %add3A_642 = vector.broadcast %add3A_641 : i32 to vector<16xi32>
        %add3A_643 = arith.addi %iota3A, %add3A_642 : vector<16xi32>
        %and3A_644 = arith.constant 15 : i32
        %and3A_645 = vector.broadcast %and3A_644 : i32 to vector<16xi32>
        %and3A_646 = arith.andi %add3A_643, %and3A_645 : vector<16xi32>
        %lt3A_647 = arith.constant 0 : i32
        %lt3A_648 = vector.broadcast %lt3A_647 : i32 to vector<16xi32>
        %lt3A_649 = arith.cmpi slt, %and3A_646, %lt3A_648 : vector<16xi32>
        %add3A_650 = arith.constant 16 : i32
        %add3A_651 = vector.broadcast %add3A_650 : i32 to vector<16xi32>
        %add3A_652 = arith.addi %and3A_646, %add3A_651 : vector<16xi32>
        %select_n3A_653 = arith.select %lt3A_649, %add3A_652, %and3A_646 : vector<16xi1>, vector<16xi32>
        %broadcast_in_dim3A_654 = vector.shape_cast %select_n3A_653 : vector<16xi32> to vector<16x1xi32>
        %gather3A_655 = vector.shape_cast %broadcast_in_dim3A_654 : vector<16x1xi32> to vector<16xi32>
        %gather3A_656 = tpu.dynamic_gather %masked_sort3A_624[%gather3A_655] in [0] : vector<16xi32>, vector<16xi32> -> vector<16xi32>
        %eq3A_657 = arith.constant 0 : i32
        %eq3A_658 = vector.broadcast %eq3A_657 : i32 to vector<16xi32>
        %eq3A_659 = arith.cmpi eq, %iota3A, %eq3A_658 : vector<16xi32>
        %ne3A_660 = arith.cmpi ne, %masked_sort3A_624, %gather3A_640 : vector<16xi32>
        %or3A_661 = arith.ori %eq3A_659, %ne3A_660 : vector<16xi1>
        %jit3A_662 = arith.constant 0 : i32
        %broadcast_in_dim3A_663 = vector.broadcast %jit3A_662 : i32 to vector<16xi32>
        %select_n3A_664 = arith.select %or3A_661, %iota3A, %broadcast_in_dim3A_663 : vector<16xi1>, vector<16xi32>
        %broadcast_in_dim3A_665 = arith.constant true
        %broadcast_in_dim3A_666 = vector.broadcast %broadcast_in_dim3A_665 : i1 to vector<16xi1>
        %masked_cummax3A_667 = arith.constant -2147483648 : i32
        %masked_cummax3A_668 = vector.broadcast %masked_cummax3A_667 : i32 to vector<16xi32>
        %masked_cummax3A_669 = arith.xori %select_n3A_664, %masked_cummax3A_668 : vector<16xi32>
        %masked_cummax3A_670 = tpu.scan <max>, %masked_cummax3A_669 masked %broadcast_in_dim3A_666 : vector<16xi32>, vector<16xi1> -> vector<16xi32>
        %masked_cummax3A_671 = arith.xori %masked_cummax3A_670, %masked_cummax3A_668 : vector<16xi32>
        %eq3A_672 = arith.constant 15 : i32
        %eq3A_673 = vector.broadcast %eq3A_672 : i32 to vector<16xi32>
        %eq3A_674 = arith.cmpi eq, %iota3A, %eq3A_673 : vector<16xi32>
        %ne3A_675 = arith.cmpi ne, %masked_sort3A_624, %gather3A_656 : vector<16xi32>
        %or3A_676 = arith.ori %eq3A_674, %ne3A_675 : vector<16xi1>
        %ne3A_677 = arith.constant 2047 : i32
        %ne3A_678 = vector.broadcast %ne3A_677 : i32 to vector<16xi32>
        %ne3A_679 = arith.cmpi ne, %masked_sort3A_624, %ne3A_678 : vector<16xi32>
        %and3A_680 = arith.andi %or3A_676, %ne3A_679 : vector<16xi1>
        %sub3A_681 = arith.subi %iota3A, %masked_cummax3A_671 : vector<16xi32>
        %add3A_682 = arith.constant 1 : i32
        %add3A_683 = vector.broadcast %add3A_682 : i32 to vector<16xi32>
        %add3A_684 = arith.addi %sub3A_681, %add3A_683 : vector<16xi32>
        %convert_element_type3A_685 = arith.sitofp %add3A_684 : vector<16xi32> to vector<16xf32>
        %and3A_686 = arith.constant 15 : i32
        %and3A_687 = vector.broadcast %and3A_686 : i32 to vector<16xi32>
        %and3A_688 = arith.andi %masked_sort3A_624, %and3A_687 : vector<16xi32>
        %shift_right_arithmetic3A_689 = arith.constant 4 : i32
        %shift_right_arithmetic3A_690 = vector.broadcast %shift_right_arithmetic3A_689 : i32 to vector<16xi32>
        %shift_right_arithmetic3A_691 = arith.shrsi %masked_sort3A_624, %shift_right_arithmetic3A_690 : vector<16xi32>
        tpu.vector_store_idx %arg13[%and3A_688, %shift_right_arithmetic3A_691], %convert_element_type3A_685 masked %and3A_680 {add = true} : memref<16x128xf32, #tpu.memory_space<vmem>>[vector<16xi32>, vector<16xi32>], vector<16xf32>, vector<16xi1>
        %mul3A_692 = arith.constant 128 : i32
        %mul3A_693 = arith.muli %add3A_439, %mul3A_692 : i32
        %add3A_694 = arith.constant 48 : i32
        %add3A_695 = arith.addi %mul3A_693, %add3A_694 : i32
        %get3A_696 = arith.index_cast %add3A_695 : i32 to index
        %get3A_697 = tpu.vector_load %arg7[%get3A_696] {strides = array<i32>} : memref<10368xi32, #tpu.memory_space<vmem>>, vector<16xi32>,
        %masked_sort3A_698 = arith.constant dense<true> : vector<16xi1>
        %masked_sort3A_699 = arith.constant -2147483648 : i32
        %masked_sort3A_700 = vector.broadcast %masked_sort3A_699 : i32 to vector<16xi32>
        %masked_sort3A_701 = arith.xori %get3A_697, %masked_sort3A_700 : vector<16xi32>
        %masked_sort3A_702, %masked_sort3A_703, %masked_sort3A_704 = tpu.sort %masked_sort3A_701, %get3A_697 masked %masked_sort3A_698 : (vector<16xi32>, vector<16xi32>, vector<16xi1>) -> (vector<16xi1>, vector<16xi32>, vector<16xi32>)
        %masked_sort3A_705 = arith.xori %masked_sort3A_703, %masked_sort3A_700 : vector<16xi32>
        %add3A_706 = arith.constant 15 : i32
        %add3A_707 = vector.broadcast %add3A_706 : i32 to vector<16xi32>
        %add3A_708 = arith.addi %iota3A, %add3A_707 : vector<16xi32>
        %and3A_709 = arith.constant 15 : i32
        %and3A_710 = vector.broadcast %and3A_709 : i32 to vector<16xi32>
        %and3A_711 = arith.andi %add3A_708, %and3A_710 : vector<16xi32>
        %lt3A_712 = arith.constant 0 : i32
        %lt3A_713 = vector.broadcast %lt3A_712 : i32 to vector<16xi32>
        %lt3A_714 = arith.cmpi slt, %and3A_711, %lt3A_713 : vector<16xi32>
        %add3A_715 = arith.constant 16 : i32
        %add3A_716 = vector.broadcast %add3A_715 : i32 to vector<16xi32>
        %add3A_717 = arith.addi %and3A_711, %add3A_716 : vector<16xi32>
        %select_n3A_718 = arith.select %lt3A_714, %add3A_717, %and3A_711 : vector<16xi1>, vector<16xi32>
        %broadcast_in_dim3A_719 = vector.shape_cast %select_n3A_718 : vector<16xi32> to vector<16x1xi32>
        %gather3A_720 = vector.shape_cast %broadcast_in_dim3A_719 : vector<16x1xi32> to vector<16xi32>
        %gather3A_721 = tpu.dynamic_gather %masked_sort3A_705[%gather3A_720] in [0] : vector<16xi32>, vector<16xi32> -> vector<16xi32>
        %add3A_722 = arith.constant 1 : i32
        %add3A_723 = vector.broadcast %add3A_722 : i32 to vector<16xi32>
        %add3A_724 = arith.addi %iota3A, %add3A_723 : vector<16xi32>
        %and3A_725 = arith.constant 15 : i32
        %and3A_726 = vector.broadcast %and3A_725 : i32 to vector<16xi32>
        %and3A_727 = arith.andi %add3A_724, %and3A_726 : vector<16xi32>
        %lt3A_728 = arith.constant 0 : i32
        %lt3A_729 = vector.broadcast %lt3A_728 : i32 to vector<16xi32>
        %lt3A_730 = arith.cmpi slt, %and3A_727, %lt3A_729 : vector<16xi32>
        %add3A_731 = arith.constant 16 : i32
        %add3A_732 = vector.broadcast %add3A_731 : i32 to vector<16xi32>
        %add3A_733 = arith.addi %and3A_727, %add3A_732 : vector<16xi32>
        %select_n3A_734 = arith.select %lt3A_730, %add3A_733, %and3A_727 : vector<16xi1>, vector<16xi32>
        %broadcast_in_dim3A_735 = vector.shape_cast %select_n3A_734 : vector<16xi32> to vector<16x1xi32>
        %gather3A_736 = vector.shape_cast %broadcast_in_dim3A_735 : vector<16x1xi32> to vector<16xi32>
        %gather3A_737 = tpu.dynamic_gather %masked_sort3A_705[%gather3A_736] in [0] : vector<16xi32>, vector<16xi32> -> vector<16xi32>
        %eq3A_738 = arith.constant 0 : i32
        %eq3A_739 = vector.broadcast %eq3A_738 : i32 to vector<16xi32>
        %eq3A_740 = arith.cmpi eq, %iota3A, %eq3A_739 : vector<16xi32>
        %ne3A_741 = arith.cmpi ne, %masked_sort3A_705, %gather3A_721 : vector<16xi32>
        %or3A_742 = arith.ori %eq3A_740, %ne3A_741 : vector<16xi1>
        %jit3A_743 = arith.constant 0 : i32
        %broadcast_in_dim3A_744 = vector.broadcast %jit3A_743 : i32 to vector<16xi32>
        %select_n3A_745 = arith.select %or3A_742, %iota3A, %broadcast_in_dim3A_744 : vector<16xi1>, vector<16xi32>
        %broadcast_in_dim3A_746 = arith.constant true
        %broadcast_in_dim3A_747 = vector.broadcast %broadcast_in_dim3A_746 : i1 to vector<16xi1>
        %masked_cummax3A_748 = arith.constant -2147483648 : i32
        %masked_cummax3A_749 = vector.broadcast %masked_cummax3A_748 : i32 to vector<16xi32>
        %masked_cummax3A_750 = arith.xori %select_n3A_745, %masked_cummax3A_749 : vector<16xi32>
        %masked_cummax3A_751 = tpu.scan <max>, %masked_cummax3A_750 masked %broadcast_in_dim3A_747 : vector<16xi32>, vector<16xi1> -> vector<16xi32>
        %masked_cummax3A_752 = arith.xori %masked_cummax3A_751, %masked_cummax3A_749 : vector<16xi32>
        %eq3A_753 = arith.constant 15 : i32
        %eq3A_754 = vector.broadcast %eq3A_753 : i32 to vector<16xi32>
        %eq3A_755 = arith.cmpi eq, %iota3A, %eq3A_754 : vector<16xi32>
        %ne3A_756 = arith.cmpi ne, %masked_sort3A_705, %gather3A_737 : vector<16xi32>
        %or3A_757 = arith.ori %eq3A_755, %ne3A_756 : vector<16xi1>
        %ne3A_758 = arith.constant 2047 : i32
        %ne3A_759 = vector.broadcast %ne3A_758 : i32 to vector<16xi32>
        %ne3A_760 = arith.cmpi ne, %masked_sort3A_705, %ne3A_759 : vector<16xi32>
        %and3A_761 = arith.andi %or3A_757, %ne3A_760 : vector<16xi1>
        %sub3A_762 = arith.subi %iota3A, %masked_cummax3A_752 : vector<16xi32>
        %add3A_763 = arith.constant 1 : i32
        %add3A_764 = vector.broadcast %add3A_763 : i32 to vector<16xi32>
        %add3A_765 = arith.addi %sub3A_762, %add3A_764 : vector<16xi32>
        %convert_element_type3A_766 = arith.sitofp %add3A_765 : vector<16xi32> to vector<16xf32>
        %and3A_767 = arith.constant 15 : i32
        %and3A_768 = vector.broadcast %and3A_767 : i32 to vector<16xi32>
        %and3A_769 = arith.andi %masked_sort3A_705, %and3A_768 : vector<16xi32>
        %shift_right_arithmetic3A_770 = arith.constant 4 : i32
        %shift_right_arithmetic3A_771 = vector.broadcast %shift_right_arithmetic3A_770 : i32 to vector<16xi32>
        %shift_right_arithmetic3A_772 = arith.shrsi %masked_sort3A_705, %shift_right_arithmetic3A_771 : vector<16xi32>
        tpu.vector_store_idx %arg13[%and3A_769, %shift_right_arithmetic3A_772], %convert_element_type3A_766 masked %and3A_761 {add = true} : memref<16x128xf32, #tpu.memory_space<vmem>>[vector<16xi32>, vector<16xi32>], vector<16xf32>, vector<16xi1>
        %mul3A_773 = arith.constant 128 : i32
        %mul3A_774 = arith.muli %add3A_439, %mul3A_773 : i32
        %add3A_775 = arith.constant 64 : i32
        %add3A_776 = arith.addi %mul3A_774, %add3A_775 : i32
        %get3A_777 = arith.index_cast %add3A_776 : i32 to index
        %get3A_778 = tpu.vector_load %arg7[%get3A_777] {strides = array<i32>} : memref<10368xi32, #tpu.memory_space<vmem>>, vector<16xi32>,
        %masked_sort3A_779 = arith.constant dense<true> : vector<16xi1>
        %masked_sort3A_780 = arith.constant -2147483648 : i32
        %masked_sort3A_781 = vector.broadcast %masked_sort3A_780 : i32 to vector<16xi32>
        %masked_sort3A_782 = arith.xori %get3A_778, %masked_sort3A_781 : vector<16xi32>
        %masked_sort3A_783, %masked_sort3A_784, %masked_sort3A_785 = tpu.sort %masked_sort3A_782, %get3A_778 masked %masked_sort3A_779 : (vector<16xi32>, vector<16xi32>, vector<16xi1>) -> (vector<16xi1>, vector<16xi32>, vector<16xi32>)
        %masked_sort3A_786 = arith.xori %masked_sort3A_784, %masked_sort3A_781 : vector<16xi32>
        %add3A_787 = arith.constant 15 : i32
        %add3A_788 = vector.broadcast %add3A_787 : i32 to vector<16xi32>
        %add3A_789 = arith.addi %iota3A, %add3A_788 : vector<16xi32>
        %and3A_790 = arith.constant 15 : i32
        %and3A_791 = vector.broadcast %and3A_790 : i32 to vector<16xi32>
        %and3A_792 = arith.andi %add3A_789, %and3A_791 : vector<16xi32>
        %lt3A_793 = arith.constant 0 : i32
        %lt3A_794 = vector.broadcast %lt3A_793 : i32 to vector<16xi32>
        %lt3A_795 = arith.cmpi slt, %and3A_792, %lt3A_794 : vector<16xi32>
        %add3A_796 = arith.constant 16 : i32
        %add3A_797 = vector.broadcast %add3A_796 : i32 to vector<16xi32>
        %add3A_798 = arith.addi %and3A_792, %add3A_797 : vector<16xi32>
        %select_n3A_799 = arith.select %lt3A_795, %add3A_798, %and3A_792 : vector<16xi1>, vector<16xi32>
        %broadcast_in_dim3A_800 = vector.shape_cast %select_n3A_799 : vector<16xi32> to vector<16x1xi32>
        %gather3A_801 = vector.shape_cast %broadcast_in_dim3A_800 : vector<16x1xi32> to vector<16xi32>
        %gather3A_802 = tpu.dynamic_gather %masked_sort3A_786[%gather3A_801] in [0] : vector<16xi32>, vector<16xi32> -> vector<16xi32>
        %add3A_803 = arith.constant 1 : i32
        %add3A_804 = vector.broadcast %add3A_803 : i32 to vector<16xi32>
        %add3A_805 = arith.addi %iota3A, %add3A_804 : vector<16xi32>
        %and3A_806 = arith.constant 15 : i32
        %and3A_807 = vector.broadcast %and3A_806 : i32 to vector<16xi32>
        %and3A_808 = arith.andi %add3A_805, %and3A_807 : vector<16xi32>
        %lt3A_809 = arith.constant 0 : i32
        %lt3A_810 = vector.broadcast %lt3A_809 : i32 to vector<16xi32>
        %lt3A_811 = arith.cmpi slt, %and3A_808, %lt3A_810 : vector<16xi32>
        %add3A_812 = arith.constant 16 : i32
        %add3A_813 = vector.broadcast %add3A_812 : i32 to vector<16xi32>
        %add3A_814 = arith.addi %and3A_808, %add3A_813 : vector<16xi32>
        %select_n3A_815 = arith.select %lt3A_811, %add3A_814, %and3A_808 : vector<16xi1>, vector<16xi32>
        %broadcast_in_dim3A_816 = vector.shape_cast %select_n3A_815 : vector<16xi32> to vector<16x1xi32>
        %gather3A_817 = vector.shape_cast %broadcast_in_dim3A_816 : vector<16x1xi32> to vector<16xi32>
        %gather3A_818 = tpu.dynamic_gather %masked_sort3A_786[%gather3A_817] in [0] : vector<16xi32>, vector<16xi32> -> vector<16xi32>
        %eq3A_819 = arith.constant 0 : i32
        %eq3A_820 = vector.broadcast %eq3A_819 : i32 to vector<16xi32>
        %eq3A_821 = arith.cmpi eq, %iota3A, %eq3A_820 : vector<16xi32>
        %ne3A_822 = arith.cmpi ne, %masked_sort3A_786, %gather3A_802 : vector<16xi32>
        %or3A_823 = arith.ori %eq3A_821, %ne3A_822 : vector<16xi1>
        %jit3A_824 = arith.constant 0 : i32
        %broadcast_in_dim3A_825 = vector.broadcast %jit3A_824 : i32 to vector<16xi32>
        %select_n3A_826 = arith.select %or3A_823, %iota3A, %broadcast_in_dim3A_825 : vector<16xi1>, vector<16xi32>
        %broadcast_in_dim3A_827 = arith.constant true
        %broadcast_in_dim3A_828 = vector.broadcast %broadcast_in_dim3A_827 : i1 to vector<16xi1>
        %masked_cummax3A_829 = arith.constant -2147483648 : i32
        %masked_cummax3A_830 = vector.broadcast %masked_cummax3A_829 : i32 to vector<16xi32>
        %masked_cummax3A_831 = arith.xori %select_n3A_826, %masked_cummax3A_830 : vector<16xi32>
        %masked_cummax3A_832 = tpu.scan <max>, %masked_cummax3A_831 masked %broadcast_in_dim3A_828 : vector<16xi32>, vector<16xi1> -> vector<16xi32>
        %masked_cummax3A_833 = arith.xori %masked_cummax3A_832, %masked_cummax3A_830 : vector<16xi32>
        %eq3A_834 = arith.constant 15 : i32
        %eq3A_835 = vector.broadcast %eq3A_834 : i32 to vector<16xi32>
        %eq3A_836 = arith.cmpi eq, %iota3A, %eq3A_835 : vector<16xi32>
        %ne3A_837 = arith.cmpi ne, %masked_sort3A_786, %gather3A_818 : vector<16xi32>
        %or3A_838 = arith.ori %eq3A_836, %ne3A_837 : vector<16xi1>
        %ne3A_839 = arith.constant 2047 : i32
        %ne3A_840 = vector.broadcast %ne3A_839 : i32 to vector<16xi32>
        %ne3A_841 = arith.cmpi ne, %masked_sort3A_786, %ne3A_840 : vector<16xi32>
        %and3A_842 = arith.andi %or3A_838, %ne3A_841 : vector<16xi1>
        %sub3A_843 = arith.subi %iota3A, %masked_cummax3A_833 : vector<16xi32>
        %add3A_844 = arith.constant 1 : i32
        %add3A_845 = vector.broadcast %add3A_844 : i32 to vector<16xi32>
        %add3A_846 = arith.addi %sub3A_843, %add3A_845 : vector<16xi32>
        %convert_element_type3A_847 = arith.sitofp %add3A_846 : vector<16xi32> to vector<16xf32>
        %and3A_848 = arith.constant 15 : i32
        %and3A_849 = vector.broadcast %and3A_848 : i32 to vector<16xi32>
        %and3A_850 = arith.andi %masked_sort3A_786, %and3A_849 : vector<16xi32>
        %shift_right_arithmetic3A_851 = arith.constant 4 : i32
        %shift_right_arithmetic3A_852 = vector.broadcast %shift_right_arithmetic3A_851 : i32 to vector<16xi32>
        %shift_right_arithmetic3A_853 = arith.shrsi %masked_sort3A_786, %shift_right_arithmetic3A_852 : vector<16xi32>
        tpu.vector_store_idx %arg13[%and3A_850, %shift_right_arithmetic3A_853], %convert_element_type3A_847 masked %and3A_842 {add = true} : memref<16x128xf32, #tpu.memory_space<vmem>>[vector<16xi32>, vector<16xi32>], vector<16xf32>, vector<16xi1>
        %mul3A_854 = arith.constant 128 : i32
        %mul3A_855 = arith.muli %add3A_439, %mul3A_854 : i32
        %add3A_856 = arith.constant 80 : i32
        %add3A_857 = arith.addi %mul3A_855, %add3A_856 : i32
        %get3A_858 = arith.index_cast %add3A_857 : i32 to index
        %get3A_859 = tpu.vector_load %arg7[%get3A_858] {strides = array<i32>} : memref<10368xi32, #tpu.memory_space<vmem>>, vector<16xi32>,
        %masked_sort3A_860 = arith.constant dense<true> : vector<16xi1>
        %masked_sort3A_861 = arith.constant -2147483648 : i32
        %masked_sort3A_862 = vector.broadcast %masked_sort3A_861 : i32 to vector<16xi32>
        %masked_sort3A_863 = arith.xori %get3A_859, %masked_sort3A_862 : vector<16xi32>
        %masked_sort3A_864, %masked_sort3A_865, %masked_sort3A_866 = tpu.sort %masked_sort3A_863, %get3A_859 masked %masked_sort3A_860 : (vector<16xi32>, vector<16xi32>, vector<16xi1>) -> (vector<16xi1>, vector<16xi32>, vector<16xi32>)
        %masked_sort3A_867 = arith.xori %masked_sort3A_865, %masked_sort3A_862 : vector<16xi32>
        %add3A_868 = arith.constant 15 : i32
        %add3A_869 = vector.broadcast %add3A_868 : i32 to vector<16xi32>
        %add3A_870 = arith.addi %iota3A, %add3A_869 : vector<16xi32>
        %and3A_871 = arith.constant 15 : i32
        %and3A_872 = vector.broadcast %and3A_871 : i32 to vector<16xi32>
        %and3A_873 = arith.andi %add3A_870, %and3A_872 : vector<16xi32>
        %lt3A_874 = arith.constant 0 : i32
        %lt3A_875 = vector.broadcast %lt3A_874 : i32 to vector<16xi32>
        %lt3A_876 = arith.cmpi slt, %and3A_873, %lt3A_875 : vector<16xi32>
        %add3A_877 = arith.constant 16 : i32
        %add3A_878 = vector.broadcast %add3A_877 : i32 to vector<16xi32>
        %add3A_879 = arith.addi %and3A_873, %add3A_878 : vector<16xi32>
        %select_n3A_880 = arith.select %lt3A_876, %add3A_879, %and3A_873 : vector<16xi1>, vector<16xi32>
        %broadcast_in_dim3A_881 = vector.shape_cast %select_n3A_880 : vector<16xi32> to vector<16x1xi32>
        %gather3A_882 = vector.shape_cast %broadcast_in_dim3A_881 : vector<16x1xi32> to vector<16xi32>
        %gather3A_883 = tpu.dynamic_gather %masked_sort3A_867[%gather3A_882] in [0] : vector<16xi32>, vector<16xi32> -> vector<16xi32>
        %add3A_884 = arith.constant 1 : i32
        %add3A_885 = vector.broadcast %add3A_884 : i32 to vector<16xi32>
        %add3A_886 = arith.addi %iota3A, %add3A_885 : vector<16xi32>
        %and3A_887 = arith.constant 15 : i32
        %and3A_888 = vector.broadcast %and3A_887 : i32 to vector<16xi32>
        %and3A_889 = arith.andi %add3A_886, %and3A_888 : vector<16xi32>
        %lt3A_890 = arith.constant 0 : i32
        %lt3A_891 = vector.broadcast %lt3A_890 : i32 to vector<16xi32>
        %lt3A_892 = arith.cmpi slt, %and3A_889, %lt3A_891 : vector<16xi32>
        %add3A_893 = arith.constant 16 : i32
        %add3A_894 = vector.broadcast %add3A_893 : i32 to vector<16xi32>
        %add3A_895 = arith.addi %and3A_889, %add3A_894 : vector<16xi32>
        %select_n3A_896 = arith.select %lt3A_892, %add3A_895, %and3A_889 : vector<16xi1>, vector<16xi32>
        %broadcast_in_dim3A_897 = vector.shape_cast %select_n3A_896 : vector<16xi32> to vector<16x1xi32>
        %gather3A_898 = vector.shape_cast %broadcast_in_dim3A_897 : vector<16x1xi32> to vector<16xi32>
        %gather3A_899 = tpu.dynamic_gather %masked_sort3A_867[%gather3A_898] in [0] : vector<16xi32>, vector<16xi32> -> vector<16xi32>
        %eq3A_900 = arith.constant 0 : i32
        %eq3A_901 = vector.broadcast %eq3A_900 : i32 to vector<16xi32>
        %eq3A_902 = arith.cmpi eq, %iota3A, %eq3A_901 : vector<16xi32>
        %ne3A_903 = arith.cmpi ne, %masked_sort3A_867, %gather3A_883 : vector<16xi32>
        %or3A_904 = arith.ori %eq3A_902, %ne3A_903 : vector<16xi1>
        %jit3A_905 = arith.constant 0 : i32
        %broadcast_in_dim3A_906 = vector.broadcast %jit3A_905 : i32 to vector<16xi32>
        %select_n3A_907 = arith.select %or3A_904, %iota3A, %broadcast_in_dim3A_906 : vector<16xi1>, vector<16xi32>
        %broadcast_in_dim3A_908 = arith.constant true
        %broadcast_in_dim3A_909 = vector.broadcast %broadcast_in_dim3A_908 : i1 to vector<16xi1>
        %masked_cummax3A_910 = arith.constant -2147483648 : i32
        %masked_cummax3A_911 = vector.broadcast %masked_cummax3A_910 : i32 to vector<16xi32>
        %masked_cummax3A_912 = arith.xori %select_n3A_907, %masked_cummax3A_911 : vector<16xi32>
        %masked_cummax3A_913 = tpu.scan <max>, %masked_cummax3A_912 masked %broadcast_in_dim3A_909 : vector<16xi32>, vector<16xi1> -> vector<16xi32>
        %masked_cummax3A_914 = arith.xori %masked_cummax3A_913, %masked_cummax3A_911 : vector<16xi32>
        %eq3A_915 = arith.constant 15 : i32
        %eq3A_916 = vector.broadcast %eq3A_915 : i32 to vector<16xi32>
        %eq3A_917 = arith.cmpi eq, %iota3A, %eq3A_916 : vector<16xi32>
        %ne3A_918 = arith.cmpi ne, %masked_sort3A_867, %gather3A_899 : vector<16xi32>
        %or3A_919 = arith.ori %eq3A_917, %ne3A_918 : vector<16xi1>
        %ne3A_920 = arith.constant 2047 : i32
        %ne3A_921 = vector.broadcast %ne3A_920 : i32 to vector<16xi32>
        %ne3A_922 = arith.cmpi ne, %masked_sort3A_867, %ne3A_921 : vector<16xi32>
        %and3A_923 = arith.andi %or3A_919, %ne3A_922 : vector<16xi1>
        %sub3A_924 = arith.subi %iota3A, %masked_cummax3A_914 : vector<16xi32>
        %add3A_925 = arith.constant 1 : i32
        %add3A_926 = vector.broadcast %add3A_925 : i32 to vector<16xi32>
        %add3A_927 = arith.addi %sub3A_924, %add3A_926 : vector<16xi32>
        %convert_element_type3A_928 = arith.sitofp %add3A_927 : vector<16xi32> to vector<16xf32>
        %and3A_929 = arith.constant 15 : i32
        %and3A_930 = vector.broadcast %and3A_929 : i32 to vector<16xi32>
        %and3A_931 = arith.andi %masked_sort3A_867, %and3A_930 : vector<16xi32>
        %shift_right_arithmetic3A_932 = arith.constant 4 : i32
        %shift_right_arithmetic3A_933 = vector.broadcast %shift_right_arithmetic3A_932 : i32 to vector<16xi32>
        %shift_right_arithmetic3A_934 = arith.shrsi %masked_sort3A_867, %shift_right_arithmetic3A_933 : vector<16xi32>
        tpu.vector_store_idx %arg13[%and3A_931, %shift_right_arithmetic3A_934], %convert_element_type3A_928 masked %and3A_923 {add = true} : memref<16x128xf32, #tpu.memory_space<vmem>>[vector<16xi32>, vector<16xi32>], vector<16xf32>, vector<16xi1>
        %mul3A_935 = arith.constant 128 : i32
        %mul3A_936 = arith.muli %add3A_439, %mul3A_935 : i32
        %add3A_937 = arith.constant 96 : i32
        %add3A_938 = arith.addi %mul3A_936, %add3A_937 : i32
        %get3A_939 = arith.index_cast %add3A_938 : i32 to index
        %get3A_940 = tpu.vector_load %arg7[%get3A_939] {strides = array<i32>} : memref<10368xi32, #tpu.memory_space<vmem>>, vector<16xi32>,
        %masked_sort3A_941 = arith.constant dense<true> : vector<16xi1>
        %masked_sort3A_942 = arith.constant -2147483648 : i32
        %masked_sort3A_943 = vector.broadcast %masked_sort3A_942 : i32 to vector<16xi32>
        %masked_sort3A_944 = arith.xori %get3A_940, %masked_sort3A_943 : vector<16xi32>
        %masked_sort3A_945, %masked_sort3A_946, %masked_sort3A_947 = tpu.sort %masked_sort3A_944, %get3A_940 masked %masked_sort3A_941 : (vector<16xi32>, vector<16xi32>, vector<16xi1>) -> (vector<16xi1>, vector<16xi32>, vector<16xi32>)
        %masked_sort3A_948 = arith.xori %masked_sort3A_946, %masked_sort3A_943 : vector<16xi32>
        %add3A_949 = arith.constant 15 : i32
        %add3A_950 = vector.broadcast %add3A_949 : i32 to vector<16xi32>
        %add3A_951 = arith.addi %iota3A, %add3A_950 : vector<16xi32>
        %and3A_952 = arith.constant 15 : i32
        %and3A_953 = vector.broadcast %and3A_952 : i32 to vector<16xi32>
        %and3A_954 = arith.andi %add3A_951, %and3A_953 : vector<16xi32>
        %lt3A_955 = arith.constant 0 : i32
        %lt3A_956 = vector.broadcast %lt3A_955 : i32 to vector<16xi32>
        %lt3A_957 = arith.cmpi slt, %and3A_954, %lt3A_956 : vector<16xi32>
        %add3A_958 = arith.constant 16 : i32
        %add3A_959 = vector.broadcast %add3A_958 : i32 to vector<16xi32>
        %add3A_960 = arith.addi %and3A_954, %add3A_959 : vector<16xi32>
        %select_n3A_961 = arith.select %lt3A_957, %add3A_960, %and3A_954 : vector<16xi1>, vector<16xi32>
        %broadcast_in_dim3A_962 = vector.shape_cast %select_n3A_961 : vector<16xi32> to vector<16x1xi32>
        %gather3A_963 = vector.shape_cast %broadcast_in_dim3A_962 : vector<16x1xi32> to vector<16xi32>
        %gather3A_964 = tpu.dynamic_gather %masked_sort3A_948[%gather3A_963] in [0] : vector<16xi32>, vector<16xi32> -> vector<16xi32>
        %add3A_965 = arith.constant 1 : i32
        %add3A_966 = vector.broadcast %add3A_965 : i32 to vector<16xi32>
        %add3A_967 = arith.addi %iota3A, %add3A_966 : vector<16xi32>
        %and3A_968 = arith.constant 15 : i32
        %and3A_969 = vector.broadcast %and3A_968 : i32 to vector<16xi32>
        %and3A_970 = arith.andi %add3A_967, %and3A_969 : vector<16xi32>
        %lt3A_971 = arith.constant 0 : i32
        %lt3A_972 = vector.broadcast %lt3A_971 : i32 to vector<16xi32>
        %lt3A_973 = arith.cmpi slt, %and3A_970, %lt3A_972 : vector<16xi32>
        %add3A_974 = arith.constant 16 : i32
        %add3A_975 = vector.broadcast %add3A_974 : i32 to vector<16xi32>
        %add3A_976 = arith.addi %and3A_970, %add3A_975 : vector<16xi32>
        %select_n3A_977 = arith.select %lt3A_973, %add3A_976, %and3A_970 : vector<16xi1>, vector<16xi32>
        %broadcast_in_dim3A_978 = vector.shape_cast %select_n3A_977 : vector<16xi32> to vector<16x1xi32>
        %gather3A_979 = vector.shape_cast %broadcast_in_dim3A_978 : vector<16x1xi32> to vector<16xi32>
        %gather3A_980 = tpu.dynamic_gather %masked_sort3A_948[%gather3A_979] in [0] : vector<16xi32>, vector<16xi32> -> vector<16xi32>
        %eq3A_981 = arith.constant 0 : i32
        %eq3A_982 = vector.broadcast %eq3A_981 : i32 to vector<16xi32>
        %eq3A_983 = arith.cmpi eq, %iota3A, %eq3A_982 : vector<16xi32>
        %ne3A_984 = arith.cmpi ne, %masked_sort3A_948, %gather3A_964 : vector<16xi32>
        %or3A_985 = arith.ori %eq3A_983, %ne3A_984 : vector<16xi1>
        %jit3A_986 = arith.constant 0 : i32
        %broadcast_in_dim3A_987 = vector.broadcast %jit3A_986 : i32 to vector<16xi32>
        %select_n3A_988 = arith.select %or3A_985, %iota3A, %broadcast_in_dim3A_987 : vector<16xi1>, vector<16xi32>
        %broadcast_in_dim3A_989 = arith.constant true
        %broadcast_in_dim3A_990 = vector.broadcast %broadcast_in_dim3A_989 : i1 to vector<16xi1>
        %masked_cummax3A_991 = arith.constant -2147483648 : i32
        %masked_cummax3A_992 = vector.broadcast %masked_cummax3A_991 : i32 to vector<16xi32>
        %masked_cummax3A_993 = arith.xori %select_n3A_988, %masked_cummax3A_992 : vector<16xi32>
        %masked_cummax3A_994 = tpu.scan <max>, %masked_cummax3A_993 masked %broadcast_in_dim3A_990 : vector<16xi32>, vector<16xi1> -> vector<16xi32>
        %masked_cummax3A_995 = arith.xori %masked_cummax3A_994, %masked_cummax3A_992 : vector<16xi32>
        %eq3A_996 = arith.constant 15 : i32
        %eq3A_997 = vector.broadcast %eq3A_996 : i32 to vector<16xi32>
        %eq3A_998 = arith.cmpi eq, %iota3A, %eq3A_997 : vector<16xi32>
        %ne3A_999 = arith.cmpi ne, %masked_sort3A_948, %gather3A_980 : vector<16xi32>
        %or3A_1000 = arith.ori %eq3A_998, %ne3A_999 : vector<16xi1>
        %ne3A_1001 = arith.constant 2047 : i32
        %ne3A_1002 = vector.broadcast %ne3A_1001 : i32 to vector<16xi32>
        %ne3A_1003 = arith.cmpi ne, %masked_sort3A_948, %ne3A_1002 : vector<16xi32>
        %and3A_1004 = arith.andi %or3A_1000, %ne3A_1003 : vector<16xi1>
        %sub3A_1005 = arith.subi %iota3A, %masked_cummax3A_995 : vector<16xi32>
        %add3A_1006 = arith.constant 1 : i32
        %add3A_1007 = vector.broadcast %add3A_1006 : i32 to vector<16xi32>
        %add3A_1008 = arith.addi %sub3A_1005, %add3A_1007 : vector<16xi32>
        %convert_element_type3A_1009 = arith.sitofp %add3A_1008 : vector<16xi32> to vector<16xf32>
        %and3A_1010 = arith.constant 15 : i32
        %and3A_1011 = vector.broadcast %and3A_1010 : i32 to vector<16xi32>
        %and3A_1012 = arith.andi %masked_sort3A_948, %and3A_1011 : vector<16xi32>
        %shift_right_arithmetic3A_1013 = arith.constant 4 : i32
        %shift_right_arithmetic3A_1014 = vector.broadcast %shift_right_arithmetic3A_1013 : i32 to vector<16xi32>
        %shift_right_arithmetic3A_1015 = arith.shrsi %masked_sort3A_948, %shift_right_arithmetic3A_1014 : vector<16xi32>
        tpu.vector_store_idx %arg13[%and3A_1012, %shift_right_arithmetic3A_1015], %convert_element_type3A_1009 masked %and3A_1004 {add = true} : memref<16x128xf32, #tpu.memory_space<vmem>>[vector<16xi32>, vector<16xi32>], vector<16xf32>, vector<16xi1>
        %mul3A_1016 = arith.constant 128 : i32
        %mul3A_1017 = arith.muli %add3A_439, %mul3A_1016 : i32
        %add3A_1018 = arith.constant 112 : i32
        %add3A_1019 = arith.addi %mul3A_1017, %add3A_1018 : i32
        %get3A_1020 = arith.index_cast %add3A_1019 : i32 to index
        %get3A_1021 = tpu.vector_load %arg7[%get3A_1020] {strides = array<i32>} : memref<10368xi32, #tpu.memory_space<vmem>>, vector<16xi32>,
        %masked_sort3A_1022 = arith.constant dense<true> : vector<16xi1>
        %masked_sort3A_1023 = arith.constant -2147483648 : i32
        %masked_sort3A_1024 = vector.broadcast %masked_sort3A_1023 : i32 to vector<16xi32>
        %masked_sort3A_1025 = arith.xori %get3A_1021, %masked_sort3A_1024 : vector<16xi32>
        %masked_sort3A_1026, %masked_sort3A_1027, %masked_sort3A_1028 = tpu.sort %masked_sort3A_1025, %get3A_1021 masked %masked_sort3A_1022 : (vector<16xi32>, vector<16xi32>, vector<16xi1>) -> (vector<16xi1>, vector<16xi32>, vector<16xi32>)
        %masked_sort3A_1029 = arith.xori %masked_sort3A_1027, %masked_sort3A_1024 : vector<16xi32>
        %add3A_1030 = arith.constant 15 : i32
        %add3A_1031 = vector.broadcast %add3A_1030 : i32 to vector<16xi32>
        %add3A_1032 = arith.addi %iota3A, %add3A_1031 : vector<16xi32>
        %and3A_1033 = arith.constant 15 : i32
        %and3A_1034 = vector.broadcast %and3A_1033 : i32 to vector<16xi32>
        %and3A_1035 = arith.andi %add3A_1032, %and3A_1034 : vector<16xi32>
        %lt3A_1036 = arith.constant 0 : i32
        %lt3A_1037 = vector.broadcast %lt3A_1036 : i32 to vector<16xi32>
        %lt3A_1038 = arith.cmpi slt, %and3A_1035, %lt3A_1037 : vector<16xi32>
        %add3A_1039 = arith.constant 16 : i32
        %add3A_1040 = vector.broadcast %add3A_1039 : i32 to vector<16xi32>
        %add3A_1041 = arith.addi %and3A_1035, %add3A_1040 : vector<16xi32>
        %select_n3A_1042 = arith.select %lt3A_1038, %add3A_1041, %and3A_1035 : vector<16xi1>, vector<16xi32>
        %broadcast_in_dim3A_1043 = vector.shape_cast %select_n3A_1042 : vector<16xi32> to vector<16x1xi32>
        %gather3A_1044 = vector.shape_cast %broadcast_in_dim3A_1043 : vector<16x1xi32> to vector<16xi32>
        %gather3A_1045 = tpu.dynamic_gather %masked_sort3A_1029[%gather3A_1044] in [0] : vector<16xi32>, vector<16xi32> -> vector<16xi32>
        %add3A_1046 = arith.constant 1 : i32
        %add3A_1047 = vector.broadcast %add3A_1046 : i32 to vector<16xi32>
        %add3A_1048 = arith.addi %iota3A, %add3A_1047 : vector<16xi32>
        %and3A_1049 = arith.constant 15 : i32
        %and3A_1050 = vector.broadcast %and3A_1049 : i32 to vector<16xi32>
        %and3A_1051 = arith.andi %add3A_1048, %and3A_1050 : vector<16xi32>
        %lt3A_1052 = arith.constant 0 : i32
        %lt3A_1053 = vector.broadcast %lt3A_1052 : i32 to vector<16xi32>
        %lt3A_1054 = arith.cmpi slt, %and3A_1051, %lt3A_1053 : vector<16xi32>
        %add3A_1055 = arith.constant 16 : i32
        %add3A_1056 = vector.broadcast %add3A_1055 : i32 to vector<16xi32>
        %add3A_1057 = arith.addi %and3A_1051, %add3A_1056 : vector<16xi32>
        %select_n3A_1058 = arith.select %lt3A_1054, %add3A_1057, %and3A_1051 : vector<16xi1>, vector<16xi32>
        %broadcast_in_dim3A_1059 = vector.shape_cast %select_n3A_1058 : vector<16xi32> to vector<16x1xi32>
        %gather3A_1060 = vector.shape_cast %broadcast_in_dim3A_1059 : vector<16x1xi32> to vector<16xi32>
        %gather3A_1061 = tpu.dynamic_gather %masked_sort3A_1029[%gather3A_1060] in [0] : vector<16xi32>, vector<16xi32> -> vector<16xi32>
        %eq3A_1062 = arith.constant 0 : i32
        %eq3A_1063 = vector.broadcast %eq3A_1062 : i32 to vector<16xi32>
        %eq3A_1064 = arith.cmpi eq, %iota3A, %eq3A_1063 : vector<16xi32>
        %ne3A_1065 = arith.cmpi ne, %masked_sort3A_1029, %gather3A_1045 : vector<16xi32>
        %or3A_1066 = arith.ori %eq3A_1064, %ne3A_1065 : vector<16xi1>
        %jit3A_1067 = arith.constant 0 : i32
        %broadcast_in_dim3A_1068 = vector.broadcast %jit3A_1067 : i32 to vector<16xi32>
        %select_n3A_1069 = arith.select %or3A_1066, %iota3A, %broadcast_in_dim3A_1068 : vector<16xi1>, vector<16xi32>
        %broadcast_in_dim3A_1070 = arith.constant true
        %broadcast_in_dim3A_1071 = vector.broadcast %broadcast_in_dim3A_1070 : i1 to vector<16xi1>
        %masked_cummax3A_1072 = arith.constant -2147483648 : i32
        %masked_cummax3A_1073 = vector.broadcast %masked_cummax3A_1072 : i32 to vector<16xi32>
        %masked_cummax3A_1074 = arith.xori %select_n3A_1069, %masked_cummax3A_1073 : vector<16xi32>
        %masked_cummax3A_1075 = tpu.scan <max>, %masked_cummax3A_1074 masked %broadcast_in_dim3A_1071 : vector<16xi32>, vector<16xi1> -> vector<16xi32>
        %masked_cummax3A_1076 = arith.xori %masked_cummax3A_1075, %masked_cummax3A_1073 : vector<16xi32>
        %eq3A_1077 = arith.constant 15 : i32
        %eq3A_1078 = vector.broadcast %eq3A_1077 : i32 to vector<16xi32>
        %eq3A_1079 = arith.cmpi eq, %iota3A, %eq3A_1078 : vector<16xi32>
        %ne3A_1080 = arith.cmpi ne, %masked_sort3A_1029, %gather3A_1061 : vector<16xi32>
        %or3A_1081 = arith.ori %eq3A_1079, %ne3A_1080 : vector<16xi1>
        %ne3A_1082 = arith.constant 2047 : i32
        %ne3A_1083 = vector.broadcast %ne3A_1082 : i32 to vector<16xi32>
        %ne3A_1084 = arith.cmpi ne, %masked_sort3A_1029, %ne3A_1083 : vector<16xi32>
        %and3A_1085 = arith.andi %or3A_1081, %ne3A_1084 : vector<16xi1>
        %sub3A_1086 = arith.subi %iota3A, %masked_cummax3A_1076 : vector<16xi32>
        %add3A_1087 = arith.constant 1 : i32
        %add3A_1088 = vector.broadcast %add3A_1087 : i32 to vector<16xi32>
        %add3A_1089 = arith.addi %sub3A_1086, %add3A_1088 : vector<16xi32>
        %convert_element_type3A_1090 = arith.sitofp %add3A_1089 : vector<16xi32> to vector<16xf32>
        %and3A_1091 = arith.constant 15 : i32
        %and3A_1092 = vector.broadcast %and3A_1091 : i32 to vector<16xi32>
        %and3A_1093 = arith.andi %masked_sort3A_1029, %and3A_1092 : vector<16xi32>
        %shift_right_arithmetic3A_1094 = arith.constant 4 : i32
        %shift_right_arithmetic3A_1095 = vector.broadcast %shift_right_arithmetic3A_1094 : i32 to vector<16xi32>
        %shift_right_arithmetic3A_1096 = arith.shrsi %masked_sort3A_1029, %shift_right_arithmetic3A_1095 : vector<16xi32>
        tpu.vector_store_idx %arg13[%and3A_1093, %shift_right_arithmetic3A_1096], %convert_element_type3A_1090 masked %and3A_1085 {add = true} : memref<16x128xf32, #tpu.memory_space<vmem>>[vector<16xi32>, vector<16xi32>], vector<16xf32>, vector<16xi1>
        %mul3A_1097 = arith.constant 128 : i32
        %mul3A_1098 = arith.muli %add3A_439, %mul3A_1097 : i32
        %multiple_of3A = tpu.assume_multiple %mul3A_1098, 8 : i32
        %dma_wait3A = tpu.memref_slice %arg8[%multiple_of3A] : memref<10368xi32, #tpu.memory_space<vmem>> -> memref<128xi32, #tpu.memory_space<vmem>>
        %dma_wait3A_1099 = arith.constant 0 : i32
        %dma_wait3A_1100 = arith.constant 0 : i32
        %dma_wait3A_1101 = tpu.memref_slice %arg2[%dma_wait3A_1099, %dma_wait3A_1100] : memref<10000x128xf32, #tpu.memory_space<hbm>> -> memref<10000x128xf32, #tpu.memory_space<hbm>>
        tpu.wait_indirect_dma semaphore(%arg16 : memref<!tpu.dma_semaphore, #tpu.memory_space<semaphore_mem>>) src(%dma_wait3A_1101 : memref<10000x128xf32, #tpu.memory_space<hbm>>) dst(%arg11 : memref<128x128xf32, #tpu.memory_space<vmem>>)
        %add3A_1102 = arith.constant 3 : i32
        %add3A_1103 = arith.addi %add3A_439, %add3A_1102 : i32
        %sub3A_1104 = arith.constant 1 : i32
        %sub3A_1105 = arith.subi %add3A_1103, %sub3A_1104 : i32
        %lt3A_1106 = arith.cmpi slt, %sub3A_1105, %select_n3A_132 : i32
        %convert_element_type3A_1107 = arith.extui %lt3A_1106 : i1 to i32
        %cond3A_1108 = arith.constant 0 : i32
        %cond3A_1109 = arith.cmpi ne, %convert_element_type3A_1107, %cond3A_1108 : i32
        scf.if %cond3A_1109 {
          %ge3A_1115 = arith.constant 1 : i32
          %ge3A_1116 = arith.cmpi sge, %add3A_439, %ge3A_1115 : i32
          %convert_element_type3A_1117 = arith.extui %ge3A_1116 : i1 to i32
          %cond3A_1118 = arith.constant 0 : i32
          %cond3A_1119 = arith.cmpi ne, %convert_element_type3A_1117, %cond3A_1118 : i32
          scf.if %cond3A_1119 {
            %dma_wait3A_1131 = arith.constant 0 : i32
            %dma_wait3A_1132 = arith.constant 0 : i32
            %dma_wait3A_1133 = tpu.memref_slice %arg9[%dma_wait3A_1131, %dma_wait3A_1132] : memref<80x128xi32, #tpu.memory_space<vmem>> -> memref<1x128xi32, #tpu.memory_space<vmem>>
            %dma_wait3A_1134 = tpu.memref_squeeze %dma_wait3A_1133 : memref<1x128xi32, #tpu.memory_space<vmem>> -> memref<128xi32, #tpu.memory_space<vmem>>
            %dma_wait3A_1135 = arith.constant 0 : i32
            %dma_wait3A_1136 = arith.constant 0 : i32
            %dma_wait3A_1137 = tpu.memref_slice %arg21[%dma_wait3A_1135, %dma_wait3A_1136] : memref<2048x128xf32, #tpu.memory_space<vmem_shared>> -> memref<2048x128xf32, #tpu.memory_space<vmem_shared>>
            tpu.wait_indirect_dma semaphore(%arg18 : memref<!tpu.dma_semaphore, #tpu.memory_space<semaphore_mem>>) src(%arg10 : memref<128x128xf32, #tpu.memory_space<vmem>>) dst(%dma_wait3A_1137 : memref<2048x128xf32, #tpu.memory_space<vmem_shared>>)
          } else {
          }
          %add3A_1120 = arith.constant 3 : i32
          %add3A_1121 = arith.addi %add3A_439, %add3A_1120 : i32
          %sub3A_1122 = arith.constant 1 : i32
          %sub3A_1123 = arith.subi %add3A_1121, %sub3A_1122 : i32
          %mul3A_1124 = arith.constant 128 : i32
          %mul3A_1125 = arith.muli %sub3A_1123, %mul3A_1124 : i32
          %multiple_of3A_1126 = tpu.assume_multiple %mul3A_1125, 8 : i32
          %dma_start3A_1127 = tpu.memref_slice %arg8[%multiple_of3A_1126] : memref<10368xi32, #tpu.memory_space<vmem>> -> memref<128xi32, #tpu.memory_space<vmem>>
          %dma_start3A_1128 = arith.constant 0 : i32
          %dma_start3A_1129 = arith.constant 0 : i32
          %dma_start3A_1130 = tpu.memref_slice %arg2[%dma_start3A_1128, %dma_start3A_1129] : memref<10000x128xf32, #tpu.memory_space<hbm>> -> memref<10000x128xf32, #tpu.memory_space<hbm>>
          tpu.enqueue_indirect_dma source(%dma_start3A_1130 : memref<10000x128xf32, #tpu.memory_space<hbm>>) target(%arg10 : memref<128x128xf32, #tpu.memory_space<vmem>>) offsets(%dma_start3A_1127 : memref<128xi32, #tpu.memory_space<vmem>>) semaphore(%arg15 : memref<!tpu.dma_semaphore, #tpu.memory_space<semaphore_mem>>)
        } else {
        }
        %dma_start3A = arith.constant 0 : i32
        %dma_start3A_1110 = tpu.memref_slice %arg9[%add3A_439, %dma_start3A] : memref<80x128xi32, #tpu.memory_space<vmem>> -> memref<1x128xi32, #tpu.memory_space<vmem>>
        %dma_start3A_1111 = tpu.memref_squeeze %dma_start3A_1110 : memref<1x128xi32, #tpu.memory_space<vmem>> -> memref<128xi32, #tpu.memory_space<vmem>>
        %dma_start3A_1112 = arith.constant 0 : i32
        %dma_start3A_1113 = arith.constant 0 : i32
        %dma_start3A_1114 = tpu.memref_slice %arg21[%dma_start3A_1112, %dma_start3A_1113] : memref<2048x128xf32, #tpu.memory_space<vmem_shared>> -> memref<2048x128xf32, #tpu.memory_space<vmem_shared>>
        tpu.enqueue_indirect_dma source(%arg11 : memref<128x128xf32, #tpu.memory_space<vmem>>) target(%dma_start3A_1114 : memref<2048x128xf32, #tpu.memory_space<vmem_shared>>) offsets(%dma_start3A_1111 : memref<128xi32, #tpu.memory_space<vmem>>) semaphore(%arg19 : memref<!tpu.dma_semaphore, #tpu.memory_space<semaphore_mem>>) {add = true}
      } else {
      }
      %mul3A_444 = arith.constant 3 : i32
      %mul3A_445 = arith.muli %while3A_426, %mul3A_444 : i32
      %add3A_446 = arith.constant 2 : i32
      %add3A_447 = arith.addi %mul3A_445, %add3A_446 : i32
      %lt3A_448 = arith.cmpi slt, %add3A_447, %select_n3A_132 : i32
      %convert_element_type3A_449 = arith.extui %lt3A_448 : i1 to i32
      %cond3A_450 = arith.constant 0 : i32
      %cond3A_451 = arith.cmpi ne, %convert_element_type3A_449, %cond3A_450 : i32
      scf.if %cond3A_451 {
        %mul3A_453 = arith.constant 128 : i32
        %mul3A_454 = arith.muli %add3A_447, %mul3A_453 : i32
        %add3A_455 = arith.constant 0 : i32
        %add3A_456 = arith.addi %mul3A_454, %add3A_455 : i32
        %get3A_457 = arith.index_cast %add3A_456 : i32 to index
        %get3A_458 = tpu.vector_load %arg7[%get3A_457] {strides = array<i32>} : memref<10368xi32, #tpu.memory_space<vmem>>, vector<16xi32>,
        %masked_sort3A = arith.constant dense<true> : vector<16xi1>
        %masked_sort3A_459 = arith.constant -2147483648 : i32
        %masked_sort3A_460 = vector.broadcast %masked_sort3A_459 : i32 to vector<16xi32>
        %masked_sort3A_461 = arith.xori %get3A_458, %masked_sort3A_460 : vector<16xi32>
        %masked_sort3A_462, %masked_sort3A_463, %masked_sort3A_464 = tpu.sort %masked_sort3A_461, %get3A_458 masked %masked_sort3A : (vector<16xi32>, vector<16xi32>, vector<16xi1>) -> (vector<16xi1>, vector<16xi32>, vector<16xi32>)
        %masked_sort3A_465 = arith.xori %masked_sort3A_463, %masked_sort3A_460 : vector<16xi32>
        %add3A_466 = arith.constant 15 : i32
        %add3A_467 = vector.broadcast %add3A_466 : i32 to vector<16xi32>
        %add3A_468 = arith.addi %iota3A, %add3A_467 : vector<16xi32>
        %and3A_469 = arith.constant 15 : i32
        %and3A_470 = vector.broadcast %and3A_469 : i32 to vector<16xi32>
        %and3A_471 = arith.andi %add3A_468, %and3A_470 : vector<16xi32>
        %lt3A_472 = arith.constant 0 : i32
        %lt3A_473 = vector.broadcast %lt3A_472 : i32 to vector<16xi32>
        %lt3A_474 = arith.cmpi slt, %and3A_471, %lt3A_473 : vector<16xi32>
        %add3A_475 = arith.constant 16 : i32
        %add3A_476 = vector.broadcast %add3A_475 : i32 to vector<16xi32>
        %add3A_477 = arith.addi %and3A_471, %add3A_476 : vector<16xi32>
        %select_n3A_478 = arith.select %lt3A_474, %add3A_477, %and3A_471 : vector<16xi1>, vector<16xi32>
        %broadcast_in_dim3A_479 = vector.shape_cast %select_n3A_478 : vector<16xi32> to vector<16x1xi32>
        %gather3A = vector.shape_cast %broadcast_in_dim3A_479 : vector<16x1xi32> to vector<16xi32>
        %gather3A_480 = tpu.dynamic_gather %masked_sort3A_465[%gather3A] in [0] : vector<16xi32>, vector<16xi32> -> vector<16xi32>
        %add3A_481 = arith.constant 1 : i32
        %add3A_482 = vector.broadcast %add3A_481 : i32 to vector<16xi32>
        %add3A_483 = arith.addi %iota3A, %add3A_482 : vector<16xi32>
        %and3A_484 = arith.constant 15 : i32
        %and3A_485 = vector.broadcast %and3A_484 : i32 to vector<16xi32>
        %and3A_486 = arith.andi %add3A_483, %and3A_485 : vector<16xi32>
        %lt3A_487 = arith.constant 0 : i32
        %lt3A_488 = vector.broadcast %lt3A_487 : i32 to vector<16xi32>
        %lt3A_489 = arith.cmpi slt, %and3A_486, %lt3A_488 : vector<16xi32>
        %add3A_490 = arith.constant 16 : i32
        %add3A_491 = vector.broadcast %add3A_490 : i32 to vector<16xi32>
        %add3A_492 = arith.addi %and3A_486, %add3A_491 : vector<16xi32>
        %select_n3A_493 = arith.select %lt3A_489, %add3A_492, %and3A_486 : vector<16xi1>, vector<16xi32>
        %broadcast_in_dim3A_494 = vector.shape_cast %select_n3A_493 : vector<16xi32> to vector<16x1xi32>
        %gather3A_495 = vector.shape_cast %broadcast_in_dim3A_494 : vector<16x1xi32> to vector<16xi32>
        %gather3A_496 = tpu.dynamic_gather %masked_sort3A_465[%gather3A_495] in [0] : vector<16xi32>, vector<16xi32> -> vector<16xi32>
        %eq3A_497 = arith.constant 0 : i32
        %eq3A_498 = vector.broadcast %eq3A_497 : i32 to vector<16xi32>
        %eq3A_499 = arith.cmpi eq, %iota3A, %eq3A_498 : vector<16xi32>
        %ne3A_500 = arith.cmpi ne, %masked_sort3A_465, %gather3A_480 : vector<16xi32>
        %or3A_501 = arith.ori %eq3A_499, %ne3A_500 : vector<16xi1>
        %jit3A_502 = arith.constant 0 : i32
        %broadcast_in_dim3A_503 = vector.broadcast %jit3A_502 : i32 to vector<16xi32>
        %select_n3A_504 = arith.select %or3A_501, %iota3A, %broadcast_in_dim3A_503 : vector<16xi1>, vector<16xi32>
        %broadcast_in_dim3A_505 = arith.constant true
        %broadcast_in_dim3A_506 = vector.broadcast %broadcast_in_dim3A_505 : i1 to vector<16xi1>
        %masked_cummax3A = arith.constant -2147483648 : i32
        %masked_cummax3A_507 = vector.broadcast %masked_cummax3A : i32 to vector<16xi32>
        %masked_cummax3A_508 = arith.xori %select_n3A_504, %masked_cummax3A_507 : vector<16xi32>
        %masked_cummax3A_509 = tpu.scan <max>, %masked_cummax3A_508 masked %broadcast_in_dim3A_506 : vector<16xi32>, vector<16xi1> -> vector<16xi32>
        %masked_cummax3A_510 = arith.xori %masked_cummax3A_509, %masked_cummax3A_507 : vector<16xi32>
        %eq3A_511 = arith.constant 15 : i32
        %eq3A_512 = vector.broadcast %eq3A_511 : i32 to vector<16xi32>
        %eq3A_513 = arith.cmpi eq, %iota3A, %eq3A_512 : vector<16xi32>
        %ne3A_514 = arith.cmpi ne, %masked_sort3A_465, %gather3A_496 : vector<16xi32>
        %or3A_515 = arith.ori %eq3A_513, %ne3A_514 : vector<16xi1>
        %ne3A_516 = arith.constant 2047 : i32
        %ne3A_517 = vector.broadcast %ne3A_516 : i32 to vector<16xi32>
        %ne3A_518 = arith.cmpi ne, %masked_sort3A_465, %ne3A_517 : vector<16xi32>
        %and3A_519 = arith.andi %or3A_515, %ne3A_518 : vector<16xi1>
        %sub3A_520 = arith.subi %iota3A, %masked_cummax3A_510 : vector<16xi32>
        %add3A_521 = arith.constant 1 : i32
        %add3A_522 = vector.broadcast %add3A_521 : i32 to vector<16xi32>
        %add3A_523 = arith.addi %sub3A_520, %add3A_522 : vector<16xi32>
        %convert_element_type3A_524 = arith.sitofp %add3A_523 : vector<16xi32> to vector<16xf32>
        %and3A_525 = arith.constant 15 : i32
        %and3A_526 = vector.broadcast %and3A_525 : i32 to vector<16xi32>
        %and3A_527 = arith.andi %masked_sort3A_465, %and3A_526 : vector<16xi32>
        %shift_right_arithmetic3A = arith.constant 4 : i32
        %shift_right_arithmetic3A_528 = vector.broadcast %shift_right_arithmetic3A : i32 to vector<16xi32>
        %shift_right_arithmetic3A_529 = arith.shrsi %masked_sort3A_465, %shift_right_arithmetic3A_528 : vector<16xi32>
        tpu.vector_store_idx %arg13[%and3A_527, %shift_right_arithmetic3A_529], %convert_element_type3A_524 masked %and3A_519 {add = true} : memref<16x128xf32, #tpu.memory_space<vmem>>[vector<16xi32>, vector<16xi32>], vector<16xf32>, vector<16xi1>
        %mul3A_530 = arith.constant 128 : i32
        %mul3A_531 = arith.muli %add3A_447, %mul3A_530 : i32
        %add3A_532 = arith.constant 16 : i32
        %add3A_533 = arith.addi %mul3A_531, %add3A_532 : i32
        %get3A_534 = arith.index_cast %add3A_533 : i32 to index
        %get3A_535 = tpu.vector_load %arg7[%get3A_534] {strides = array<i32>} : memref<10368xi32, #tpu.memory_space<vmem>>, vector<16xi32>,
        %masked_sort3A_536 = arith.constant dense<true> : vector<16xi1>
        %masked_sort3A_537 = arith.constant -2147483648 : i32
        %masked_sort3A_538 = vector.broadcast %masked_sort3A_537 : i32 to vector<16xi32>
        %masked_sort3A_539 = arith.xori %get3A_535, %masked_sort3A_538 : vector<16xi32>
        %masked_sort3A_540, %masked_sort3A_541, %masked_sort3A_542 = tpu.sort %masked_sort3A_539, %get3A_535 masked %masked_sort3A_536 : (vector<16xi32>, vector<16xi32>, vector<16xi1>) -> (vector<16xi1>, vector<16xi32>, vector<16xi32>)
        %masked_sort3A_543 = arith.xori %masked_sort3A_541, %masked_sort3A_538 : vector<16xi32>
        %add3A_544 = arith.constant 15 : i32
        %add3A_545 = vector.broadcast %add3A_544 : i32 to vector<16xi32>
        %add3A_546 = arith.addi %iota3A, %add3A_545 : vector<16xi32>
        %and3A_547 = arith.constant 15 : i32
        %and3A_548 = vector.broadcast %and3A_547 : i32 to vector<16xi32>
        %and3A_549 = arith.andi %add3A_546, %and3A_548 : vector<16xi32>
        %lt3A_550 = arith.constant 0 : i32
        %lt3A_551 = vector.broadcast %lt3A_550 : i32 to vector<16xi32>
        %lt3A_552 = arith.cmpi slt, %and3A_549, %lt3A_551 : vector<16xi32>
        %add3A_553 = arith.constant 16 : i32
        %add3A_554 = vector.broadcast %add3A_553 : i32 to vector<16xi32>
        %add3A_555 = arith.addi %and3A_549, %add3A_554 : vector<16xi32>
        %select_n3A_556 = arith.select %lt3A_552, %add3A_555, %and3A_549 : vector<16xi1>, vector<16xi32>
        %broadcast_in_dim3A_557 = vector.shape_cast %select_n3A_556 : vector<16xi32> to vector<16x1xi32>
        %gather3A_558 = vector.shape_cast %broadcast_in_dim3A_557 : vector<16x1xi32> to vector<16xi32>
        %gather3A_559 = tpu.dynamic_gather %masked_sort3A_543[%gather3A_558] in [0] : vector<16xi32>, vector<16xi32> -> vector<16xi32>
        %add3A_560 = arith.constant 1 : i32
        %add3A_561 = vector.broadcast %add3A_560 : i32 to vector<16xi32>
        %add3A_562 = arith.addi %iota3A, %add3A_561 : vector<16xi32>
        %and3A_563 = arith.constant 15 : i32
        %and3A_564 = vector.broadcast %and3A_563 : i32 to vector<16xi32>
        %and3A_565 = arith.andi %add3A_562, %and3A_564 : vector<16xi32>
        %lt3A_566 = arith.constant 0 : i32
        %lt3A_567 = vector.broadcast %lt3A_566 : i32 to vector<16xi32>
        %lt3A_568 = arith.cmpi slt, %and3A_565, %lt3A_567 : vector<16xi32>
        %add3A_569 = arith.constant 16 : i32
        %add3A_570 = vector.broadcast %add3A_569 : i32 to vector<16xi32>
        %add3A_571 = arith.addi %and3A_565, %add3A_570 : vector<16xi32>
        %select_n3A_572 = arith.select %lt3A_568, %add3A_571, %and3A_565 : vector<16xi1>, vector<16xi32>
        %broadcast_in_dim3A_573 = vector.shape_cast %select_n3A_572 : vector<16xi32> to vector<16x1xi32>
        %gather3A_574 = vector.shape_cast %broadcast_in_dim3A_573 : vector<16x1xi32> to vector<16xi32>
        %gather3A_575 = tpu.dynamic_gather %masked_sort3A_543[%gather3A_574] in [0] : vector<16xi32>, vector<16xi32> -> vector<16xi32>
        %eq3A_576 = arith.constant 0 : i32
        %eq3A_577 = vector.broadcast %eq3A_576 : i32 to vector<16xi32>
        %eq3A_578 = arith.cmpi eq, %iota3A, %eq3A_577 : vector<16xi32>
        %ne3A_579 = arith.cmpi ne, %masked_sort3A_543, %gather3A_559 : vector<16xi32>
        %or3A_580 = arith.ori %eq3A_578, %ne3A_579 : vector<16xi1>
        %jit3A_581 = arith.constant 0 : i32
        %broadcast_in_dim3A_582 = vector.broadcast %jit3A_581 : i32 to vector<16xi32>
        %select_n3A_583 = arith.select %or3A_580, %iota3A, %broadcast_in_dim3A_582 : vector<16xi1>, vector<16xi32>
        %broadcast_in_dim3A_584 = arith.constant true
        %broadcast_in_dim3A_585 = vector.broadcast %broadcast_in_dim3A_584 : i1 to vector<16xi1>
        %masked_cummax3A_586 = arith.constant -2147483648 : i32
        %masked_cummax3A_587 = vector.broadcast %masked_cummax3A_586 : i32 to vector<16xi32>
        %masked_cummax3A_588 = arith.xori %select_n3A_583, %masked_cummax3A_587 : vector<16xi32>
        %masked_cummax3A_589 = tpu.scan <max>, %masked_cummax3A_588 masked %broadcast_in_dim3A_585 : vector<16xi32>, vector<16xi1> -> vector<16xi32>
        %masked_cummax3A_590 = arith.xori %masked_cummax3A_589, %masked_cummax3A_587 : vector<16xi32>
        %eq3A_591 = arith.constant 15 : i32
        %eq3A_592 = vector.broadcast %eq3A_591 : i32 to vector<16xi32>
        %eq3A_593 = arith.cmpi eq, %iota3A, %eq3A_592 : vector<16xi32>
        %ne3A_594 = arith.cmpi ne, %masked_sort3A_543, %gather3A_575 : vector<16xi32>
        %or3A_595 = arith.ori %eq3A_593, %ne3A_594 : vector<16xi1>
        %ne3A_596 = arith.constant 2047 : i32
        %ne3A_597 = vector.broadcast %ne3A_596 : i32 to vector<16xi32>
        %ne3A_598 = arith.cmpi ne, %masked_sort3A_543, %ne3A_597 : vector<16xi32>
        %and3A_599 = arith.andi %or3A_595, %ne3A_598 : vector<16xi1>
        %sub3A_600 = arith.subi %iota3A, %masked_cummax3A_590 : vector<16xi32>
        %add3A_601 = arith.constant 1 : i32
        %add3A_602 = vector.broadcast %add3A_601 : i32 to vector<16xi32>
        %add3A_603 = arith.addi %sub3A_600, %add3A_602 : vector<16xi32>
        %convert_element_type3A_604 = arith.sitofp %add3A_603 : vector<16xi32> to vector<16xf32>
        %and3A_605 = arith.constant 15 : i32
        %and3A_606 = vector.broadcast %and3A_605 : i32 to vector<16xi32>
        %and3A_607 = arith.andi %masked_sort3A_543, %and3A_606 : vector<16xi32>
        %shift_right_arithmetic3A_608 = arith.constant 4 : i32
        %shift_right_arithmetic3A_609 = vector.broadcast %shift_right_arithmetic3A_608 : i32 to vector<16xi32>
        %shift_right_arithmetic3A_610 = arith.shrsi %masked_sort3A_543, %shift_right_arithmetic3A_609 : vector<16xi32>
        tpu.vector_store_idx %arg13[%and3A_607, %shift_right_arithmetic3A_610], %convert_element_type3A_604 masked %and3A_599 {add = true} : memref<16x128xf32, #tpu.memory_space<vmem>>[vector<16xi32>, vector<16xi32>], vector<16xf32>, vector<16xi1>
        %mul3A_611 = arith.constant 128 : i32
        %mul3A_612 = arith.muli %add3A_447, %mul3A_611 : i32
        %add3A_613 = arith.constant 32 : i32
        %add3A_614 = arith.addi %mul3A_612, %add3A_613 : i32
        %get3A_615 = arith.index_cast %add3A_614 : i32 to index
        %get3A_616 = tpu.vector_load %arg7[%get3A_615] {strides = array<i32>} : memref<10368xi32, #tpu.memory_space<vmem>>, vector<16xi32>,
        %masked_sort3A_617 = arith.constant dense<true> : vector<16xi1>
        %masked_sort3A_618 = arith.constant -2147483648 : i32
        %masked_sort3A_619 = vector.broadcast %masked_sort3A_618 : i32 to vector<16xi32>
        %masked_sort3A_620 = arith.xori %get3A_616, %masked_sort3A_619 : vector<16xi32>
        %masked_sort3A_621, %masked_sort3A_622, %masked_sort3A_623 = tpu.sort %masked_sort3A_620, %get3A_616 masked %masked_sort3A_617 : (vector<16xi32>, vector<16xi32>, vector<16xi1>) -> (vector<16xi1>, vector<16xi32>, vector<16xi32>)
        %masked_sort3A_624 = arith.xori %masked_sort3A_622, %masked_sort3A_619 : vector<16xi32>
        %add3A_625 = arith.constant 15 : i32
        %add3A_626 = vector.broadcast %add3A_625 : i32 to vector<16xi32>
        %add3A_627 = arith.addi %iota3A, %add3A_626 : vector<16xi32>
        %and3A_628 = arith.constant 15 : i32
        %and3A_629 = vector.broadcast %and3A_628 : i32 to vector<16xi32>
        %and3A_630 = arith.andi %add3A_627, %and3A_629 : vector<16xi32>
        %lt3A_631 = arith.constant 0 : i32
        %lt3A_632 = vector.broadcast %lt3A_631 : i32 to vector<16xi32>
        %lt3A_633 = arith.cmpi slt, %and3A_630, %lt3A_632 : vector<16xi32>
        %add3A_634 = arith.constant 16 : i32
        %add3A_635 = vector.broadcast %add3A_634 : i32 to vector<16xi32>
        %add3A_636 = arith.addi %and3A_630, %add3A_635 : vector<16xi32>
        %select_n3A_637 = arith.select %lt3A_633, %add3A_636, %and3A_630 : vector<16xi1>, vector<16xi32>
        %broadcast_in_dim3A_638 = vector.shape_cast %select_n3A_637 : vector<16xi32> to vector<16x1xi32>
        %gather3A_639 = vector.shape_cast %broadcast_in_dim3A_638 : vector<16x1xi32> to vector<16xi32>
        %gather3A_640 = tpu.dynamic_gather %masked_sort3A_624[%gather3A_639] in [0] : vector<16xi32>, vector<16xi32> -> vector<16xi32>
        %add3A_641 = arith.constant 1 : i32
        %add3A_642 = vector.broadcast %add3A_641 : i32 to vector<16xi32>
        %add3A_643 = arith.addi %iota3A, %add3A_642 : vector<16xi32>
        %and3A_644 = arith.constant 15 : i32
        %and3A_645 = vector.broadcast %and3A_644 : i32 to vector<16xi32>
        %and3A_646 = arith.andi %add3A_643, %and3A_645 : vector<16xi32>
        %lt3A_647 = arith.constant 0 : i32
        %lt3A_648 = vector.broadcast %lt3A_647 : i32 to vector<16xi32>
        %lt3A_649 = arith.cmpi slt, %and3A_646, %lt3A_648 : vector<16xi32>
        %add3A_650 = arith.constant 16 : i32
        %add3A_651 = vector.broadcast %add3A_650 : i32 to vector<16xi32>
        %add3A_652 = arith.addi %and3A_646, %add3A_651 : vector<16xi32>
        %select_n3A_653 = arith.select %lt3A_649, %add3A_652, %and3A_646 : vector<16xi1>, vector<16xi32>
        %broadcast_in_dim3A_654 = vector.shape_cast %select_n3A_653 : vector<16xi32> to vector<16x1xi32>
        %gather3A_655 = vector.shape_cast %broadcast_in_dim3A_654 : vector<16x1xi32> to vector<16xi32>
        %gather3A_656 = tpu.dynamic_gather %masked_sort3A_624[%gather3A_655] in [0] : vector<16xi32>, vector<16xi32> -> vector<16xi32>
        %eq3A_657 = arith.constant 0 : i32
        %eq3A_658 = vector.broadcast %eq3A_657 : i32 to vector<16xi32>
        %eq3A_659 = arith.cmpi eq, %iota3A, %eq3A_658 : vector<16xi32>
        %ne3A_660 = arith.cmpi ne, %masked_sort3A_624, %gather3A_640 : vector<16xi32>
        %or3A_661 = arith.ori %eq3A_659, %ne3A_660 : vector<16xi1>
        %jit3A_662 = arith.constant 0 : i32
        %broadcast_in_dim3A_663 = vector.broadcast %jit3A_662 : i32 to vector<16xi32>
        %select_n3A_664 = arith.select %or3A_661, %iota3A, %broadcast_in_dim3A_663 : vector<16xi1>, vector<16xi32>
        %broadcast_in_dim3A_665 = arith.constant true
        %broadcast_in_dim3A_666 = vector.broadcast %broadcast_in_dim3A_665 : i1 to vector<16xi1>
        %masked_cummax3A_667 = arith.constant -2147483648 : i32
        %masked_cummax3A_668 = vector.broadcast %masked_cummax3A_667 : i32 to vector<16xi32>
        %masked_cummax3A_669 = arith.xori %select_n3A_664, %masked_cummax3A_668 : vector<16xi32>
        %masked_cummax3A_670 = tpu.scan <max>, %masked_cummax3A_669 masked %broadcast_in_dim3A_666 : vector<16xi32>, vector<16xi1> -> vector<16xi32>
        %masked_cummax3A_671 = arith.xori %masked_cummax3A_670, %masked_cummax3A_668 : vector<16xi32>
        %eq3A_672 = arith.constant 15 : i32
        %eq3A_673 = vector.broadcast %eq3A_672 : i32 to vector<16xi32>
        %eq3A_674 = arith.cmpi eq, %iota3A, %eq3A_673 : vector<16xi32>
        %ne3A_675 = arith.cmpi ne, %masked_sort3A_624, %gather3A_656 : vector<16xi32>
        %or3A_676 = arith.ori %eq3A_674, %ne3A_675 : vector<16xi1>
        %ne3A_677 = arith.constant 2047 : i32
        %ne3A_678 = vector.broadcast %ne3A_677 : i32 to vector<16xi32>
        %ne3A_679 = arith.cmpi ne, %masked_sort3A_624, %ne3A_678 : vector<16xi32>
        %and3A_680 = arith.andi %or3A_676, %ne3A_679 : vector<16xi1>
        %sub3A_681 = arith.subi %iota3A, %masked_cummax3A_671 : vector<16xi32>
        %add3A_682 = arith.constant 1 : i32
        %add3A_683 = vector.broadcast %add3A_682 : i32 to vector<16xi32>
        %add3A_684 = arith.addi %sub3A_681, %add3A_683 : vector<16xi32>
        %convert_element_type3A_685 = arith.sitofp %add3A_684 : vector<16xi32> to vector<16xf32>
        %and3A_686 = arith.constant 15 : i32
        %and3A_687 = vector.broadcast %and3A_686 : i32 to vector<16xi32>
        %and3A_688 = arith.andi %masked_sort3A_624, %and3A_687 : vector<16xi32>
        %shift_right_arithmetic3A_689 = arith.constant 4 : i32
        %shift_right_arithmetic3A_690 = vector.broadcast %shift_right_arithmetic3A_689 : i32 to vector<16xi32>
        %shift_right_arithmetic3A_691 = arith.shrsi %masked_sort3A_624, %shift_right_arithmetic3A_690 : vector<16xi32>
        tpu.vector_store_idx %arg13[%and3A_688, %shift_right_arithmetic3A_691], %convert_element_type3A_685 masked %and3A_680 {add = true} : memref<16x128xf32, #tpu.memory_space<vmem>>[vector<16xi32>, vector<16xi32>], vector<16xf32>, vector<16xi1>
        %mul3A_692 = arith.constant 128 : i32
        %mul3A_693 = arith.muli %add3A_447, %mul3A_692 : i32
        %add3A_694 = arith.constant 48 : i32
        %add3A_695 = arith.addi %mul3A_693, %add3A_694 : i32
        %get3A_696 = arith.index_cast %add3A_695 : i32 to index
        %get3A_697 = tpu.vector_load %arg7[%get3A_696] {strides = array<i32>} : memref<10368xi32, #tpu.memory_space<vmem>>, vector<16xi32>,
        %masked_sort3A_698 = arith.constant dense<true> : vector<16xi1>
        %masked_sort3A_699 = arith.constant -2147483648 : i32
        %masked_sort3A_700 = vector.broadcast %masked_sort3A_699 : i32 to vector<16xi32>
        %masked_sort3A_701 = arith.xori %get3A_697, %masked_sort3A_700 : vector<16xi32>
        %masked_sort3A_702, %masked_sort3A_703, %masked_sort3A_704 = tpu.sort %masked_sort3A_701, %get3A_697 masked %masked_sort3A_698 : (vector<16xi32>, vector<16xi32>, vector<16xi1>) -> (vector<16xi1>, vector<16xi32>, vector<16xi32>)
        %masked_sort3A_705 = arith.xori %masked_sort3A_703, %masked_sort3A_700 : vector<16xi32>
        %add3A_706 = arith.constant 15 : i32
        %add3A_707 = vector.broadcast %add3A_706 : i32 to vector<16xi32>
        %add3A_708 = arith.addi %iota3A, %add3A_707 : vector<16xi32>
        %and3A_709 = arith.constant 15 : i32
        %and3A_710 = vector.broadcast %and3A_709 : i32 to vector<16xi32>
        %and3A_711 = arith.andi %add3A_708, %and3A_710 : vector<16xi32>
        %lt3A_712 = arith.constant 0 : i32
        %lt3A_713 = vector.broadcast %lt3A_712 : i32 to vector<16xi32>
        %lt3A_714 = arith.cmpi slt, %and3A_711, %lt3A_713 : vector<16xi32>
        %add3A_715 = arith.constant 16 : i32
        %add3A_716 = vector.broadcast %add3A_715 : i32 to vector<16xi32>
        %add3A_717 = arith.addi %and3A_711, %add3A_716 : vector<16xi32>
        %select_n3A_718 = arith.select %lt3A_714, %add3A_717, %and3A_711 : vector<16xi1>, vector<16xi32>
        %broadcast_in_dim3A_719 = vector.shape_cast %select_n3A_718 : vector<16xi32> to vector<16x1xi32>
        %gather3A_720 = vector.shape_cast %broadcast_in_dim3A_719 : vector<16x1xi32> to vector<16xi32>
        %gather3A_721 = tpu.dynamic_gather %masked_sort3A_705[%gather3A_720] in [0] : vector<16xi32>, vector<16xi32> -> vector<16xi32>
        %add3A_722 = arith.constant 1 : i32
        %add3A_723 = vector.broadcast %add3A_722 : i32 to vector<16xi32>
        %add3A_724 = arith.addi %iota3A, %add3A_723 : vector<16xi32>
        %and3A_725 = arith.constant 15 : i32
        %and3A_726 = vector.broadcast %and3A_725 : i32 to vector<16xi32>
        %and3A_727 = arith.andi %add3A_724, %and3A_726 : vector<16xi32>
        %lt3A_728 = arith.constant 0 : i32
        %lt3A_729 = vector.broadcast %lt3A_728 : i32 to vector<16xi32>
        %lt3A_730 = arith.cmpi slt, %and3A_727, %lt3A_729 : vector<16xi32>
        %add3A_731 = arith.constant 16 : i32
        %add3A_732 = vector.broadcast %add3A_731 : i32 to vector<16xi32>
        %add3A_733 = arith.addi %and3A_727, %add3A_732 : vector<16xi32>
        %select_n3A_734 = arith.select %lt3A_730, %add3A_733, %and3A_727 : vector<16xi1>, vector<16xi32>
        %broadcast_in_dim3A_735 = vector.shape_cast %select_n3A_734 : vector<16xi32> to vector<16x1xi32>
        %gather3A_736 = vector.shape_cast %broadcast_in_dim3A_735 : vector<16x1xi32> to vector<16xi32>
        %gather3A_737 = tpu.dynamic_gather %masked_sort3A_705[%gather3A_736] in [0] : vector<16xi32>, vector<16xi32> -> vector<16xi32>
        %eq3A_738 = arith.constant 0 : i32
        %eq3A_739 = vector.broadcast %eq3A_738 : i32 to vector<16xi32>
        %eq3A_740 = arith.cmpi eq, %iota3A, %eq3A_739 : vector<16xi32>
        %ne3A_741 = arith.cmpi ne, %masked_sort3A_705, %gather3A_721 : vector<16xi32>
        %or3A_742 = arith.ori %eq3A_740, %ne3A_741 : vector<16xi1>
        %jit3A_743 = arith.constant 0 : i32
        %broadcast_in_dim3A_744 = vector.broadcast %jit3A_743 : i32 to vector<16xi32>
        %select_n3A_745 = arith.select %or3A_742, %iota3A, %broadcast_in_dim3A_744 : vector<16xi1>, vector<16xi32>
        %broadcast_in_dim3A_746 = arith.constant true
        %broadcast_in_dim3A_747 = vector.broadcast %broadcast_in_dim3A_746 : i1 to vector<16xi1>
        %masked_cummax3A_748 = arith.constant -2147483648 : i32
        %masked_cummax3A_749 = vector.broadcast %masked_cummax3A_748 : i32 to vector<16xi32>
        %masked_cummax3A_750 = arith.xori %select_n3A_745, %masked_cummax3A_749 : vector<16xi32>
        %masked_cummax3A_751 = tpu.scan <max>, %masked_cummax3A_750 masked %broadcast_in_dim3A_747 : vector<16xi32>, vector<16xi1> -> vector<16xi32>
        %masked_cummax3A_752 = arith.xori %masked_cummax3A_751, %masked_cummax3A_749 : vector<16xi32>
        %eq3A_753 = arith.constant 15 : i32
        %eq3A_754 = vector.broadcast %eq3A_753 : i32 to vector<16xi32>
        %eq3A_755 = arith.cmpi eq, %iota3A, %eq3A_754 : vector<16xi32>
        %ne3A_756 = arith.cmpi ne, %masked_sort3A_705, %gather3A_737 : vector<16xi32>
        %or3A_757 = arith.ori %eq3A_755, %ne3A_756 : vector<16xi1>
        %ne3A_758 = arith.constant 2047 : i32
        %ne3A_759 = vector.broadcast %ne3A_758 : i32 to vector<16xi32>
        %ne3A_760 = arith.cmpi ne, %masked_sort3A_705, %ne3A_759 : vector<16xi32>
        %and3A_761 = arith.andi %or3A_757, %ne3A_760 : vector<16xi1>
        %sub3A_762 = arith.subi %iota3A, %masked_cummax3A_752 : vector<16xi32>
        %add3A_763 = arith.constant 1 : i32
        %add3A_764 = vector.broadcast %add3A_763 : i32 to vector<16xi32>
        %add3A_765 = arith.addi %sub3A_762, %add3A_764 : vector<16xi32>
        %convert_element_type3A_766 = arith.sitofp %add3A_765 : vector<16xi32> to vector<16xf32>
        %and3A_767 = arith.constant 15 : i32
        %and3A_768 = vector.broadcast %and3A_767 : i32 to vector<16xi32>
        %and3A_769 = arith.andi %masked_sort3A_705, %and3A_768 : vector<16xi32>
        %shift_right_arithmetic3A_770 = arith.constant 4 : i32
        %shift_right_arithmetic3A_771 = vector.broadcast %shift_right_arithmetic3A_770 : i32 to vector<16xi32>
        %shift_right_arithmetic3A_772 = arith.shrsi %masked_sort3A_705, %shift_right_arithmetic3A_771 : vector<16xi32>
        tpu.vector_store_idx %arg13[%and3A_769, %shift_right_arithmetic3A_772], %convert_element_type3A_766 masked %and3A_761 {add = true} : memref<16x128xf32, #tpu.memory_space<vmem>>[vector<16xi32>, vector<16xi32>], vector<16xf32>, vector<16xi1>
        %mul3A_773 = arith.constant 128 : i32
        %mul3A_774 = arith.muli %add3A_447, %mul3A_773 : i32
        %add3A_775 = arith.constant 64 : i32
        %add3A_776 = arith.addi %mul3A_774, %add3A_775 : i32
        %get3A_777 = arith.index_cast %add3A_776 : i32 to index
        %get3A_778 = tpu.vector_load %arg7[%get3A_777] {strides = array<i32>} : memref<10368xi32, #tpu.memory_space<vmem>>, vector<16xi32>,
        %masked_sort3A_779 = arith.constant dense<true> : vector<16xi1>
        %masked_sort3A_780 = arith.constant -2147483648 : i32
        %masked_sort3A_781 = vector.broadcast %masked_sort3A_780 : i32 to vector<16xi32>
        %masked_sort3A_782 = arith.xori %get3A_778, %masked_sort3A_781 : vector<16xi32>
        %masked_sort3A_783, %masked_sort3A_784, %masked_sort3A_785 = tpu.sort %masked_sort3A_782, %get3A_778 masked %masked_sort3A_779 : (vector<16xi32>, vector<16xi32>, vector<16xi1>) -> (vector<16xi1>, vector<16xi32>, vector<16xi32>)
        %masked_sort3A_786 = arith.xori %masked_sort3A_784, %masked_sort3A_781 : vector<16xi32>
        %add3A_787 = arith.constant 15 : i32
        %add3A_788 = vector.broadcast %add3A_787 : i32 to vector<16xi32>
        %add3A_789 = arith.addi %iota3A, %add3A_788 : vector<16xi32>
        %and3A_790 = arith.constant 15 : i32
        %and3A_791 = vector.broadcast %and3A_790 : i32 to vector<16xi32>
        %and3A_792 = arith.andi %add3A_789, %and3A_791 : vector<16xi32>
        %lt3A_793 = arith.constant 0 : i32
        %lt3A_794 = vector.broadcast %lt3A_793 : i32 to vector<16xi32>
        %lt3A_795 = arith.cmpi slt, %and3A_792, %lt3A_794 : vector<16xi32>
        %add3A_796 = arith.constant 16 : i32
        %add3A_797 = vector.broadcast %add3A_796 : i32 to vector<16xi32>
        %add3A_798 = arith.addi %and3A_792, %add3A_797 : vector<16xi32>
        %select_n3A_799 = arith.select %lt3A_795, %add3A_798, %and3A_792 : vector<16xi1>, vector<16xi32>
        %broadcast_in_dim3A_800 = vector.shape_cast %select_n3A_799 : vector<16xi32> to vector<16x1xi32>
        %gather3A_801 = vector.shape_cast %broadcast_in_dim3A_800 : vector<16x1xi32> to vector<16xi32>
        %gather3A_802 = tpu.dynamic_gather %masked_sort3A_786[%gather3A_801] in [0] : vector<16xi32>, vector<16xi32> -> vector<16xi32>
        %add3A_803 = arith.constant 1 : i32
        %add3A_804 = vector.broadcast %add3A_803 : i32 to vector<16xi32>
        %add3A_805 = arith.addi %iota3A, %add3A_804 : vector<16xi32>
        %and3A_806 = arith.constant 15 : i32
        %and3A_807 = vector.broadcast %and3A_806 : i32 to vector<16xi32>
        %and3A_808 = arith.andi %add3A_805, %and3A_807 : vector<16xi32>
        %lt3A_809 = arith.constant 0 : i32
        %lt3A_810 = vector.broadcast %lt3A_809 : i32 to vector<16xi32>
        %lt3A_811 = arith.cmpi slt, %and3A_808, %lt3A_810 : vector<16xi32>
        %add3A_812 = arith.constant 16 : i32
        %add3A_813 = vector.broadcast %add3A_812 : i32 to vector<16xi32>
        %add3A_814 = arith.addi %and3A_808, %add3A_813 : vector<16xi32>
        %select_n3A_815 = arith.select %lt3A_811, %add3A_814, %and3A_808 : vector<16xi1>, vector<16xi32>
        %broadcast_in_dim3A_816 = vector.shape_cast %select_n3A_815 : vector<16xi32> to vector<16x1xi32>
        %gather3A_817 = vector.shape_cast %broadcast_in_dim3A_816 : vector<16x1xi32> to vector<16xi32>
        %gather3A_818 = tpu.dynamic_gather %masked_sort3A_786[%gather3A_817] in [0] : vector<16xi32>, vector<16xi32> -> vector<16xi32>
        %eq3A_819 = arith.constant 0 : i32
        %eq3A_820 = vector.broadcast %eq3A_819 : i32 to vector<16xi32>
        %eq3A_821 = arith.cmpi eq, %iota3A, %eq3A_820 : vector<16xi32>
        %ne3A_822 = arith.cmpi ne, %masked_sort3A_786, %gather3A_802 : vector<16xi32>
        %or3A_823 = arith.ori %eq3A_821, %ne3A_822 : vector<16xi1>
        %jit3A_824 = arith.constant 0 : i32
        %broadcast_in_dim3A_825 = vector.broadcast %jit3A_824 : i32 to vector<16xi32>
        %select_n3A_826 = arith.select %or3A_823, %iota3A, %broadcast_in_dim3A_825 : vector<16xi1>, vector<16xi32>
        %broadcast_in_dim3A_827 = arith.constant true
        %broadcast_in_dim3A_828 = vector.broadcast %broadcast_in_dim3A_827 : i1 to vector<16xi1>
        %masked_cummax3A_829 = arith.constant -2147483648 : i32
        %masked_cummax3A_830 = vector.broadcast %masked_cummax3A_829 : i32 to vector<16xi32>
        %masked_cummax3A_831 = arith.xori %select_n3A_826, %masked_cummax3A_830 : vector<16xi32>
        %masked_cummax3A_832 = tpu.scan <max>, %masked_cummax3A_831 masked %broadcast_in_dim3A_828 : vector<16xi32>, vector<16xi1> -> vector<16xi32>
        %masked_cummax3A_833 = arith.xori %masked_cummax3A_832, %masked_cummax3A_830 : vector<16xi32>
        %eq3A_834 = arith.constant 15 : i32
        %eq3A_835 = vector.broadcast %eq3A_834 : i32 to vector<16xi32>
        %eq3A_836 = arith.cmpi eq, %iota3A, %eq3A_835 : vector<16xi32>
        %ne3A_837 = arith.cmpi ne, %masked_sort3A_786, %gather3A_818 : vector<16xi32>
        %or3A_838 = arith.ori %eq3A_836, %ne3A_837 : vector<16xi1>
        %ne3A_839 = arith.constant 2047 : i32
        %ne3A_840 = vector.broadcast %ne3A_839 : i32 to vector<16xi32>
        %ne3A_841 = arith.cmpi ne, %masked_sort3A_786, %ne3A_840 : vector<16xi32>
        %and3A_842 = arith.andi %or3A_838, %ne3A_841 : vector<16xi1>
        %sub3A_843 = arith.subi %iota3A, %masked_cummax3A_833 : vector<16xi32>
        %add3A_844 = arith.constant 1 : i32
        %add3A_845 = vector.broadcast %add3A_844 : i32 to vector<16xi32>
        %add3A_846 = arith.addi %sub3A_843, %add3A_845 : vector<16xi32>
        %convert_element_type3A_847 = arith.sitofp %add3A_846 : vector<16xi32> to vector<16xf32>
        %and3A_848 = arith.constant 15 : i32
        %and3A_849 = vector.broadcast %and3A_848 : i32 to vector<16xi32>
        %and3A_850 = arith.andi %masked_sort3A_786, %and3A_849 : vector<16xi32>
        %shift_right_arithmetic3A_851 = arith.constant 4 : i32
        %shift_right_arithmetic3A_852 = vector.broadcast %shift_right_arithmetic3A_851 : i32 to vector<16xi32>
        %shift_right_arithmetic3A_853 = arith.shrsi %masked_sort3A_786, %shift_right_arithmetic3A_852 : vector<16xi32>
        tpu.vector_store_idx %arg13[%and3A_850, %shift_right_arithmetic3A_853], %convert_element_type3A_847 masked %and3A_842 {add = true} : memref<16x128xf32, #tpu.memory_space<vmem>>[vector<16xi32>, vector<16xi32>], vector<16xf32>, vector<16xi1>
        %mul3A_854 = arith.constant 128 : i32
        %mul3A_855 = arith.muli %add3A_447, %mul3A_854 : i32
        %add3A_856 = arith.constant 80 : i32
        %add3A_857 = arith.addi %mul3A_855, %add3A_856 : i32
        %get3A_858 = arith.index_cast %add3A_857 : i32 to index
        %get3A_859 = tpu.vector_load %arg7[%get3A_858] {strides = array<i32>} : memref<10368xi32, #tpu.memory_space<vmem>>, vector<16xi32>,
        %masked_sort3A_860 = arith.constant dense<true> : vector<16xi1>
        %masked_sort3A_861 = arith.constant -2147483648 : i32
        %masked_sort3A_862 = vector.broadcast %masked_sort3A_861 : i32 to vector<16xi32>
        %masked_sort3A_863 = arith.xori %get3A_859, %masked_sort3A_862 : vector<16xi32>
        %masked_sort3A_864, %masked_sort3A_865, %masked_sort3A_866 = tpu.sort %masked_sort3A_863, %get3A_859 masked %masked_sort3A_860 : (vector<16xi32>, vector<16xi32>, vector<16xi1>) -> (vector<16xi1>, vector<16xi32>, vector<16xi32>)
        %masked_sort3A_867 = arith.xori %masked_sort3A_865, %masked_sort3A_862 : vector<16xi32>
        %add3A_868 = arith.constant 15 : i32
        %add3A_869 = vector.broadcast %add3A_868 : i32 to vector<16xi32>
        %add3A_870 = arith.addi %iota3A, %add3A_869 : vector<16xi32>
        %and3A_871 = arith.constant 15 : i32
        %and3A_872 = vector.broadcast %and3A_871 : i32 to vector<16xi32>
        %and3A_873 = arith.andi %add3A_870, %and3A_872 : vector<16xi32>
        %lt3A_874 = arith.constant 0 : i32
        %lt3A_875 = vector.broadcast %lt3A_874 : i32 to vector<16xi32>
        %lt3A_876 = arith.cmpi slt, %and3A_873, %lt3A_875 : vector<16xi32>
        %add3A_877 = arith.constant 16 : i32
        %add3A_878 = vector.broadcast %add3A_877 : i32 to vector<16xi32>
        %add3A_879 = arith.addi %and3A_873, %add3A_878 : vector<16xi32>
        %select_n3A_880 = arith.select %lt3A_876, %add3A_879, %and3A_873 : vector<16xi1>, vector<16xi32>
        %broadcast_in_dim3A_881 = vector.shape_cast %select_n3A_880 : vector<16xi32> to vector<16x1xi32>
        %gather3A_882 = vector.shape_cast %broadcast_in_dim3A_881 : vector<16x1xi32> to vector<16xi32>
        %gather3A_883 = tpu.dynamic_gather %masked_sort3A_867[%gather3A_882] in [0] : vector<16xi32>, vector<16xi32> -> vector<16xi32>
        %add3A_884 = arith.constant 1 : i32
        %add3A_885 = vector.broadcast %add3A_884 : i32 to vector<16xi32>
        %add3A_886 = arith.addi %iota3A, %add3A_885 : vector<16xi32>
        %and3A_887 = arith.constant 15 : i32
        %and3A_888 = vector.broadcast %and3A_887 : i32 to vector<16xi32>
        %and3A_889 = arith.andi %add3A_886, %and3A_888 : vector<16xi32>
        %lt3A_890 = arith.constant 0 : i32
        %lt3A_891 = vector.broadcast %lt3A_890 : i32 to vector<16xi32>
        %lt3A_892 = arith.cmpi slt, %and3A_889, %lt3A_891 : vector<16xi32>
        %add3A_893 = arith.constant 16 : i32
        %add3A_894 = vector.broadcast %add3A_893 : i32 to vector<16xi32>
        %add3A_895 = arith.addi %and3A_889, %add3A_894 : vector<16xi32>
        %select_n3A_896 = arith.select %lt3A_892, %add3A_895, %and3A_889 : vector<16xi1>, vector<16xi32>
        %broadcast_in_dim3A_897 = vector.shape_cast %select_n3A_896 : vector<16xi32> to vector<16x1xi32>
        %gather3A_898 = vector.shape_cast %broadcast_in_dim3A_897 : vector<16x1xi32> to vector<16xi32>
        %gather3A_899 = tpu.dynamic_gather %masked_sort3A_867[%gather3A_898] in [0] : vector<16xi32>, vector<16xi32> -> vector<16xi32>
        %eq3A_900 = arith.constant 0 : i32
        %eq3A_901 = vector.broadcast %eq3A_900 : i32 to vector<16xi32>
        %eq3A_902 = arith.cmpi eq, %iota3A, %eq3A_901 : vector<16xi32>
        %ne3A_903 = arith.cmpi ne, %masked_sort3A_867, %gather3A_883 : vector<16xi32>
        %or3A_904 = arith.ori %eq3A_902, %ne3A_903 : vector<16xi1>
        %jit3A_905 = arith.constant 0 : i32
        %broadcast_in_dim3A_906 = vector.broadcast %jit3A_905 : i32 to vector<16xi32>
        %select_n3A_907 = arith.select %or3A_904, %iota3A, %broadcast_in_dim3A_906 : vector<16xi1>, vector<16xi32>
        %broadcast_in_dim3A_908 = arith.constant true
        %broadcast_in_dim3A_909 = vector.broadcast %broadcast_in_dim3A_908 : i1 to vector<16xi1>
        %masked_cummax3A_910 = arith.constant -2147483648 : i32
        %masked_cummax3A_911 = vector.broadcast %masked_cummax3A_910 : i32 to vector<16xi32>
        %masked_cummax3A_912 = arith.xori %select_n3A_907, %masked_cummax3A_911 : vector<16xi32>
        %masked_cummax3A_913 = tpu.scan <max>, %masked_cummax3A_912 masked %broadcast_in_dim3A_909 : vector<16xi32>, vector<16xi1> -> vector<16xi32>
        %masked_cummax3A_914 = arith.xori %masked_cummax3A_913, %masked_cummax3A_911 : vector<16xi32>
        %eq3A_915 = arith.constant 15 : i32
        %eq3A_916 = vector.broadcast %eq3A_915 : i32 to vector<16xi32>
        %eq3A_917 = arith.cmpi eq, %iota3A, %eq3A_916 : vector<16xi32>
        %ne3A_918 = arith.cmpi ne, %masked_sort3A_867, %gather3A_899 : vector<16xi32>
        %or3A_919 = arith.ori %eq3A_917, %ne3A_918 : vector<16xi1>
        %ne3A_920 = arith.constant 2047 : i32
        %ne3A_921 = vector.broadcast %ne3A_920 : i32 to vector<16xi32>
        %ne3A_922 = arith.cmpi ne, %masked_sort3A_867, %ne3A_921 : vector<16xi32>
        %and3A_923 = arith.andi %or3A_919, %ne3A_922 : vector<16xi1>
        %sub3A_924 = arith.subi %iota3A, %masked_cummax3A_914 : vector<16xi32>
        %add3A_925 = arith.constant 1 : i32
        %add3A_926 = vector.broadcast %add3A_925 : i32 to vector<16xi32>
        %add3A_927 = arith.addi %sub3A_924, %add3A_926 : vector<16xi32>
        %convert_element_type3A_928 = arith.sitofp %add3A_927 : vector<16xi32> to vector<16xf32>
        %and3A_929 = arith.constant 15 : i32
        %and3A_930 = vector.broadcast %and3A_929 : i32 to vector<16xi32>
        %and3A_931 = arith.andi %masked_sort3A_867, %and3A_930 : vector<16xi32>
        %shift_right_arithmetic3A_932 = arith.constant 4 : i32
        %shift_right_arithmetic3A_933 = vector.broadcast %shift_right_arithmetic3A_932 : i32 to vector<16xi32>
        %shift_right_arithmetic3A_934 = arith.shrsi %masked_sort3A_867, %shift_right_arithmetic3A_933 : vector<16xi32>
        tpu.vector_store_idx %arg13[%and3A_931, %shift_right_arithmetic3A_934], %convert_element_type3A_928 masked %and3A_923 {add = true} : memref<16x128xf32, #tpu.memory_space<vmem>>[vector<16xi32>, vector<16xi32>], vector<16xf32>, vector<16xi1>
        %mul3A_935 = arith.constant 128 : i32
        %mul3A_936 = arith.muli %add3A_447, %mul3A_935 : i32
        %add3A_937 = arith.constant 96 : i32
        %add3A_938 = arith.addi %mul3A_936, %add3A_937 : i32
        %get3A_939 = arith.index_cast %add3A_938 : i32 to index
        %get3A_940 = tpu.vector_load %arg7[%get3A_939] {strides = array<i32>} : memref<10368xi32, #tpu.memory_space<vmem>>, vector<16xi32>,
        %masked_sort3A_941 = arith.constant dense<true> : vector<16xi1>
        %masked_sort3A_942 = arith.constant -2147483648 : i32
        %masked_sort3A_943 = vector.broadcast %masked_sort3A_942 : i32 to vector<16xi32>
        %masked_sort3A_944 = arith.xori %get3A_940, %masked_sort3A_943 : vector<16xi32>
        %masked_sort3A_945, %masked_sort3A_946, %masked_sort3A_947 = tpu.sort %masked_sort3A_944, %get3A_940 masked %masked_sort3A_941 : (vector<16xi32>, vector<16xi32>, vector<16xi1>) -> (vector<16xi1>, vector<16xi32>, vector<16xi32>)
        %masked_sort3A_948 = arith.xori %masked_sort3A_946, %masked_sort3A_943 : vector<16xi32>
        %add3A_949 = arith.constant 15 : i32
        %add3A_950 = vector.broadcast %add3A_949 : i32 to vector<16xi32>
        %add3A_951 = arith.addi %iota3A, %add3A_950 : vector<16xi32>
        %and3A_952 = arith.constant 15 : i32
        %and3A_953 = vector.broadcast %and3A_952 : i32 to vector<16xi32>
        %and3A_954 = arith.andi %add3A_951, %and3A_953 : vector<16xi32>
        %lt3A_955 = arith.constant 0 : i32
        %lt3A_956 = vector.broadcast %lt3A_955 : i32 to vector<16xi32>
        %lt3A_957 = arith.cmpi slt, %and3A_954, %lt3A_956 : vector<16xi32>
        %add3A_958 = arith.constant 16 : i32
        %add3A_959 = vector.broadcast %add3A_958 : i32 to vector<16xi32>
        %add3A_960 = arith.addi %and3A_954, %add3A_959 : vector<16xi32>
        %select_n3A_961 = arith.select %lt3A_957, %add3A_960, %and3A_954 : vector<16xi1>, vector<16xi32>
        %broadcast_in_dim3A_962 = vector.shape_cast %select_n3A_961 : vector<16xi32> to vector<16x1xi32>
        %gather3A_963 = vector.shape_cast %broadcast_in_dim3A_962 : vector<16x1xi32> to vector<16xi32>
        %gather3A_964 = tpu.dynamic_gather %masked_sort3A_948[%gather3A_963] in [0] : vector<16xi32>, vector<16xi32> -> vector<16xi32>
        %add3A_965 = arith.constant 1 : i32
        %add3A_966 = vector.broadcast %add3A_965 : i32 to vector<16xi32>
        %add3A_967 = arith.addi %iota3A, %add3A_966 : vector<16xi32>
        %and3A_968 = arith.constant 15 : i32
        %and3A_969 = vector.broadcast %and3A_968 : i32 to vector<16xi32>
        %and3A_970 = arith.andi %add3A_967, %and3A_969 : vector<16xi32>
        %lt3A_971 = arith.constant 0 : i32
        %lt3A_972 = vector.broadcast %lt3A_971 : i32 to vector<16xi32>
        %lt3A_973 = arith.cmpi slt, %and3A_970, %lt3A_972 : vector<16xi32>
        %add3A_974 = arith.constant 16 : i32
        %add3A_975 = vector.broadcast %add3A_974 : i32 to vector<16xi32>
        %add3A_976 = arith.addi %and3A_970, %add3A_975 : vector<16xi32>
        %select_n3A_977 = arith.select %lt3A_973, %add3A_976, %and3A_970 : vector<16xi1>, vector<16xi32>
        %broadcast_in_dim3A_978 = vector.shape_cast %select_n3A_977 : vector<16xi32> to vector<16x1xi32>
        %gather3A_979 = vector.shape_cast %broadcast_in_dim3A_978 : vector<16x1xi32> to vector<16xi32>
        %gather3A_980 = tpu.dynamic_gather %masked_sort3A_948[%gather3A_979] in [0] : vector<16xi32>, vector<16xi32> -> vector<16xi32>
        %eq3A_981 = arith.constant 0 : i32
        %eq3A_982 = vector.broadcast %eq3A_981 : i32 to vector<16xi32>
        %eq3A_983 = arith.cmpi eq, %iota3A, %eq3A_982 : vector<16xi32>
        %ne3A_984 = arith.cmpi ne, %masked_sort3A_948, %gather3A_964 : vector<16xi32>
        %or3A_985 = arith.ori %eq3A_983, %ne3A_984 : vector<16xi1>
        %jit3A_986 = arith.constant 0 : i32
        %broadcast_in_dim3A_987 = vector.broadcast %jit3A_986 : i32 to vector<16xi32>
        %select_n3A_988 = arith.select %or3A_985, %iota3A, %broadcast_in_dim3A_987 : vector<16xi1>, vector<16xi32>
        %broadcast_in_dim3A_989 = arith.constant true
        %broadcast_in_dim3A_990 = vector.broadcast %broadcast_in_dim3A_989 : i1 to vector<16xi1>
        %masked_cummax3A_991 = arith.constant -2147483648 : i32
        %masked_cummax3A_992 = vector.broadcast %masked_cummax3A_991 : i32 to vector<16xi32>
        %masked_cummax3A_993 = arith.xori %select_n3A_988, %masked_cummax3A_992 : vector<16xi32>
        %masked_cummax3A_994 = tpu.scan <max>, %masked_cummax3A_993 masked %broadcast_in_dim3A_990 : vector<16xi32>, vector<16xi1> -> vector<16xi32>
        %masked_cummax3A_995 = arith.xori %masked_cummax3A_994, %masked_cummax3A_992 : vector<16xi32>
        %eq3A_996 = arith.constant 15 : i32
        %eq3A_997 = vector.broadcast %eq3A_996 : i32 to vector<16xi32>
        %eq3A_998 = arith.cmpi eq, %iota3A, %eq3A_997 : vector<16xi32>
        %ne3A_999 = arith.cmpi ne, %masked_sort3A_948, %gather3A_980 : vector<16xi32>
        %or3A_1000 = arith.ori %eq3A_998, %ne3A_999 : vector<16xi1>
        %ne3A_1001 = arith.constant 2047 : i32
        %ne3A_1002 = vector.broadcast %ne3A_1001 : i32 to vector<16xi32>
        %ne3A_1003 = arith.cmpi ne, %masked_sort3A_948, %ne3A_1002 : vector<16xi32>
        %and3A_1004 = arith.andi %or3A_1000, %ne3A_1003 : vector<16xi1>
        %sub3A_1005 = arith.subi %iota3A, %masked_cummax3A_995 : vector<16xi32>
        %add3A_1006 = arith.constant 1 : i32
        %add3A_1007 = vector.broadcast %add3A_1006 : i32 to vector<16xi32>
        %add3A_1008 = arith.addi %sub3A_1005, %add3A_1007 : vector<16xi32>
        %convert_element_type3A_1009 = arith.sitofp %add3A_1008 : vector<16xi32> to vector<16xf32>
        %and3A_1010 = arith.constant 15 : i32
        %and3A_1011 = vector.broadcast %and3A_1010 : i32 to vector<16xi32>
        %and3A_1012 = arith.andi %masked_sort3A_948, %and3A_1011 : vector<16xi32>
        %shift_right_arithmetic3A_1013 = arith.constant 4 : i32
        %shift_right_arithmetic3A_1014 = vector.broadcast %shift_right_arithmetic3A_1013 : i32 to vector<16xi32>
        %shift_right_arithmetic3A_1015 = arith.shrsi %masked_sort3A_948, %shift_right_arithmetic3A_1014 : vector<16xi32>
        tpu.vector_store_idx %arg13[%and3A_1012, %shift_right_arithmetic3A_1015], %convert_element_type3A_1009 masked %and3A_1004 {add = true} : memref<16x128xf32, #tpu.memory_space<vmem>>[vector<16xi32>, vector<16xi32>], vector<16xf32>, vector<16xi1>
        %mul3A_1016 = arith.constant 128 : i32
        %mul3A_1017 = arith.muli %add3A_447, %mul3A_1016 : i32
        %add3A_1018 = arith.constant 112 : i32
        %add3A_1019 = arith.addi %mul3A_1017, %add3A_1018 : i32
        %get3A_1020 = arith.index_cast %add3A_1019 : i32 to index
        %get3A_1021 = tpu.vector_load %arg7[%get3A_1020] {strides = array<i32>} : memref<10368xi32, #tpu.memory_space<vmem>>, vector<16xi32>,
        %masked_sort3A_1022 = arith.constant dense<true> : vector<16xi1>
        %masked_sort3A_1023 = arith.constant -2147483648 : i32
        %masked_sort3A_1024 = vector.broadcast %masked_sort3A_1023 : i32 to vector<16xi32>
        %masked_sort3A_1025 = arith.xori %get3A_1021, %masked_sort3A_1024 : vector<16xi32>
        %masked_sort3A_1026, %masked_sort3A_1027, %masked_sort3A_1028 = tpu.sort %masked_sort3A_1025, %get3A_1021 masked %masked_sort3A_1022 : (vector<16xi32>, vector<16xi32>, vector<16xi1>) -> (vector<16xi1>, vector<16xi32>, vector<16xi32>)
        %masked_sort3A_1029 = arith.xori %masked_sort3A_1027, %masked_sort3A_1024 : vector<16xi32>
        %add3A_1030 = arith.constant 15 : i32
        %add3A_1031 = vector.broadcast %add3A_1030 : i32 to vector<16xi32>
        %add3A_1032 = arith.addi %iota3A, %add3A_1031 : vector<16xi32>
        %and3A_1033 = arith.constant 15 : i32
        %and3A_1034 = vector.broadcast %and3A_1033 : i32 to vector<16xi32>
        %and3A_1035 = arith.andi %add3A_1032, %and3A_1034 : vector<16xi32>
        %lt3A_1036 = arith.constant 0 : i32
        %lt3A_1037 = vector.broadcast %lt3A_1036 : i32 to vector<16xi32>
        %lt3A_1038 = arith.cmpi slt, %and3A_1035, %lt3A_1037 : vector<16xi32>
        %add3A_1039 = arith.constant 16 : i32
        %add3A_1040 = vector.broadcast %add3A_1039 : i32 to vector<16xi32>
        %add3A_1041 = arith.addi %and3A_1035, %add3A_1040 : vector<16xi32>
        %select_n3A_1042 = arith.select %lt3A_1038, %add3A_1041, %and3A_1035 : vector<16xi1>, vector<16xi32>
        %broadcast_in_dim3A_1043 = vector.shape_cast %select_n3A_1042 : vector<16xi32> to vector<16x1xi32>
        %gather3A_1044 = vector.shape_cast %broadcast_in_dim3A_1043 : vector<16x1xi32> to vector<16xi32>
        %gather3A_1045 = tpu.dynamic_gather %masked_sort3A_1029[%gather3A_1044] in [0] : vector<16xi32>, vector<16xi32> -> vector<16xi32>
        %add3A_1046 = arith.constant 1 : i32
        %add3A_1047 = vector.broadcast %add3A_1046 : i32 to vector<16xi32>
        %add3A_1048 = arith.addi %iota3A, %add3A_1047 : vector<16xi32>
        %and3A_1049 = arith.constant 15 : i32
        %and3A_1050 = vector.broadcast %and3A_1049 : i32 to vector<16xi32>
        %and3A_1051 = arith.andi %add3A_1048, %and3A_1050 : vector<16xi32>
        %lt3A_1052 = arith.constant 0 : i32
        %lt3A_1053 = vector.broadcast %lt3A_1052 : i32 to vector<16xi32>
        %lt3A_1054 = arith.cmpi slt, %and3A_1051, %lt3A_1053 : vector<16xi32>
        %add3A_1055 = arith.constant 16 : i32
        %add3A_1056 = vector.broadcast %add3A_1055 : i32 to vector<16xi32>
        %add3A_1057 = arith.addi %and3A_1051, %add3A_1056 : vector<16xi32>
        %select_n3A_1058 = arith.select %lt3A_1054, %add3A_1057, %and3A_1051 : vector<16xi1>, vector<16xi32>
        %broadcast_in_dim3A_1059 = vector.shape_cast %select_n3A_1058 : vector<16xi32> to vector<16x1xi32>
        %gather3A_1060 = vector.shape_cast %broadcast_in_dim3A_1059 : vector<16x1xi32> to vector<16xi32>
        %gather3A_1061 = tpu.dynamic_gather %masked_sort3A_1029[%gather3A_1060] in [0] : vector<16xi32>, vector<16xi32> -> vector<16xi32>
        %eq3A_1062 = arith.constant 0 : i32
        %eq3A_1063 = vector.broadcast %eq3A_1062 : i32 to vector<16xi32>
        %eq3A_1064 = arith.cmpi eq, %iota3A, %eq3A_1063 : vector<16xi32>
        %ne3A_1065 = arith.cmpi ne, %masked_sort3A_1029, %gather3A_1045 : vector<16xi32>
        %or3A_1066 = arith.ori %eq3A_1064, %ne3A_1065 : vector<16xi1>
        %jit3A_1067 = arith.constant 0 : i32
        %broadcast_in_dim3A_1068 = vector.broadcast %jit3A_1067 : i32 to vector<16xi32>
        %select_n3A_1069 = arith.select %or3A_1066, %iota3A, %broadcast_in_dim3A_1068 : vector<16xi1>, vector<16xi32>
        %broadcast_in_dim3A_1070 = arith.constant true
        %broadcast_in_dim3A_1071 = vector.broadcast %broadcast_in_dim3A_1070 : i1 to vector<16xi1>
        %masked_cummax3A_1072 = arith.constant -2147483648 : i32
        %masked_cummax3A_1073 = vector.broadcast %masked_cummax3A_1072 : i32 to vector<16xi32>
        %masked_cummax3A_1074 = arith.xori %select_n3A_1069, %masked_cummax3A_1073 : vector<16xi32>
        %masked_cummax3A_1075 = tpu.scan <max>, %masked_cummax3A_1074 masked %broadcast_in_dim3A_1071 : vector<16xi32>, vector<16xi1> -> vector<16xi32>
        %masked_cummax3A_1076 = arith.xori %masked_cummax3A_1075, %masked_cummax3A_1073 : vector<16xi32>
        %eq3A_1077 = arith.constant 15 : i32
        %eq3A_1078 = vector.broadcast %eq3A_1077 : i32 to vector<16xi32>
        %eq3A_1079 = arith.cmpi eq, %iota3A, %eq3A_1078 : vector<16xi32>
        %ne3A_1080 = arith.cmpi ne, %masked_sort3A_1029, %gather3A_1061 : vector<16xi32>
        %or3A_1081 = arith.ori %eq3A_1079, %ne3A_1080 : vector<16xi1>
        %ne3A_1082 = arith.constant 2047 : i32
        %ne3A_1083 = vector.broadcast %ne3A_1082 : i32 to vector<16xi32>
        %ne3A_1084 = arith.cmpi ne, %masked_sort3A_1029, %ne3A_1083 : vector<16xi32>
        %and3A_1085 = arith.andi %or3A_1081, %ne3A_1084 : vector<16xi1>
        %sub3A_1086 = arith.subi %iota3A, %masked_cummax3A_1076 : vector<16xi32>
        %add3A_1087 = arith.constant 1 : i32
        %add3A_1088 = vector.broadcast %add3A_1087 : i32 to vector<16xi32>
        %add3A_1089 = arith.addi %sub3A_1086, %add3A_1088 : vector<16xi32>
        %convert_element_type3A_1090 = arith.sitofp %add3A_1089 : vector<16xi32> to vector<16xf32>
        %and3A_1091 = arith.constant 15 : i32
        %and3A_1092 = vector.broadcast %and3A_1091 : i32 to vector<16xi32>
        %and3A_1093 = arith.andi %masked_sort3A_1029, %and3A_1092 : vector<16xi32>
        %shift_right_arithmetic3A_1094 = arith.constant 4 : i32
        %shift_right_arithmetic3A_1095 = vector.broadcast %shift_right_arithmetic3A_1094 : i32 to vector<16xi32>
        %shift_right_arithmetic3A_1096 = arith.shrsi %masked_sort3A_1029, %shift_right_arithmetic3A_1095 : vector<16xi32>
        tpu.vector_store_idx %arg13[%and3A_1093, %shift_right_arithmetic3A_1096], %convert_element_type3A_1090 masked %and3A_1085 {add = true} : memref<16x128xf32, #tpu.memory_space<vmem>>[vector<16xi32>, vector<16xi32>], vector<16xf32>, vector<16xi1>
        %mul3A_1097 = arith.constant 128 : i32
        %mul3A_1098 = arith.muli %add3A_447, %mul3A_1097 : i32
        %multiple_of3A = tpu.assume_multiple %mul3A_1098, 8 : i32
        %dma_wait3A = tpu.memref_slice %arg8[%multiple_of3A] : memref<10368xi32, #tpu.memory_space<vmem>> -> memref<128xi32, #tpu.memory_space<vmem>>
        %dma_wait3A_1099 = arith.constant 0 : i32
        %dma_wait3A_1100 = arith.constant 0 : i32
        %dma_wait3A_1101 = tpu.memref_slice %arg2[%dma_wait3A_1099, %dma_wait3A_1100] : memref<10000x128xf32, #tpu.memory_space<hbm>> -> memref<10000x128xf32, #tpu.memory_space<hbm>>
        tpu.wait_indirect_dma semaphore(%arg17 : memref<!tpu.dma_semaphore, #tpu.memory_space<semaphore_mem>>) src(%dma_wait3A_1101 : memref<10000x128xf32, #tpu.memory_space<hbm>>) dst(%arg12 : memref<128x128xf32, #tpu.memory_space<vmem>>)
        %add3A_1102 = arith.constant 3 : i32
        %add3A_1103 = arith.addi %add3A_447, %add3A_1102 : i32
        %sub3A_1104 = arith.constant 1 : i32
        %sub3A_1105 = arith.subi %add3A_1103, %sub3A_1104 : i32
        %lt3A_1106 = arith.cmpi slt, %sub3A_1105, %select_n3A_132 : i32
        %convert_element_type3A_1107 = arith.extui %lt3A_1106 : i1 to i32
        %cond3A_1108 = arith.constant 0 : i32
        %cond3A_1109 = arith.cmpi ne, %convert_element_type3A_1107, %cond3A_1108 : i32
        scf.if %cond3A_1109 {
          %ge3A_1115 = arith.constant 1 : i32
          %ge3A_1116 = arith.cmpi sge, %add3A_447, %ge3A_1115 : i32
          %convert_element_type3A_1117 = arith.extui %ge3A_1116 : i1 to i32
          %cond3A_1118 = arith.constant 0 : i32
          %cond3A_1119 = arith.cmpi ne, %convert_element_type3A_1117, %cond3A_1118 : i32
          scf.if %cond3A_1119 {
            %dma_wait3A_1131 = arith.constant 0 : i32
            %dma_wait3A_1132 = arith.constant 0 : i32
            %dma_wait3A_1133 = tpu.memref_slice %arg9[%dma_wait3A_1131, %dma_wait3A_1132] : memref<80x128xi32, #tpu.memory_space<vmem>> -> memref<1x128xi32, #tpu.memory_space<vmem>>
            %dma_wait3A_1134 = tpu.memref_squeeze %dma_wait3A_1133 : memref<1x128xi32, #tpu.memory_space<vmem>> -> memref<128xi32, #tpu.memory_space<vmem>>
            %dma_wait3A_1135 = arith.constant 0 : i32
            %dma_wait3A_1136 = arith.constant 0 : i32
            %dma_wait3A_1137 = tpu.memref_slice %arg21[%dma_wait3A_1135, %dma_wait3A_1136] : memref<2048x128xf32, #tpu.memory_space<vmem_shared>> -> memref<2048x128xf32, #tpu.memory_space<vmem_shared>>
            tpu.wait_indirect_dma semaphore(%arg19 : memref<!tpu.dma_semaphore, #tpu.memory_space<semaphore_mem>>) src(%arg11 : memref<128x128xf32, #tpu.memory_space<vmem>>) dst(%dma_wait3A_1137 : memref<2048x128xf32, #tpu.memory_space<vmem_shared>>)
          } else {
          }
          %add3A_1120 = arith.constant 3 : i32
          %add3A_1121 = arith.addi %add3A_447, %add3A_1120 : i32
          %sub3A_1122 = arith.constant 1 : i32
          %sub3A_1123 = arith.subi %add3A_1121, %sub3A_1122 : i32
          %mul3A_1124 = arith.constant 128 : i32
          %mul3A_1125 = arith.muli %sub3A_1123, %mul3A_1124 : i32
          %multiple_of3A_1126 = tpu.assume_multiple %mul3A_1125, 8 : i32
          %dma_start3A_1127 = tpu.memref_slice %arg8[%multiple_of3A_1126] : memref<10368xi32, #tpu.memory_space<vmem>> -> memref<128xi32, #tpu.memory_space<vmem>>
          %dma_start3A_1128 = arith.constant 0 : i32
          %dma_start3A_1129 = arith.constant 0 : i32
          %dma_start3A_1130 = tpu.memref_slice %arg2[%dma_start3A_1128, %dma_start3A_1129] : memref<10000x128xf32, #tpu.memory_space<hbm>> -> memref<10000x128xf32, #tpu.memory_space<hbm>>
          tpu.enqueue_indirect_dma source(%dma_start3A_1130 : memref<10000x128xf32, #tpu.memory_space<hbm>>) target(%arg11 : memref<128x128xf32, #tpu.memory_space<vmem>>) offsets(%dma_start3A_1127 : memref<128xi32, #tpu.memory_space<vmem>>) semaphore(%arg16 : memref<!tpu.dma_semaphore, #tpu.memory_space<semaphore_mem>>)
        } else {
        }
        %dma_start3A = arith.constant 0 : i32
        %dma_start3A_1110 = tpu.memref_slice %arg9[%add3A_447, %dma_start3A] : memref<80x128xi32, #tpu.memory_space<vmem>> -> memref<1x128xi32, #tpu.memory_space<vmem>>
        %dma_start3A_1111 = tpu.memref_squeeze %dma_start3A_1110 : memref<1x128xi32, #tpu.memory_space<vmem>> -> memref<128xi32, #tpu.memory_space<vmem>>
        %dma_start3A_1112 = arith.constant 0 : i32
        %dma_start3A_1113 = arith.constant 0 : i32
        %dma_start3A_1114 = tpu.memref_slice %arg21[%dma_start3A_1112, %dma_start3A_1113] : memref<2048x128xf32, #tpu.memory_space<vmem_shared>> -> memref<2048x128xf32, #tpu.memory_space<vmem_shared>>
        tpu.enqueue_indirect_dma source(%arg12 : memref<128x128xf32, #tpu.memory_space<vmem>>) target(%dma_start3A_1114 : memref<2048x128xf32, #tpu.memory_space<vmem_shared>>) offsets(%dma_start3A_1111 : memref<128xi32, #tpu.memory_space<vmem>>) semaphore(%arg20 : memref<!tpu.dma_semaphore, #tpu.memory_space<semaphore_mem>>) {add = true}
      } else {
      }
      %while3A_452 = arith.constant 0 : i32
      scf.yield %while3A_452 : i32
    }
    %ge3A = arith.constant 1 : i32
    "tpu.trace_stop"() : () -> ()
    %ge3A_194 = arith.cmpi sge, %select_n3A_132, %ge3A : i32
    %sub3A_195 = arith.constant 1 : i32
    %sub3A_196 = arith.subi %select_n3A_132, %sub3A_195 : i32
    %jit3A_197 = arith.constant 3 : i32
    %eq3A_198 = arith.constant 0 : i32
    %eq3A_199 = arith.cmpi eq, %jit3A_197, %eq3A_198 : i32
    %jit3A_200 = arith.constant 1 : i32
    %select_n3A_201 = arith.select %eq3A_199, %jit3A_200, %jit3A_197 : i32
    %rem3A_202 = arith.remsi %sub3A_196, %select_n3A_201 : i32
    %ne3A_203 = arith.constant 0 : i32
    %ne3A_204 = arith.cmpi ne, %rem3A_202, %ne3A_203 : i32
    %lt3A_205 = arith.constant 0 : i32
    %lt3A_206 = arith.cmpi slt, %rem3A_202, %lt3A_205 : i32
    %lt3A_207 = arith.constant 0 : i32
    %lt3A_208 = arith.cmpi slt, %select_n3A_201, %lt3A_207 : i32
    %ne3A_209 = arith.xori %lt3A_206, %lt3A_208 : i1
    %and3A_210 = arith.andi %ne3A_209, %ne3A_204 : i1
    %add3A_211 = arith.addi %rem3A_202, %select_n3A_201 : i32
    %select_n3A_212 = arith.select %and3A_210, %add3A_211, %rem3A_202 : i32
    %eq3A_213 = arith.constant 0 : i32
    %eq3A_214 = arith.cmpi eq, %select_n3A_212, %eq3A_213 : i32
    %and3A_215 = arith.andi %ge3A_194, %eq3A_214 : i1
    %or3A = arith.constant false
    %or3A_216 = arith.ori %or3A, %and3A_215 : i1
    %ge3A_217 = arith.constant 2 : i32
    %ge3A_218 = arith.cmpi sge, %select_n3A_132, %ge3A_217 : i32
    %sub3A_219 = arith.constant 2 : i32
    %sub3A_220 = arith.subi %select_n3A_132, %sub3A_219 : i32
    %jit3A_221 = arith.constant 3 : i32
    %eq3A_222 = arith.constant 0 : i32
    %eq3A_223 = arith.cmpi eq, %jit3A_221, %eq3A_222 : i32
    %jit3A_224 = arith.constant 1 : i32
    %select_n3A_225 = arith.select %eq3A_223, %jit3A_224, %jit3A_221 : i32
    %rem3A_226 = arith.remsi %sub3A_220, %select_n3A_225 : i32
    %ne3A_227 = arith.constant 0 : i32
    %ne3A_228 = arith.cmpi ne, %rem3A_226, %ne3A_227 : i32
    %lt3A_229 = arith.constant 0 : i32
    %lt3A_230 = arith.cmpi slt, %rem3A_226, %lt3A_229 : i32
    %lt3A_231 = arith.constant 0 : i32
    %lt3A_232 = arith.cmpi slt, %select_n3A_225, %lt3A_231 : i32
    %ne3A_233 = arith.xori %lt3A_230, %lt3A_232 : i1
    %and3A_234 = arith.andi %ne3A_233, %ne3A_228 : i1
    %add3A_235 = arith.addi %rem3A_226, %select_n3A_225 : i32
    %select_n3A_236 = arith.select %and3A_234, %add3A_235, %rem3A_226 : i32
    %eq3A_237 = arith.constant 0 : i32
    %eq3A_238 = arith.cmpi eq, %select_n3A_236, %eq3A_237 : i32
    %and3A_239 = arith.andi %ge3A_218, %eq3A_238 : i1
    %or3A_240 = arith.ori %or3A_216, %and3A_239 : i1
    %ge3A_241 = arith.constant 3 : i32
    %ge3A_242 = arith.cmpi sge, %select_n3A_132, %ge3A_241 : i32
    %sub3A_243 = arith.constant 3 : i32
    %sub3A_244 = arith.subi %select_n3A_132, %sub3A_243 : i32
    %jit3A_245 = arith.constant 3 : i32
    %eq3A_246 = arith.constant 0 : i32
    %eq3A_247 = arith.cmpi eq, %jit3A_245, %eq3A_246 : i32
    %jit3A_248 = arith.constant 1 : i32
    %select_n3A_249 = arith.select %eq3A_247, %jit3A_248, %jit3A_245 : i32
    %rem3A_250 = arith.remsi %sub3A_244, %select_n3A_249 : i32
    %ne3A_251 = arith.constant 0 : i32
    %ne3A_252 = arith.cmpi ne, %rem3A_250, %ne3A_251 : i32
    %lt3A_253 = arith.constant 0 : i32
    %lt3A_254 = arith.cmpi slt, %rem3A_250, %lt3A_253 : i32
    %lt3A_255 = arith.constant 0 : i32
    %lt3A_256 = arith.cmpi slt, %select_n3A_249, %lt3A_255 : i32
    %ne3A_257 = arith.xori %lt3A_254, %lt3A_256 : i1
    %and3A_258 = arith.andi %ne3A_257, %ne3A_252 : i1
    %add3A_259 = arith.addi %rem3A_250, %select_n3A_249 : i32
    %select_n3A_260 = arith.select %and3A_258, %add3A_259, %rem3A_250 : i32
    %eq3A_261 = arith.constant 0 : i32
    %eq3A_262 = arith.cmpi eq, %select_n3A_260, %eq3A_261 : i32
    %and3A_263 = arith.andi %ge3A_242, %eq3A_262 : i1
    %or3A_264 = arith.ori %or3A_240, %and3A_263 : i1
    %convert_element_type3A_265 = arith.extui %or3A_264 : i1 to i32
    %cond3A_266 = arith.constant 0 : i32
    %cond3A_267 = arith.cmpi ne, %convert_element_type3A_265, %cond3A_266 : i32
    scf.if %cond3A_267 {
      %dma_wait3A = arith.constant 0 : i32
      %dma_wait3A_426 = arith.constant 0 : i32
      %dma_wait3A_427 = tpu.memref_slice %arg9[%dma_wait3A, %dma_wait3A_426] : memref<80x128xi32, #tpu.memory_space<vmem>> -> memref<1x128xi32, #tpu.memory_space<vmem>>
      %dma_wait3A_428 = tpu.memref_squeeze %dma_wait3A_427 : memref<1x128xi32, #tpu.memory_space<vmem>> -> memref<128xi32, #tpu.memory_space<vmem>>
      %dma_wait3A_429 = arith.constant 0 : i32
      %dma_wait3A_430 = arith.constant 0 : i32
      %dma_wait3A_431 = tpu.memref_slice %arg21[%dma_wait3A_429, %dma_wait3A_430] : memref<2048x128xf32, #tpu.memory_space<vmem_shared>> -> memref<2048x128xf32, #tpu.memory_space<vmem_shared>>
      tpu.wait_indirect_dma semaphore(%arg18 : memref<!tpu.dma_semaphore, #tpu.memory_space<semaphore_mem>>) src(%arg10 : memref<128x128xf32, #tpu.memory_space<vmem>>) dst(%dma_wait3A_431 : memref<2048x128xf32, #tpu.memory_space<vmem_shared>>)
    } else {
    }
    %ge3A_268 = arith.constant 1 : i32
    %ge3A_269 = arith.cmpi sge, %select_n3A_132, %ge3A_268 : i32
    %sub3A_270 = arith.constant 1 : i32
    %sub3A_271 = arith.subi %select_n3A_132, %sub3A_270 : i32
    %jit3A_272 = arith.constant 3 : i32
    %eq3A_273 = arith.constant 0 : i32
    %eq3A_274 = arith.cmpi eq, %jit3A_272, %eq3A_273 : i32
    %jit3A_275 = arith.constant 1 : i32
    %select_n3A_276 = arith.select %eq3A_274, %jit3A_275, %jit3A_272 : i32
    %rem3A_277 = arith.remsi %sub3A_271, %select_n3A_276 : i32
    %ne3A_278 = arith.constant 0 : i32
    %ne3A_279 = arith.cmpi ne, %rem3A_277, %ne3A_278 : i32
    %lt3A_280 = arith.constant 0 : i32
    %lt3A_281 = arith.cmpi slt, %rem3A_277, %lt3A_280 : i32
    %lt3A_282 = arith.constant 0 : i32
    %lt3A_283 = arith.cmpi slt, %select_n3A_276, %lt3A_282 : i32
    %ne3A_284 = arith.xori %lt3A_281, %lt3A_283 : i1
    %and3A_285 = arith.andi %ne3A_284, %ne3A_279 : i1
    %add3A_286 = arith.addi %rem3A_277, %select_n3A_276 : i32
    %select_n3A_287 = arith.select %and3A_285, %add3A_286, %rem3A_277 : i32
    %eq3A_288 = arith.constant 1 : i32
    %eq3A_289 = arith.cmpi eq, %select_n3A_287, %eq3A_288 : i32
    %and3A_290 = arith.andi %ge3A_269, %eq3A_289 : i1
    %or3A_291 = arith.constant false
    %or3A_292 = arith.ori %or3A_291, %and3A_290 : i1
    %ge3A_293 = arith.constant 2 : i32
    %ge3A_294 = arith.cmpi sge, %select_n3A_132, %ge3A_293 : i32
    %sub3A_295 = arith.constant 2 : i32
    %sub3A_296 = arith.subi %select_n3A_132, %sub3A_295 : i32
    %jit3A_297 = arith.constant 3 : i32
    %eq3A_298 = arith.constant 0 : i32
    %eq3A_299 = arith.cmpi eq, %jit3A_297, %eq3A_298 : i32
    %jit3A_300 = arith.constant 1 : i32
    %select_n3A_301 = arith.select %eq3A_299, %jit3A_300, %jit3A_297 : i32
    %rem3A_302 = arith.remsi %sub3A_296, %select_n3A_301 : i32
    %ne3A_303 = arith.constant 0 : i32
    %ne3A_304 = arith.cmpi ne, %rem3A_302, %ne3A_303 : i32
    %lt3A_305 = arith.constant 0 : i32
    %lt3A_306 = arith.cmpi slt, %rem3A_302, %lt3A_305 : i32
    %lt3A_307 = arith.constant 0 : i32
    %lt3A_308 = arith.cmpi slt, %select_n3A_301, %lt3A_307 : i32
    %ne3A_309 = arith.xori %lt3A_306, %lt3A_308 : i1
    %and3A_310 = arith.andi %ne3A_309, %ne3A_304 : i1
    %add3A_311 = arith.addi %rem3A_302, %select_n3A_301 : i32
    %select_n3A_312 = arith.select %and3A_310, %add3A_311, %rem3A_302 : i32
    %eq3A_313 = arith.constant 1 : i32
    %eq3A_314 = arith.cmpi eq, %select_n3A_312, %eq3A_313 : i32
    %and3A_315 = arith.andi %ge3A_294, %eq3A_314 : i1
    %or3A_316 = arith.ori %or3A_292, %and3A_315 : i1
    %ge3A_317 = arith.constant 3 : i32
    %ge3A_318 = arith.cmpi sge, %select_n3A_132, %ge3A_317 : i32
    %sub3A_319 = arith.constant 3 : i32
    %sub3A_320 = arith.subi %select_n3A_132, %sub3A_319 : i32
    %jit3A_321 = arith.constant 3 : i32
    %eq3A_322 = arith.constant 0 : i32
    %eq3A_323 = arith.cmpi eq, %jit3A_321, %eq3A_322 : i32
    %jit3A_324 = arith.constant 1 : i32
    %select_n3A_325 = arith.select %eq3A_323, %jit3A_324, %jit3A_321 : i32
    %rem3A_326 = arith.remsi %sub3A_320, %select_n3A_325 : i32
    %ne3A_327 = arith.constant 0 : i32
    %ne3A_328 = arith.cmpi ne, %rem3A_326, %ne3A_327 : i32
    %lt3A_329 = arith.constant 0 : i32
    %lt3A_330 = arith.cmpi slt, %rem3A_326, %lt3A_329 : i32
    %lt3A_331 = arith.constant 0 : i32
    %lt3A_332 = arith.cmpi slt, %select_n3A_325, %lt3A_331 : i32
    %ne3A_333 = arith.xori %lt3A_330, %lt3A_332 : i1
    %and3A_334 = arith.andi %ne3A_333, %ne3A_328 : i1
    %add3A_335 = arith.addi %rem3A_326, %select_n3A_325 : i32
    %select_n3A_336 = arith.select %and3A_334, %add3A_335, %rem3A_326 : i32
    %eq3A_337 = arith.constant 1 : i32
    %eq3A_338 = arith.cmpi eq, %select_n3A_336, %eq3A_337 : i32
    %and3A_339 = arith.andi %ge3A_318, %eq3A_338 : i1
    %or3A_340 = arith.ori %or3A_316, %and3A_339 : i1
    %convert_element_type3A_341 = arith.extui %or3A_340 : i1 to i32
    %cond3A_342 = arith.constant 0 : i32
    %cond3A_343 = arith.cmpi ne, %convert_element_type3A_341, %cond3A_342 : i32
    scf.if %cond3A_343 {
      %dma_wait3A = arith.constant 0 : i32
      %dma_wait3A_426 = arith.constant 0 : i32
      %dma_wait3A_427 = tpu.memref_slice %arg9[%dma_wait3A, %dma_wait3A_426] : memref<80x128xi32, #tpu.memory_space<vmem>> -> memref<1x128xi32, #tpu.memory_space<vmem>>
      %dma_wait3A_428 = tpu.memref_squeeze %dma_wait3A_427 : memref<1x128xi32, #tpu.memory_space<vmem>> -> memref<128xi32, #tpu.memory_space<vmem>>
      %dma_wait3A_429 = arith.constant 0 : i32
      %dma_wait3A_430 = arith.constant 0 : i32
      %dma_wait3A_431 = tpu.memref_slice %arg21[%dma_wait3A_429, %dma_wait3A_430] : memref<2048x128xf32, #tpu.memory_space<vmem_shared>> -> memref<2048x128xf32, #tpu.memory_space<vmem_shared>>
      tpu.wait_indirect_dma semaphore(%arg19 : memref<!tpu.dma_semaphore, #tpu.memory_space<semaphore_mem>>) src(%arg11 : memref<128x128xf32, #tpu.memory_space<vmem>>) dst(%dma_wait3A_431 : memref<2048x128xf32, #tpu.memory_space<vmem_shared>>)
    } else {
    }
    %ge3A_344 = arith.constant 1 : i32
    %ge3A_345 = arith.cmpi sge, %select_n3A_132, %ge3A_344 : i32
    %sub3A_346 = arith.constant 1 : i32
    %sub3A_347 = arith.subi %select_n3A_132, %sub3A_346 : i32
    %jit3A_348 = arith.constant 3 : i32
    %eq3A_349 = arith.constant 0 : i32
    %eq3A_350 = arith.cmpi eq, %jit3A_348, %eq3A_349 : i32
    %jit3A_351 = arith.constant 1 : i32
    %select_n3A_352 = arith.select %eq3A_350, %jit3A_351, %jit3A_348 : i32
    %rem3A_353 = arith.remsi %sub3A_347, %select_n3A_352 : i32
    %ne3A_354 = arith.constant 0 : i32
    %ne3A_355 = arith.cmpi ne, %rem3A_353, %ne3A_354 : i32
    %lt3A_356 = arith.constant 0 : i32
    %lt3A_357 = arith.cmpi slt, %rem3A_353, %lt3A_356 : i32
    %lt3A_358 = arith.constant 0 : i32
    %lt3A_359 = arith.cmpi slt, %select_n3A_352, %lt3A_358 : i32
    %ne3A_360 = arith.xori %lt3A_357, %lt3A_359 : i1
    %and3A_361 = arith.andi %ne3A_360, %ne3A_355 : i1
    %add3A_362 = arith.addi %rem3A_353, %select_n3A_352 : i32
    %select_n3A_363 = arith.select %and3A_361, %add3A_362, %rem3A_353 : i32
    %eq3A_364 = arith.constant 2 : i32
    %eq3A_365 = arith.cmpi eq, %select_n3A_363, %eq3A_364 : i32
    %and3A_366 = arith.andi %ge3A_345, %eq3A_365 : i1
    %or3A_367 = arith.constant false
    %or3A_368 = arith.ori %or3A_367, %and3A_366 : i1
    %ge3A_369 = arith.constant 2 : i32
    %ge3A_370 = arith.cmpi sge, %select_n3A_132, %ge3A_369 : i32
    %sub3A_371 = arith.constant 2 : i32
    %sub3A_372 = arith.subi %select_n3A_132, %sub3A_371 : i32
    %jit3A_373 = arith.constant 3 : i32
    %eq3A_374 = arith.constant 0 : i32
    %eq3A_375 = arith.cmpi eq, %jit3A_373, %eq3A_374 : i32
    %jit3A_376 = arith.constant 1 : i32
    %select_n3A_377 = arith.select %eq3A_375, %jit3A_376, %jit3A_373 : i32
    %rem3A_378 = arith.remsi %sub3A_372, %select_n3A_377 : i32
    %ne3A_379 = arith.constant 0 : i32
    %ne3A_380 = arith.cmpi ne, %rem3A_378, %ne3A_379 : i32
    %lt3A_381 = arith.constant 0 : i32
    %lt3A_382 = arith.cmpi slt, %rem3A_378, %lt3A_381 : i32
    %lt3A_383 = arith.constant 0 : i32
    %lt3A_384 = arith.cmpi slt, %select_n3A_377, %lt3A_383 : i32
    %ne3A_385 = arith.xori %lt3A_382, %lt3A_384 : i1
    %and3A_386 = arith.andi %ne3A_385, %ne3A_380 : i1
    %add3A_387 = arith.addi %rem3A_378, %select_n3A_377 : i32
    %select_n3A_388 = arith.select %and3A_386, %add3A_387, %rem3A_378 : i32
    %eq3A_389 = arith.constant 2 : i32
    %eq3A_390 = arith.cmpi eq, %select_n3A_388, %eq3A_389 : i32
    %and3A_391 = arith.andi %ge3A_370, %eq3A_390 : i1
    %or3A_392 = arith.ori %or3A_368, %and3A_391 : i1
    %ge3A_393 = arith.constant 3 : i32
    %ge3A_394 = arith.cmpi sge, %select_n3A_132, %ge3A_393 : i32
    %sub3A_395 = arith.constant 3 : i32
    %sub3A_396 = arith.subi %select_n3A_132, %sub3A_395 : i32
    %jit3A_397 = arith.constant 3 : i32
    %eq3A_398 = arith.constant 0 : i32
    %eq3A_399 = arith.cmpi eq, %jit3A_397, %eq3A_398 : i32
    %jit3A_400 = arith.constant 1 : i32
    %select_n3A_401 = arith.select %eq3A_399, %jit3A_400, %jit3A_397 : i32
    %rem3A_402 = arith.remsi %sub3A_396, %select_n3A_401 : i32
    %ne3A_403 = arith.constant 0 : i32
    %ne3A_404 = arith.cmpi ne, %rem3A_402, %ne3A_403 : i32
    %lt3A_405 = arith.constant 0 : i32
    %lt3A_406 = arith.cmpi slt, %rem3A_402, %lt3A_405 : i32
    %lt3A_407 = arith.constant 0 : i32
    %lt3A_408 = arith.cmpi slt, %select_n3A_401, %lt3A_407 : i32
    %ne3A_409 = arith.xori %lt3A_406, %lt3A_408 : i1
    %and3A_410 = arith.andi %ne3A_409, %ne3A_404 : i1
    %add3A_411 = arith.addi %rem3A_402, %select_n3A_401 : i32
    %select_n3A_412 = arith.select %and3A_410, %add3A_411, %rem3A_402 : i32
    %eq3A_413 = arith.constant 2 : i32
    %eq3A_414 = arith.cmpi eq, %select_n3A_412, %eq3A_413 : i32
    %and3A_415 = arith.andi %ge3A_394, %eq3A_414 : i1
    %or3A_416 = arith.ori %or3A_392, %and3A_415 : i1
    %convert_element_type3A_417 = arith.extui %or3A_416 : i1 to i32
    %cond3A_418 = arith.constant 0 : i32
    %cond3A_419 = arith.cmpi ne, %convert_element_type3A_417, %cond3A_418 : i32
    scf.if %cond3A_419 {
      %dma_wait3A = arith.constant 0 : i32
      %dma_wait3A_426 = arith.constant 0 : i32
      %dma_wait3A_427 = tpu.memref_slice %arg9[%dma_wait3A, %dma_wait3A_426] : memref<80x128xi32, #tpu.memory_space<vmem>> -> memref<1x128xi32, #tpu.memory_space<vmem>>
      %dma_wait3A_428 = tpu.memref_squeeze %dma_wait3A_427 : memref<1x128xi32, #tpu.memory_space<vmem>> -> memref<128xi32, #tpu.memory_space<vmem>>
      %dma_wait3A_429 = arith.constant 0 : i32
      %dma_wait3A_430 = arith.constant 0 : i32
      %dma_wait3A_431 = tpu.memref_slice %arg21[%dma_wait3A_429, %dma_wait3A_430] : memref<2048x128xf32, #tpu.memory_space<vmem_shared>> -> memref<2048x128xf32, #tpu.memory_space<vmem_shared>>
      tpu.wait_indirect_dma semaphore(%arg20 : memref<!tpu.dma_semaphore, #tpu.memory_space<semaphore_mem>>) src(%arg12 : memref<128x128xf32, #tpu.memory_space<vmem>>) dst(%dma_wait3A_431 : memref<2048x128xf32, #tpu.memory_space<vmem_shared>>)
    } else {
    }
    "tpu.trace_start"() <{level = 10 : i32, message = "sc_barrier2"}> : () -> ()
    %barrier3A_420 = arith.constant 0 : index
    tpu.barrier barrier_id(%barrier3A_420)
    "tpu.trace_stop"() : () -> ()
    "tpu.trace_start"() <{level = 10 : i32, message = "sc_copyout"}> : () -> ()
    "tpu.region"() ({
      %run_scoped3A = tpu.sem_alloc : memref<!tpu.dma_semaphore, #tpu.memory_space<semaphore_mem>>
      %dma_start3A = arith.constant 0 : i32
      %dma_start3A_426 = arith.constant 0 : i32
      %dma_start3A_427 = tpu.memref_slice %arg5[%add3A, %dma_start3A, %dma_start3A_426] : memref<32x16x128xf32, #tpu.memory_space<hbm>> -> memref<1x16x128xf32, #tpu.memory_space<hbm>>
      %dma_start3A_428 = tpu.memref_squeeze %dma_start3A_427 : memref<1x16x128xf32, #tpu.memory_space<hbm>> -> memref<16x128xf32, #tpu.memory_space<hbm>>
      %dma_start3A_429 = arith.constant 0 : i32
      %dma_start3A_430 = arith.constant 0 : i32
      %dma_start3A_431 = tpu.memref_slice %arg5[%add3A, %dma_start3A_429, %dma_start3A_430] : memref<32x16x128xf32, #tpu.memory_space<hbm>> -> memref<1x16x128xf32, #tpu.memory_space<hbm>>
      %dma_start3A_432 = tpu.memref_squeeze %dma_start3A_431 : memref<1x16x128xf32, #tpu.memory_space<hbm>> -> memref<16x128xf32, #tpu.memory_space<hbm>>
      tpu.enqueue_dma source(%arg13 : memref<16x128xf32, #tpu.memory_space<vmem>>) target(%dma_start3A_432 : memref<16x128xf32, #tpu.memory_space<hbm>>) target_semaphore(%run_scoped3A : memref<!tpu.dma_semaphore, #tpu.memory_space<semaphore_mem>>)
      %dma_wait3A = arith.constant 0 : i32
      %dma_wait3A_433 = arith.constant 0 : i32
      %dma_wait3A_434 = tpu.memref_slice %arg5[%add3A, %dma_wait3A, %dma_wait3A_433] : memref<32x16x128xf32, #tpu.memory_space<hbm>> -> memref<1x16x128xf32, #tpu.memory_space<hbm>>
      %dma_wait3A_435 = tpu.memref_squeeze %dma_wait3A_434 : memref<1x16x128xf32, #tpu.memory_space<hbm>> -> memref<16x128xf32, #tpu.memory_space<hbm>>
      %dma_wait3A_436 = arith.constant 0 : i32
      %dma_wait3A_437 = arith.constant 0 : i32
      %dma_wait3A_438 = tpu.memref_slice %arg5[%add3A, %dma_wait3A_436, %dma_wait3A_437] : memref<32x16x128xf32, #tpu.memory_space<hbm>> -> memref<1x16x128xf32, #tpu.memory_space<hbm>>
      %dma_wait3A_439 = tpu.memref_squeeze %dma_wait3A_438 : memref<1x16x128xf32, #tpu.memory_space<hbm>> -> memref<16x128xf32, #tpu.memory_space<hbm>>
      tpu.wait_dma2 semaphore(%run_scoped3A : memref<!tpu.dma_semaphore, #tpu.memory_space<semaphore_mem>>) src(%arg13 : memref<16x128xf32, #tpu.memory_space<vmem>>) dst(%dma_wait3A_439 : memref<16x128xf32, #tpu.memory_space<hbm>>)
      tpu.yield
    }) : () -> ()
    %eq3A_421 = arith.constant 0 : i32
    %eq3A_422 = arith.cmpi eq, %arg1, %eq3A_421 : i32
    %convert_element_type3A_423 = arith.extui %eq3A_422 : i1 to i32
    %cond3A_424 = arith.constant 0 : i32
    %cond3A_425 = arith.cmpi ne, %convert_element_type3A_423, %cond3A_424 : i32
    scf.if %cond3A_425 {
      "tpu.region"() ({
        %run_scoped3A = tpu.sem_alloc : memref<!tpu.dma_semaphore, #tpu.memory_space<semaphore_mem>>
        %dma_start3A = arith.constant 0 : i32
        %dma_start3A_426 = arith.constant 0 : i32
        %dma_start3A_427 = tpu.memref_slice %arg4[%arg0, %dma_start3A, %dma_start3A_426] : memref<2x2048x128xf32, #tpu.memory_space<hbm>> -> memref<1x2048x128xf32, #tpu.memory_space<hbm>>
        %dma_start3A_428 = tpu.memref_squeeze %dma_start3A_427 : memref<1x2048x128xf32, #tpu.memory_space<hbm>> -> memref<2048x128xf32, #tpu.memory_space<hbm>>
        tpu.enqueue_dma source(%arg21 : memref<2048x128xf32, #tpu.memory_space<vmem_shared>>) target(%dma_start3A_428 : memref<2048x128xf32, #tpu.memory_space<hbm>>) target_semaphore(%run_scoped3A : memref<!tpu.dma_semaphore, #tpu.memory_space<semaphore_mem>>)
        %dma_wait3A = arith.constant 0 : i32
        %dma_wait3A_429 = arith.constant 0 : i32
        %dma_wait3A_430 = tpu.memref_slice %arg4[%arg0, %dma_wait3A, %dma_wait3A_429] : memref<2x2048x128xf32, #tpu.memory_space<hbm>> -> memref<1x2048x128xf32, #tpu.memory_space<hbm>>
        %dma_wait3A_431 = tpu.memref_squeeze %dma_wait3A_430 : memref<1x2048x128xf32, #tpu.memory_space<hbm>> -> memref<2048x128xf32, #tpu.memory_space<hbm>>
        tpu.wait_dma2 semaphore(%run_scoped3A : memref<!tpu.dma_semaphore, #tpu.memory_space<semaphore_mem>>) src(%arg21 : memref<2048x128xf32, #tpu.memory_space<vmem_shared>>) dst(%dma_wait3A_431 : memref<2048x128xf32, #tpu.memory_space<hbm>>)
        tpu.yield
      }) : () -> ()
    } else {
    }
    "tpu.trace_stop"() : () -> ()
    return
  }
}

module attributes {stable_mosaic.version = 14 : i64} {
  func.func @_prologue_body(%arg0: i32, %arg1: memref<2000x128xf32, #tpu.memory_space<vmem>>, %arg2: memref<2000x1xf32, #tpu.memory_space<vmem>>, %arg3: memref<128x128xf32, #tpu.memory_space<vmem>>, %arg4: memref<2000x128xf32, #tpu.memory_space<vmem>>) attributes {dimension_semantics = [#tpu.dimension_semantics<arbitrary>], iteration_bounds = array<i64: 5>, scalar_prefetch = 0 : i64, scratch_operands = 0 : i64, tpu.core_type = #tpu.core_type<tc>, window_params = [{transform_indices = @transform_0, window_bounds = array<i64: 2000, 128>}, {transform_indices = @transform_1, window_bounds = array<i64: 2000, 1>}, {pipeline_mode = #tpu.pipeline_mode<synchronous>, transform_indices = @transform_2, window_bounds = array<i64: 128, 128>}, {transform_indices = @transform_3, window_bounds = array<i64: 2000, 128>}]} {
    %get3A = arith.constant 0 : index
    %get3A_0 = arith.constant 0 : index
    %get3A_1 = vector.load %arg1[%get3A, %get3A_0] : memref<2000x128xf32, #tpu.memory_space<vmem>>, vector<2000x128xf32>
    %get3A_2 = arith.constant 0 : index
    %get3A_3 = arith.constant 0 : index
    %get3A_4 = vector.load %arg3[%get3A_2, %get3A_3] : memref<128x128xf32, #tpu.memory_space<vmem>>, vector<128x128xf32>
    %dot_general3A = arith.constant dense<0.000000e+00> : vector<2000x128xf32>
    %dot_general3A_5 = tpu.matmul %get3A_1, %get3A_4, %dot_general3A {dimension_numbers = #tpu.dot_dimension_numbers<[1], [0], [0], [1], [0, 0, 1, 1], [], []>, transpose_lhs_hint = false} : vector<2000x128xf32>, vector<128x128xf32>, vector<2000x128xf32> -> vector<2000x128xf32>
    %get3A_6 = arith.constant 0 : index
    %get3A_7 = arith.constant 0 : index
    %get3A_8 = vector.load %arg2[%get3A_6, %get3A_7] : memref<2000x1xf32, #tpu.memory_space<vmem>>, vector<2000x1xf32>
    %div3A = vector.broadcast %get3A_8 : vector<2000x1xf32> to vector<2000x128xf32>
    %div3A_9 = arith.divf %dot_general3A_5, %div3A : vector<2000x128xf32>
    %swap3A = arith.constant 0 : index
    %swap3A_10 = arith.constant 0 : index
    %swap3A_11 = vector.load %arg4[%swap3A, %swap3A_10] : memref<2000x128xf32, #tpu.memory_space<vmem>>, vector<2000x128xf32>
    tpu.vector_store %arg4[%swap3A, %swap3A_10], %div3A_9 {strides = array<i32>} : memref<2000x128xf32, #tpu.memory_space<vmem>>, vector<2000x128xf32>,
    return
  }
  func.func @transform_0(%arg0: i32) -> (i32, i32) {
    %c0_i32 = arith.constant 0 : i32
    %c0_i32_0 = arith.constant 0 : i32
    return %arg0, %c0_i32 : i32, i32
  }
  func.func @transform_1(%arg0: i32) -> (i32, i32) {
    %c0_i32 = arith.constant 0 : i32
    %c0_i32_0 = arith.constant 0 : i32
    return %arg0, %c0_i32 : i32, i32
  }
  func.func @transform_2(%arg0: i32) -> (i32, i32) {
    %c0_i32 = arith.constant 0 : i32
    %c0_i32_0 = arith.constant 0 : i32
    %c0_i32_1 = arith.constant 0 : i32
    return %c0_i32, %c0_i32_0 : i32, i32
  }
  func.func @transform_3(%arg0: i32) -> (i32, i32) {
    %c0_i32 = arith.constant 0 : i32
    %c0_i32_0 = arith.constant 0 : i32
    return %arg0, %c0_i32 : i32, i32
  }
}

module attributes {stable_mosaic.version = 14 : i64} {
  func.func @_epilogue_body(%arg0: memref<2x2048x128xf32, #tpu.memory_space<vmem>>, %arg1: memref<32x16x128xf32, #tpu.memory_space<vmem>>, %arg2: memref<128x128xf32, #tpu.memory_space<vmem>>, %arg3: memref<2000x128xf32, #tpu.memory_space<vmem>>) attributes {dimension_semantics = [], scalar_prefetch = 0 : i64, scratch_operands = 0 : i64, tpu.core_type = #tpu.core_type<tc>} {
    %get3A = arith.constant 0 : index
    %get3A_0 = arith.constant 0 : index
    %get3A_1 = arith.constant 0 : index
    %get3A_2 = vector.load %arg0[%get3A, %get3A_0, %get3A_1] : memref<2x2048x128xf32, #tpu.memory_space<vmem>>, vector<1x2000x128xf32>
    %get3A_3 = vector.shape_cast %get3A_2 : vector<1x2000x128xf32> to vector<2000x128xf32>
    %get3A_4 = arith.constant 1 : index
    %get3A_5 = arith.constant 0 : index
    %get3A_6 = arith.constant 0 : index
    %get3A_7 = vector.load %arg0[%get3A_4, %get3A_5, %get3A_6] : memref<2x2048x128xf32, #tpu.memory_space<vmem>>, vector<1x2000x128xf32>
    %get3A_8 = vector.shape_cast %get3A_7 : vector<1x2000x128xf32> to vector<2000x128xf32>
    %add3A = arith.addf %get3A_3, %get3A_8 : vector<2000x128xf32>
    %get3A_9 = arith.constant 0 : index
    %get3A_10 = arith.constant 0 : index
    %get3A_11 = arith.constant 0 : index
    %get3A_12 = vector.load %arg1[%get3A_9, %get3A_10, %get3A_11] : memref<32x16x128xf32, #tpu.memory_space<vmem>>, vector<32x16x128xf32>
    %reduce_sum3A = arith.constant dense<0.000000e+00> : vector<16x128xf32>
    %reduce_sum3A_13 = vector.multi_reduction <add>, %get3A_12, %reduce_sum3A [0] : vector<32x16x128xf32> to vector<16x128xf32>
    %max3A = arith.constant 1.000000e+00 : f32
    %max3A_14 = vector.broadcast %max3A : f32 to vector<16x128xf32>
    %max3A_15 = arith.maximumf %reduce_sum3A_13, %max3A_14 : vector<16x128xf32>
    %div3A = arith.constant 1.000000e+00 : f32
    %div3A_16 = vector.broadcast %div3A : f32 to vector<16x128xf32>
    %div3A_17 = arith.divf %div3A_16, %max3A_15 : vector<16x128xf32>
    %iota3A = tpu.iota {dimensions = array<i32: 0>} : vector<2000x16xi32>
    %iota3A_18 = tpu.iota {dimensions = array<i32: 1>} : vector<2000x16xi32>
    %and3A = arith.constant 15 : i32
    %and3A_19 = vector.broadcast %and3A : i32 to vector<2000x16xi32>
    %and3A_20 = arith.andi %iota3A, %and3A_19 : vector<2000x16xi32>
    %eq3A = arith.cmpi eq, %and3A_20, %iota3A_18 : vector<2000x16xi32>
    %jit3A = arith.constant 1.000000e+00 : f32
    %jit3A_21 = arith.constant 0.000000e+00 : f32
    %broadcast_in_dim3A = vector.broadcast %jit3A : f32 to vector<2000x16xf32>
    %broadcast_in_dim3A_22 = vector.broadcast %jit3A_21 : f32 to vector<2000x16xf32>
    %select_n3A = arith.select %eq3A, %broadcast_in_dim3A, %broadcast_in_dim3A_22 : vector<2000x16xi1>, vector<2000x16xf32>
    %dot_general3A = arith.constant dense<0.000000e+00> : vector<2000x128xf32>
    %dot_general3A_23 = tpu.matmul %select_n3A, %div3A_17, %dot_general3A {dimension_numbers = #tpu.dot_dimension_numbers<[1], [0], [0], [1], [0, 0, 1, 1], [], []>, precision = #tpu.contract_precision<fp32>, transpose_lhs_hint = false} : vector<2000x16xf32>, vector<16x128xf32>, vector<2000x128xf32> -> vector<2000x128xf32>
    %iota3A_24 = tpu.iota {dimensions = array<i32: 0>} : vector<2000x128xi32>
    %iota3A_25 = tpu.iota {dimensions = array<i32: 1>} : vector<2000x128xi32>
    %shift_right_arithmetic3A = arith.constant 4 : i32
    %shift_right_arithmetic3A_26 = vector.broadcast %shift_right_arithmetic3A : i32 to vector<2000x128xi32>
    %shift_right_arithmetic3A_27 = arith.shrsi %iota3A_24, %shift_right_arithmetic3A_26 : vector<2000x128xi32>
    %eq3A_28 = arith.cmpi eq, %shift_right_arithmetic3A_27, %iota3A_25 : vector<2000x128xi32>
    %jit3A_29 = arith.constant 1.000000e+00 : f32
    %jit3A_30 = arith.constant 0.000000e+00 : f32
    %broadcast_in_dim3A_31 = vector.broadcast %jit3A_29 : f32 to vector<2000x128xf32>
    %broadcast_in_dim3A_32 = vector.broadcast %jit3A_30 : f32 to vector<2000x128xf32>
    %select_n3A_33 = arith.select %eq3A_28, %broadcast_in_dim3A_31, %broadcast_in_dim3A_32 : vector<2000x128xi1>, vector<2000x128xf32>
    %mul3A = arith.mulf %dot_general3A_23, %select_n3A_33 : vector<2000x128xf32>
    %reduce_sum3A_34 = arith.constant dense<0.000000e+00> : vector<2000xf32>
    %reduce_sum3A_35 = vector.multi_reduction <add>, %mul3A, %reduce_sum3A_34 [1] : vector<2000x128xf32> to vector<2000xf32>
    %broadcast_in_dim3A_36 = vector.shape_cast %reduce_sum3A_35 : vector<2000xf32> to vector<2000x1xf32>
    %mul3A_37 = vector.broadcast %broadcast_in_dim3A_36 : vector<2000x1xf32> to vector<2000x128xf32>
    %mul3A_38 = arith.mulf %add3A, %mul3A_37 : vector<2000x128xf32>
    %get3A_39 = arith.constant 0 : index
    %get3A_40 = arith.constant 0 : index
    %get3A_41 = vector.load %arg2[%get3A_39, %get3A_40] : memref<128x128xf32, #tpu.memory_space<vmem>>, vector<128x128xf32>
    %dot_general3A_42 = arith.constant dense<0.000000e+00> : vector<2000x128xf32>
    %dot_general3A_43 = tpu.matmul %mul3A_38, %get3A_41, %dot_general3A_42 {dimension_numbers = #tpu.dot_dimension_numbers<[1], [0], [0], [1], [0, 0, 1, 1], [], []>, transpose_lhs_hint = false} : vector<2000x128xf32>, vector<128x128xf32>, vector<2000x128xf32> -> vector<2000x128xf32>
    %swap3A = arith.constant 0 : index
    %swap3A_44 = arith.constant 0 : index
    %swap3A_45 = vector.load %arg3[%swap3A, %swap3A_44] : memref<2000x128xf32, #tpu.memory_space<vmem>>, vector<2000x128xf32>
    tpu.vector_store %arg3[%swap3A, %swap3A_44], %dot_general3A_43 {strides = array<i32>} : memref<2000x128xf32, #tpu.memory_space<vmem>>, vector<2000x128xf32>,
    return
  }
}

</mosaic_0001>

<sc_bundles>
// kernel: kernel.5.cloned.1.call-start
scs
__scs_entry_jumppad:
0x0: {  	(pc) =	sbr.rel $0x88, $3  }
0x1: {  	(tag) =	ssettag $0x0;
	lr =	simm.s32 $0x1  }
0x2: {  	[smem:$0x3F9C] =	sst lr;
	_ =	strace $0xD0000000  }
0x3: {  	_ = 	snop  }
0x4: {  	_ = 	snop  }
0x5: {  	_ = 	snop  }
0x6: {  	_ = 	snop  }
0x7: {  	_ = 	snop  }
__scs_overlays_trampoline_lowered:
0x8: {  	[smem:$0x3FAB] =	sst s0  }
0x9: {  	[smem:$0x3FAC] =	sst s1  }
0xa: {  	[smem:$0x3FAD] =	sst s2  }
0xb: {  	[smem:$0x3FAE] =	sst s3  }
0xc: {  	[smem:$0x3FAF] =	sst s4  }
0xd: {  	[smem:$0x3FB0] =	sst s5  }
0xe: {  	[smem:$0x3FB1] =	sst s6  }
0xf: {  	[smem:$0x3FB2] =	sst s7  }
0x10: {  	[smem:$0x3FB3] =	sst s8  }
0x11: {  	[smem:$0x3FB4] =	sst s9;
	s0 =	simm.s32 @!p0 $0x0  }
0x12: {  	s1 =	sld [smem:$0x3F9A];
	s0 =	simm.s32 @p0 $0x1  }
0x13: {  	[smem:$0x3FB5] =	sst s0;
	s0 =	simm.s32 @!p1 $0x0  }
0x14: {  	s2 =	sld [smem:$0x3F99];
	s0 =	simm.s32 @p1 $0x1  }
0x15: {  	[smem:$0x3FB6] =	sst s0;
	s0 =	simm.s32 @!p2 $0x0  }
0x16: {  	s3 =	sld [smem:$0x3FDB];
	s0 =	simm.s32 @p2 $0x1  }
0x17: {  	s4 =	simm.s32 $0x1BF5;
	[smem:$0x3FB8] =	sst s0  }
0x18: {  	s0 =	sld [smem:$0x3F9B];
	_ =	swait.ge [sflag:s4], $0x0  }
0x19: {  	s7 =	sld [smem:$0x3F9C]  }
0x1a: {  	s8 =	sadd.s32 $0xFFFFE003, lr  }
0x1b: {  	s9 =	sadd.s32 $0xFFFFFEF7, lr;
	s5 =	simm.s32 $0xFFFFFFFF;
	p2 =	slt.u32 s8, $0xFFFFF086  }
0x1c: {  	p1 =	slt.u32 s9, $0xF7A;
	s5 =	simm.s32 @!p2 $0x0  }
0x1d: {  	s5 =	simm.s32 @p1 $0x1;
	p0 =	seq.s32 s7, s2  }
0x1e: {  	s7 =	smul.u32 @!p0 $0xF7A, s2;
	p2 =	seq.s32 @!p0 s5, $0x0  }
0x1f: {  	s9 =	smul.u32 $0xF7A, s1;
	s8 =	simm.s32 @!p0 $0x1BF5;
	p2 =	por !p2, p0  }
0x20: {  	[sflag:s8] =	ssyncset.s32 @!p0 $0xFFFFF086;
	s6 =	sadd.s32 @!p0 s3, s7;
	s7 =	simm.s32 @!p0 $0x108  }
0x21: {  	s3 =	sadd.s32 s3, s9;
	s6 =	sadd.s32 @!p0 $0x88, s6;
	s7 =	simm.s32 @p2 $0x1082  }
0x22: {  	[simem:s7], [sflag:s8] =	dma.local @!p0 [hbm:s6], $0xF7A  }
0x23: {  	s9 =	sor.u32 $0xD0000000, s2;
	s6 =	simm.s32 $0x108;
	_ =	swait.ge @!p0 [sflag:s8], $0x0  }
0x24: {  	s3 =	sadd.s32 $0x88, s3;
	s6 =	simm.s32 @!p1 $0x1082;
	[sflag:s4] =	ssyncset.s32 $0xFFFFF086  }
0x25: {  	[simem:s6], [sflag:s4] =	dma.local [hbm:s3], $0xF7A  }
0x26: {  	[smem:$0x3F9C] =	sst s1;
	(tag) =	ssettag s2;
	_ =	strace s9  }
0x27: {  	s1 =	sld [smem:$0x3FAC]  }
0x28: {  	s2 =	sld [smem:$0x3FAD]  }
0x29: {  	s4 =	sld [smem:$0x3FAF]  }
0x2a: {  	p0 =	seq.s32 s5, $0x0;
	s5 =	sld [smem:$0x3FB0]  }
0x2b: {  	s6 =	sld [smem:$0x3FB1]  }
0x2c: {  	s7 =	sld [smem:$0x3FB2]  }
0x2d: {  	s3 =	simm.s32 $0x108;
	s8 =	sld [smem:$0x3FB3]  }
0x2e: {  	s3 =	simm.s32 @!p0 $0x1082;
	s9 =	sld [smem:$0x3FB4]  }
0x2f: {  	lr =	sadd.s32 s0, s3;
	s0 =	sld [smem:$0x3FAB]  }
0x30: {  	s3 =	sld [smem:$0x3FAE]  }
0x31: {  	[smem:$0x3FB7] =	sst s10  }
0x32: {  	s10 =	sld [smem:$0x3FB5];
	_ =	sdelay $0x3  }
0x33: {  	p0 =	seq.s32 s10, $0x1;
	s10 =	sld [smem:$0x3FB7];
	_ =	sdelay $0x3  }
0x34: {  	[smem:$0x3FB7] =	sst s10  }
0x35: {  	s10 =	sld [smem:$0x3FB6];
	_ =	sdelay $0x3  }
0x36: {  	p1 =	seq.s32 s10, $0x1;
	s10 =	sld [smem:$0x3FB7];
	_ =	sdelay $0x3  }
0x37: {  	[smem:$0x3FB7] =	sst s10  }
0x38: {  	s10 =	sld [smem:$0x3FB8]  }
0x39: {  	_ = 	snop;
	(pc) =	sbr.ind lr, $3  }
0x3a: {  	_ = 	snop  }
0x3b: {  	_ = 	snop  }
0x3c: {  	p2 =	seq.s32 s10, $0x1;
	s10 =	sld [smem:$0x3FB7]  }
0x3d: {  	_ =	shalt  }
0x3e: {  	_ =	shalt  }
0x3f: {  	_ =	shalt  }
0x40: {  	_ =	shalt  }
0x41: {  	_ =	shalt  }
0x42: {  	_ =	shalt  }
0x43: {  	_ =	shalt  }
0x44: {  	_ =	shalt  }
0x45: {  	_ =	shalt  }
0x46: {  	_ =	shalt  }
0x47: {  	_ =	shalt  }
0x48: {  	_ =	shalt  }
0x49: {  	_ =	shalt  }
0x4a: {  	_ =	shalt  }
0x4b: {  	_ =	shalt  }
0x4c: {  	_ =	shalt  }
0x4d: {  	_ =	shalt  }
0x4e: {  	_ =	shalt  }
0x4f: {  	_ =	shalt  }
0x50: {  	_ =	shalt  }
0x51: {  	_ =	shalt  }
0x52: {  	_ =	shalt  }
0x53: {  	_ =	shalt  }
0x54: {  	_ =	shalt  }
0x55: {  	_ =	shalt  }
0x56: {  	_ =	shalt  }
0x57: {  	_ =	shalt  }
0x58: {  	_ =	shalt  }
0x59: {  	_ =	shalt  }
0x5a: {  	_ =	shalt  }
0x5b: {  	_ =	shalt  }
0x5c: {  	_ =	shalt  }
0x5d: {  	_ =	shalt  }
0x5e: {  	_ =	shalt  }
0x5f: {  	_ =	shalt  }
0x60: {  	_ =	shalt  }
0x61: {  	_ =	shalt  }
0x62: {  	_ =	shalt  }
0x63: {  	_ =	shalt  }
0x64: {  	_ =	shalt  }
0x65: {  	_ =	shalt  }
0x66: {  	_ =	shalt  }
0x67: {  	_ =	shalt  }
0x68: {  	_ =	shalt  }
0x69: {  	_ =	shalt  }
0x6a: {  	_ =	shalt  }
0x6b: {  	_ =	shalt  }
0x6c: {  	_ =	shalt  }
0x6d: {  	_ =	shalt  }
0x6e: {  	_ =	shalt  }
0x6f: {  	_ =	shalt  }
0x70: {  	_ =	shalt  }
0x71: {  	_ =	shalt  }
0x72: {  	_ =	shalt  }
0x73: {  	_ =	shalt  }
0x74: {  	_ =	shalt  }
0x75: {  	_ =	shalt  }
0x76: {  	_ =	shalt  }
0x77: {  	_ =	shalt  }
0x78: {  	_ =	shalt  }
0x79: {  	_ =	shalt  }
0x7a: {  	_ =	shalt  }
0x7b: {  	_ =	shalt  }
0x7c: {  	_ =	shalt  }
0x7d: {  	_ =	shalt  }
0x7e: {  	_ =	shalt  }
0x7f: {  	_ =	shalt  }
0x80: {  	_ =	shalt  }
0x81: {  	_ =	shalt  }
0x82: {  	_ =	shalt  }
0x83: {  	_ =	shalt  }
0x84: {  	_ =	shalt  }
0x85: {  	_ =	shalt  }
0x86: {  	_ =	shalt  }
0x87: {  	_ =	shalt  }
.Lfunc_end0:
.L_simem_size_0:
called_computation_lowered:
.L_overlay_start_0:
0x88: {  	s2 =	sld [smem:$0x3FD9]  }
0x89: {  	s3 =	sld [smem:$0x3FFE];
	_ =	sdelay $0x1  }
0x8a: {  	s1 =	srdreg.scid  }
0x8b: {  	s0 =	sand.u32 $0x1, s1  }
0x8c: {  	s17 =	sshll.u32 s0, $0xA;
	s2 =	sadd.s32 s3, s2  }
0x8d: {  	s2 =	sadd.s32 s2, s17  }
0x8e: {  	[smem:$0x3FC3] =	sst s2  }
0x8f: {  	_ = 	snop  }
0x90: {  	s2 =	sld [smem:$0x3FC8]  }
0x91: {  	s18 =	sld [smem:$0x3FD0];
	(tm) =	ssettm $0x1  }
0x92: {  	s4 =	sld [smem:$0x3FFB];
	_ =	sdelay $0x3  }
0x93: {  	_ =	strace s4  }
0x94: {  	s4 =	sld [smem:$0x3FFC];
	_ =	sdelay $0x3  }
0x95: {  	_ =	strace s4  }
0x96: {  	s4 =	sld [smem:$0x3FFD];
	_ =	sdelay $0x3  }
0x97: {  	_ =	strace s4  }
0x98: {  	_ =	strace $0x8FFFFFFF  }
0x99: {  	s19 =	sld [smem:$0x3FDB];
	_ =	sdelay $0x1  }
0x9a: {  	s5 =	simm.s32 $_scs_section_size  }
0x9b: {  	s6 =	simm.s32 $_size__tile_overlayer_lowered;
	s7 =	simm.s32 $_tile_overlayer_lowered  }
0x9c: {  	s22 =	simm.s32 $0x1BFF;
	s21 =	sshll.u32 s7, $0x1;
	s4 =	sadd.s32 s5, s19  }
0x9d: {  	s8 =	simm.s32 $0x0;
	s20 =	sshll.u32 s6, $0x1;
	s6 =	sadd.s32 s21, s4  }
0x9e: {  	[timem:s8], [sflag:s22] =	dma.local [hbm:s6], s20  }
0x9f: {  	_ =	swait.ge [sflag:s22], s20  }
0xa0: {  	s5 =	ssub.s32 $0x0, s20;
	[sflag:s22] =	ssyncset.done $0x0  }
0xa1: {  	[sflag:s22] =	ssyncadd.s32 s5;
	_ =	sdelay $0x1  }
0xa2: {  	s23 =	simm.s32 $0x1B8B  }
0xa3: {  	_ =	swait.ge [sflag:s23], $0x1  }
0xa4: {  	[sflag:s23] =	ssyncset.done $0x0  }
0xa5: {  	s25 =	simm.s32 $0x1B8E;
	s24 =	sld [smem:$0x3FFE];
	[sflag:s23] =	ssyncadd.s32 $0xFFFFFFFF  }
0xa6: {  	s26 =	simm.s32 $execute0_lowered;
	[smem:$0x3FD2] =	sst s25  }
0xa7: {  	s6 =	sshll.u32 s26, $0x1;
	_ =	strace $0x80000046;
	[dreg:$0x1] =	wrdreg $0xFFFFFFFF  }
0xa8: {  	s28 =	simm.s32 $_size_execute0_lowered;
	s4 =	sadd.s32 s4, s6;
	[dreg:$0x0] =	wrdreg $0x0  }
0xa9: {  	s6 =	sshll.u32 s28, $0x1;
	[dreg:$0x2] =	wrdreg s4  }
0xaa: {  	[dreg:$0x3] =	wrdreg s6  }
0xab: {  	[dreg:$0x4] =	wrdreg $0xC0  }
0xac: {  	_ =	task [dreg:s8], $0x5FFFF  }
0xad: {  	[dreg:$0x1] =	wrdreg $0xFFFFFFFF  }
0xae: {  	[dreg:$0x0] =	wrdreg $0x60  }
0xaf: {  	[dreg:$0x2] =	wrdreg s24  }
0xb0: {  	[dreg:$0x3] =	wrdreg s2  }
0xb1: {  	[dreg:$0x4] =	wrdreg s18  }
0xb2: {  	[dreg:$0x5] =	wrdreg $0x190800  }
0xb3: {  	[dreg:$0x6] =	wrdreg $0x9  }
0xb4: {  	_ =	task.clear_ibuf [dreg:s8], $0x7FFFF;
	_ =	strace $0x90000046  }
0xb5: {  	s29 =	simm.s32 $0x9;
	_ =	strace $0x80000050  }
0xb6: {  	_ =	swait.ge [sflag:s29], $0x1  }
0xb7: {  	[sflag:s29] =	ssyncadd.s32 $0xFFFFFFFF  }
0xb8: {  	_ =	strace $0x90000050  }
0xb9: {  	_ =	sfence  }
0xba: {  	s30 =	sld [smem:$0x0];
	_ =	sdelay $0x2  }
0xbb: {  	s31 =	sshll.u32 s1, $0xD;
	s1 =	sshrl.u32 s1, $0x2  }
0xbc: {  	s3 =	sand.u32 $0x4000, s31;
	s1 =	sadd.s32 s1, s30  }
0xbd: {  	s0 =	sor.u32 s3, s0;
	s1 =	sshll.u32 s1, $0x11  }
0xbe: {  	s0 =	sor.u32 s1, s0  }
0xbf: {  	s0 =	sadd.s32 $0x8F2B, s0  }
0xc0: {  	[sflag:s0] =	ssyncadd.remote.s32 $0x1  }
0xc1: {  	_ =	sfence.sel $0xFFFF  }
0xc2: {  	[dreg:$0x0] =	wrdreg $0xFFFFFFFF;
	(pc) =	sbr.abs _section_cstart, $3  }
0xc3: {  	[dreg:$0x1] =	wrdreg $0xFFFFFFFF  }
0xc4: {  	_ =	task.clear_ibuf [dreg:s8], $0x2FFFF;
	_ =	strace $0x9FFFFFFF  }
0xc5: {  	(tm) =	ssettm $0x7FFFFFFF  }
tec
execute0_lowered:
.L_overlay_start_1:
0x0: {  	(tag) =	ssettag $0x1  }
0x1: {  	s4 =	rddreg [dreg:$0x0]  }
0x2: {  	s6 =	rddreg [dreg:$0x1]  }
0x3: {  	s7 =	rddreg [dreg:$0x2]  }
0x4: {  	s1 =	rddreg [dreg:$0x3]  }
0x5: {  	s2 =	simm.s32 $0x0;
	s5 =	srdreg.scid;
	s24 =	stileid.u32  }
0x6: {  	s13 =	simm.s32 $0x7780;
	s14 =	simm.s32 $0x1;
	s15 =	simm.s32 $0x80  }
0x7: {  	s16 =	simm.s32 $0x18800;
	s17 =	simm.s32 $0x2;
	s18 =	simm.s32 $0x10800  }
0x8: {  	s19 =	simm.s32 $0x3;
	s20 =	simm.s32 $0x14800;
	s23 =	simm.s32 $0x6  }
0x9: {  	v1 =	vimm.s32 $0xEDCBA987;
	v0 =	vimm.f32 $0.0e+00;
	v2 =	vimm.s32 $0xFEDCBA9;
	[smem:$0x7FF] =	sst s2;
	s3 =	sadd.s32 $0x1400, s4;
	s5 =	sand.u32 $0x1, s5  }
0xa: {  	v4 =	vimm.s32 $0x87654321;
	vm0 =	vcmask $0x3F3C;
	s8 =	sshll.u32 s24, $0x1;
	s30 =	sshll.u32 s24, $0xE;
	v3 =	vunpack.c.l.s4.s8 v1;
	p1 =	sne.s32 s24, $0x0  }
0xb: {  	v1 =	vimm.s32 $0x6543210F;
	v6 =	vunpack.c.l.s4.s8 v2;
	v4 =	vunpack.c.l.s4.s8 v4;
	s24 =	simm.s32 $0x0;
	_ =	strace $0x80000047;
	s9 =	sshll.u32 s5, $0xF  }
0xc: {  	v2 =	vlaneseq.u32;
	s10 =	ssub.s32 $0x2, s5;
	s11 =	sor.u32 s5, s8;
	v5 =	vunpack.c.l.s4.s8 v1;
	v1 =	vimm.s32 $0x0;
	s0 =	simm.s32 @!p1 $0x0  }
0xd: {  	v13 =	vor.u32 $0x80000000, v2;
	v14 =	vadd.s32 $0x1, v2;
	s29 =	sshrl.u32 s10, $0x1;
	s12 =	smul.u32 $0x9E0, s11;
	s9 =	sadd.s32 s9, s4;
	v7 =	vunpack.c.0.s8.s32 v3  }
.Ltmp0:
0xe: {  	s4 =	sadd.s32 s30, s1;
	s31 =	sshll.u32 s11, $0x8;
	v9 =	vunpack.c.0.s8.s32 v6;
	v10 =	vunpack.c.0.s8.s32 v4;
	v8 =	vunpack.c.0.s8.s32 v5;
	(pc) =	sbr.rel .LBB2_1-.Ltmp0, $4  }
0xf: {  	p0 =	seq.s32 s11, $0x1F;
	s11 =	simm.s32 $0x7;
	v3 =	vimm.s32 $0x7FF;
	v4 =	vor.u32 $0x10, v2;
	v6 =	vor.u32 $0x30, v2;
	s0 =	simm.s32 @p1 $0x1  }
0x10: {  	s10 =	ssub.s32 s10, s29;
	s7 =	sadd.s32 s7, s31;
	s8 =	sadd.s32 $0x28600, s9;
	v5 =	vor.u32 $0x20, v2;
	v12 =	vcombine.low v10, v9;
	v11 =	vcombine.low v8, v7  }
0x11: {  	[smem:$0x7FD] =	sst s0;
	s5 =	sadd.s32 s6, s12;
	s6 =	sadd.s32 $0x13220, s6;
	v9 =	vor.u32 $0x60, v2;
	v10 =	vor.u32 $0x70, v2;
	v7 =	vor.u32 $0x40, v2  }
0x12: {  	s9 =	smax.u32 s10, $0x1;
	s10 =	simm.s32 $0xC800;
	s12 =	simm.s32 $0x4F00;
	v8 =	vor.u32 $0x50, v2;
	v12 =	vand.u32 $0xF, v12;
	v11 =	vand.u32 $0xF, v11  }
.LBB2_23:
0x13: {  	s0 =	sadd.s32 $0xFFFFFFFF, s25  }
0x14: {  	s21 =	smulhi.u32 $0x55555556, s0;
	s26 =	sshra.s32 s0, $0x1F  }
0x15: {  	s29 =	sadd.s32 $0xFFFFFFFE, s25;
	s30 =	sadd.s32 $0xFFFFFFFD, s25;
	s26 =	smul.u32 $0x55555556, s26  }
0x16: {  	s28 =	smulhi.u32 $0x55555556, s29;
	s31 =	sshra.s32 s30, $0x1F  }
0x17: {  	s22 =	sshra.s32 s29, $0x1F;
	s31 =	smul.u32 $0x55555556, s31;
	s21 =	sadd.s32 s26, s21  }
0x18: {  	s22 =	smul.u32 $0x55555556, s22;
	s26 =	sshrl.u32 s21, $0x1F  }
0x19: {  	s21 =	sadd.s32 s26, s21;
	s26 =	smulhi.u32 $0x55555556, s30  }
0x1a: {  	s21 =	smul.u32 $0x3, s21  }
0x1b: {  	s31 =	sadd.s32 s31, s26  }
0x1c: {  	s26 =	ssub.s32 s0, s21;
	s0 =	sadd.s32 s22, s28;
	s28 =	sshrl.u32 s31, $0x1F  }
0x1d: {  	p3 =	slt.s32 s26, $0x0;
	s21 =	sadd.s32 s28, s31;
	s22 =	sshrl.u32 s0, $0x1F  }
0x1e: {  	s0 =	sadd.s32 s22, s0;
	s22 =	sadd.s32 $0x3, s26;
	s21 =	smul.u32 $0x3, s21  }
0x1f: {  	s26 =	smov.u32 @p3 s22;
	s0 =	smul.u32 $0x3, s0  }
0x20: {  	p3 =	sgt.s32 s25, $0x0;
	s28 =	ssub.s32 s30, s21;
	p5 =	seq.s32 s26, $0x0  }
0x21: {  	s29 =	ssub.s32 s29, s0;
	p4 =	slt.s32 s28, $0x0;
	s0 =	sadd.s32 $0x3, s28  }
0x22: {  	p6 =	slt.s32 s29, $0x0;
	s28 =	smov.u32 @p4 s0;
	s0 =	sadd.s32 $0x3, s29  }
0x23: {  	p4 =	sgt.s32 s25, $0x2;
	s29 =	smov.u32 @p6 s0;
	p6 =	seq.s32 s28, $0x0  }
0x24: {  	p5 =	por !p3, !p5;
	p1 =	seq.s32 s29, $0x0;
	p6 =	por !p4, !p6  }
0x25: {  	p5 =	por !p5, !p5;
	p1 =	por !p1, !p2;
	p6 =	por !p6, !p6  }
0x26: {  	p1 =	por !p1, !p1;
	p5 =	por p6, p5  }
0x27: {  	p1 =	por p5, p1  }
0x28: {  	_ =	strace $0x9000004D;
	s0 =	simm.s32 @p1 $0x4  }
0x29: {  	p5 =	seq.s32 s28, $0x1;
	_ =	swait.ge @p1 [sflag:s0], $0x4000  }
0x2a: {  	p6 =	seq.s32 s26, $0x1;
	p5 =	por !p4, !p5;
	[sflag:s0] =	ssyncset.done @p1 $0x0  }
0x2b: {  	[sflag:s0] =	ssyncadd.s32 @p1 $0xFFFFC000;
	p1 =	por !p3, !p6;
	p6 =	seq.s32 s29, $0x1  }
0x2c: {  	p5 =	por !p5, !p5;
	p1 =	por !p1, !p1;
	p6 =	por !p6, !p2  }
0x2d: {  	p6 =	por !p6, !p6;
	p1 =	por p5, p1  }
0x2e: {  	p1 =	por p1, p6  }
0x2f: {  	s0 =	simm.s32 @p1 $0x5  }
0x30: {  	p5 =	seq.s32 s28, $0x2;
	_ =	swait.ge @p1 [sflag:s0], $0x4000  }
0x31: {  	p6 =	seq.s32 s26, $0x2;
	p4 =	por !p4, !p5;
	[sflag:s0] =	ssyncset.done @p1 $0x0  }
0x32: {  	[sflag:s0] =	ssyncadd.s32 @p1 $0xFFFFC000;
	p1 =	por !p3, !p6;
	p6 =	seq.s32 s29, $0x2  }
0x33: {  	p1 =	por !p1, !p1;
	p5 =	por !p6, !p2;
	p6 =	por !p4, !p4  }
0x34: {  	p2 =	por !p5, !p5;
	p1 =	por p6, p1  }
0x35: {  	p1 =	por p1, p2  }
0x36: {  	_ =	swait.ge @p1 [sflag:s23], $0x4000  }
0x37: {  	[sflag:s23] =	ssyncset.done @p1 $0x0  }
0x38: {  	[sflag:s23] =	ssyncadd.s32 @p1 $0xFFFFC000  }
0x39: {  	_ =	strace $0x8000004E  }
0x3a: {  	[bflag:$0x0] =	sbarrier.arrive $0xFFFF  }
0x3b: {  	_ =	strace $0x9000004E  }
0x3c: {  	_ =	strace $0x8000004F  }
0x3d: {  	[hbm4b:s7+s2] =	stream.linear.scatter [tilespmem:s16], [sflag:$0x7], $0x800, $0x200038;
	[tilespmem:$0x1D080] =	vst v63  }
0x3e: {  	_ =	swait.ge [sflag:s11], $0x800  }
0x3f: {  	s31 =	sld [smem:$0x7FD];
	_ =	sdelay $0x2  }
0x40: {  	[sflag:s11] =	ssyncset.done $0x0;
	p1 =	seq.s32 s31, $0x1  }
0x41: {  	[sflag:s11] =	ssyncadd.s32 $0xFFFFF800;
	s0 =	sshrl.u32 @!p1 s1, $0x3;
	s21 =	simm.s32 @!p1 $0x1C07  }
0x42: {  	[hbm:s8], [sflag:s21] =	dma.local @!p1 [spmem:s0], $0x8000  }
0x43: {  	s0 =	simm.s32 @!p1 $0x7  }
0x44: {  	_ =	swait.ge @!p1 [sflag:s0], $0x8000  }
0x45: {  	s24 =	sadd.s32 $0x1, s24;
	[sflag:s0] =	ssyncset.done @!p1 $0x0  }
0x46: {  	[sflag:s0] =	ssyncadd.s32 @!p1 $0xFFFF8000;
	p1 =	sne.s32 s24, s9  }
.Ltmp1:
0x47: {  	_ = 	snop;
	(pc) =	sbr.rel @!p1 .LBB2_24-.Ltmp1, $2  }
0x48: {  	_ =	sdelay $0x2  }
0x49: {  	_ =	strace $0x9000004F  }
.LBB2_1:
0x4a: {  	s25 =	simm.s32 $0xC840  }
0x4b: {  	_ =	strace $0x80000048;
	[tilespmem:s25+$0xFFFFFFD0] =	vst v0  }
0x4c: {  	[tilespmem:s25+$0xFFFFFFE0] =	vst v0  }
0x4d: {  	[tilespmem:s25+$0xFFFFFFF0] =	vst v0  }
0x4e: {  	[tilespmem:s25+$0x0] =	vst v0  }
0x4f: {  	[tilespmem:s25+$0x10] =	vst v0  }
0x50: {  	[tilespmem:s25+$0x20] =	vst v0  }
0x51: {  	[tilespmem:s25+$0x30] =	vst v0  }
0x52: {  	s28 =	sand.u32 $0x7F0, s2;
	s26 =	simm.s32 $0x10;
	[tilespmem:s25+$0xFFFFFFC0] =	vst v0  }
.LBB2_2:
0x53: {  	p2 =	sne.s32 s26, $0x7F0;
	[tilespmem:s28+$0x18800] =	vst v0;
	s25 =	sadd.s32 $0x80, s25  }
0x54: {  	[tilespmem:s25+$0xFFFFFFD0] =	vst v0  }
0x55: {  	[tilespmem:s25+$0xFFFFFFE0] =	vst v0  }
0x56: {  	[tilespmem:s25+$0xFFFFFFF0] =	vst v0  }
.Ltmp2:
0x57: {  	[tilespmem:s25+$0x0] =	vst v0;
	(pc) =	sbr.rel @p2 .LBB2_2-.Ltmp2, $4  }
0x58: {  	[tilespmem:s25+$0x10] =	vst v0  }
0x59: {  	[tilespmem:s25+$0x20] =	vst v0  }
0x5a: {  	[tilespmem:s25+$0x30] =	vst v0  }
0x5b: {  	s28 =	sand.u32 $0x7F0, s26;
	s26 =	sadd.s32 $0x10, s26;
	[tilespmem:s25+$0xFFFFFFC0] =	vst v0  }
0x5c: {  	[tilespmem:s28+$0x18800] =	vst v0  }
0x5d: {  	[spmem:s4] =	stream.linear.scatter [tilespmem:s10], [sflag:$0x7], $0x4000, $0x200038;
	[tilespmem:$0x1D080] =	vst v63  }
0x5e: {  	_ =	swait.ge [sflag:s11], $0x4000  }
0x5f: {  	[sflag:s11] =	ssyncset.done $0x0  }
0x60: {  	[sflag:s11] =	ssyncadd.s32 $0xFFFFC000  }
0x61: {  	_ =	strace $0x90000048  }
0x62: {  	s25 =	simm.s32 @p0 $0x0;
	_ =	strace $0x80000049  }
0x63: {  	[tilespmem:s25], [sflag:$0x7] =	stream.linear.gather @p0 [hbm4b:s6+s25], $0x3300, $0x200038;
	[tilespmem:$0x1D080] =	vst v63  }
0x64: {  	s25 =	simm.s32 @p0 $0x7  }
0x65: {  	_ =	swait.ge @p0 [sflag:s25], $0x3300  }
0x66: {  	[sflag:s25] =	ssyncset.done @p0 $0x0  }
0x67: {  	[sflag:s25] =	ssyncadd.s32 @p0 $0xFFFFCD00;
	s25 =	simm.s32 @!p0 $0x0  }
0x68: {  	[tilespmem:s25], [sflag:$0x7] =	stream.linear.gather @!p0 [hbm4b:s5+s25], $0x4F00, $0x200038;
	[tilespmem:$0x1D080] =	vst v63  }
0x69: {  	s25 =	simm.s32 @!p0 $0x7  }
0x6a: {  	_ =	swait.ge @!p0 [sflag:s25], $0x4F00  }
0x6b: {  	[sflag:s25] =	ssyncset.done @!p0 $0x0  }
0x6c: {  	[sflag:s25] =	ssyncadd.s32 @!p0 $0xFFFFB100;
	s25 =	simm.s32 @!p0 $0x278  }
0x6d: {  	s25 =	simm.s32 @p0 $0x198  }
0x6e: {  	s25 =	sshll.u32 s25, $0x4  }
0x6f: {  	p3 =	sne.s32 s25, $0x10  }
.Ltmp3:
0x70: {  	_ = 	snop;
	(pc) =	sbr.rel @!p3 .LBB2_4-.Ltmp3, $4  }
0x71: {  	_ = 	snop  }
0x72: {  	s26 =	simm.s32 $0x0  }
0x73: {  	s29 =	simm.s32 $0x10;
	p2 =	por $0x0, $0x0;
	_ =	strace $0x90000049;
	[tilespmem:$0x19000] =	vst v1  }
0x74: {  	s30 =	sand.u32 $0x70, s26;
	s31 =	sand.u32 $0xFFFFFF00, s26;
	_ =	strace $0x8000004A  }
0x75: {  	s26 =	sor.u32 s30, s31  }
0x76: {  	v15 =	vld [tilespmem:s26+$0x80];
	_ =	sdelay $0x4  }
0x77: {  	vm1 =	vgt.s32 v15, $0x1F3F  }
0x78: {  	v16 =	vsel vm1, $0x1, v1  }
0x79: {  	(xrf0) =	vadd.scan.msk.s32 $0xffff, v16;
	_ =	sdelay $0x1  }
0x7a: {  	v16 =	vld [tilespmem:$0x19000];
	_ =	sdelay $0x3  }
0x7b: {  	v17, _, _ =	vpop (xrf0)  }
0x7c: {  	v17 =	vadd.s32 v17, v16  }
0x7d: {  	v17 =	vadd.s32 $0xFFFFFFFF, v17  }
0x7e: {  	p3 =	sne.s32 s25, $0x20;
	v18 =	vld [tilespmem:s26+$0x0]  }
.Ltmp4:
0x7f: {  	_ = 	snop;
	(pc) =	sbr.rel @!p3 .LBB2_7-.Ltmp4, $4  }
0x80: {  	_ = 	snop  }
0x81: {  	v15 =	vadd.s32 $0xFFFFE0C0, v15;
	v19 =	vmpcnt.ones.xlane vm1  }
0x82: {  	s28 =	simm.s32 $0x20;
	s30 =	sand.u32 $0x70, s29;
	[tilespmem:v17+s12+$0x0] =	vst.idx.msk vm1, v15  }
0x83: {  	p2 =	por $0x1, $0x1;
	s26 =	simm.s32 $0x20;
	s31 =	sand.u32 $0xFFFFFF00, s28;
	v15 =	vadd.s32 v16, v19;
	[tilespmem:v17+s13+$0x0] =	vst.idx.msk vm1, v18  }
.LBB2_6:
0x84: {  	s29 =	sor.u32 s30, s31;
	[tilespmem:$0x19000] =	vst v15;
	s30 =	smov.u32 s26;
	s26 =	sadd.s32 $0x10, s26  }
0x85: {  	p3 =	sne.s32 s25, s26;
	v16 =	vld [tilespmem:s29+$0x80];
	_ =	sdelay $0x4  }
0x86: {  	vm1 =	vgt.s32 v16, $0x1F3F  }
0x87: {  	v15 =	vsel vm1, $0x1, v1;
	v17 =	vmpcnt.ones.xlane vm1  }
0x88: {  	(xrf0) =	vadd.scan.msk.s32 $0xffff, v15;
	_ =	sdelay $0x1  }
0x89: {  	v15 =	vld [tilespmem:$0x19000];
	_ =	sdelay $0x3  }
0x8a: {  	v18, _, _ =	vpop (xrf0)  }
0x8b: {  	v18 =	vadd.s32 v18, v15;
	v15 =	vadd.s32 v15, v17  }
0x8c: {  	v17 =	vadd.s32 $0xFFFFFFFF, v18  }
0x8d: {  	v18 =	vld [tilespmem:s29+$0x0]  }
.Ltmp5:
0x8e: {  	(pc) =	sbr.rel @p3 .LBB2_6-.Ltmp5, $4  }
0x8f: {  	_ = 	snop  }
0x90: {  	v16 =	vadd.s32 $0xFFFFE0C0, v16  }
0x91: {  	s28 =	sadd.s32 $0x20, s28;
	[tilespmem:v17+s12+$0x0] =	vst.idx.msk vm1, v16  }
0x92: {  	s30 =	sand.u32 $0x70, s30;
	s31 =	sand.u32 $0xFFFFFF00, s28;
	[tilespmem:v17+s13+$0x0] =	vst.idx.msk vm1, v18  }
.LBB2_7:
0x93: {  	s25 =	sor.u32 s30, s31;
	[tilespmem:$0x19000] =	vst @p2 v15  }
0x94: {  	v15 =	vld [tilespmem:s25+$0x80];
	_ =	sdelay $0x4  }
0x95: {  	vm1 =	vgt.s32 v15, $0x1F3F  }
0x96: {  	v16 =	vsel vm1, $0x1, v1  }
0x97: {  	(xrf0) =	vadd.scan.msk.s32 $0xffff, v16;
	_ =	sdelay $0x1  }
0x98: {  	v55 =	vld [tilespmem:$0x19000];
	_ =	sdelay $0x3  }
0x99: {  	v17, _, _ =	vpop (xrf0)  }
0x9a: {  	v17 =	vadd.s32 v17, v55  }
0x9b: {  	v17 =	vadd.s32 $0xFFFFFFFF, v17  }
0x9c: {  	v18 =	vld [tilespmem:s25+$0x0];
	_ =	sdelay $0x2  }
0x9d: {  	v15 =	vadd.s32 $0xFFFFE0C0, v15;
	v19 =	vmpcnt.ones.xlane vm1  }
0x9e: {  	[tilespmem:v17+s12+$0x0] =	vst.idx.msk vm1, v15  }
0x9f: {  	v15 =	vadd.s32 v55, v19;
	[tilespmem:v17+s13+$0x0] =	vst.idx.msk vm1, v18  }
0xa0: {  	[tilespmem:$0x19000] =	vst v15  }
0xa1: {  	_ =	strace $0x9000004A  }
0xa2: {  	v15 =	vld [tilespmem:$0x19000];
	_ =	sdelay $0x4  }
0xa3: {  	v56 =	vxor.u32 $0x80000000, v15  }
0xa4: {  	(xrf0) =	vmax.scan.msk.u32 $0xffff, v56;
	_ =	sdelay $0x5  }
0xa5: {  	v16, _, _ =	vpop (xrf0)  }
0xa6: {  	(v2sf) =	vpush v16, $0xF;
	_ =	sdelay $0x6  }
0xa7: {  	v57 =	vadd.s32 v2, v15;
	_ =	sdelay $0x1  }
0xa8: {  	v58 =	vadd.s32 v4, v15;
	_ =	sdelay $0x1  }
0xa9: {  	v59 =	vadd.s32 v5, v15  }
0xaa: {  	[tilespmem:v57+s12+$0x0] =	vst.idx.msk $0xffff, v3  }
0xab: {  	v60 =	vadd.s32 v6, v15;
	[tilespmem:v57+s13+$0x0] =	vst.idx.msk $0xffff, v1  }
0xac: {  	[tilespmem:v58+s12+$0x0] =	vst.idx.msk $0xffff, v3  }
0xad: {  	v61 =	vadd.s32 v7, v15;
	[tilespmem:v58+s13+$0x0] =	vst.idx.msk $0xffff, v1;
	s30 =	spop (v2sf)  }
0xae: {  	[tilespmem:v59+s12+$0x0] =	vst.idx.msk $0xffff, v3;
	s25 =	sadd.s32 $0x8000007F, s30  }
0xaf: {  	v62 =	vadd.s32 v8, v15;
	[tilespmem:v59+s13+$0x0] =	vst.idx.msk $0xffff, v1;
	s26 =	sand.u32 $0x7F, s25  }
0xb0: {  	[tilespmem:v60+s12+$0x0] =	vst.idx.msk $0xffff, v3;
	s31 =	sshra.s32 s25, $0x1F;
	p3 =	slt.s32 s25, $0x1;
	p6 =	sne.s32 s26, $0x0  }
0xb1: {  	v63 =	vadd.s32 v9, v15;
	[tilespmem:v60+s13+$0x0] =	vst.idx.msk $0xffff, v1;
	s26 =	sshrl.u32 s31, $0x19;
	p2 =	por !p3, !p6  }
0xb2: {  	[tilespmem:v61+s12+$0x0] =	vst.idx.msk $0xffff, v3;
	s25 =	sadd.s32 s26, s25;
	s26 =	simm.s32 $0x1;
	p2 =	por !p2, !p2  }
0xb3: {  	v15 =	vadd.s32 v10, v15;
	[tilespmem:v61+s13+$0x0] =	vst.idx.msk $0xffff, v1;
	s25 =	sshra.s32 s25, $0x7;
	s26 =	simm.s32 @!p2 $0x0  }
0xb4: {  	[tilespmem:v62+s12+$0x0] =	vst.idx.msk $0xffff, v3;
	s25 =	ssub.s32 s25, s26  }
0xb5: {  	[tilespmem:v62+s13+$0x0] =	vst.idx.msk $0xffff, v1;
	p2 =	slt.s32 s25, $0x1  }
.Ltmp6:
0xb6: {  	[tilespmem:v63+s12+$0x0] =	vst.idx.msk $0xffff, v3;
	(pc) =	sbr.rel @p2 .LBB2_14-.Ltmp6, $4  }
0xb7: {  	[tilespmem:v63+s13+$0x0] =	vst.idx.msk $0xffff, v1  }
0xb8: {  	[tilespmem:v15+s12+$0x0] =	vst.idx.msk $0xffff, v3  }
0xb9: {  	[tilespmem:v15+s13+$0x0] =	vst.idx.msk $0xffff, v1  }
0xba: {  	_ =	strace $0x8000004B  }
0xbb: {  	p3 =	sne.s32 s25, $0x1  }
.Ltmp7:
0xbc: {  	_ = 	snop;
	(pc) =	sbr.rel @!p3 .LBB2_9-.Ltmp7, $3  }
0xbd: {  	_ =	sdelay $0x1  }
0xbe: {  	s28 =	simm.s32 $0x4F40  }
0xbf: {  	s26 =	simm.s32 $0xA040;
	s29 =	sadd.s32 $0xFFFFFFFF, s25;
	p2 =	por $0x0, $0x0;
	v15 =	vld [tilespmem:s28+$0xFFFFFFC0]  }
0xc0: {  	_ =	sdelay $0x3  }
0xc1: {  	[tilespmem:s26+$0xFFFFFFC0] =	vst v15  }
0xc2: {  	v15 =	vld [tilespmem:s28+$0xFFFFFFD0];
	_ =	sdelay $0x4  }
0xc3: {  	[tilespmem:s26+$0xFFFFFFD0] =	vst v15  }
0xc4: {  	v15 =	vld [tilespmem:s28+$0xFFFFFFE0];
	_ =	sdelay $0x4  }
0xc5: {  	[tilespmem:s26+$0xFFFFFFE0] =	vst v15  }
0xc6: {  	v15 =	vld [tilespmem:s28+$0xFFFFFFF0];
	_ =	sdelay $0x4  }
0xc7: {  	[tilespmem:s26+$0xFFFFFFF0] =	vst v15  }
0xc8: {  	v15 =	vld [tilespmem:s28+$0x0];
	_ =	sdelay $0x4  }
0xc9: {  	[tilespmem:s26+$0x0] =	vst v15  }
0xca: {  	v15 =	vld [tilespmem:s28+$0x10];
	_ =	sdelay $0x4  }
0xcb: {  	[tilespmem:s26+$0x10] =	vst v15  }
0xcc: {  	v15 =	vld [tilespmem:s28+$0x20];
	_ =	sdelay $0x4  }
0xcd: {  	[tilespmem:s26+$0x20] =	vst v15  }
0xce: {  	v15 =	vld [tilespmem:s28+$0x30]  }
0xcf: {  	p3 =	sne.s32 s29, $0x1  }
.Ltmp8:
0xd0: {  	_ = 	snop;
	(pc) =	sbr.rel @!p3 .LBB2_11-.Ltmp8, $3  }
0xd1: {  	_ =	sdelay $0x1  }
0xd2: {  	s28 =	simm.s32 $0x4FC0;
	[tilespmem:s26+$0x30] =	vst v15  }
0xd3: {  	s30 =	sadd.s32 $0xFFFFFFFF, s29;
	p2 =	por $0x1, $0x1;
	s29 =	simm.s32 $0xA040;
	v15 =	vld [tilespmem:s28+$0xFFFFFFC0]  }
.LBB2_12:
0xd4: {  	p3 =	sne.s32 s30, $0x1;
	_ =	sdelay $0x2  }
0xd5: {  	s29 =	sadd.s32 $0x80, s29  }
0xd6: {  	[tilespmem:s29+$0xFFFFFFC0] =	vst v15  }
0xd7: {  	v15 =	vld [tilespmem:s28+$0xFFFFFFD0];
	_ =	sdelay $0x4  }
0xd8: {  	[tilespmem:s29+$0xFFFFFFD0] =	vst v15  }
0xd9: {  	v15 =	vld [tilespmem:s28+$0xFFFFFFE0];
	_ =	sdelay $0x4  }
0xda: {  	[tilespmem:s29+$0xFFFFFFE0] =	vst v15  }
0xdb: {  	v15 =	vld [tilespmem:s28+$0xFFFFFFF0];
	_ =	sdelay $0x4  }
0xdc: {  	[tilespmem:s29+$0xFFFFFFF0] =	vst v15  }
0xdd: {  	v15 =	vld [tilespmem:s28+$0x0];
	_ =	sdelay $0x4  }
0xde: {  	[tilespmem:s29+$0x0] =	vst v15  }
0xdf: {  	v15 =	vld [tilespmem:s28+$0x10];
	_ =	sdelay $0x4  }
0xe0: {  	[tilespmem:s29+$0x10] =	vst v15  }
0xe1: {  	v15 =	vld [tilespmem:s28+$0x20];
	_ =	sdelay $0x4  }
0xe2: {  	[tilespmem:s29+$0x20] =	vst v15  }
0xe3: {  	v15 =	vld [tilespmem:s28+$0x30];
	_ =	sdelay $0x1  }
.Ltmp9:
0xe4: {  	(pc) =	sbr.rel @p3 .LBB2_12-.Ltmp9, $3  }
0xe5: {  	_ =	sdelay $0x1  }
0xe6: {  	s28 =	sadd.s32 $0x80, s28;
	[tilespmem:s29+$0x30] =	vst v15  }
0xe7: {  	s30 =	sadd.s32 $0xFFFFFFFF, s30;
	v15 =	vld [tilespmem:s28+$0xFFFFFFC0]  }
.LBB2_13:
0xe8: {  	_ =	sdelay $0x1  }
0xe9: {  	s29 =	sadd.s32 @p2 $0x80, s29  }
0xea: {  	s26 =	smov.u32 @p2 s29  }
0xeb: {  	[tilespmem:s26+$0xFFFFFFC0] =	vst v15  }
0xec: {  	v15 =	vld [tilespmem:s28+$0xFFFFFFD0];
	_ =	sdelay $0x4  }
0xed: {  	[tilespmem:s26+$0xFFFFFFD0] =	vst v15  }
0xee: {  	v15 =	vld [tilespmem:s28+$0xFFFFFFE0];
	_ =	sdelay $0x4  }
0xef: {  	[tilespmem:s26+$0xFFFFFFE0] =	vst v15  }
0xf0: {  	v15 =	vld [tilespmem:s28+$0xFFFFFFF0];
	_ =	sdelay $0x4  }
0xf1: {  	[tilespmem:s26+$0xFFFFFFF0] =	vst v15  }
0xf2: {  	v15 =	vld [tilespmem:s28+$0x0];
	_ =	sdelay $0x4  }
0xf3: {  	[tilespmem:s26+$0x0] =	vst v15  }
0xf4: {  	v15 =	vld [tilespmem:s28+$0x10];
	_ =	sdelay $0x4  }
0xf5: {  	[tilespmem:s26+$0x10] =	vst v15  }
0xf6: {  	v15 =	vld [tilespmem:s28+$0x20];
	_ =	sdelay $0x4  }
0xf7: {  	[tilespmem:s26+$0x20] =	vst v15  }
0xf8: {  	v15 =	vld [tilespmem:s28+$0x30];
	_ =	sdelay $0x4  }
0xf9: {  	[tilespmem:s26+$0x30] =	vst v15  }
0xfa: {  	_ =	strace $0x9000004B  }
0xfb: {  	p3 =	seq.s32 s25, $0x1;
	_ =	strace $0x8000004C  }
.Ltmp10:
0xfc: {  	s29 =	simm.s32 @!p3 $0x10800;
	[bflag:$0x0] =	sbarrier.arrive $0xFFFF;
	(pc) =	sbr.rel .LBB2_15-.Ltmp10, $4  }
0xfd: {  	p4 =	por @!p3 $0x1, $0x1;
	p2 =	por $0x0, $0x0;
	_ =	strace $0x9000004C  }
0xfe: {  	[tilespmem:s10], [sflag:$0x1] =	stream.indirect.gather [hbm4b:s3+s15], $0x80, s13, s15, $0xb8;
	[tilespmem:$0x1D080] =	vst v63  }
0xff: {  	p2 =	por @!p3 p4, p4;
	s28 =	simm.s32 @!p3 $0x7800;
	s26 =	simm.s32 @!p3 $0x80  }
0x100: {  	[tilespmem:s29], [sflag:$0x2] =	stream.indirect.gather @!p3 [hbm4b:s3+s26], $0x80, s28, s26, $0xb8;
	[tilespmem:$0x1D080] =	vst v63  }
.LBB2_14:
0x101: {  	_ =	strace $0x9000004B  }
0x102: {  	_ =	strace $0x8000004C  }
0x103: {  	[bflag:$0x0] =	sbarrier.arrive $0xFFFF  }
0x104: {  	p2 =	por $0x0, $0x0;
	_ =	strace $0x9000004C  }
.LBB2_15:
0x105: {  	s26 =	sadd.s32 $0x2, s25  }
0x106: {  	s28 =	smulhi.u32 $0x55555556, s26;
	s26 =	sshra.s32 s26, $0x1F  }
0x107: {  	s26 =	smul.u32 $0x55555556, s26;
	_ =	sdelay $0x1  }
0x108: {  	s26 =	sadd.s32 s26, s28  }
0x109: {  	s28 =	sshrl.u32 s26, $0x1F  }
0x10a: {  	s26 =	sadd.s32 s28, s26  }
0x10b: {  	s28 =	smul.u32 $0xFFFFFFFD, s26  }
0x10c: {  	s29 =	ssub.s32 $0xFFFFFFFE, s25  }
0x10d: {  	p3 =	slt.s32 s25, $0xFFFFFFFF;
	p4 =	sne.s32 s28, s29  }
0x10e: {  	p3 =	por !p3, !p4  }
0x10f: {  	s28 =	simm.s32 $0x1;
	p3 =	por !p3, !p3  }
0x110: {  	s28 =	simm.s32 @!p3 $0x0  }
0x111: {  	s26 =	ssub.s32 s26, s28  }
0x112: {  	p3 =	slt.s32 s26, $0x1  }
.Ltmp11:
0x113: {  	_ = 	snop;
	(pc) =	sbr.rel @!p3 .LBB2_16-.Ltmp11, $4  }
.Ltmp12:
0x114: {  	_ = 	snop;
	(pc) =	sbr.rel @p3 .LBB2_23-.Ltmp12, $4  }
0x115: {  	_ = 	snop  }
0x116: {  	_ = 	snop  }
0x117: {  	_ =	strace $0x8000004D;
	s29 =	simm.s32 $0x0;
	s28 =	simm.s32 $0x0  }
0x118: {  	_ = 	snop  }
.LBB2_22:
0x119: {  	s26 =	sadd.s32 $0xFFFFFFFF, s26  }
0x11a: {  	p3 =	sne.s32 s26, $0x0  }
.Ltmp13:
0x11b: {  	_ = 	snop;
	(pc) =	sbr.rel @!p3 .LBB2_23-.Ltmp13, $2  }
0x11c: {  	_ =	sdelay $0x2  }
0x11d: {  	s29 =	sadd.s32 $0x3, s29;
	s28 =	sadd.s32 $0x600, s28  }
.LBB2_16:
0x11e: {  	p3 =	sge.s32 s29, s25  }
.Ltmp14:
0x11f: {  	_ = 	snop;
	(pc) =	sbr.rel @p3 .LBB2_18-.Ltmp14, $2  }
0x120: {  	_ =	sdelay $0x2  }
0x121: {  	s30 =	sshra.s32 s28, $0x2  }
0x122: {  	v15 =	vld [tilespmem:s30+$0x4F00];
	_ =	sdelay $0x4  }
0x123: {  	v16 =	vxor.u32 $0x80000000, v15  }
0x124: {  	(xrf1) =	vsort.ascd.msk.u32 $0xffff, v16, v15;
	_ =	sdelay $0xd  }
0x125: {  	v15, _, _ =	vpop (xrf1)  }
0x126: {  	v55 =	vxor.u32 $0x80000000, v15  }
0x127: {  	v17 =	vperm.xlane v55, v11;
	_ =	sdelay $0x1  }
0x128: {  	vm1 =	veq.s32 v55, v17  }
0x129: {  	v17 =	vsel vm1, $0x80000000, v13  }
0x12a: {  	(xrf0) =	vmax.scan.msk.u32 $0xffff, v17  }
0x12b: {  	v18 =	vperm.xlane v55, v12  }
0x12c: {  	v56 =	vshll.u32 v15, $0x7  }
0x12d: {  	vm2 =	vne.s32 v15, $0x800007FF;
	v16 =	vshra.s32 v55, $0x4;
	vm1 =	vne.s32 v55, v18  }
0x12e: {  	v15 =	vand.u32 $0xFFFFFF80, v16;
	vm1 =	vmor vm1, vm0;
	v17 =	vand.u32 $0x780, v56  }
0x12f: {  	v16 =	vand.u32 $0x7F, v16;
	vm1 =	vmand vm2, vm1;
	v15 =	vadd.s32 v17, v15  }
0x130: {  	v15 =	vor.u32 v16, v15;
	v57, _, _ =	vpop (xrf0)  }
0x131: {  	v58 =	vxor.u32 $0x80000000, v57  }
0x132: {  	v16 =	vsub.s32 v14, v58  }
0x133: {  	v16 =	vcvt.s32.f32 v16;
	_ =	sdelay $0x1  }
0x134: {  	[tilespmem:v15+s16+$0x0] =	vst.idx.add.f32.msk vm1, v16  }
0x135: {  	v15 =	vld [tilespmem:s30+$0x4F10];
	_ =	sdelay $0x4  }
0x136: {  	v59 =	vxor.u32 $0x80000000, v15  }
0x137: {  	(xrf1) =	vsort.ascd.msk.u32 $0xffff, v59, v15;
	_ =	sdelay $0xd  }
0x138: {  	v15, _, _ =	vpop (xrf1)  }
0x139: {  	v60 =	vxor.u32 $0x80000000, v15  }
0x13a: {  	v61 =	vperm.xlane v60, v11;
	_ =	sdelay $0x1  }
0x13b: {  	vm1 =	veq.s32 v60, v61  }
0x13c: {  	v17 =	vsel vm1, $0x80000000, v13  }
0x13d: {  	(xrf0) =	vmax.scan.msk.u32 $0xffff, v17  }
0x13e: {  	v62 =	vperm.xlane v60, v12  }
0x13f: {  	v63 =	vshll.u32 v15, $0x7  }
0x140: {  	vm2 =	vne.s32 v15, $0x800007FF;
	v16 =	vshra.s32 v60, $0x4;
	vm1 =	vne.s32 v60, v62  }
0x141: {  	v15 =	vand.u32 $0xFFFFFF80, v16;
	vm1 =	vmor vm1, vm0;
	v17 =	vand.u32 $0x780, v63  }
0x142: {  	v16 =	vand.u32 $0x7F, v16;
	vm1 =	vmand vm2, vm1;
	v15 =	vadd.s32 v17, v15  }
0x143: {  	v15 =	vor.u32 v16, v15;
	v20, _, _ =	vpop (xrf0)  }
0x144: {  	v21 =	vxor.u32 $0x80000000, v20  }
0x145: {  	v16 =	vsub.s32 v14, v21  }
0x146: {  	v16 =	vcvt.s32.f32 v16;
	_ =	sdelay $0x1  }
0x147: {  	[tilespmem:v15+s16+$0x0] =	vst.idx.add.f32.msk vm1, v16  }
0x148: {  	v15 =	vld [tilespmem:s30+$0x4F20];
	_ =	sdelay $0x4  }
0x149: {  	v22 =	vxor.u32 $0x80000000, v15  }
0x14a: {  	(xrf1) =	vsort.ascd.msk.u32 $0xffff, v22, v15;
	_ =	sdelay $0xd  }
0x14b: {  	v15, _, _ =	vpop (xrf1)  }
0x14c: {  	v23 =	vxor.u32 $0x80000000, v15  }
0x14d: {  	v24 =	vperm.xlane v23, v11;
	_ =	sdelay $0x1  }
0x14e: {  	vm1 =	veq.s32 v23, v24  }
0x14f: {  	v17 =	vsel vm1, $0x80000000, v13  }
0x150: {  	(xrf0) =	vmax.scan.msk.u32 $0xffff, v17  }
0x151: {  	v25 =	vperm.xlane v23, v12  }
0x152: {  	v26 =	vshll.u32 v15, $0x7  }
0x153: {  	vm2 =	vne.s32 v15, $0x800007FF;
	v16 =	vshra.s32 v23, $0x4;
	vm1 =	vne.s32 v23, v25  }
0x154: {  	v15 =	vand.u32 $0xFFFFFF80, v16;
	vm1 =	vmor vm1, vm0;
	v17 =	vand.u32 $0x780, v26  }
0x155: {  	v16 =	vand.u32 $0x7F, v16;
	vm1 =	vmand vm2, vm1;
	v15 =	vadd.s32 v17, v15  }
0x156: {  	v15 =	vor.u32 v16, v15;
	v27, _, _ =	vpop (xrf0)  }
0x157: {  	v28 =	vxor.u32 $0x80000000, v27  }
0x158: {  	v16 =	vsub.s32 v14, v28  }
0x159: {  	v16 =	vcvt.s32.f32 v16;
	_ =	sdelay $0x1  }
0x15a: {  	[tilespmem:v15+s16+$0x0] =	vst.idx.add.f32.msk vm1, v16  }
0x15b: {  	v15 =	vld [tilespmem:s30+$0x4F30];
	_ =	sdelay $0x4  }
0x15c: {  	v29 =	vxor.u32 $0x80000000, v15  }
0x15d: {  	(xrf1) =	vsort.ascd.msk.u32 $0xffff, v29, v15;
	_ =	sdelay $0xd  }
0x15e: {  	v15, _, _ =	vpop (xrf1)  }
0x15f: {  	v30 =	vxor.u32 $0x80000000, v15  }
0x160: {  	v31 =	vperm.xlane v30, v11;
	_ =	sdelay $0x1  }
0x161: {  	vm1 =	veq.s32 v30, v31  }
0x162: {  	v17 =	vsel vm1, $0x80000000, v13  }
0x163: {  	(xrf0) =	vmax.scan.msk.u32 $0xffff, v17  }
0x164: {  	v32 =	vperm.xlane v30, v12  }
0x165: {  	v33 =	vshll.u32 v15, $0x7  }
0x166: {  	vm2 =	vne.s32 v15, $0x800007FF;
	v16 =	vshra.s32 v30, $0x4;
	vm1 =	vne.s32 v30, v32  }
0x167: {  	v15 =	vand.u32 $0xFFFFFF80, v16;
	vm1 =	vmor vm1, vm0;
	v17 =	vand.u32 $0x780, v33  }
0x168: {  	v16 =	vand.u32 $0x7F, v16;
	vm1 =	vmand vm2, vm1;
	v15 =	vadd.s32 v17, v15  }
0x169: {  	v15 =	vor.u32 v16, v15;
	v34, _, _ =	vpop (xrf0)  }
0x16a: {  	v35 =	vxor.u32 $0x80000000, v34  }
0x16b: {  	v16 =	vsub.s32 v14, v35  }
0x16c: {  	v16 =	vcvt.s32.f32 v16;
	_ =	sdelay $0x1  }
0x16d: {  	[tilespmem:v15+s16+$0x0] =	vst.idx.add.f32.msk vm1, v16  }
0x16e: {  	v15 =	vld [tilespmem:s30+$0x4F40];
	_ =	sdelay $0x4  }
0x16f: {  	v36 =	vxor.u32 $0x80000000, v15  }
0x170: {  	(xrf1) =	vsort.ascd.msk.u32 $0xffff, v36, v15;
	_ =	sdelay $0xd  }
0x171: {  	v15, _, _ =	vpop (xrf1)  }
0x172: {  	v37 =	vxor.u32 $0x80000000, v15  }
0x173: {  	v38 =	vperm.xlane v37, v11;
	_ =	sdelay $0x1  }
0x174: {  	vm1 =	veq.s32 v37, v38  }
0x175: {  	v17 =	vsel vm1, $0x80000000, v13  }
0x176: {  	(xrf0) =	vmax.scan.msk.u32 $0xffff, v17  }
0x177: {  	v39 =	vperm.xlane v37, v12  }
0x178: {  	v40 =	vshll.u32 v15, $0x7  }
0x179: {  	vm2 =	vne.s32 v15, $0x800007FF;
	v16 =	vshra.s32 v37, $0x4;
	vm1 =	vne.s32 v37, v39  }
0x17a: {  	v15 =	vand.u32 $0xFFFFFF80, v16;
	vm1 =	vmor vm1, vm0;
	v17 =	vand.u32 $0x780, v40  }
0x17b: {  	v16 =	vand.u32 $0x7F, v16;
	vm1 =	vmand vm2, vm1;
	v15 =	vadd.s32 v17, v15  }
0x17c: {  	v15 =	vor.u32 v16, v15;
	v41, _, _ =	vpop (xrf0)  }
0x17d: {  	v42 =	vxor.u32 $0x80000000, v41  }
0x17e: {  	v16 =	vsub.s32 v14, v42  }
0x17f: {  	v16 =	vcvt.s32.f32 v16;
	_ =	sdelay $0x1  }
0x180: {  	[tilespmem:v15+s16+$0x0] =	vst.idx.add.f32.msk vm1, v16  }
0x181: {  	v15 =	vld [tilespmem:s30+$0x4F50];
	_ =	sdelay $0x4  }
0x182: {  	v43 =	vxor.u32 $0x80000000, v15  }
0x183: {  	(xrf1) =	vsort.ascd.msk.u32 $0xffff, v43, v15;
	_ =	sdelay $0xd  }
0x184: {  	v15, _, _ =	vpop (xrf1)  }
0x185: {  	v44 =	vxor.u32 $0x80000000, v15  }
0x186: {  	v45 =	vperm.xlane v44, v11;
	_ =	sdelay $0x1  }
0x187: {  	vm1 =	veq.s32 v44, v45  }
0x188: {  	v17 =	vsel vm1, $0x80000000, v13  }
0x189: {  	(xrf0) =	vmax.scan.msk.u32 $0xffff, v17  }
0x18a: {  	v46 =	vperm.xlane v44, v12  }
0x18b: {  	v47 =	vshll.u32 v15, $0x7  }
0x18c: {  	vm2 =	vne.s32 v15, $0x800007FF;
	v16 =	vshra.s32 v44, $0x4;
	vm1 =	vne.s32 v44, v46  }
0x18d: {  	v15 =	vand.u32 $0xFFFFFF80, v16;
	vm1 =	vmor vm1, vm0;
	v17 =	vand.u32 $0x780, v47  }
0x18e: {  	v16 =	vand.u32 $0x7F, v16;
	vm1 =	vmand vm2, vm1;
	v15 =	vadd.s32 v17, v15  }
0x18f: {  	v15 =	vor.u32 v16, v15;
	v48, _, _ =	vpop (xrf0)  }
0x190: {  	v49 =	vxor.u32 $0x80000000, v48  }
0x191: {  	v16 =	vsub.s32 v14, v49  }
0x192: {  	v16 =	vcvt.s32.f32 v16;
	_ =	sdelay $0x1  }
0x193: {  	[tilespmem:v15+s16+$0x0] =	vst.idx.add.f32.msk vm1, v16  }
0x194: {  	v15 =	vld [tilespmem:s30+$0x4F60];
	_ =	sdelay $0x4  }
0x195: {  	v50 =	vxor.u32 $0x80000000, v15  }
0x196: {  	(xrf1) =	vsort.ascd.msk.u32 $0xffff, v50, v15;
	_ =	sdelay $0xd  }
0x197: {  	v15, _, _ =	vpop (xrf1)  }
0x198: {  	v51 =	vxor.u32 $0x80000000, v15  }
0x199: {  	v52 =	vperm.xlane v51, v11;
	_ =	sdelay $0x1  }
0x19a: {  	vm1 =	veq.s32 v51, v52  }
0x19b: {  	v17 =	vsel vm1, $0x80000000, v13  }
0x19c: {  	(xrf0) =	vmax.scan.msk.u32 $0xffff, v17  }
0x19d: {  	v53 =	vperm.xlane v51, v12  }
0x19e: {  	v54 =	vshll.u32 v15, $0x7  }
0x19f: {  	vm2 =	vne.s32 v15, $0x800007FF;
	v16 =	vshra.s32 v51, $0x4;
	vm1 =	vne.s32 v51, v53  }
0x1a0: {  	v15 =	vand.u32 $0xFFFFFF80, v16;
	vm1 =	vmor vm1, vm0;
	v17 =	vand.u32 $0x780, v54  }
0x1a1: {  	v16 =	vand.u32 $0x7F, v16;
	vm1 =	vmand vm2, vm1;
	v15 =	vadd.s32 v17, v15  }
0x1a2: {  	v15 =	vor.u32 v16, v15;
	v55, _, _ =	vpop (xrf0)  }
0x1a3: {  	v56 =	vxor.u32 $0x80000000, v55  }
0x1a4: {  	v16 =	vsub.s32 v14, v56  }
0x1a5: {  	v16 =	vcvt.s32.f32 v16;
	_ =	sdelay $0x1  }
0x1a6: {  	[tilespmem:v15+s16+$0x0] =	vst.idx.add.f32.msk vm1, v16  }
0x1a7: {  	v15 =	vld [tilespmem:s30+$0x4F70];
	_ =	sdelay $0x4  }
0x1a8: {  	v57 =	vxor.u32 $0x80000000, v15  }
0x1a9: {  	(xrf1) =	vsort.ascd.msk.u32 $0xffff, v57, v15;
	_ =	sdelay $0xd  }
0x1aa: {  	v15, _, _ =	vpop (xrf1)  }
0x1ab: {  	v58 =	vxor.u32 $0x80000000, v15  }
0x1ac: {  	v59 =	vperm.xlane v58, v11;
	_ =	sdelay $0x1  }
0x1ad: {  	vm1 =	veq.s32 v58, v59  }
0x1ae: {  	v17 =	vsel vm1, $0x80000000, v13  }
0x1af: {  	(xrf0) =	vmax.scan.msk.u32 $0xffff, v17  }
0x1b0: {  	v60 =	vperm.xlane v58, v12  }
0x1b1: {  	v61 =	vshll.u32 v15, $0x7  }
0x1b2: {  	vm2 =	vne.s32 v15, $0x800007FF;
	v16 =	vshra.s32 v58, $0x4;
	vm1 =	vne.s32 v58, v60  }
0x1b3: {  	v15 =	vand.u32 $0xFFFFFF80, v16;
	vm1 =	vmor vm1, vm0;
	v17 =	vand.u32 $0x780, v61  }
0x1b4: {  	v16 =	vand.u32 $0x7F, v16;
	vm1 =	vmand vm2, vm1;
	v15 =	vadd.s32 v17, v15  }
0x1b5: {  	v15 =	vor.u32 v16, v15;
	v62, _, _ =	vpop (xrf0)  }
0x1b6: {  	v63 =	vxor.u32 $0x80000000, v62  }
0x1b7: {  	v16 =	vsub.s32 v14, v63  }
0x1b8: {  	v16 =	vcvt.s32.f32 v16  }
0x1b9: {  	s31 =	sadd.s32 $0x2, s29  }
0x1ba: {  	p3 =	sge.u32 s31, s25;
	[tilespmem:v15+s16+$0x0] =	vst.idx.add.f32.msk vm1, v16  }
0x1bb: {  	p4 =	seq.s32 @!p3 s29, $0x0;
	_ =	swait.ge [sflag:s14], $0x4000  }
0x1bc: {  	p4 =	por p4, p3;
	[sflag:s14] =	ssyncset.done $0x0  }
0x1bd: {  	s31 =	simm.s32 @!p4 $0x6;
	[sflag:s14] =	ssyncadd.s32 $0xFFFFC000  }
0x1be: {  	_ =	swait.ge @!p4 [sflag:s31], $0x4000  }
0x1bf: {  	[sflag:s31] =	ssyncset.done @!p4 $0x0  }
0x1c0: {  	[sflag:s31] =	ssyncadd.s32 @!p4 $0xFFFFC000;
	s31 =	sshra.s32 @!p3 s28, $0x2  }
0x1c1: {  	s0 =	simm.s32 @!p3 $0x80;
	s21 =	simm.s32 @!p3 $0x14800;
	s31 =	sadd.s32 @!p3 $0x7880, s31  }
0x1c2: {  	[tilespmem:s21], [sflag:$0x3] =	stream.indirect.gather @!p3 [hbm4b:s3+s0], $0x80, s31, s0, $0x2000b8;
	[tilespmem:$0x1D080] =	vst v63  }
0x1c3: {  	s31 =	sadd.s32 $0xA000, s30  }
0x1c4: {  	[spmem:s1] =	stream.indirect.scatter.add.f32 [tilespmem:s10], [sflag:$0x4], $0x80, s31, s15, $0x2000b8;
	[tilespmem:$0x1D080] =	vst v63  }
.LBB2_18:
0x1c5: {  	s0 =	sadd.s32 $0x1, s29  }
0x1c6: {  	p3 =	sge.s32 s0, s25  }
.Ltmp15:
0x1c7: {  	_ = 	snop;
	(pc) =	sbr.rel @p3 .LBB2_20-.Ltmp15, $1  }
0x1c8: {  	_ =	sdelay $0x3  }
0x1c9: {  	v15 =	vld [tilespmem:s30+$0x4F80];
	_ =	sdelay $0x4  }
0x1ca: {  	v16 =	vxor.u32 $0x80000000, v15  }
0x1cb: {  	(xrf1) =	vsort.ascd.msk.u32 $0xffff, v16, v15;
	_ =	sdelay $0xd  }
0x1cc: {  	v15, _, _ =	vpop (xrf1)  }
0x1cd: {  	v55 =	vxor.u32 $0x80000000, v15  }
0x1ce: {  	v17 =	vperm.xlane v55, v11;
	_ =	sdelay $0x1  }
0x1cf: {  	vm1 =	veq.s32 v55, v17  }
0x1d0: {  	v17 =	vsel vm1, $0x80000000, v13  }
0x1d1: {  	(xrf0) =	vmax.scan.msk.u32 $0xffff, v17  }
0x1d2: {  	v18 =	vperm.xlane v55, v12  }
0x1d3: {  	v56 =	vshll.u32 v15, $0x7  }
0x1d4: {  	vm2 =	vne.s32 v15, $0x800007FF;
	v16 =	vshra.s32 v55, $0x4;
	vm1 =	vne.s32 v55, v18  }
0x1d5: {  	v15 =	vand.u32 $0xFFFFFF80, v16;
	vm1 =	vmor vm1, vm0;
	v17 =	vand.u32 $0x780, v56  }
0x1d6: {  	v16 =	vand.u32 $0x7F, v16;
	vm1 =	vmand vm2, vm1;
	v15 =	vadd.s32 v17, v15  }
0x1d7: {  	v15 =	vor.u32 v16, v15;
	v57, _, _ =	vpop (xrf0)  }
0x1d8: {  	v58 =	vxor.u32 $0x80000000, v57  }
0x1d9: {  	v16 =	vsub.s32 v14, v58  }
0x1da: {  	v16 =	vcvt.s32.f32 v16;
	_ =	sdelay $0x1  }
0x1db: {  	[tilespmem:v15+s16+$0x0] =	vst.idx.add.f32.msk vm1, v16  }
0x1dc: {  	v15 =	vld [tilespmem:s30+$0x4F90];
	_ =	sdelay $0x4  }
0x1dd: {  	v59 =	vxor.u32 $0x80000000, v15  }
0x1de: {  	(xrf1) =	vsort.ascd.msk.u32 $0xffff, v59, v15;
	_ =	sdelay $0xd  }
0x1df: {  	v15, _, _ =	vpop (xrf1)  }
0x1e0: {  	v60 =	vxor.u32 $0x80000000, v15  }
0x1e1: {  	v61 =	vperm.xlane v60, v11;
	_ =	sdelay $0x1  }
0x1e2: {  	vm1 =	veq.s32 v60, v61  }
0x1e3: {  	v17 =	vsel vm1, $0x80000000, v13  }
0x1e4: {  	(xrf0) =	vmax.scan.msk.u32 $0xffff, v17  }
0x1e5: {  	v62 =	vperm.xlane v60, v12  }
0x1e6: {  	v63 =	vshll.u32 v15, $0x7  }
0x1e7: {  	vm2 =	vne.s32 v15, $0x800007FF;
	v16 =	vshra.s32 v60, $0x4;
	vm1 =	vne.s32 v60, v62  }
0x1e8: {  	v15 =	vand.u32 $0xFFFFFF80, v16;
	vm1 =	vmor vm1, vm0;
	v17 =	vand.u32 $0x780, v63  }
0x1e9: {  	v16 =	vand.u32 $0x7F, v16;
	vm1 =	vmand vm2, vm1;
	v15 =	vadd.s32 v17, v15  }
0x1ea: {  	v15 =	vor.u32 v16, v15;
	v20, _, _ =	vpop (xrf0)  }
0x1eb: {  	v21 =	vxor.u32 $0x80000000, v20  }
0x1ec: {  	v16 =	vsub.s32 v14, v21  }
0x1ed: {  	v16 =	vcvt.s32.f32 v16;
	_ =	sdelay $0x1  }
0x1ee: {  	[tilespmem:v15+s16+$0x0] =	vst.idx.add.f32.msk vm1, v16  }
0x1ef: {  	v15 =	vld [tilespmem:s30+$0x4FA0];
	_ =	sdelay $0x4  }
0x1f0: {  	v22 =	vxor.u32 $0x80000000, v15  }
0x1f1: {  	(xrf1) =	vsort.ascd.msk.u32 $0xffff, v22, v15;
	_ =	sdelay $0xd  }
0x1f2: {  	v15, _, _ =	vpop (xrf1)  }
0x1f3: {  	v23 =	vxor.u32 $0x80000000, v15  }
0x1f4: {  	v24 =	vperm.xlane v23, v11;
	_ =	sdelay $0x1  }
0x1f5: {  	vm1 =	veq.s32 v23, v24  }
0x1f6: {  	v17 =	vsel vm1, $0x80000000, v13  }
0x1f7: {  	(xrf0) =	vmax.scan.msk.u32 $0xffff, v17  }
0x1f8: {  	v25 =	vperm.xlane v23, v12  }
0x1f9: {  	v26 =	vshll.u32 v15, $0x7  }
0x1fa: {  	vm2 =	vne.s32 v15, $0x800007FF;
	v16 =	vshra.s32 v23, $0x4;
	vm1 =	vne.s32 v23, v25  }
0x1fb: {  	v15 =	vand.u32 $0xFFFFFF80, v16;
	vm1 =	vmor vm1, vm0;
	v17 =	vand.u32 $0x780, v26  }
0x1fc: {  	v16 =	vand.u32 $0x7F, v16;
	vm1 =	vmand vm2, vm1;
	v15 =	vadd.s32 v17, v15  }
0x1fd: {  	v15 =	vor.u32 v16, v15;
	v27, _, _ =	vpop (xrf0)  }
0x1fe: {  	v28 =	vxor.u32 $0x80000000, v27  }
0x1ff: {  	v16 =	vsub.s32 v14, v28  }
0x200: {  	v16 =	vcvt.s32.f32 v16;
	_ =	sdelay $0x1  }
0x201: {  	[tilespmem:v15+s16+$0x0] =	vst.idx.add.f32.msk vm1, v16  }
0x202: {  	v15 =	vld [tilespmem:s30+$0x4FB0];
	_ =	sdelay $0x4  }
0x203: {  	v29 =	vxor.u32 $0x80000000, v15  }
0x204: {  	(xrf1) =	vsort.ascd.msk.u32 $0xffff, v29, v15;
	_ =	sdelay $0xd  }
0x205: {  	v15, _, _ =	vpop (xrf1)  }
0x206: {  	v30 =	vxor.u32 $0x80000000, v15  }
0x207: {  	v31 =	vperm.xlane v30, v11;
	_ =	sdelay $0x1  }
0x208: {  	vm1 =	veq.s32 v30, v31  }
0x209: {  	v17 =	vsel vm1, $0x80000000, v13  }
0x20a: {  	(xrf0) =	vmax.scan.msk.u32 $0xffff, v17  }
0x20b: {  	v32 =	vperm.xlane v30, v12  }
0x20c: {  	v33 =	vshll.u32 v15, $0x7  }
0x20d: {  	vm2 =	vne.s32 v15, $0x800007FF;
	v16 =	vshra.s32 v30, $0x4;
	vm1 =	vne.s32 v30, v32  }
0x20e: {  	v15 =	vand.u32 $0xFFFFFF80, v16;
	vm1 =	vmor vm1, vm0;
	v17 =	vand.u32 $0x780, v33  }
0x20f: {  	v16 =	vand.u32 $0x7F, v16;
	vm1 =	vmand vm2, vm1;
	v15 =	vadd.s32 v17, v15  }
0x210: {  	v15 =	vor.u32 v16, v15;
	v34, _, _ =	vpop (xrf0)  }
0x211: {  	v35 =	vxor.u32 $0x80000000, v34  }
0x212: {  	v16 =	vsub.s32 v14, v35  }
0x213: {  	v16 =	vcvt.s32.f32 v16;
	_ =	sdelay $0x1  }
0x214: {  	[tilespmem:v15+s16+$0x0] =	vst.idx.add.f32.msk vm1, v16  }
0x215: {  	v15 =	vld [tilespmem:s30+$0x4FC0];
	_ =	sdelay $0x4  }
0x216: {  	v36 =	vxor.u32 $0x80000000, v15  }
0x217: {  	(xrf1) =	vsort.ascd.msk.u32 $0xffff, v36, v15;
	_ =	sdelay $0xd  }
0x218: {  	v15, _, _ =	vpop (xrf1)  }
0x219: {  	v37 =	vxor.u32 $0x80000000, v15  }
0x21a: {  	v38 =	vperm.xlane v37, v11;
	_ =	sdelay $0x1  }
0x21b: {  	vm1 =	veq.s32 v37, v38  }
0x21c: {  	v17 =	vsel vm1, $0x80000000, v13  }
0x21d: {  	(xrf0) =	vmax.scan.msk.u32 $0xffff, v17  }
0x21e: {  	v39 =	vperm.xlane v37, v12  }
0x21f: {  	v40 =	vshll.u32 v15, $0x7  }
0x220: {  	vm2 =	vne.s32 v15, $0x800007FF;
	v16 =	vshra.s32 v37, $0x4;
	vm1 =	vne.s32 v37, v39  }
0x221: {  	v15 =	vand.u32 $0xFFFFFF80, v16;
	vm1 =	vmor vm1, vm0;
	v17 =	vand.u32 $0x780, v40  }
0x222: {  	v16 =	vand.u32 $0x7F, v16;
	vm1 =	vmand vm2, vm1;
	v15 =	vadd.s32 v17, v15  }
0x223: {  	v15 =	vor.u32 v16, v15;
	v41, _, _ =	vpop (xrf0)  }
0x224: {  	v42 =	vxor.u32 $0x80000000, v41  }
0x225: {  	v16 =	vsub.s32 v14, v42  }
0x226: {  	v16 =	vcvt.s32.f32 v16;
	_ =	sdelay $0x1  }
0x227: {  	[tilespmem:v15+s16+$0x0] =	vst.idx.add.f32.msk vm1, v16  }
0x228: {  	v15 =	vld [tilespmem:s30+$0x4FD0];
	_ =	sdelay $0x4  }
0x229: {  	v43 =	vxor.u32 $0x80000000, v15  }
0x22a: {  	(xrf1) =	vsort.ascd.msk.u32 $0xffff, v43, v15;
	_ =	sdelay $0xd  }
0x22b: {  	v15, _, _ =	vpop (xrf1)  }
0x22c: {  	v44 =	vxor.u32 $0x80000000, v15  }
0x22d: {  	v45 =	vperm.xlane v44, v11;
	_ =	sdelay $0x1  }
0x22e: {  	vm1 =	veq.s32 v44, v45  }
0x22f: {  	v17 =	vsel vm1, $0x80000000, v13  }
0x230: {  	(xrf0) =	vmax.scan.msk.u32 $0xffff, v17  }
0x231: {  	v46 =	vperm.xlane v44, v12  }
0x232: {  	v47 =	vshll.u32 v15, $0x7  }
0x233: {  	vm2 =	vne.s32 v15, $0x800007FF;
	v16 =	vshra.s32 v44, $0x4;
	vm1 =	vne.s32 v44, v46  }
0x234: {  	v15 =	vand.u32 $0xFFFFFF80, v16;
	vm1 =	vmor vm1, vm0;
	v17 =	vand.u32 $0x780, v47  }
0x235: {  	v16 =	vand.u32 $0x7F, v16;
	vm1 =	vmand vm2, vm1;
	v15 =	vadd.s32 v17, v15  }
0x236: {  	v15 =	vor.u32 v16, v15;
	v48, _, _ =	vpop (xrf0)  }
0x237: {  	v49 =	vxor.u32 $0x80000000, v48  }
0x238: {  	v16 =	vsub.s32 v14, v49  }
0x239: {  	v16 =	vcvt.s32.f32 v16;
	_ =	sdelay $0x1  }
0x23a: {  	[tilespmem:v15+s16+$0x0] =	vst.idx.add.f32.msk vm1, v16  }
0x23b: {  	v15 =	vld [tilespmem:s30+$0x4FE0];
	_ =	sdelay $0x4  }
0x23c: {  	v50 =	vxor.u32 $0x80000000, v15  }
0x23d: {  	(xrf1) =	vsort.ascd.msk.u32 $0xffff, v50, v15;
	_ =	sdelay $0xd  }
0x23e: {  	v15, _, _ =	vpop (xrf1)  }
0x23f: {  	v51 =	vxor.u32 $0x80000000, v15  }
0x240: {  	v52 =	vperm.xlane v51, v11;
	_ =	sdelay $0x1  }
0x241: {  	vm1 =	veq.s32 v51, v52  }
0x242: {  	v17 =	vsel vm1, $0x80000000, v13  }
0x243: {  	(xrf0) =	vmax.scan.msk.u32 $0xffff, v17  }
0x244: {  	v53 =	vperm.xlane v51, v12  }
0x245: {  	v54 =	vshll.u32 v15, $0x7  }
0x246: {  	vm2 =	vne.s32 v15, $0x800007FF;
	v16 =	vshra.s32 v51, $0x4;
	vm1 =	vne.s32 v51, v53  }
0x247: {  	v15 =	vand.u32 $0xFFFFFF80, v16;
	vm1 =	vmor vm1, vm0;
	v17 =	vand.u32 $0x780, v54  }
0x248: {  	v16 =	vand.u32 $0x7F, v16;
	vm1 =	vmand vm2, vm1;
	v15 =	vadd.s32 v17, v15  }
0x249: {  	v15 =	vor.u32 v16, v15;
	v55, _, _ =	vpop (xrf0)  }
0x24a: {  	v56 =	vxor.u32 $0x80000000, v55  }
0x24b: {  	v16 =	vsub.s32 v14, v56  }
0x24c: {  	v16 =	vcvt.s32.f32 v16;
	_ =	sdelay $0x1  }
0x24d: {  	[tilespmem:v15+s16+$0x0] =	vst.idx.add.f32.msk vm1, v16  }
0x24e: {  	v15 =	vld [tilespmem:s30+$0x4FF0];
	_ =	sdelay $0x4  }
0x24f: {  	v57 =	vxor.u32 $0x80000000, v15  }
0x250: {  	(xrf1) =	vsort.ascd.msk.u32 $0xffff, v57, v15;
	_ =	sdelay $0xd  }
0x251: {  	v15, _, _ =	vpop (xrf1)  }
0x252: {  	v58 =	vxor.u32 $0x80000000, v15  }
0x253: {  	v59 =	vperm.xlane v58, v11;
	_ =	sdelay $0x1  }
0x254: {  	vm1 =	veq.s32 v58, v59  }
0x255: {  	v17 =	vsel vm1, $0x80000000, v13  }
0x256: {  	(xrf0) =	vmax.scan.msk.u32 $0xffff, v17  }
0x257: {  	v60 =	vperm.xlane v58, v12  }
0x258: {  	v61 =	vshll.u32 v15, $0x7  }
0x259: {  	vm2 =	vne.s32 v15, $0x800007FF;
	v16 =	vshra.s32 v58, $0x4;
	vm1 =	vne.s32 v58, v60  }
0x25a: {  	v15 =	vand.u32 $0xFFFFFF80, v16;
	vm1 =	vmor vm1, vm0;
	v17 =	vand.u32 $0x780, v61  }
0x25b: {  	v16 =	vand.u32 $0x7F, v16;
	vm1 =	vmand vm2, vm1;
	v15 =	vadd.s32 v17, v15  }
0x25c: {  	v15 =	vor.u32 v16, v15;
	v62, _, _ =	vpop (xrf0)  }
0x25d: {  	v63 =	vxor.u32 $0x80000000, v62  }
0x25e: {  	v16 =	vsub.s32 v14, v63  }
0x25f: {  	v16 =	vcvt.s32.f32 v16;
	_ =	sdelay $0x1  }
0x260: {  	[tilespmem:v15+s16+$0x0] =	vst.idx.add.f32.msk vm1, v16  }
0x261: {  	s0 =	sadd.s32 $0x3, s29;
	_ =	swait.ge [sflag:s17], $0x4000  }
0x262: {  	p3 =	sge.s32 s0, s25;
	[sflag:s17] =	ssyncset.done $0x0  }
0x263: {  	s0 =	simm.s32 @!p3 $0x4;
	[sflag:s17] =	ssyncadd.s32 $0xFFFFC000  }
0x264: {  	_ =	swait.ge @!p3 [sflag:s0], $0x4000  }
0x265: {  	[sflag:s0] =	ssyncset.done @!p3 $0x0  }
0x266: {  	[sflag:s0] =	ssyncadd.s32 @!p3 $0xFFFFC000;
	s0 =	sshra.s32 @!p3 s28, $0x2  }
0x267: {  	s21 =	simm.s32 @!p3 $0x80;
	s31 =	simm.s32 @!p3 $0xC800;
	s0 =	sadd.s32 @!p3 $0x7900, s0  }
0x268: {  	[tilespmem:s31], [sflag:$0x1] =	stream.indirect.gather @!p3 [hbm4b:s3+s21], $0x80, s0, s21, $0x2000b8;
	[tilespmem:$0x1D080] =	vst v63  }
0x269: {  	s31 =	sadd.s32 $0xA080, s30  }
0x26a: {  	[spmem:s1] =	stream.indirect.scatter.add.f32 [tilespmem:s18], [sflag:$0x5], $0x80, s31, s15, $0x2000b8;
	[tilespmem:$0x1D080] =	vst v63  }
.LBB2_20:
0x26b: {  	s0 =	sadd.s32 $0x2, s29  }
0x26c: {  	p3 =	sge.s32 s0, s25  }
.Ltmp16:
0x26d: {  	_ = 	snop;
	(pc) =	sbr.rel @p3 .LBB2_22-.Ltmp16, $1  }
0x26e: {  	_ =	sdelay $0x3  }
0x26f: {  	v15 =	vld [tilespmem:s30+$0x5000];
	_ =	sdelay $0x4  }
0x270: {  	v16 =	vxor.u32 $0x80000000, v15  }
0x271: {  	(xrf1) =	vsort.ascd.msk.u32 $0xffff, v16, v15;
	_ =	sdelay $0xd  }
0x272: {  	v15, _, _ =	vpop (xrf1)  }
0x273: {  	v55 =	vxor.u32 $0x80000000, v15  }
0x274: {  	v17 =	vperm.xlane v55, v11;
	_ =	sdelay $0x1  }
0x275: {  	vm1 =	veq.s32 v55, v17  }
0x276: {  	v17 =	vsel vm1, $0x80000000, v13  }
0x277: {  	(xrf0) =	vmax.scan.msk.u32 $0xffff, v17  }
0x278: {  	v18 =	vperm.xlane v55, v12  }
0x279: {  	v56 =	vshll.u32 v15, $0x7  }
0x27a: {  	vm2 =	vne.s32 v15, $0x800007FF;
	v16 =	vshra.s32 v55, $0x4;
	vm1 =	vne.s32 v55, v18  }
0x27b: {  	v15 =	vand.u32 $0xFFFFFF80, v16;
	vm1 =	vmor vm1, vm0;
	v17 =	vand.u32 $0x780, v56  }
0x27c: {  	v16 =	vand.u32 $0x7F, v16;
	vm1 =	vmand vm2, vm1;
	v15 =	vadd.s32 v17, v15  }
0x27d: {  	v15 =	vor.u32 v16, v15;
	v57, _, _ =	vpop (xrf0)  }
0x27e: {  	v58 =	vxor.u32 $0x80000000, v57  }
0x27f: {  	v16 =	vsub.s32 v14, v58  }
0x280: {  	v16 =	vcvt.s32.f32 v16;
	_ =	sdelay $0x1  }
0x281: {  	[tilespmem:v15+s16+$0x0] =	vst.idx.add.f32.msk vm1, v16  }
0x282: {  	v15 =	vld [tilespmem:s30+$0x5010];
	_ =	sdelay $0x4  }
0x283: {  	v59 =	vxor.u32 $0x80000000, v15  }
0x284: {  	(xrf1) =	vsort.ascd.msk.u32 $0xffff, v59, v15;
	_ =	sdelay $0xd  }
0x285: {  	v15, _, _ =	vpop (xrf1)  }
0x286: {  	v60 =	vxor.u32 $0x80000000, v15  }
0x287: {  	v61 =	vperm.xlane v60, v11;
	_ =	sdelay $0x1  }
0x288: {  	vm1 =	veq.s32 v60, v61  }
0x289: {  	v17 =	vsel vm1, $0x80000000, v13  }
0x28a: {  	(xrf0) =	vmax.scan.msk.u32 $0xffff, v17  }
0x28b: {  	v62 =	vperm.xlane v60, v12  }
0x28c: {  	v63 =	vshll.u32 v15, $0x7  }
0x28d: {  	vm2 =	vne.s32 v15, $0x800007FF;
	v16 =	vshra.s32 v60, $0x4;
	vm1 =	vne.s32 v60, v62  }
0x28e: {  	v15 =	vand.u32 $0xFFFFFF80, v16;
	vm1 =	vmor vm1, vm0;
	v17 =	vand.u32 $0x780, v63  }
0x28f: {  	v16 =	vand.u32 $0x7F, v16;
	vm1 =	vmand vm2, vm1;
	v15 =	vadd.s32 v17, v15  }
0x290: {  	v15 =	vor.u32 v16, v15;
	v20, _, _ =	vpop (xrf0)  }
0x291: {  	v21 =	vxor.u32 $0x80000000, v20  }
0x292: {  	v16 =	vsub.s32 v14, v21  }
0x293: {  	v16 =	vcvt.s32.f32 v16;
	_ =	sdelay $0x1  }
0x294: {  	[tilespmem:v15+s16+$0x0] =	vst.idx.add.f32.msk vm1, v16  }
0x295: {  	v15 =	vld [tilespmem:s30+$0x5020];
	_ =	sdelay $0x4  }
0x296: {  	v22 =	vxor.u32 $0x80000000, v15  }
0x297: {  	(xrf1) =	vsort.ascd.msk.u32 $0xffff, v22, v15;
	_ =	sdelay $0xd  }
0x298: {  	v15, _, _ =	vpop (xrf1)  }
0x299: {  	v23 =	vxor.u32 $0x80000000, v15  }
0x29a: {  	v24 =	vperm.xlane v23, v11;
	_ =	sdelay $0x1  }
0x29b: {  	vm1 =	veq.s32 v23, v24  }
0x29c: {  	v17 =	vsel vm1, $0x80000000, v13  }
0x29d: {  	(xrf0) =	vmax.scan.msk.u32 $0xffff, v17  }
0x29e: {  	v25 =	vperm.xlane v23, v12  }
0x29f: {  	v26 =	vshll.u32 v15, $0x7  }
0x2a0: {  	vm2 =	vne.s32 v15, $0x800007FF;
	v16 =	vshra.s32 v23, $0x4;
	vm1 =	vne.s32 v23, v25  }
0x2a1: {  	v15 =	vand.u32 $0xFFFFFF80, v16;
	vm1 =	vmor vm1, vm0;
	v17 =	vand.u32 $0x780, v26  }
0x2a2: {  	v16 =	vand.u32 $0x7F, v16;
	vm1 =	vmand vm2, vm1;
	v15 =	vadd.s32 v17, v15  }
0x2a3: {  	v15 =	vor.u32 v16, v15;
	v27, _, _ =	vpop (xrf0)  }
0x2a4: {  	v28 =	vxor.u32 $0x80000000, v27  }
0x2a5: {  	v16 =	vsub.s32 v14, v28  }
0x2a6: {  	v16 =	vcvt.s32.f32 v16;
	_ =	sdelay $0x1  }
0x2a7: {  	[tilespmem:v15+s16+$0x0] =	vst.idx.add.f32.msk vm1, v16  }
0x2a8: {  	v15 =	vld [tilespmem:s30+$0x5030];
	_ =	sdelay $0x4  }
0x2a9: {  	v29 =	vxor.u32 $0x80000000, v15  }
0x2aa: {  	(xrf1) =	vsort.ascd.msk.u32 $0xffff, v29, v15;
	_ =	sdelay $0xd  }
0x2ab: {  	v15, _, _ =	vpop (xrf1)  }
0x2ac: {  	v30 =	vxor.u32 $0x80000000, v15  }
0x2ad: {  	v31 =	vperm.xlane v30, v11;
	_ =	sdelay $0x1  }
0x2ae: {  	vm1 =	veq.s32 v30, v31  }
0x2af: {  	v17 =	vsel vm1, $0x80000000, v13  }
0x2b0: {  	(xrf0) =	vmax.scan.msk.u32 $0xffff, v17  }
0x2b1: {  	v32 =	vperm.xlane v30, v12  }
0x2b2: {  	v33 =	vshll.u32 v15, $0x7  }
0x2b3: {  	vm2 =	vne.s32 v15, $0x800007FF;
	v16 =	vshra.s32 v30, $0x4;
	vm1 =	vne.s32 v30, v32  }
0x2b4: {  	v15 =	vand.u32 $0xFFFFFF80, v16;
	vm1 =	vmor vm1, vm0;
	v17 =	vand.u32 $0x780, v33  }
0x2b5: {  	v16 =	vand.u32 $0x7F, v16;
	vm1 =	vmand vm2, vm1;
	v15 =	vadd.s32 v17, v15  }
0x2b6: {  	v15 =	vor.u32 v16, v15;
	v34, _, _ =	vpop (xrf0)  }
0x2b7: {  	v35 =	vxor.u32 $0x80000000, v34  }
0x2b8: {  	v16 =	vsub.s32 v14, v35  }
0x2b9: {  	v16 =	vcvt.s32.f32 v16;
	_ =	sdelay $0x1  }
0x2ba: {  	[tilespmem:v15+s16+$0x0] =	vst.idx.add.f32.msk vm1, v16  }
0x2bb: {  	v15 =	vld [tilespmem:s30+$0x5040];
	_ =	sdelay $0x4  }
0x2bc: {  	v36 =	vxor.u32 $0x80000000, v15  }
0x2bd: {  	(xrf1) =	vsort.ascd.msk.u32 $0xffff, v36, v15;
	_ =	sdelay $0xd  }
0x2be: {  	v15, _, _ =	vpop (xrf1)  }
0x2bf: {  	v37 =	vxor.u32 $0x80000000, v15  }
0x2c0: {  	v38 =	vperm.xlane v37, v11;
	_ =	sdelay $0x1  }
0x2c1: {  	vm1 =	veq.s32 v37, v38  }
0x2c2: {  	v17 =	vsel vm1, $0x80000000, v13  }
0x2c3: {  	(xrf0) =	vmax.scan.msk.u32 $0xffff, v17  }
0x2c4: {  	v39 =	vperm.xlane v37, v12  }
0x2c5: {  	v40 =	vshll.u32 v15, $0x7  }
0x2c6: {  	vm2 =	vne.s32 v15, $0x800007FF;
	v16 =	vshra.s32 v37, $0x4;
	vm1 =	vne.s32 v37, v39  }
0x2c7: {  	v15 =	vand.u32 $0xFFFFFF80, v16;
	vm1 =	vmor vm1, vm0;
	v17 =	vand.u32 $0x780, v40  }
0x2c8: {  	v16 =	vand.u32 $0x7F, v16;
	vm1 =	vmand vm2, vm1;
	v15 =	vadd.s32 v17, v15  }
0x2c9: {  	v15 =	vor.u32 v16, v15;
	v41, _, _ =	vpop (xrf0)  }
0x2ca: {  	v42 =	vxor.u32 $0x80000000, v41  }
0x2cb: {  	v16 =	vsub.s32 v14, v42  }
0x2cc: {  	v16 =	vcvt.s32.f32 v16;
	_ =	sdelay $0x1  }
0x2cd: {  	[tilespmem:v15+s16+$0x0] =	vst.idx.add.f32.msk vm1, v16  }
0x2ce: {  	v15 =	vld [tilespmem:s30+$0x5050];
	_ =	sdelay $0x4  }
0x2cf: {  	v43 =	vxor.u32 $0x80000000, v15  }
0x2d0: {  	(xrf1) =	vsort.ascd.msk.u32 $0xffff, v43, v15;
	_ =	sdelay $0xd  }
0x2d1: {  	v15, _, _ =	vpop (xrf1)  }
0x2d2: {  	v44 =	vxor.u32 $0x80000000, v15  }
0x2d3: {  	v45 =	vperm.xlane v44, v11;
	_ =	sdelay $0x1  }
0x2d4: {  	vm1 =	veq.s32 v44, v45  }
0x2d5: {  	v17 =	vsel vm1, $0x80000000, v13  }
0x2d6: {  	(xrf0) =	vmax.scan.msk.u32 $0xffff, v17  }
0x2d7: {  	v46 =	vperm.xlane v44, v12  }
0x2d8: {  	v47 =	vshll.u32 v15, $0x7  }
0x2d9: {  	vm2 =	vne.s32 v15, $0x800007FF;
	v16 =	vshra.s32 v44, $0x4;
	vm1 =	vne.s32 v44, v46  }
0x2da: {  	v15 =	vand.u32 $0xFFFFFF80, v16;
	vm1 =	vmor vm1, vm0;
	v17 =	vand.u32 $0x780, v47  }
0x2db: {  	v16 =	vand.u32 $0x7F, v16;
	vm1 =	vmand vm2, vm1;
	v15 =	vadd.s32 v17, v15  }
0x2dc: {  	v15 =	vor.u32 v16, v15;
	v48, _, _ =	vpop (xrf0)  }
0x2dd: {  	v49 =	vxor.u32 $0x80000000, v48  }
0x2de: {  	v16 =	vsub.s32 v14, v49  }
0x2df: {  	v16 =	vcvt.s32.f32 v16;
	_ =	sdelay $0x1  }
0x2e0: {  	[tilespmem:v15+s16+$0x0] =	vst.idx.add.f32.msk vm1, v16  }
0x2e1: {  	v15 =	vld [tilespmem:s30+$0x5060];
	_ =	sdelay $0x4  }
0x2e2: {  	v50 =	vxor.u32 $0x80000000, v15  }
0x2e3: {  	(xrf1) =	vsort.ascd.msk.u32 $0xffff, v50, v15;
	_ =	sdelay $0xd  }
0x2e4: {  	v15, _, _ =	vpop (xrf1)  }
0x2e5: {  	v51 =	vxor.u32 $0x80000000, v15  }
0x2e6: {  	v52 =	vperm.xlane v51, v11;
	_ =	sdelay $0x1  }
0x2e7: {  	vm1 =	veq.s32 v51, v52  }
0x2e8: {  	v17 =	vsel vm1, $0x80000000, v13  }
0x2e9: {  	(xrf0) =	vmax.scan.msk.u32 $0xffff, v17  }
0x2ea: {  	v53 =	vperm.xlane v51, v12  }
0x2eb: {  	v54 =	vshll.u32 v15, $0x7  }
0x2ec: {  	vm2 =	vne.s32 v15, $0x800007FF;
	v16 =	vshra.s32 v51, $0x4;
	vm1 =	vne.s32 v51, v53  }
0x2ed: {  	v15 =	vand.u32 $0xFFFFFF80, v16;
	vm1 =	vmor vm1, vm0;
	v17 =	vand.u32 $0x780, v54  }
0x2ee: {  	v16 =	vand.u32 $0x7F, v16;
	vm1 =	vmand vm2, vm1;
	v15 =	vadd.s32 v17, v15  }
0x2ef: {  	v15 =	vor.u32 v16, v15;
	v55, _, _ =	vpop (xrf0)  }
0x2f0: {  	v56 =	vxor.u32 $0x80000000, v55  }
0x2f1: {  	v16 =	vsub.s32 v14, v56  }
0x2f2: {  	v16 =	vcvt.s32.f32 v16;
	_ =	sdelay $0x1  }
0x2f3: {  	[tilespmem:v15+s16+$0x0] =	vst.idx.add.f32.msk vm1, v16  }
0x2f4: {  	v15 =	vld [tilespmem:s30+$0x5070];
	_ =	sdelay $0x4  }
0x2f5: {  	v57 =	vxor.u32 $0x80000000, v15  }
0x2f6: {  	(xrf1) =	vsort.ascd.msk.u32 $0xffff, v57, v15;
	_ =	sdelay $0xd  }
0x2f7: {  	v15, _, _ =	vpop (xrf1)  }
0x2f8: {  	v58 =	vxor.u32 $0x80000000, v15  }
0x2f9: {  	v59 =	vperm.xlane v58, v11;
	_ =	sdelay $0x1  }
0x2fa: {  	vm1 =	veq.s32 v58, v59  }
0x2fb: {  	v17 =	vsel vm1, $0x80000000, v13  }
0x2fc: {  	(xrf0) =	vmax.scan.msk.u32 $0xffff, v17  }
0x2fd: {  	v60 =	vperm.xlane v58, v12  }
0x2fe: {  	v61 =	vshll.u32 v15, $0x7  }
0x2ff: {  	vm2 =	vne.s32 v15, $0x800007FF;
	v16 =	vshra.s32 v58, $0x4;
	vm1 =	vne.s32 v58, v60  }
0x300: {  	v15 =	vand.u32 $0xFFFFFF80, v16;
	vm1 =	vmor vm1, vm0;
	v17 =	vand.u32 $0x780, v61  }
0x301: {  	v16 =	vand.u32 $0x7F, v16;
	vm1 =	vmand vm2, vm1;
	v15 =	vadd.s32 v17, v15  }
0x302: {  	v15 =	vor.u32 v16, v15;
	v62, _, _ =	vpop (xrf0)  }
0x303: {  	v63 =	vxor.u32 $0x80000000, v62  }
0x304: {  	v16 =	vsub.s32 v14, v63  }
0x305: {  	v16 =	vcvt.s32.f32 v16;
	_ =	sdelay $0x1  }
0x306: {  	[tilespmem:v15+s16+$0x0] =	vst.idx.add.f32.msk vm1, v16  }
0x307: {  	s0 =	sadd.s32 $0x4, s29;
	_ =	swait.ge [sflag:s19], $0x4000  }
0x308: {  	p3 =	sge.s32 s0, s25;
	[sflag:s19] =	ssyncset.done $0x0  }
0x309: {  	s0 =	simm.s32 @!p3 $0x5;
	[sflag:s19] =	ssyncadd.s32 $0xFFFFC000  }
0x30a: {  	_ =	swait.ge @!p3 [sflag:s0], $0x4000  }
0x30b: {  	[sflag:s0] =	ssyncset.done @!p3 $0x0  }
.Ltmp17:
0x30c: {  	[sflag:s0] =	ssyncadd.s32 @!p3 $0xFFFFC000;
	s0 =	sshra.s32 @!p3 s28, $0x2;
	(pc) =	sbr.rel .LBB2_22-.Ltmp17, $4  }
0x30d: {  	s21 =	simm.s32 @!p3 $0x80;
	s31 =	simm.s32 @!p3 $0x10800;
	s0 =	sadd.s32 @!p3 $0x7980, s0  }
0x30e: {  	[tilespmem:s31], [sflag:$0x2] =	stream.indirect.gather @!p3 [hbm4b:s3+s21], $0x80, s0, s21, $0x2000b8;
	[tilespmem:$0x1D080] =	vst v63  }
0x30f: {  	s31 =	sadd.s32 $0xA100, s30  }
0x310: {  	[spmem:s1] =	stream.indirect.scatter.add.f32 [tilespmem:s20], [sflag:$0x6], $0x80, s31, s15, $0x2000b8;
	[tilespmem:$0x1D080] =	vst v63  }
.LBB2_4:
.Ltmp18:
0x311: {  	(pc) =	sbr.rel .LBB2_7-.Ltmp18, $2  }
0x312: {  	_ =	sdelay $0x2  }
0x313: {  	_ = 	snop  }
.LBB2_9:
.Ltmp19:
0x314: {  	(pc) =	sbr.rel .LBB2_13-.Ltmp19, $2  }
0x315: {  	_ =	sdelay $0x2  }
0x316: {  	s29 =	simm.s32 $0xA040  }
.LBB2_11:
.Ltmp20:
0x317: {  	(pc) =	sbr.rel .LBB2_13-.Ltmp20, $2  }
0x318: {  	_ =	sdelay $0x2  }
0x319: {  	s29 =	simm.s32 $0xA040  }
.LBB2_24:
0x31a: {  	_ =	sfence.sel $0x180000  }
0x31b: {  	[bflag:$0x0] =	sbarrier.arrive $0xFFFF  }
0x31c: {  	_ =	strace $0x90000047  }
0x31d: {  	[bflag:$0x2] =	sbarrier.arrive $0xFFFF  }
0x31e: {  	s1 =	sld [smem:$0x7FD];
	_ =	sdelay $0x2  }
0x31f: {  	s0 =	rddreg [dreg:$0x4];
	p0 =	seq.s32 s1, $0x1  }
0x320: {  	s0 =	sadd.s32 @!p0 $0x100000, s0  }
0x321: {  	[sflag:s0] =	ssyncadd.tile.s32 @!p0 $0x1;
	_ =	shalt  }
.Lfunc_end2:
_tile_overlayer_lowered:
.L_overlay_start_2:
0x322: {  	(tag) =	ssettag $0x2  }
0x323: {  	s0 =	rddreg [dreg:$0x0];
	s2 =	stileid.u32  }
0x324: {  	s1 =	rddreg [dreg:$0x1];
	p0 =	sne.s32 s2, $0x0  }
0x325: {  	s3 =	rddreg [dreg:$0x2];
	[bflag:$0x3] =	sbarrier.arrive $0xFFFF;
	s2 =	simm.s32 @!p0 $0x1C07  }
0x326: {  	[timem:s3], [sflag:s2] =	dma.local @!p0 [hbm:s0], s1  }
0x327: {  	s0 =	simm.s32 @!p0 $0x7  }
0x328: {  	_ =	swait.ge @!p0 [sflag:s0], s1  }
0x329: {  	s1 =	ssub.s32 @!p0 $0x0, s1;
	[sflag:s0] =	ssyncset.done @!p0 $0x0  }
0x32a: {  	[sflag:s0] =	ssyncadd.s32 @!p0 s1  }
0x32b: {  	[bflag:$0x3] =	sbarrier.arrive $0xFFFF  }
0x32c: {  	_ =	shalt  }

</sc_bundles>
